<compile_context>
chip_gen: v7x
topology: tpu7x:2x2x1
jax: 0.10.2.dev20260603
libtpu: 0.0.44.dev20260713+nightly
codegen_flags: <defaults>
</compile_context>

<pallas_src>
import functools

import jax
import jax.numpy as jnp
from jax import lax
from jax.experimental import pallas as pl
from jax.experimental.pallas import tpu as pltpu
from jax.experimental.pallas import tpu_sc as plsc

_N = 100000
_D = 131
_E = 128
_V = 119
_C = 160
_NUM_CHUNKS = _N // _C
_L = 16


def _gather(emb_flat, scals, idx):
  info = plsc.get_sparse_core_info()
  nc, ns = info.num_cores, info.num_subcores
  nw = nc * ns
  mesh = plsc.VectorSubcoreMesh(core_axis_name="c", subcore_axis_name="s")

  @functools.partial(
      pl.kernel,
      out_type=jax.ShapeDtypeStruct((_N, _D), jnp.float32),
      mesh=mesh,
      scratch_types=[
          pltpu.VMEM((_V * _E,), jnp.float32),
          pltpu.VMEM((3 * _E,), jnp.float32),
          pltpu.VMEM((_C,), jnp.int32),
          pltpu.VMEM((_C,), jnp.int32),
          pltpu.VMEM((_C, _D), jnp.float32),
          pltpu.VMEM((_C, _D), jnp.float32),
          pltpu.SemaphoreType.DMA,
          pltpu.SemaphoreType.DMA,
          pltpu.SemaphoreType.DMA,
          pltpu.SemaphoreType.DMA,
      ],
      compiler_params=pltpu.CompilerParams(needs_layout_passes=False),
  )
  def run(emb_hbm, scals_hbm, idx_hbm, out_hbm,
          table_v, scal_v, idx_v0, idx_v1, rows_v0, rows_v1,
          isem0, isem1, osem0, osem1):
    sid = lax.axis_index("s")
    wid = sid * nc + lax.axis_index("c")
    n_my = (_NUM_CHUNKS - wid + nw - 1) // nw

    idx_v = (idx_v0, idx_v1)
    rows_v = (rows_v0, rows_v1)
    isem = (isem0, isem1)
    osem = (osem0, osem1)

    pltpu.sync_copy(emb_hbm, table_v)
    pltpu.sync_copy(scals_hbm, scal_v)

    def chunk_base(j):
      return (wid + j * nw) * _C

    pltpu.async_copy(idx_hbm.at[pl.ds(chunk_base(0), _C)], idx_v0, isem0)

    @pl.when(n_my >= 2)
    def _():
      pltpu.async_copy(idx_hbm.at[pl.ds(chunk_base(1), _C)], idx_v1, isem1)

    def pair_body(p, carry):
      for b in (0, 1):
        j = 2 * p + b

        @pl.when(j < n_my)
        def _():
          base = chunk_base(j)
          pltpu.make_async_copy(idx_hbm.at[pl.ds(0, _C)], idx_v[b],
                                isem[b]).wait()

          @pl.when(j >= 2)
          def _():
            pltpu.make_async_copy(rows_v[b], out_hbm.at[pl.ds(0, _C)],
                                  osem[b]).wait()

          def rowcopy(g, c_):
            vidx = idx_v[b][pl.ds(g * _L, _L)]
            for u in range(_L):
              r = g * _L + u
              off = vidx[u] * _E
              vals = [table_v[pl.ds(off + s * _L, _L)]
                      for s in range(_E // _L)]
              for s in range(_E // _L):
                rows_v[b][r, pl.ds(s * _L, _L)] = vals[s]
            return c_

          lax.fori_loop(0, _C // _L, rowcopy, 0)

          def fill(g, c_):
            vidx = idx_v[b][pl.ds(g * _L, _L)]
            rid = lax.iota(jnp.int32, _L) + g * _L
            for t in range(3):
              val = plsc.load_gather(scal_v, [vidx + (t * _E)])
              cid = jnp.full((_L,), _E + t, dtype=jnp.int32)
              plsc.store_scatter(rows_v[b], [rid, cid], val)
            return c_

          lax.fori_loop(0, _C // _L, fill, 0)

          @pl.when(j + 2 < n_my)
          def _():
            pltpu.async_copy(idx_hbm.at[pl.ds(chunk_base(j + 2), _C)],
                             idx_v[b], isem[b])

          pltpu.async_copy(rows_v[b], out_hbm.at[pl.ds(base, _C)], osem[b])

      return carry

    lax.fori_loop(0, (n_my + 1) // 2, pair_body, 0)

    pltpu.make_async_copy(rows_v0, out_hbm.at[pl.ds(0, _C)], osem0).wait()

    @pl.when(n_my >= 2)
    def _():
      pltpu.make_async_copy(rows_v1, out_hbm.at[pl.ds(0, _C)], osem1).wait()

  return run(emb_flat, scals, idx)


def kernel(atomic_numbers, element_embedding, atomic_radius,
           electronegativity, ionization_energy):
  scals = jnp.zeros((3, _E), jnp.float32)
  scals = scals.at[0, :_V].set(atomic_radius[:, 0])
  scals = scals.at[1, :_V].set(electronegativity[:, 0])
  scals = scals.at[2, :_V].set(ionization_energy[:, 0])
  idx = atomic_numbers.astype(jnp.int32)
  return _gather(element_embedding.reshape(_V * _E), scals.reshape(3 * _E),
                 idx)

# --- scband reference (transcript-rebuilt; emitter-appended) ---
"""Pipeline reference for scband-atom-embedding-7275674599643 (READ-ONLY COPY).

The authoritative reference and input builder live on the scoring server;
editing this copy changes nothing except your own understanding.
"""

import jax, jax.numpy as jnp
import numpy as np

NUM_ELEMENTS = 118
EMBEDDING_DIM = 128
VOCAB = NUM_ELEMENTS + 1
N = 100000


def setup_inputs(seed: int = 0) -> dict:
    key = jax.random.key(seed)
    k_idx, k_emb, k_rad, k_en, k_ie = jax.random.split(key, 5)
    atomic_numbers = jax.random.randint(k_idx, (N,), 0, VOCAB, dtype=jnp.int64 if jax.config.jax_enable_x64 else jnp.int32)
    # xavier_uniform for element_embedding: bound = sqrt(6/(fan_in+fan_out))
    bound = float(np.sqrt(6.0 / (VOCAB + EMBEDDING_DIM)))
    element_embedding = jax.random.uniform(k_emb, (VOCAB, EMBEDDING_DIM), minval=-bound, maxval=bound, dtype=jnp.float32)
    atomic_radius = 1.0 + 0.1 * jax.random.normal(k_rad, (VOCAB, 1), dtype=jnp.float32)
    electronegativity = 2.5 + 0.5 * jax.random.normal(k_en, (VOCAB, 1), dtype=jnp.float32)
    ionization_energy = 10.0 + 2.0 * jax.random.normal(k_ie, (VOCAB, 1), dtype=jnp.float32)
    return {
        "atomic_numbers": atomic_numbers,
        "element_embedding": element_embedding,
        "atomic_radius": atomic_radius,
        "electronegativity": electronegativity,
        "ionization_energy": ionization_energy,
    }


def reference(atomic_numbers, element_embedding, atomic_radius, electronegativity, ionization_energy):
    elem_emb = jnp.take(element_embedding, atomic_numbers, axis=0)
    radius = jnp.take(atomic_radius, atomic_numbers, axis=0)
    en = jnp.take(electronegativity, atomic_numbers, axis=0)
    ie = jnp.take(ionization_energy, atomic_numbers, axis=0)
    return jnp.concatenate([elem_emb, radius, en, ie], axis=-1)

if __name__ == "__main__":
    import jax
    _d = setup_inputs()
    print(jax.jit(kernel)(*tuple(_d.values())))

</pallas_src>

<mosaic_0001>
#map = affine_map<(d0, d1) -> (0)>
#map1 = affine_map<(d0, d1) -> (0, 0)>
module attributes {stable_mosaic.version = 14 : i64} {
  func.func @run(%arg0: i32, %arg1: i32, %arg2: memref<15232xf32, #tpu.memory_space<hbm>>, %arg3: memref<384xf32, #tpu.memory_space<hbm>>, %arg4: memref<100000xi32, #tpu.memory_space<hbm>>, %arg5: memref<100000x131xf32, #tpu.memory_space<hbm>>, %arg6: memref<15232xf32, #tpu.memory_space<vmem>>, %arg7: memref<384xf32, #tpu.memory_space<vmem>>, %arg8: memref<160xi32, #tpu.memory_space<vmem>>, %arg9: memref<160xi32, #tpu.memory_space<vmem>>, %arg10: memref<160x131xf32, #tpu.memory_space<vmem>>, %arg11: memref<160x131xf32, #tpu.memory_space<vmem>>, %arg12: memref<!tpu.dma_semaphore, #tpu.memory_space<semaphore_mem>>, %arg13: memref<!tpu.dma_semaphore, #tpu.memory_space<semaphore_mem>>, %arg14: memref<!tpu.dma_semaphore, #tpu.memory_space<semaphore_mem>>, %arg15: memref<!tpu.dma_semaphore, #tpu.memory_space<semaphore_mem>>) attributes {dimension_semantics = [#tpu.dimension_semantics<core_parallel>, #tpu.dimension_semantics<subcore_parallel>], iteration_bounds = array<i64: 2, 16>, scalar_prefetch = 0 : i64, scratch_operands = 10 : i64, tpu.core_type = #tpu.core_type<sc_vector_subcore>, window_params = [{transform_indices = #map}, {transform_indices = #map}, {transform_indices = #map}, {transform_indices = #map1}]} {
    %mul3A = arith.constant 2 : i32
    %mul3A_0 = arith.muli %arg1, %mul3A : i32
    %add3A = arith.addi %mul3A_0, %arg0 : i32
    %sub3A = arith.constant 625 : i32
    %sub3A_1 = arith.subi %sub3A, %add3A : i32
    %add3A_2 = arith.constant 32 : i32
    %add3A_3 = arith.addi %sub3A_1, %add3A_2 : i32
    %sub3A_4 = arith.constant 1 : i32
    %sub3A_5 = arith.subi %add3A_3, %sub3A_4 : i32
    %jit3A = arith.constant 32 : i32
    %div3A = arith.divsi %sub3A_5, %jit3A : i32
    %sign3A = arith.constant 0 : i32
    %sign3A_6 = arith.cmpi sgt, %sub3A_5, %sign3A : i32
    %sign3A_7 = arith.extui %sign3A_6 : i1 to i32
    %sign3A_8 = arith.constant 0 : i32
    %sign3A_9 = arith.cmpi slt, %sub3A_5, %sign3A_8 : i32
    %sign3A_10 = arith.extui %sign3A_9 : i1 to i32
    %sign3A_11 = arith.subi %sign3A_7, %sign3A_10 : i32
    %sign3A_12 = arith.constant 0 : i32
    %sign3A_13 = arith.cmpi sgt, %jit3A, %sign3A_12 : i32
    %sign3A_14 = arith.extui %sign3A_13 : i1 to i32
    %sign3A_15 = arith.constant 0 : i32
    %sign3A_16 = arith.cmpi slt, %jit3A, %sign3A_15 : i32
    %sign3A_17 = arith.extui %sign3A_16 : i1 to i32
    %sign3A_18 = arith.subi %sign3A_14, %sign3A_17 : i32
    %ne3A = arith.cmpi ne, %sign3A_11, %sign3A_18 : i32
    %rem3A = arith.remsi %sub3A_5, %jit3A : i32
    %ne3A_19 = arith.constant 0 : i32
    %ne3A_20 = arith.cmpi ne, %rem3A, %ne3A_19 : i32
    %and3A = arith.andi %ne3A, %ne3A_20 : i1
    %sub3A_21 = arith.constant 1 : i32
    %sub3A_22 = arith.subi %div3A, %sub3A_21 : i32
    %select_n3A = arith.select %and3A, %sub3A_22, %div3A : i32
    "tpu.region"() ({
      %run_scoped3A = tpu.sem_alloc : memref<!tpu.dma_semaphore, #tpu.memory_space<semaphore_mem>>
      tpu.enqueue_dma source(%arg2 : memref<15232xf32, #tpu.memory_space<hbm>>) target(%arg6 : memref<15232xf32, #tpu.memory_space<vmem>>) target_semaphore(%run_scoped3A : memref<!tpu.dma_semaphore, #tpu.memory_space<semaphore_mem>>)
      tpu.wait_dma2 semaphore(%run_scoped3A : memref<!tpu.dma_semaphore, #tpu.memory_space<semaphore_mem>>) src(%arg2 : memref<15232xf32, #tpu.memory_space<hbm>>) dst(%arg6 : memref<15232xf32, #tpu.memory_space<vmem>>)
      tpu.yield
    }) : () -> ()
    "tpu.region"() ({
      %run_scoped3A = tpu.sem_alloc : memref<!tpu.dma_semaphore, #tpu.memory_space<semaphore_mem>>
      tpu.enqueue_dma source(%arg3 : memref<384xf32, #tpu.memory_space<hbm>>) target(%arg7 : memref<384xf32, #tpu.memory_space<vmem>>) target_semaphore(%run_scoped3A : memref<!tpu.dma_semaphore, #tpu.memory_space<semaphore_mem>>)
      tpu.wait_dma2 semaphore(%run_scoped3A : memref<!tpu.dma_semaphore, #tpu.memory_space<semaphore_mem>>) src(%arg3 : memref<384xf32, #tpu.memory_space<hbm>>) dst(%arg7 : memref<384xf32, #tpu.memory_space<vmem>>)
      tpu.yield
    }) : () -> ()
    %add3A_23 = arith.constant 0 : i32
    %add3A_24 = arith.addi %add3A, %add3A_23 : i32
    %mul3A_25 = arith.constant 160 : i32
    %mul3A_26 = arith.muli %add3A_24, %mul3A_25 : i32
    %dma_start3A = tpu.memref_slice %arg4[%mul3A_26] : memref<100000xi32, #tpu.memory_space<hbm>> -> memref<160xi32, #tpu.memory_space<hbm>>
    %dma_start3A_27 = tpu.memref_slice %arg4[%mul3A_26] : memref<100000xi32, #tpu.memory_space<hbm>> -> memref<160xi32, #tpu.memory_space<hbm>>
    tpu.enqueue_dma source(%dma_start3A_27 : memref<160xi32, #tpu.memory_space<hbm>>) target(%arg8 : memref<160xi32, #tpu.memory_space<vmem>>) target_semaphore(%arg12 : memref<!tpu.dma_semaphore, #tpu.memory_space<semaphore_mem>>)
    %ge3A = arith.constant 2 : i32
    %ge3A_28 = arith.cmpi sge, %select_n3A, %ge3A : i32
    %convert_element_type3A = arith.extui %ge3A_28 : i1 to i32
    %cond3A = arith.constant 0 : i32
    %cond3A_29 = arith.cmpi ne, %convert_element_type3A, %cond3A : i32
    scf.if %cond3A_29 {
      %add3A_75 = arith.constant 32 : i32
      %add3A_76 = arith.addi %add3A, %add3A_75 : i32
      %mul3A_77 = arith.constant 160 : i32
      %mul3A_78 = arith.muli %add3A_76, %mul3A_77 : i32
      %dma_start3A_79 = tpu.memref_slice %arg4[%mul3A_78] : memref<100000xi32, #tpu.memory_space<hbm>> -> memref<160xi32, #tpu.memory_space<hbm>>
      %dma_start3A_80 = tpu.memref_slice %arg4[%mul3A_78] : memref<100000xi32, #tpu.memory_space<hbm>> -> memref<160xi32, #tpu.memory_space<hbm>>
      tpu.enqueue_dma source(%dma_start3A_80 : memref<160xi32, #tpu.memory_space<hbm>>) target(%arg9 : memref<160xi32, #tpu.memory_space<vmem>>) target_semaphore(%arg13 : memref<!tpu.dma_semaphore, #tpu.memory_space<semaphore_mem>>)
    } else {
    }
    %add3A_30 = arith.constant 1 : i32
    %add3A_31 = arith.addi %select_n3A, %add3A_30 : i32
    %jit3A_32 = arith.constant 2 : i32
    %div3A_33 = arith.divsi %add3A_31, %jit3A_32 : i32
    %sign3A_34 = arith.constant 0 : i32
    %sign3A_35 = arith.cmpi sgt, %add3A_31, %sign3A_34 : i32
    %sign3A_36 = arith.extui %sign3A_35 : i1 to i32
    %sign3A_37 = arith.constant 0 : i32
    %sign3A_38 = arith.cmpi slt, %add3A_31, %sign3A_37 : i32
    %sign3A_39 = arith.extui %sign3A_38 : i1 to i32
    %sign3A_40 = arith.subi %sign3A_36, %sign3A_39 : i32
    %sign3A_41 = arith.constant 0 : i32
    %sign3A_42 = arith.cmpi sgt, %jit3A_32, %sign3A_41 : i32
    %sign3A_43 = arith.extui %sign3A_42 : i1 to i32
    %sign3A_44 = arith.constant 0 : i32
    %sign3A_45 = arith.cmpi slt, %jit3A_32, %sign3A_44 : i32
    %sign3A_46 = arith.extui %sign3A_45 : i1 to i32
    %sign3A_47 = arith.subi %sign3A_43, %sign3A_46 : i32
    %ne3A_48 = arith.cmpi ne, %sign3A_40, %sign3A_47 : i32
    %rem3A_49 = arith.remsi %add3A_31, %jit3A_32 : i32
    %ne3A_50 = arith.constant 0 : i32
    %ne3A_51 = arith.cmpi ne, %rem3A_49, %ne3A_50 : i32
    %and3A_52 = arith.andi %ne3A_48, %ne3A_51 : i1
    %sub3A_53 = arith.constant 1 : i32
    %sub3A_54 = arith.subi %div3A_33, %sub3A_53 : i32
    %select_n3A_55 = arith.select %and3A_52, %sub3A_54, %div3A_33 : i32
    %while3A = arith.constant 0 : i32
    %while3A_56 = arith.constant 0 : i32
    %while3A_57 = arith.subi %select_n3A_55, %while3A_56 : i32
    %while3A_58 = arith.addi %while3A_56, %while3A_57 : i32
    %while3A_59 = arith.constant 1 : i32
    %while3A_60 = arith.divsi %while3A_57, %while3A_59 : i32
    %while3A_61 = arith.muli %while3A_60, %while3A_59 : i32
    %while3A_62 = arith.addi %while3A_56, %while3A_61 : i32
    %while3A_63 = arith.constant 1 : i32
    scf.for %while3A_75 = %while3A_56 to %while3A_62 step %while3A_63  : i32 {
      %mul3A_76 = arith.constant 2 : i32
      %mul3A_77 = arith.muli %mul3A_76, %while3A_75 : i32
      %add3A_78 = arith.constant 0 : i32
      %add3A_79 = arith.addi %mul3A_77, %add3A_78 : i32
      %lt3A = arith.cmpi slt, %add3A_79, %select_n3A : i32
      %convert_element_type3A_80 = arith.extui %lt3A : i1 to i32
      %cond3A_81 = arith.constant 0 : i32
      %cond3A_82 = arith.cmpi ne, %convert_element_type3A_80, %cond3A_81 : i32
      scf.if %cond3A_82 {
        %mul3A_91 = arith.constant 32 : i32
        %mul3A_92 = arith.muli %add3A_79, %mul3A_91 : i32
        %add3A_93 = arith.addi %add3A, %mul3A_92 : i32
        %mul3A_94 = arith.constant 160 : i32
        %mul3A_95 = arith.muli %add3A_93, %mul3A_94 : i32
        %dma_wait3A_96 = arith.constant 0 : i32
        %dma_wait3A_97 = tpu.memref_slice %arg4[%dma_wait3A_96] : memref<100000xi32, #tpu.memory_space<hbm>> -> memref<160xi32, #tpu.memory_space<hbm>>
        %dma_wait3A_98 = arith.constant 0 : i32
        %dma_wait3A_99 = tpu.memref_slice %arg4[%dma_wait3A_98] : memref<100000xi32, #tpu.memory_space<hbm>> -> memref<160xi32, #tpu.memory_space<hbm>>
        tpu.wait_dma2 semaphore(%arg12 : memref<!tpu.dma_semaphore, #tpu.memory_space<semaphore_mem>>) src(%dma_wait3A_99 : memref<160xi32, #tpu.memory_space<hbm>>) dst(%arg8 : memref<160xi32, #tpu.memory_space<vmem>>)
        %ge3A_100 = arith.constant 2 : i32
        %ge3A_101 = arith.cmpi sge, %add3A_79, %ge3A_100 : i32
        %convert_element_type3A_102 = arith.extui %ge3A_101 : i1 to i32
        %cond3A_103 = arith.constant 0 : i32
        %cond3A_104 = arith.cmpi ne, %convert_element_type3A_102, %cond3A_103 : i32
        scf.if %cond3A_104 {
          %dma_wait3A_126 = arith.constant 0 : i32
          %dma_wait3A_127 = arith.constant 0 : i32
          %dma_wait3A_128 = tpu.memref_slice %arg5[%dma_wait3A_126, %dma_wait3A_127] : memref<100000x131xf32, #tpu.memory_space<hbm>> -> memref<160x131xf32, #tpu.memory_space<hbm>>
          %dma_wait3A_129 = arith.constant 0 : i32
          %dma_wait3A_130 = arith.constant 0 : i32
          %dma_wait3A_131 = tpu.memref_slice %arg5[%dma_wait3A_129, %dma_wait3A_130] : memref<100000x131xf32, #tpu.memory_space<hbm>> -> memref<160x131xf32, #tpu.memory_space<hbm>>
          tpu.wait_dma2 semaphore(%arg14 : memref<!tpu.dma_semaphore, #tpu.memory_space<semaphore_mem>>) src(%arg10 : memref<160x131xf32, #tpu.memory_space<vmem>>) dst(%dma_wait3A_131 : memref<160x131xf32, #tpu.memory_space<hbm>>)
        } else {
        }
        %scan3A = arith.constant 0 : i32
        %scan3A_105 = arith.constant 0 : i32
        %scan3A_106 = arith.constant 10 : i32
        %scan3A_107 = arith.addi %scan3A_105, %scan3A_106 : i32
        %scan3A_108 = arith.constant 1 : i32
        scf.for %scan3A_126 = %scan3A_105 to %scan3A_107 step %scan3A_108  : i32 {
          %mul3A_127 = arith.constant 16 : i32
          %mul3A_128 = arith.muli %scan3A_126, %mul3A_127 : i32
          %get3A = arith.index_cast %mul3A_128 : i32 to index
          %get3A_129 = tpu.vector_load %arg8[%get3A] {strides = array<i32>} : memref<160xi32, #tpu.memory_space<vmem>>, vector<16xi32>,
          %mul3A_130 = arith.constant 16 : i32
          %mul3A_131 = arith.muli %scan3A_126, %mul3A_130 : i32
          %add3A_132 = arith.constant 0 : i32
          %add3A_133 = arith.addi %mul3A_131, %add3A_132 : i32
          %slice3A = vector.extract_strided_slice %get3A_129 {offsets = [0], sizes = [1], strides = [1]} : vector<16xi32> to vector<1xi32>
          %squeeze3A = vector.extract %slice3A[0] : i32 from vector<1xi32>
          %mul3A_134 = arith.constant 128 : i32
          %mul3A_135 = arith.muli %squeeze3A, %mul3A_134 : i32
          %add3A_136 = arith.constant 0 : i32
          %add3A_137 = arith.addi %mul3A_135, %add3A_136 : i32
          %get3A_138 = arith.index_cast %add3A_137 : i32 to index
          %get3A_139 = tpu.vector_load %arg6[%get3A_138] {strides = array<i32>} : memref<15232xf32, #tpu.memory_space<vmem>>, vector<16xf32>,
          %add3A_140 = arith.constant 16 : i32
          %add3A_141 = arith.addi %mul3A_135, %add3A_140 : i32
          %get3A_142 = arith.index_cast %add3A_141 : i32 to index
          %get3A_143 = tpu.vector_load %arg6[%get3A_142] {strides = array<i32>} : memref<15232xf32, #tpu.memory_space<vmem>>, vector<16xf32>,
          %add3A_144 = arith.constant 32 : i32
          %add3A_145 = arith.addi %mul3A_135, %add3A_144 : i32
          %get3A_146 = arith.index_cast %add3A_145 : i32 to index
          %get3A_147 = tpu.vector_load %arg6[%get3A_146] {strides = array<i32>} : memref<15232xf32, #tpu.memory_space<vmem>>, vector<16xf32>,
          %add3A_148 = arith.constant 48 : i32
          %add3A_149 = arith.addi %mul3A_135, %add3A_148 : i32
          %get3A_150 = arith.index_cast %add3A_149 : i32 to index
          %get3A_151 = tpu.vector_load %arg6[%get3A_150] {strides = array<i32>} : memref<15232xf32, #tpu.memory_space<vmem>>, vector<16xf32>,
          %add3A_152 = arith.constant 64 : i32
          %add3A_153 = arith.addi %mul3A_135, %add3A_152 : i32
          %get3A_154 = arith.index_cast %add3A_153 : i32 to index
          %get3A_155 = tpu.vector_load %arg6[%get3A_154] {strides = array<i32>} : memref<15232xf32, #tpu.memory_space<vmem>>, vector<16xf32>,
          %add3A_156 = arith.constant 80 : i32
          %add3A_157 = arith.addi %mul3A_135, %add3A_156 : i32
          %get3A_158 = arith.index_cast %add3A_157 : i32 to index
          %get3A_159 = tpu.vector_load %arg6[%get3A_158] {strides = array<i32>} : memref<15232xf32, #tpu.memory_space<vmem>>, vector<16xf32>,
          %add3A_160 = arith.constant 96 : i32
          %add3A_161 = arith.addi %mul3A_135, %add3A_160 : i32
          %get3A_162 = arith.index_cast %add3A_161 : i32 to index
          %get3A_163 = tpu.vector_load %arg6[%get3A_162] {strides = array<i32>} : memref<15232xf32, #tpu.memory_space<vmem>>, vector<16xf32>,
          %add3A_164 = arith.constant 112 : i32
          %add3A_165 = arith.addi %mul3A_135, %add3A_164 : i32
          %get3A_166 = arith.index_cast %add3A_165 : i32 to index
          %get3A_167 = tpu.vector_load %arg6[%get3A_166] {strides = array<i32>} : memref<15232xf32, #tpu.memory_space<vmem>>, vector<16xf32>,
          %swap3A = arith.index_cast %add3A_133 : i32 to index
          %swap3A_168 = arith.constant 0 : index
          %swap3A_169 = tpu.vector_load %arg10[%swap3A, %swap3A_168] {strides = array<i32>} : memref<160x131xf32, #tpu.memory_space<vmem>>, vector<16xf32>,
          tpu.vector_store %arg10[%swap3A, %swap3A_168], %get3A_139 {strides = array<i32>} : memref<160x131xf32, #tpu.memory_space<vmem>>, vector<16xf32>,
          %swap3A_170 = arith.index_cast %add3A_133 : i32 to index
          %swap3A_171 = arith.constant 16 : index
          %swap3A_172 = tpu.vector_load %arg10[%swap3A_170, %swap3A_171] {strides = array<i32>} : memref<160x131xf32, #tpu.memory_space<vmem>>, vector<16xf32>,
          tpu.vector_store %arg10[%swap3A_170, %swap3A_171], %get3A_143 {strides = array<i32>} : memref<160x131xf32, #tpu.memory_space<vmem>>, vector<16xf32>,
          %swap3A_173 = arith.index_cast %add3A_133 : i32 to index
          %swap3A_174 = arith.constant 32 : index
          %swap3A_175 = tpu.vector_load %arg10[%swap3A_173, %swap3A_174] {strides = array<i32>} : memref<160x131xf32, #tpu.memory_space<vmem>>, vector<16xf32>,
          tpu.vector_store %arg10[%swap3A_173, %swap3A_174], %get3A_147 {strides = array<i32>} : memref<160x131xf32, #tpu.memory_space<vmem>>, vector<16xf32>,
          %swap3A_176 = arith.index_cast %add3A_133 : i32 to index
          %swap3A_177 = arith.constant 48 : index
          %swap3A_178 = tpu.vector_load %arg10[%swap3A_176, %swap3A_177] {strides = array<i32>} : memref<160x131xf32, #tpu.memory_space<vmem>>, vector<16xf32>,
          tpu.vector_store %arg10[%swap3A_176, %swap3A_177], %get3A_151 {strides = array<i32>} : memref<160x131xf32, #tpu.memory_space<vmem>>, vector<16xf32>,
          %swap3A_179 = arith.index_cast %add3A_133 : i32 to index
          %swap3A_180 = arith.constant 64 : index
          %swap3A_181 = tpu.vector_load %arg10[%swap3A_179, %swap3A_180] {strides = array<i32>} : memref<160x131xf32, #tpu.memory_space<vmem>>, vector<16xf32>,
          tpu.vector_store %arg10[%swap3A_179, %swap3A_180], %get3A_155 {strides = array<i32>} : memref<160x131xf32, #tpu.memory_space<vmem>>, vector<16xf32>,
          %swap3A_182 = arith.index_cast %add3A_133 : i32 to index
          %swap3A_183 = arith.constant 80 : index
          %swap3A_184 = tpu.vector_load %arg10[%swap3A_182, %swap3A_183] {strides = array<i32>} : memref<160x131xf32, #tpu.memory_space<vmem>>, vector<16xf32>,
          tpu.vector_store %arg10[%swap3A_182, %swap3A_183], %get3A_159 {strides = array<i32>} : memref<160x131xf32, #tpu.memory_space<vmem>>, vector<16xf32>,
          %swap3A_185 = arith.index_cast %add3A_133 : i32 to index
          %swap3A_186 = arith.constant 96 : index
          %swap3A_187 = tpu.vector_load %arg10[%swap3A_185, %swap3A_186] {strides = array<i32>} : memref<160x131xf32, #tpu.memory_space<vmem>>, vector<16xf32>,
          tpu.vector_store %arg10[%swap3A_185, %swap3A_186], %get3A_163 {strides = array<i32>} : memref<160x131xf32, #tpu.memory_space<vmem>>, vector<16xf32>,
          %swap3A_188 = arith.index_cast %add3A_133 : i32 to index
          %swap3A_189 = arith.constant 112 : index
          %swap3A_190 = tpu.vector_load %arg10[%swap3A_188, %swap3A_189] {strides = array<i32>} : memref<160x131xf32, #tpu.memory_space<vmem>>, vector<16xf32>,
          tpu.vector_store %arg10[%swap3A_188, %swap3A_189], %get3A_167 {strides = array<i32>} : memref<160x131xf32, #tpu.memory_space<vmem>>, vector<16xf32>,
          %mul3A_191 = arith.constant 16 : i32
          %mul3A_192 = arith.muli %scan3A_126, %mul3A_191 : i32
          %add3A_193 = arith.constant 1 : i32
          %add3A_194 = arith.addi %mul3A_192, %add3A_193 : i32
          %slice3A_195 = vector.extract_strided_slice %get3A_129 {offsets = [1], sizes = [1], strides = [1]} : vector<16xi32> to vector<1xi32>
          %squeeze3A_196 = vector.extract %slice3A_195[0] : i32 from vector<1xi32>
          %mul3A_197 = arith.constant 128 : i32
          %mul3A_198 = arith.muli %squeeze3A_196, %mul3A_197 : i32
          %add3A_199 = arith.constant 0 : i32
          %add3A_200 = arith.addi %mul3A_198, %add3A_199 : i32
          %get3A_201 = arith.index_cast %add3A_200 : i32 to index
          %get3A_202 = tpu.vector_load %arg6[%get3A_201] {strides = array<i32>} : memref<15232xf32, #tpu.memory_space<vmem>>, vector<16xf32>,
          %add3A_203 = arith.constant 16 : i32
          %add3A_204 = arith.addi %mul3A_198, %add3A_203 : i32
          %get3A_205 = arith.index_cast %add3A_204 : i32 to index
          %get3A_206 = tpu.vector_load %arg6[%get3A_205] {strides = array<i32>} : memref<15232xf32, #tpu.memory_space<vmem>>, vector<16xf32>,
          %add3A_207 = arith.constant 32 : i32
          %add3A_208 = arith.addi %mul3A_198, %add3A_207 : i32
          %get3A_209 = arith.index_cast %add3A_208 : i32 to index
          %get3A_210 = tpu.vector_load %arg6[%get3A_209] {strides = array<i32>} : memref<15232xf32, #tpu.memory_space<vmem>>, vector<16xf32>,
          %add3A_211 = arith.constant 48 : i32
          %add3A_212 = arith.addi %mul3A_198, %add3A_211 : i32
          %get3A_213 = arith.index_cast %add3A_212 : i32 to index
          %get3A_214 = tpu.vector_load %arg6[%get3A_213] {strides = array<i32>} : memref<15232xf32, #tpu.memory_space<vmem>>, vector<16xf32>,
          %add3A_215 = arith.constant 64 : i32
          %add3A_216 = arith.addi %mul3A_198, %add3A_215 : i32
          %get3A_217 = arith.index_cast %add3A_216 : i32 to index
          %get3A_218 = tpu.vector_load %arg6[%get3A_217] {strides = array<i32>} : memref<15232xf32, #tpu.memory_space<vmem>>, vector<16xf32>,
          %add3A_219 = arith.constant 80 : i32
          %add3A_220 = arith.addi %mul3A_198, %add3A_219 : i32
          %get3A_221 = arith.index_cast %add3A_220 : i32 to index
          %get3A_222 = tpu.vector_load %arg6[%get3A_221] {strides = array<i32>} : memref<15232xf32, #tpu.memory_space<vmem>>, vector<16xf32>,
          %add3A_223 = arith.constant 96 : i32
          %add3A_224 = arith.addi %mul3A_198, %add3A_223 : i32
          %get3A_225 = arith.index_cast %add3A_224 : i32 to index
          %get3A_226 = tpu.vector_load %arg6[%get3A_225] {strides = array<i32>} : memref<15232xf32, #tpu.memory_space<vmem>>, vector<16xf32>,
          %add3A_227 = arith.constant 112 : i32
          %add3A_228 = arith.addi %mul3A_198, %add3A_227 : i32
          %get3A_229 = arith.index_cast %add3A_228 : i32 to index
          %get3A_230 = tpu.vector_load %arg6[%get3A_229] {strides = array<i32>} : memref<15232xf32, #tpu.memory_space<vmem>>, vector<16xf32>,
          %swap3A_231 = arith.index_cast %add3A_194 : i32 to index
          %swap3A_232 = arith.constant 0 : index
          %swap3A_233 = tpu.vector_load %arg10[%swap3A_231, %swap3A_232] {strides = array<i32>} : memref<160x131xf32, #tpu.memory_space<vmem>>, vector<16xf32>,
          tpu.vector_store %arg10[%swap3A_231, %swap3A_232], %get3A_202 {strides = array<i32>} : memref<160x131xf32, #tpu.memory_space<vmem>>, vector<16xf32>,
          %swap3A_234 = arith.index_cast %add3A_194 : i32 to index
          %swap3A_235 = arith.constant 16 : index
          %swap3A_236 = tpu.vector_load %arg10[%swap3A_234, %swap3A_235] {strides = array<i32>} : memref<160x131xf32, #tpu.memory_space<vmem>>, vector<16xf32>,
          tpu.vector_store %arg10[%swap3A_234, %swap3A_235], %get3A_206 {strides = array<i32>} : memref<160x131xf32, #tpu.memory_space<vmem>>, vector<16xf32>,
          %swap3A_237 = arith.index_cast %add3A_194 : i32 to index
          %swap3A_238 = arith.constant 32 : index
          %swap3A_239 = tpu.vector_load %arg10[%swap3A_237, %swap3A_238] {strides = array<i32>} : memref<160x131xf32, #tpu.memory_space<vmem>>, vector<16xf32>,
          tpu.vector_store %arg10[%swap3A_237, %swap3A_238], %get3A_210 {strides = array<i32>} : memref<160x131xf32, #tpu.memory_space<vmem>>, vector<16xf32>,
          %swap3A_240 = arith.index_cast %add3A_194 : i32 to index
          %swap3A_241 = arith.constant 48 : index
          %swap3A_242 = tpu.vector_load %arg10[%swap3A_240, %swap3A_241] {strides = array<i32>} : memref<160x131xf32, #tpu.memory_space<vmem>>, vector<16xf32>,
          tpu.vector_store %arg10[%swap3A_240, %swap3A_241], %get3A_214 {strides = array<i32>} : memref<160x131xf32, #tpu.memory_space<vmem>>, vector<16xf32>,
          %swap3A_243 = arith.index_cast %add3A_194 : i32 to index
          %swap3A_244 = arith.constant 64 : index
          %swap3A_245 = tpu.vector_load %arg10[%swap3A_243, %swap3A_244] {strides = array<i32>} : memref<160x131xf32, #tpu.memory_space<vmem>>, vector<16xf32>,
          tpu.vector_store %arg10[%swap3A_243, %swap3A_244], %get3A_218 {strides = array<i32>} : memref<160x131xf32, #tpu.memory_space<vmem>>, vector<16xf32>,
          %swap3A_246 = arith.index_cast %add3A_194 : i32 to index
          %swap3A_247 = arith.constant 80 : index
          %swap3A_248 = tpu.vector_load %arg10[%swap3A_246, %swap3A_247] {strides = array<i32>} : memref<160x131xf32, #tpu.memory_space<vmem>>, vector<16xf32>,
          tpu.vector_store %arg10[%swap3A_246, %swap3A_247], %get3A_222 {strides = array<i32>} : memref<160x131xf32, #tpu.memory_space<vmem>>, vector<16xf32>,
          %swap3A_249 = arith.index_cast %add3A_194 : i32 to index
          %swap3A_250 = arith.constant 96 : index
          %swap3A_251 = tpu.vector_load %arg10[%swap3A_249, %swap3A_250] {strides = array<i32>} : memref<160x131xf32, #tpu.memory_space<vmem>>, vector<16xf32>,
          tpu.vector_store %arg10[%swap3A_249, %swap3A_250], %get3A_226 {strides = array<i32>} : memref<160x131xf32, #tpu.memory_space<vmem>>, vector<16xf32>,
          %swap3A_252 = arith.index_cast %add3A_194 : i32 to index
          %swap3A_253 = arith.constant 112 : index
          %swap3A_254 = tpu.vector_load %arg10[%swap3A_252, %swap3A_253] {strides = array<i32>} : memref<160x131xf32, #tpu.memory_space<vmem>>, vector<16xf32>,
          tpu.vector_store %arg10[%swap3A_252, %swap3A_253], %get3A_230 {strides = array<i32>} : memref<160x131xf32, #tpu.memory_space<vmem>>, vector<16xf32>,
          %mul3A_255 = arith.constant 16 : i32
          %mul3A_256 = arith.muli %scan3A_126, %mul3A_255 : i32
          %add3A_257 = arith.constant 2 : i32
          %add3A_258 = arith.addi %mul3A_256, %add3A_257 : i32
          %slice3A_259 = vector.extract_strided_slice %get3A_129 {offsets = [2], sizes = [1], strides = [1]} : vector<16xi32> to vector<1xi32>
          %squeeze3A_260 = vector.extract %slice3A_259[0] : i32 from vector<1xi32>
          %mul3A_261 = arith.constant 128 : i32
          %mul3A_262 = arith.muli %squeeze3A_260, %mul3A_261 : i32
          %add3A_263 = arith.constant 0 : i32
          %add3A_264 = arith.addi %mul3A_262, %add3A_263 : i32
          %get3A_265 = arith.index_cast %add3A_264 : i32 to index
          %get3A_266 = tpu.vector_load %arg6[%get3A_265] {strides = array<i32>} : memref<15232xf32, #tpu.memory_space<vmem>>, vector<16xf32>,
          %add3A_267 = arith.constant 16 : i32
          %add3A_268 = arith.addi %mul3A_262, %add3A_267 : i32
          %get3A_269 = arith.index_cast %add3A_268 : i32 to index
          %get3A_270 = tpu.vector_load %arg6[%get3A_269] {strides = array<i32>} : memref<15232xf32, #tpu.memory_space<vmem>>, vector<16xf32>,
          %add3A_271 = arith.constant 32 : i32
          %add3A_272 = arith.addi %mul3A_262, %add3A_271 : i32
          %get3A_273 = arith.index_cast %add3A_272 : i32 to index
          %get3A_274 = tpu.vector_load %arg6[%get3A_273] {strides = array<i32>} : memref<15232xf32, #tpu.memory_space<vmem>>, vector<16xf32>,
          %add3A_275 = arith.constant 48 : i32
          %add3A_276 = arith.addi %mul3A_262, %add3A_275 : i32
          %get3A_277 = arith.index_cast %add3A_276 : i32 to index
          %get3A_278 = tpu.vector_load %arg6[%get3A_277] {strides = array<i32>} : memref<15232xf32, #tpu.memory_space<vmem>>, vector<16xf32>,
          %add3A_279 = arith.constant 64 : i32
          %add3A_280 = arith.addi %mul3A_262, %add3A_279 : i32
          %get3A_281 = arith.index_cast %add3A_280 : i32 to index
          %get3A_282 = tpu.vector_load %arg6[%get3A_281] {strides = array<i32>} : memref<15232xf32, #tpu.memory_space<vmem>>, vector<16xf32>,
          %add3A_283 = arith.constant 80 : i32
          %add3A_284 = arith.addi %mul3A_262, %add3A_283 : i32
          %get3A_285 = arith.index_cast %add3A_284 : i32 to index
          %get3A_286 = tpu.vector_load %arg6[%get3A_285] {strides = array<i32>} : memref<15232xf32, #tpu.memory_space<vmem>>, vector<16xf32>,
          %add3A_287 = arith.constant 96 : i32
          %add3A_288 = arith.addi %mul3A_262, %add3A_287 : i32
          %get3A_289 = arith.index_cast %add3A_288 : i32 to index
          %get3A_290 = tpu.vector_load %arg6[%get3A_289] {strides = array<i32>} : memref<15232xf32, #tpu.memory_space<vmem>>, vector<16xf32>,
          %add3A_291 = arith.constant 112 : i32
          %add3A_292 = arith.addi %mul3A_262, %add3A_291 : i32
          %get3A_293 = arith.index_cast %add3A_292 : i32 to index
          %get3A_294 = tpu.vector_load %arg6[%get3A_293] {strides = array<i32>} : memref<15232xf32, #tpu.memory_space<vmem>>, vector<16xf32>,
          %swap3A_295 = arith.index_cast %add3A_258 : i32 to index
          %swap3A_296 = arith.constant 0 : index
          %swap3A_297 = tpu.vector_load %arg10[%swap3A_295, %swap3A_296] {strides = array<i32>} : memref<160x131xf32, #tpu.memory_space<vmem>>, vector<16xf32>,
          tpu.vector_store %arg10[%swap3A_295, %swap3A_296], %get3A_266 {strides = array<i32>} : memref<160x131xf32, #tpu.memory_space<vmem>>, vector<16xf32>,
          %swap3A_298 = arith.index_cast %add3A_258 : i32 to index
          %swap3A_299 = arith.constant 16 : index
          %swap3A_300 = tpu.vector_load %arg10[%swap3A_298, %swap3A_299] {strides = array<i32>} : memref<160x131xf32, #tpu.memory_space<vmem>>, vector<16xf32>,
          tpu.vector_store %arg10[%swap3A_298, %swap3A_299], %get3A_270 {strides = array<i32>} : memref<160x131xf32, #tpu.memory_space<vmem>>, vector<16xf32>,
          %swap3A_301 = arith.index_cast %add3A_258 : i32 to index
          %swap3A_302 = arith.constant 32 : index
          %swap3A_303 = tpu.vector_load %arg10[%swap3A_301, %swap3A_302] {strides = array<i32>} : memref<160x131xf32, #tpu.memory_space<vmem>>, vector<16xf32>,
          tpu.vector_store %arg10[%swap3A_301, %swap3A_302], %get3A_274 {strides = array<i32>} : memref<160x131xf32, #tpu.memory_space<vmem>>, vector<16xf32>,
          %swap3A_304 = arith.index_cast %add3A_258 : i32 to index
          %swap3A_305 = arith.constant 48 : index
          %swap3A_306 = tpu.vector_load %arg10[%swap3A_304, %swap3A_305] {strides = array<i32>} : memref<160x131xf32, #tpu.memory_space<vmem>>, vector<16xf32>,
          tpu.vector_store %arg10[%swap3A_304, %swap3A_305], %get3A_278 {strides = array<i32>} : memref<160x131xf32, #tpu.memory_space<vmem>>, vector<16xf32>,
          %swap3A_307 = arith.index_cast %add3A_258 : i32 to index
          %swap3A_308 = arith.constant 64 : index
          %swap3A_309 = tpu.vector_load %arg10[%swap3A_307, %swap3A_308] {strides = array<i32>} : memref<160x131xf32, #tpu.memory_space<vmem>>, vector<16xf32>,
          tpu.vector_store %arg10[%swap3A_307, %swap3A_308], %get3A_282 {strides = array<i32>} : memref<160x131xf32, #tpu.memory_space<vmem>>, vector<16xf32>,
          %swap3A_310 = arith.index_cast %add3A_258 : i32 to index
          %swap3A_311 = arith.constant 80 : index
          %swap3A_312 = tpu.vector_load %arg10[%swap3A_310, %swap3A_311] {strides = array<i32>} : memref<160x131xf32, #tpu.memory_space<vmem>>, vector<16xf32>,
          tpu.vector_store %arg10[%swap3A_310, %swap3A_311], %get3A_286 {strides = array<i32>} : memref<160x131xf32, #tpu.memory_space<vmem>>, vector<16xf32>,
          %swap3A_313 = arith.index_cast %add3A_258 : i32 to index
          %swap3A_314 = arith.constant 96 : index
          %swap3A_315 = tpu.vector_load %arg10[%swap3A_313, %swap3A_314] {strides = array<i32>} : memref<160x131xf32, #tpu.memory_space<vmem>>, vector<16xf32>,
          tpu.vector_store %arg10[%swap3A_313, %swap3A_314], %get3A_290 {strides = array<i32>} : memref<160x131xf32, #tpu.memory_space<vmem>>, vector<16xf32>,
          %swap3A_316 = arith.index_cast %add3A_258 : i32 to index
          %swap3A_317 = arith.constant 112 : index
          %swap3A_318 = tpu.vector_load %arg10[%swap3A_316, %swap3A_317] {strides = array<i32>} : memref<160x131xf32, #tpu.memory_space<vmem>>, vector<16xf32>,
          tpu.vector_store %arg10[%swap3A_316, %swap3A_317], %get3A_294 {strides = array<i32>} : memref<160x131xf32, #tpu.memory_space<vmem>>, vector<16xf32>,
          %mul3A_319 = arith.constant 16 : i32
          %mul3A_320 = arith.muli %scan3A_126, %mul3A_319 : i32
          %add3A_321 = arith.constant 3 : i32
          %add3A_322 = arith.addi %mul3A_320, %add3A_321 : i32
          %slice3A_323 = vector.extract_strided_slice %get3A_129 {offsets = [3], sizes = [1], strides = [1]} : vector<16xi32> to vector<1xi32>
          %squeeze3A_324 = vector.extract %slice3A_323[0] : i32 from vector<1xi32>
          %mul3A_325 = arith.constant 128 : i32
          %mul3A_326 = arith.muli %squeeze3A_324, %mul3A_325 : i32
          %add3A_327 = arith.constant 0 : i32
          %add3A_328 = arith.addi %mul3A_326, %add3A_327 : i32
          %get3A_329 = arith.index_cast %add3A_328 : i32 to index
          %get3A_330 = tpu.vector_load %arg6[%get3A_329] {strides = array<i32>} : memref<15232xf32, #tpu.memory_space<vmem>>, vector<16xf32>,
          %add3A_331 = arith.constant 16 : i32
          %add3A_332 = arith.addi %mul3A_326, %add3A_331 : i32
          %get3A_333 = arith.index_cast %add3A_332 : i32 to index
          %get3A_334 = tpu.vector_load %arg6[%get3A_333] {strides = array<i32>} : memref<15232xf32, #tpu.memory_space<vmem>>, vector<16xf32>,
          %add3A_335 = arith.constant 32 : i32
          %add3A_336 = arith.addi %mul3A_326, %add3A_335 : i32
          %get3A_337 = arith.index_cast %add3A_336 : i32 to index
          %get3A_338 = tpu.vector_load %arg6[%get3A_337] {strides = array<i32>} : memref<15232xf32, #tpu.memory_space<vmem>>, vector<16xf32>,
          %add3A_339 = arith.constant 48 : i32
          %add3A_340 = arith.addi %mul3A_326, %add3A_339 : i32
          %get3A_341 = arith.index_cast %add3A_340 : i32 to index
          %get3A_342 = tpu.vector_load %arg6[%get3A_341] {strides = array<i32>} : memref<15232xf32, #tpu.memory_space<vmem>>, vector<16xf32>,
          %add3A_343 = arith.constant 64 : i32
          %add3A_344 = arith.addi %mul3A_326, %add3A_343 : i32
          %get3A_345 = arith.index_cast %add3A_344 : i32 to index
          %get3A_346 = tpu.vector_load %arg6[%get3A_345] {strides = array<i32>} : memref<15232xf32, #tpu.memory_space<vmem>>, vector<16xf32>,
          %add3A_347 = arith.constant 80 : i32
          %add3A_348 = arith.addi %mul3A_326, %add3A_347 : i32
          %get3A_349 = arith.index_cast %add3A_348 : i32 to index
          %get3A_350 = tpu.vector_load %arg6[%get3A_349] {strides = array<i32>} : memref<15232xf32, #tpu.memory_space<vmem>>, vector<16xf32>,
          %add3A_351 = arith.constant 96 : i32
          %add3A_352 = arith.addi %mul3A_326, %add3A_351 : i32
          %get3A_353 = arith.index_cast %add3A_352 : i32 to index
          %get3A_354 = tpu.vector_load %arg6[%get3A_353] {strides = array<i32>} : memref<15232xf32, #tpu.memory_space<vmem>>, vector<16xf32>,
          %add3A_355 = arith.constant 112 : i32
          %add3A_356 = arith.addi %mul3A_326, %add3A_355 : i32
          %get3A_357 = arith.index_cast %add3A_356 : i32 to index
          %get3A_358 = tpu.vector_load %arg6[%get3A_357] {strides = array<i32>} : memref<15232xf32, #tpu.memory_space<vmem>>, vector<16xf32>,
          %swap3A_359 = arith.index_cast %add3A_322 : i32 to index
          %swap3A_360 = arith.constant 0 : index
          %swap3A_361 = tpu.vector_load %arg10[%swap3A_359, %swap3A_360] {strides = array<i32>} : memref<160x131xf32, #tpu.memory_space<vmem>>, vector<16xf32>,
          tpu.vector_store %arg10[%swap3A_359, %swap3A_360], %get3A_330 {strides = array<i32>} : memref<160x131xf32, #tpu.memory_space<vmem>>, vector<16xf32>,
          %swap3A_362 = arith.index_cast %add3A_322 : i32 to index
          %swap3A_363 = arith.constant 16 : index
          %swap3A_364 = tpu.vector_load %arg10[%swap3A_362, %swap3A_363] {strides = array<i32>} : memref<160x131xf32, #tpu.memory_space<vmem>>, vector<16xf32>,
          tpu.vector_store %arg10[%swap3A_362, %swap3A_363], %get3A_334 {strides = array<i32>} : memref<160x131xf32, #tpu.memory_space<vmem>>, vector<16xf32>,
          %swap3A_365 = arith.index_cast %add3A_322 : i32 to index
          %swap3A_366 = arith.constant 32 : index
          %swap3A_367 = tpu.vector_load %arg10[%swap3A_365, %swap3A_366] {strides = array<i32>} : memref<160x131xf32, #tpu.memory_space<vmem>>, vector<16xf32>,
          tpu.vector_store %arg10[%swap3A_365, %swap3A_366], %get3A_338 {strides = array<i32>} : memref<160x131xf32, #tpu.memory_space<vmem>>, vector<16xf32>,
          %swap3A_368 = arith.index_cast %add3A_322 : i32 to index
          %swap3A_369 = arith.constant 48 : index
          %swap3A_370 = tpu.vector_load %arg10[%swap3A_368, %swap3A_369] {strides = array<i32>} : memref<160x131xf32, #tpu.memory_space<vmem>>, vector<16xf32>,
          tpu.vector_store %arg10[%swap3A_368, %swap3A_369], %get3A_342 {strides = array<i32>} : memref<160x131xf32, #tpu.memory_space<vmem>>, vector<16xf32>,
          %swap3A_371 = arith.index_cast %add3A_322 : i32 to index
          %swap3A_372 = arith.constant 64 : index
          %swap3A_373 = tpu.vector_load %arg10[%swap3A_371, %swap3A_372] {strides = array<i32>} : memref<160x131xf32, #tpu.memory_space<vmem>>, vector<16xf32>,
          tpu.vector_store %arg10[%swap3A_371, %swap3A_372], %get3A_346 {strides = array<i32>} : memref<160x131xf32, #tpu.memory_space<vmem>>, vector<16xf32>,
          %swap3A_374 = arith.index_cast %add3A_322 : i32 to index
          %swap3A_375 = arith.constant 80 : index
          %swap3A_376 = tpu.vector_load %arg10[%swap3A_374, %swap3A_375] {strides = array<i32>} : memref<160x131xf32, #tpu.memory_space<vmem>>, vector<16xf32>,
          tpu.vector_store %arg10[%swap3A_374, %swap3A_375], %get3A_350 {strides = array<i32>} : memref<160x131xf32, #tpu.memory_space<vmem>>, vector<16xf32>,
          %swap3A_377 = arith.index_cast %add3A_322 : i32 to index
          %swap3A_378 = arith.constant 96 : index
          %swap3A_379 = tpu.vector_load %arg10[%swap3A_377, %swap3A_378] {strides = array<i32>} : memref<160x131xf32, #tpu.memory_space<vmem>>, vector<16xf32>,
          tpu.vector_store %arg10[%swap3A_377, %swap3A_378], %get3A_354 {strides = array<i32>} : memref<160x131xf32, #tpu.memory_space<vmem>>, vector<16xf32>,
          %swap3A_380 = arith.index_cast %add3A_322 : i32 to index
          %swap3A_381 = arith.constant 112 : index
          %swap3A_382 = tpu.vector_load %arg10[%swap3A_380, %swap3A_381] {strides = array<i32>} : memref<160x131xf32, #tpu.memory_space<vmem>>, vector<16xf32>,
          tpu.vector_store %arg10[%swap3A_380, %swap3A_381], %get3A_358 {strides = array<i32>} : memref<160x131xf32, #tpu.memory_space<vmem>>, vector<16xf32>,
          %mul3A_383 = arith.constant 16 : i32
          %mul3A_384 = arith.muli %scan3A_126, %mul3A_383 : i32
          %add3A_385 = arith.constant 4 : i32
          %add3A_386 = arith.addi %mul3A_384, %add3A_385 : i32
          %slice3A_387 = vector.extract_strided_slice %get3A_129 {offsets = [4], sizes = [1], strides = [1]} : vector<16xi32> to vector<1xi32>
          %squeeze3A_388 = vector.extract %slice3A_387[0] : i32 from vector<1xi32>
          %mul3A_389 = arith.constant 128 : i32
          %mul3A_390 = arith.muli %squeeze3A_388, %mul3A_389 : i32
          %add3A_391 = arith.constant 0 : i32
          %add3A_392 = arith.addi %mul3A_390, %add3A_391 : i32
          %get3A_393 = arith.index_cast %add3A_392 : i32 to index
          %get3A_394 = tpu.vector_load %arg6[%get3A_393] {strides = array<i32>} : memref<15232xf32, #tpu.memory_space<vmem>>, vector<16xf32>,
          %add3A_395 = arith.constant 16 : i32
          %add3A_396 = arith.addi %mul3A_390, %add3A_395 : i32
          %get3A_397 = arith.index_cast %add3A_396 : i32 to index
          %get3A_398 = tpu.vector_load %arg6[%get3A_397] {strides = array<i32>} : memref<15232xf32, #tpu.memory_space<vmem>>, vector<16xf32>,
          %add3A_399 = arith.constant 32 : i32
          %add3A_400 = arith.addi %mul3A_390, %add3A_399 : i32
          %get3A_401 = arith.index_cast %add3A_400 : i32 to index
          %get3A_402 = tpu.vector_load %arg6[%get3A_401] {strides = array<i32>} : memref<15232xf32, #tpu.memory_space<vmem>>, vector<16xf32>,
          %add3A_403 = arith.constant 48 : i32
          %add3A_404 = arith.addi %mul3A_390, %add3A_403 : i32
          %get3A_405 = arith.index_cast %add3A_404 : i32 to index
          %get3A_406 = tpu.vector_load %arg6[%get3A_405] {strides = array<i32>} : memref<15232xf32, #tpu.memory_space<vmem>>, vector<16xf32>,
          %add3A_407 = arith.constant 64 : i32
          %add3A_408 = arith.addi %mul3A_390, %add3A_407 : i32
          %get3A_409 = arith.index_cast %add3A_408 : i32 to index
          %get3A_410 = tpu.vector_load %arg6[%get3A_409] {strides = array<i32>} : memref<15232xf32, #tpu.memory_space<vmem>>, vector<16xf32>,
          %add3A_411 = arith.constant 80 : i32
          %add3A_412 = arith.addi %mul3A_390, %add3A_411 : i32
          %get3A_413 = arith.index_cast %add3A_412 : i32 to index
          %get3A_414 = tpu.vector_load %arg6[%get3A_413] {strides = array<i32>} : memref<15232xf32, #tpu.memory_space<vmem>>, vector<16xf32>,
          %add3A_415 = arith.constant 96 : i32
          %add3A_416 = arith.addi %mul3A_390, %add3A_415 : i32
          %get3A_417 = arith.index_cast %add3A_416 : i32 to index
          %get3A_418 = tpu.vector_load %arg6[%get3A_417] {strides = array<i32>} : memref<15232xf32, #tpu.memory_space<vmem>>, vector<16xf32>,
          %add3A_419 = arith.constant 112 : i32
          %add3A_420 = arith.addi %mul3A_390, %add3A_419 : i32
          %get3A_421 = arith.index_cast %add3A_420 : i32 to index
          %get3A_422 = tpu.vector_load %arg6[%get3A_421] {strides = array<i32>} : memref<15232xf32, #tpu.memory_space<vmem>>, vector<16xf32>,
          %swap3A_423 = arith.index_cast %add3A_386 : i32 to index
          %swap3A_424 = arith.constant 0 : index
          %swap3A_425 = tpu.vector_load %arg10[%swap3A_423, %swap3A_424] {strides = array<i32>} : memref<160x131xf32, #tpu.memory_space<vmem>>, vector<16xf32>,
          tpu.vector_store %arg10[%swap3A_423, %swap3A_424], %get3A_394 {strides = array<i32>} : memref<160x131xf32, #tpu.memory_space<vmem>>, vector<16xf32>,
          %swap3A_426 = arith.index_cast %add3A_386 : i32 to index
          %swap3A_427 = arith.constant 16 : index
          %swap3A_428 = tpu.vector_load %arg10[%swap3A_426, %swap3A_427] {strides = array<i32>} : memref<160x131xf32, #tpu.memory_space<vmem>>, vector<16xf32>,
          tpu.vector_store %arg10[%swap3A_426, %swap3A_427], %get3A_398 {strides = array<i32>} : memref<160x131xf32, #tpu.memory_space<vmem>>, vector<16xf32>,
          %swap3A_429 = arith.index_cast %add3A_386 : i32 to index
          %swap3A_430 = arith.constant 32 : index
          %swap3A_431 = tpu.vector_load %arg10[%swap3A_429, %swap3A_430] {strides = array<i32>} : memref<160x131xf32, #tpu.memory_space<vmem>>, vector<16xf32>,
          tpu.vector_store %arg10[%swap3A_429, %swap3A_430], %get3A_402 {strides = array<i32>} : memref<160x131xf32, #tpu.memory_space<vmem>>, vector<16xf32>,
          %swap3A_432 = arith.index_cast %add3A_386 : i32 to index
          %swap3A_433 = arith.constant 48 : index
          %swap3A_434 = tpu.vector_load %arg10[%swap3A_432, %swap3A_433] {strides = array<i32>} : memref<160x131xf32, #tpu.memory_space<vmem>>, vector<16xf32>,
          tpu.vector_store %arg10[%swap3A_432, %swap3A_433], %get3A_406 {strides = array<i32>} : memref<160x131xf32, #tpu.memory_space<vmem>>, vector<16xf32>,
          %swap3A_435 = arith.index_cast %add3A_386 : i32 to index
          %swap3A_436 = arith.constant 64 : index
          %swap3A_437 = tpu.vector_load %arg10[%swap3A_435, %swap3A_436] {strides = array<i32>} : memref<160x131xf32, #tpu.memory_space<vmem>>, vector<16xf32>,
          tpu.vector_store %arg10[%swap3A_435, %swap3A_436], %get3A_410 {strides = array<i32>} : memref<160x131xf32, #tpu.memory_space<vmem>>, vector<16xf32>,
          %swap3A_438 = arith.index_cast %add3A_386 : i32 to index
          %swap3A_439 = arith.constant 80 : index
          %swap3A_440 = tpu.vector_load %arg10[%swap3A_438, %swap3A_439] {strides = array<i32>} : memref<160x131xf32, #tpu.memory_space<vmem>>, vector<16xf32>,
          tpu.vector_store %arg10[%swap3A_438, %swap3A_439], %get3A_414 {strides = array<i32>} : memref<160x131xf32, #tpu.memory_space<vmem>>, vector<16xf32>,
          %swap3A_441 = arith.index_cast %add3A_386 : i32 to index
          %swap3A_442 = arith.constant 96 : index
          %swap3A_443 = tpu.vector_load %arg10[%swap3A_441, %swap3A_442] {strides = array<i32>} : memref<160x131xf32, #tpu.memory_space<vmem>>, vector<16xf32>,
          tpu.vector_store %arg10[%swap3A_441, %swap3A_442], %get3A_418 {strides = array<i32>} : memref<160x131xf32, #tpu.memory_space<vmem>>, vector<16xf32>,
          %swap3A_444 = arith.index_cast %add3A_386 : i32 to index
          %swap3A_445 = arith.constant 112 : index
          %swap3A_446 = tpu.vector_load %arg10[%swap3A_444, %swap3A_445] {strides = array<i32>} : memref<160x131xf32, #tpu.memory_space<vmem>>, vector<16xf32>,
          tpu.vector_store %arg10[%swap3A_444, %swap3A_445], %get3A_422 {strides = array<i32>} : memref<160x131xf32, #tpu.memory_space<vmem>>, vector<16xf32>,
          %mul3A_447 = arith.constant 16 : i32
          %mul3A_448 = arith.muli %scan3A_126, %mul3A_447 : i32
          %add3A_449 = arith.constant 5 : i32
          %add3A_450 = arith.addi %mul3A_448, %add3A_449 : i32
          %slice3A_451 = vector.extract_strided_slice %get3A_129 {offsets = [5], sizes = [1], strides = [1]} : vector<16xi32> to vector<1xi32>
          %squeeze3A_452 = vector.extract %slice3A_451[0] : i32 from vector<1xi32>
          %mul3A_453 = arith.constant 128 : i32
          %mul3A_454 = arith.muli %squeeze3A_452, %mul3A_453 : i32
          %add3A_455 = arith.constant 0 : i32
          %add3A_456 = arith.addi %mul3A_454, %add3A_455 : i32
          %get3A_457 = arith.index_cast %add3A_456 : i32 to index
          %get3A_458 = tpu.vector_load %arg6[%get3A_457] {strides = array<i32>} : memref<15232xf32, #tpu.memory_space<vmem>>, vector<16xf32>,
          %add3A_459 = arith.constant 16 : i32
          %add3A_460 = arith.addi %mul3A_454, %add3A_459 : i32
          %get3A_461 = arith.index_cast %add3A_460 : i32 to index
          %get3A_462 = tpu.vector_load %arg6[%get3A_461] {strides = array<i32>} : memref<15232xf32, #tpu.memory_space<vmem>>, vector<16xf32>,
          %add3A_463 = arith.constant 32 : i32
          %add3A_464 = arith.addi %mul3A_454, %add3A_463 : i32
          %get3A_465 = arith.index_cast %add3A_464 : i32 to index
          %get3A_466 = tpu.vector_load %arg6[%get3A_465] {strides = array<i32>} : memref<15232xf32, #tpu.memory_space<vmem>>, vector<16xf32>,
          %add3A_467 = arith.constant 48 : i32
          %add3A_468 = arith.addi %mul3A_454, %add3A_467 : i32
          %get3A_469 = arith.index_cast %add3A_468 : i32 to index
          %get3A_470 = tpu.vector_load %arg6[%get3A_469] {strides = array<i32>} : memref<15232xf32, #tpu.memory_space<vmem>>, vector<16xf32>,
          %add3A_471 = arith.constant 64 : i32
          %add3A_472 = arith.addi %mul3A_454, %add3A_471 : i32
          %get3A_473 = arith.index_cast %add3A_472 : i32 to index
          %get3A_474 = tpu.vector_load %arg6[%get3A_473] {strides = array<i32>} : memref<15232xf32, #tpu.memory_space<vmem>>, vector<16xf32>,
          %add3A_475 = arith.constant 80 : i32
          %add3A_476 = arith.addi %mul3A_454, %add3A_475 : i32
          %get3A_477 = arith.index_cast %add3A_476 : i32 to index
          %get3A_478 = tpu.vector_load %arg6[%get3A_477] {strides = array<i32>} : memref<15232xf32, #tpu.memory_space<vmem>>, vector<16xf32>,
          %add3A_479 = arith.constant 96 : i32
          %add3A_480 = arith.addi %mul3A_454, %add3A_479 : i32
          %get3A_481 = arith.index_cast %add3A_480 : i32 to index
          %get3A_482 = tpu.vector_load %arg6[%get3A_481] {strides = array<i32>} : memref<15232xf32, #tpu.memory_space<vmem>>, vector<16xf32>,
          %add3A_483 = arith.constant 112 : i32
          %add3A_484 = arith.addi %mul3A_454, %add3A_483 : i32
          %get3A_485 = arith.index_cast %add3A_484 : i32 to index
          %get3A_486 = tpu.vector_load %arg6[%get3A_485] {strides = array<i32>} : memref<15232xf32, #tpu.memory_space<vmem>>, vector<16xf32>,
          %swap3A_487 = arith.index_cast %add3A_450 : i32 to index
          %swap3A_488 = arith.constant 0 : index
          %swap3A_489 = tpu.vector_load %arg10[%swap3A_487, %swap3A_488] {strides = array<i32>} : memref<160x131xf32, #tpu.memory_space<vmem>>, vector<16xf32>,
          tpu.vector_store %arg10[%swap3A_487, %swap3A_488], %get3A_458 {strides = array<i32>} : memref<160x131xf32, #tpu.memory_space<vmem>>, vector<16xf32>,
          %swap3A_490 = arith.index_cast %add3A_450 : i32 to index
          %swap3A_491 = arith.constant 16 : index
          %swap3A_492 = tpu.vector_load %arg10[%swap3A_490, %swap3A_491] {strides = array<i32>} : memref<160x131xf32, #tpu.memory_space<vmem>>, vector<16xf32>,
          tpu.vector_store %arg10[%swap3A_490, %swap3A_491], %get3A_462 {strides = array<i32>} : memref<160x131xf32, #tpu.memory_space<vmem>>, vector<16xf32>,
          %swap3A_493 = arith.index_cast %add3A_450 : i32 to index
          %swap3A_494 = arith.constant 32 : index
          %swap3A_495 = tpu.vector_load %arg10[%swap3A_493, %swap3A_494] {strides = array<i32>} : memref<160x131xf32, #tpu.memory_space<vmem>>, vector<16xf32>,
          tpu.vector_store %arg10[%swap3A_493, %swap3A_494], %get3A_466 {strides = array<i32>} : memref<160x131xf32, #tpu.memory_space<vmem>>, vector<16xf32>,
          %swap3A_496 = arith.index_cast %add3A_450 : i32 to index
          %swap3A_497 = arith.constant 48 : index
          %swap3A_498 = tpu.vector_load %arg10[%swap3A_496, %swap3A_497] {strides = array<i32>} : memref<160x131xf32, #tpu.memory_space<vmem>>, vector<16xf32>,
          tpu.vector_store %arg10[%swap3A_496, %swap3A_497], %get3A_470 {strides = array<i32>} : memref<160x131xf32, #tpu.memory_space<vmem>>, vector<16xf32>,
          %swap3A_499 = arith.index_cast %add3A_450 : i32 to index
          %swap3A_500 = arith.constant 64 : index
          %swap3A_501 = tpu.vector_load %arg10[%swap3A_499, %swap3A_500] {strides = array<i32>} : memref<160x131xf32, #tpu.memory_space<vmem>>, vector<16xf32>,
          tpu.vector_store %arg10[%swap3A_499, %swap3A_500], %get3A_474 {strides = array<i32>} : memref<160x131xf32, #tpu.memory_space<vmem>>, vector<16xf32>,
          %swap3A_502 = arith.index_cast %add3A_450 : i32 to index
          %swap3A_503 = arith.constant 80 : index
          %swap3A_504 = tpu.vector_load %arg10[%swap3A_502, %swap3A_503] {strides = array<i32>} : memref<160x131xf32, #tpu.memory_space<vmem>>, vector<16xf32>,
          tpu.vector_store %arg10[%swap3A_502, %swap3A_503], %get3A_478 {strides = array<i32>} : memref<160x131xf32, #tpu.memory_space<vmem>>, vector<16xf32>,
          %swap3A_505 = arith.index_cast %add3A_450 : i32 to index
          %swap3A_506 = arith.constant 96 : index
          %swap3A_507 = tpu.vector_load %arg10[%swap3A_505, %swap3A_506] {strides = array<i32>} : memref<160x131xf32, #tpu.memory_space<vmem>>, vector<16xf32>,
          tpu.vector_store %arg10[%swap3A_505, %swap3A_506], %get3A_482 {strides = array<i32>} : memref<160x131xf32, #tpu.memory_space<vmem>>, vector<16xf32>,
          %swap3A_508 = arith.index_cast %add3A_450 : i32 to index
          %swap3A_509 = arith.constant 112 : index
          %swap3A_510 = tpu.vector_load %arg10[%swap3A_508, %swap3A_509] {strides = array<i32>} : memref<160x131xf32, #tpu.memory_space<vmem>>, vector<16xf32>,
          tpu.vector_store %arg10[%swap3A_508, %swap3A_509], %get3A_486 {strides = array<i32>} : memref<160x131xf32, #tpu.memory_space<vmem>>, vector<16xf32>,
          %mul3A_511 = arith.constant 16 : i32
          %mul3A_512 = arith.muli %scan3A_126, %mul3A_511 : i32
          %add3A_513 = arith.constant 6 : i32
          %add3A_514 = arith.addi %mul3A_512, %add3A_513 : i32
          %slice3A_515 = vector.extract_strided_slice %get3A_129 {offsets = [6], sizes = [1], strides = [1]} : vector<16xi32> to vector<1xi32>
          %squeeze3A_516 = vector.extract %slice3A_515[0] : i32 from vector<1xi32>
          %mul3A_517 = arith.constant 128 : i32
          %mul3A_518 = arith.muli %squeeze3A_516, %mul3A_517 : i32
          %add3A_519 = arith.constant 0 : i32
          %add3A_520 = arith.addi %mul3A_518, %add3A_519 : i32
          %get3A_521 = arith.index_cast %add3A_520 : i32 to index
          %get3A_522 = tpu.vector_load %arg6[%get3A_521] {strides = array<i32>} : memref<15232xf32, #tpu.memory_space<vmem>>, vector<16xf32>,
          %add3A_523 = arith.constant 16 : i32
          %add3A_524 = arith.addi %mul3A_518, %add3A_523 : i32
          %get3A_525 = arith.index_cast %add3A_524 : i32 to index
          %get3A_526 = tpu.vector_load %arg6[%get3A_525] {strides = array<i32>} : memref<15232xf32, #tpu.memory_space<vmem>>, vector<16xf32>,
          %add3A_527 = arith.constant 32 : i32
          %add3A_528 = arith.addi %mul3A_518, %add3A_527 : i32
          %get3A_529 = arith.index_cast %add3A_528 : i32 to index
          %get3A_530 = tpu.vector_load %arg6[%get3A_529] {strides = array<i32>} : memref<15232xf32, #tpu.memory_space<vmem>>, vector<16xf32>,
          %add3A_531 = arith.constant 48 : i32
          %add3A_532 = arith.addi %mul3A_518, %add3A_531 : i32
          %get3A_533 = arith.index_cast %add3A_532 : i32 to index
          %get3A_534 = tpu.vector_load %arg6[%get3A_533] {strides = array<i32>} : memref<15232xf32, #tpu.memory_space<vmem>>, vector<16xf32>,
          %add3A_535 = arith.constant 64 : i32
          %add3A_536 = arith.addi %mul3A_518, %add3A_535 : i32
          %get3A_537 = arith.index_cast %add3A_536 : i32 to index
          %get3A_538 = tpu.vector_load %arg6[%get3A_537] {strides = array<i32>} : memref<15232xf32, #tpu.memory_space<vmem>>, vector<16xf32>,
          %add3A_539 = arith.constant 80 : i32
          %add3A_540 = arith.addi %mul3A_518, %add3A_539 : i32
          %get3A_541 = arith.index_cast %add3A_540 : i32 to index
          %get3A_542 = tpu.vector_load %arg6[%get3A_541] {strides = array<i32>} : memref<15232xf32, #tpu.memory_space<vmem>>, vector<16xf32>,
          %add3A_543 = arith.constant 96 : i32
          %add3A_544 = arith.addi %mul3A_518, %add3A_543 : i32
          %get3A_545 = arith.index_cast %add3A_544 : i32 to index
          %get3A_546 = tpu.vector_load %arg6[%get3A_545] {strides = array<i32>} : memref<15232xf32, #tpu.memory_space<vmem>>, vector<16xf32>,
          %add3A_547 = arith.constant 112 : i32
          %add3A_548 = arith.addi %mul3A_518, %add3A_547 : i32
          %get3A_549 = arith.index_cast %add3A_548 : i32 to index
          %get3A_550 = tpu.vector_load %arg6[%get3A_549] {strides = array<i32>} : memref<15232xf32, #tpu.memory_space<vmem>>, vector<16xf32>,
          %swap3A_551 = arith.index_cast %add3A_514 : i32 to index
          %swap3A_552 = arith.constant 0 : index
          %swap3A_553 = tpu.vector_load %arg10[%swap3A_551, %swap3A_552] {strides = array<i32>} : memref<160x131xf32, #tpu.memory_space<vmem>>, vector<16xf32>,
          tpu.vector_store %arg10[%swap3A_551, %swap3A_552], %get3A_522 {strides = array<i32>} : memref<160x131xf32, #tpu.memory_space<vmem>>, vector<16xf32>,
          %swap3A_554 = arith.index_cast %add3A_514 : i32 to index
          %swap3A_555 = arith.constant 16 : index
          %swap3A_556 = tpu.vector_load %arg10[%swap3A_554, %swap3A_555] {strides = array<i32>} : memref<160x131xf32, #tpu.memory_space<vmem>>, vector<16xf32>,
          tpu.vector_store %arg10[%swap3A_554, %swap3A_555], %get3A_526 {strides = array<i32>} : memref<160x131xf32, #tpu.memory_space<vmem>>, vector<16xf32>,
          %swap3A_557 = arith.index_cast %add3A_514 : i32 to index
          %swap3A_558 = arith.constant 32 : index
          %swap3A_559 = tpu.vector_load %arg10[%swap3A_557, %swap3A_558] {strides = array<i32>} : memref<160x131xf32, #tpu.memory_space<vmem>>, vector<16xf32>,
          tpu.vector_store %arg10[%swap3A_557, %swap3A_558], %get3A_530 {strides = array<i32>} : memref<160x131xf32, #tpu.memory_space<vmem>>, vector<16xf32>,
          %swap3A_560 = arith.index_cast %add3A_514 : i32 to index
          %swap3A_561 = arith.constant 48 : index
          %swap3A_562 = tpu.vector_load %arg10[%swap3A_560, %swap3A_561] {strides = array<i32>} : memref<160x131xf32, #tpu.memory_space<vmem>>, vector<16xf32>,
          tpu.vector_store %arg10[%swap3A_560, %swap3A_561], %get3A_534 {strides = array<i32>} : memref<160x131xf32, #tpu.memory_space<vmem>>, vector<16xf32>,
          %swap3A_563 = arith.index_cast %add3A_514 : i32 to index
          %swap3A_564 = arith.constant 64 : index
          %swap3A_565 = tpu.vector_load %arg10[%swap3A_563, %swap3A_564] {strides = array<i32>} : memref<160x131xf32, #tpu.memory_space<vmem>>, vector<16xf32>,
          tpu.vector_store %arg10[%swap3A_563, %swap3A_564], %get3A_538 {strides = array<i32>} : memref<160x131xf32, #tpu.memory_space<vmem>>, vector<16xf32>,
          %swap3A_566 = arith.index_cast %add3A_514 : i32 to index
          %swap3A_567 = arith.constant 80 : index
          %swap3A_568 = tpu.vector_load %arg10[%swap3A_566, %swap3A_567] {strides = array<i32>} : memref<160x131xf32, #tpu.memory_space<vmem>>, vector<16xf32>,
          tpu.vector_store %arg10[%swap3A_566, %swap3A_567], %get3A_542 {strides = array<i32>} : memref<160x131xf32, #tpu.memory_space<vmem>>, vector<16xf32>,
          %swap3A_569 = arith.index_cast %add3A_514 : i32 to index
          %swap3A_570 = arith.constant 96 : index
          %swap3A_571 = tpu.vector_load %arg10[%swap3A_569, %swap3A_570] {strides = array<i32>} : memref<160x131xf32, #tpu.memory_space<vmem>>, vector<16xf32>,
          tpu.vector_store %arg10[%swap3A_569, %swap3A_570], %get3A_546 {strides = array<i32>} : memref<160x131xf32, #tpu.memory_space<vmem>>, vector<16xf32>,
          %swap3A_572 = arith.index_cast %add3A_514 : i32 to index
          %swap3A_573 = arith.constant 112 : index
          %swap3A_574 = tpu.vector_load %arg10[%swap3A_572, %swap3A_573] {strides = array<i32>} : memref<160x131xf32, #tpu.memory_space<vmem>>, vector<16xf32>,
          tpu.vector_store %arg10[%swap3A_572, %swap3A_573], %get3A_550 {strides = array<i32>} : memref<160x131xf32, #tpu.memory_space<vmem>>, vector<16xf32>,
          %mul3A_575 = arith.constant 16 : i32
          %mul3A_576 = arith.muli %scan3A_126, %mul3A_575 : i32
          %add3A_577 = arith.constant 7 : i32
          %add3A_578 = arith.addi %mul3A_576, %add3A_577 : i32
          %slice3A_579 = vector.extract_strided_slice %get3A_129 {offsets = [7], sizes = [1], strides = [1]} : vector<16xi32> to vector<1xi32>
          %squeeze3A_580 = vector.extract %slice3A_579[0] : i32 from vector<1xi32>
          %mul3A_581 = arith.constant 128 : i32
          %mul3A_582 = arith.muli %squeeze3A_580, %mul3A_581 : i32
          %add3A_583 = arith.constant 0 : i32
          %add3A_584 = arith.addi %mul3A_582, %add3A_583 : i32
          %get3A_585 = arith.index_cast %add3A_584 : i32 to index
          %get3A_586 = tpu.vector_load %arg6[%get3A_585] {strides = array<i32>} : memref<15232xf32, #tpu.memory_space<vmem>>, vector<16xf32>,
          %add3A_587 = arith.constant 16 : i32
          %add3A_588 = arith.addi %mul3A_582, %add3A_587 : i32
          %get3A_589 = arith.index_cast %add3A_588 : i32 to index
          %get3A_590 = tpu.vector_load %arg6[%get3A_589] {strides = array<i32>} : memref<15232xf32, #tpu.memory_space<vmem>>, vector<16xf32>,
          %add3A_591 = arith.constant 32 : i32
          %add3A_592 = arith.addi %mul3A_582, %add3A_591 : i32
          %get3A_593 = arith.index_cast %add3A_592 : i32 to index
          %get3A_594 = tpu.vector_load %arg6[%get3A_593] {strides = array<i32>} : memref<15232xf32, #tpu.memory_space<vmem>>, vector<16xf32>,
          %add3A_595 = arith.constant 48 : i32
          %add3A_596 = arith.addi %mul3A_582, %add3A_595 : i32
          %get3A_597 = arith.index_cast %add3A_596 : i32 to index
          %get3A_598 = tpu.vector_load %arg6[%get3A_597] {strides = array<i32>} : memref<15232xf32, #tpu.memory_space<vmem>>, vector<16xf32>,
          %add3A_599 = arith.constant 64 : i32
          %add3A_600 = arith.addi %mul3A_582, %add3A_599 : i32
          %get3A_601 = arith.index_cast %add3A_600 : i32 to index
          %get3A_602 = tpu.vector_load %arg6[%get3A_601] {strides = array<i32>} : memref<15232xf32, #tpu.memory_space<vmem>>, vector<16xf32>,
          %add3A_603 = arith.constant 80 : i32
          %add3A_604 = arith.addi %mul3A_582, %add3A_603 : i32
          %get3A_605 = arith.index_cast %add3A_604 : i32 to index
          %get3A_606 = tpu.vector_load %arg6[%get3A_605] {strides = array<i32>} : memref<15232xf32, #tpu.memory_space<vmem>>, vector<16xf32>,
          %add3A_607 = arith.constant 96 : i32
          %add3A_608 = arith.addi %mul3A_582, %add3A_607 : i32
          %get3A_609 = arith.index_cast %add3A_608 : i32 to index
          %get3A_610 = tpu.vector_load %arg6[%get3A_609] {strides = array<i32>} : memref<15232xf32, #tpu.memory_space<vmem>>, vector<16xf32>,
          %add3A_611 = arith.constant 112 : i32
          %add3A_612 = arith.addi %mul3A_582, %add3A_611 : i32
          %get3A_613 = arith.index_cast %add3A_612 : i32 to index
          %get3A_614 = tpu.vector_load %arg6[%get3A_613] {strides = array<i32>} : memref<15232xf32, #tpu.memory_space<vmem>>, vector<16xf32>,
          %swap3A_615 = arith.index_cast %add3A_578 : i32 to index
          %swap3A_616 = arith.constant 0 : index
          %swap3A_617 = tpu.vector_load %arg10[%swap3A_615, %swap3A_616] {strides = array<i32>} : memref<160x131xf32, #tpu.memory_space<vmem>>, vector<16xf32>,
          tpu.vector_store %arg10[%swap3A_615, %swap3A_616], %get3A_586 {strides = array<i32>} : memref<160x131xf32, #tpu.memory_space<vmem>>, vector<16xf32>,
          %swap3A_618 = arith.index_cast %add3A_578 : i32 to index
          %swap3A_619 = arith.constant 16 : index
          %swap3A_620 = tpu.vector_load %arg10[%swap3A_618, %swap3A_619] {strides = array<i32>} : memref<160x131xf32, #tpu.memory_space<vmem>>, vector<16xf32>,
          tpu.vector_store %arg10[%swap3A_618, %swap3A_619], %get3A_590 {strides = array<i32>} : memref<160x131xf32, #tpu.memory_space<vmem>>, vector<16xf32>,
          %swap3A_621 = arith.index_cast %add3A_578 : i32 to index
          %swap3A_622 = arith.constant 32 : index
          %swap3A_623 = tpu.vector_load %arg10[%swap3A_621, %swap3A_622] {strides = array<i32>} : memref<160x131xf32, #tpu.memory_space<vmem>>, vector<16xf32>,
          tpu.vector_store %arg10[%swap3A_621, %swap3A_622], %get3A_594 {strides = array<i32>} : memref<160x131xf32, #tpu.memory_space<vmem>>, vector<16xf32>,
          %swap3A_624 = arith.index_cast %add3A_578 : i32 to index
          %swap3A_625 = arith.constant 48 : index
          %swap3A_626 = tpu.vector_load %arg10[%swap3A_624, %swap3A_625] {strides = array<i32>} : memref<160x131xf32, #tpu.memory_space<vmem>>, vector<16xf32>,
          tpu.vector_store %arg10[%swap3A_624, %swap3A_625], %get3A_598 {strides = array<i32>} : memref<160x131xf32, #tpu.memory_space<vmem>>, vector<16xf32>,
          %swap3A_627 = arith.index_cast %add3A_578 : i32 to index
          %swap3A_628 = arith.constant 64 : index
          %swap3A_629 = tpu.vector_load %arg10[%swap3A_627, %swap3A_628] {strides = array<i32>} : memref<160x131xf32, #tpu.memory_space<vmem>>, vector<16xf32>,
          tpu.vector_store %arg10[%swap3A_627, %swap3A_628], %get3A_602 {strides = array<i32>} : memref<160x131xf32, #tpu.memory_space<vmem>>, vector<16xf32>,
          %swap3A_630 = arith.index_cast %add3A_578 : i32 to index
          %swap3A_631 = arith.constant 80 : index
          %swap3A_632 = tpu.vector_load %arg10[%swap3A_630, %swap3A_631] {strides = array<i32>} : memref<160x131xf32, #tpu.memory_space<vmem>>, vector<16xf32>,
          tpu.vector_store %arg10[%swap3A_630, %swap3A_631], %get3A_606 {strides = array<i32>} : memref<160x131xf32, #tpu.memory_space<vmem>>, vector<16xf32>,
          %swap3A_633 = arith.index_cast %add3A_578 : i32 to index
          %swap3A_634 = arith.constant 96 : index
          %swap3A_635 = tpu.vector_load %arg10[%swap3A_633, %swap3A_634] {strides = array<i32>} : memref<160x131xf32, #tpu.memory_space<vmem>>, vector<16xf32>,
          tpu.vector_store %arg10[%swap3A_633, %swap3A_634], %get3A_610 {strides = array<i32>} : memref<160x131xf32, #tpu.memory_space<vmem>>, vector<16xf32>,
          %swap3A_636 = arith.index_cast %add3A_578 : i32 to index
          %swap3A_637 = arith.constant 112 : index
          %swap3A_638 = tpu.vector_load %arg10[%swap3A_636, %swap3A_637] {strides = array<i32>} : memref<160x131xf32, #tpu.memory_space<vmem>>, vector<16xf32>,
          tpu.vector_store %arg10[%swap3A_636, %swap3A_637], %get3A_614 {strides = array<i32>} : memref<160x131xf32, #tpu.memory_space<vmem>>, vector<16xf32>,
          %mul3A_639 = arith.constant 16 : i32
          %mul3A_640 = arith.muli %scan3A_126, %mul3A_639 : i32
          %add3A_641 = arith.constant 8 : i32
          %add3A_642 = arith.addi %mul3A_640, %add3A_641 : i32
          %slice3A_643 = vector.extract_strided_slice %get3A_129 {offsets = [8], sizes = [1], strides = [1]} : vector<16xi32> to vector<1xi32>
          %squeeze3A_644 = vector.extract %slice3A_643[0] : i32 from vector<1xi32>
          %mul3A_645 = arith.constant 128 : i32
          %mul3A_646 = arith.muli %squeeze3A_644, %mul3A_645 : i32
          %add3A_647 = arith.constant 0 : i32
          %add3A_648 = arith.addi %mul3A_646, %add3A_647 : i32
          %get3A_649 = arith.index_cast %add3A_648 : i32 to index
          %get3A_650 = tpu.vector_load %arg6[%get3A_649] {strides = array<i32>} : memref<15232xf32, #tpu.memory_space<vmem>>, vector<16xf32>,
          %add3A_651 = arith.constant 16 : i32
          %add3A_652 = arith.addi %mul3A_646, %add3A_651 : i32
          %get3A_653 = arith.index_cast %add3A_652 : i32 to index
          %get3A_654 = tpu.vector_load %arg6[%get3A_653] {strides = array<i32>} : memref<15232xf32, #tpu.memory_space<vmem>>, vector<16xf32>,
          %add3A_655 = arith.constant 32 : i32
          %add3A_656 = arith.addi %mul3A_646, %add3A_655 : i32
          %get3A_657 = arith.index_cast %add3A_656 : i32 to index
          %get3A_658 = tpu.vector_load %arg6[%get3A_657] {strides = array<i32>} : memref<15232xf32, #tpu.memory_space<vmem>>, vector<16xf32>,
          %add3A_659 = arith.constant 48 : i32
          %add3A_660 = arith.addi %mul3A_646, %add3A_659 : i32
          %get3A_661 = arith.index_cast %add3A_660 : i32 to index
          %get3A_662 = tpu.vector_load %arg6[%get3A_661] {strides = array<i32>} : memref<15232xf32, #tpu.memory_space<vmem>>, vector<16xf32>,
          %add3A_663 = arith.constant 64 : i32
          %add3A_664 = arith.addi %mul3A_646, %add3A_663 : i32
          %get3A_665 = arith.index_cast %add3A_664 : i32 to index
          %get3A_666 = tpu.vector_load %arg6[%get3A_665] {strides = array<i32>} : memref<15232xf32, #tpu.memory_space<vmem>>, vector<16xf32>,
          %add3A_667 = arith.constant 80 : i32
          %add3A_668 = arith.addi %mul3A_646, %add3A_667 : i32
          %get3A_669 = arith.index_cast %add3A_668 : i32 to index
          %get3A_670 = tpu.vector_load %arg6[%get3A_669] {strides = array<i32>} : memref<15232xf32, #tpu.memory_space<vmem>>, vector<16xf32>,
          %add3A_671 = arith.constant 96 : i32
          %add3A_672 = arith.addi %mul3A_646, %add3A_671 : i32
          %get3A_673 = arith.index_cast %add3A_672 : i32 to index
          %get3A_674 = tpu.vector_load %arg6[%get3A_673] {strides = array<i32>} : memref<15232xf32, #tpu.memory_space<vmem>>, vector<16xf32>,
          %add3A_675 = arith.constant 112 : i32
          %add3A_676 = arith.addi %mul3A_646, %add3A_675 : i32
          %get3A_677 = arith.index_cast %add3A_676 : i32 to index
          %get3A_678 = tpu.vector_load %arg6[%get3A_677] {strides = array<i32>} : memref<15232xf32, #tpu.memory_space<vmem>>, vector<16xf32>,
          %swap3A_679 = arith.index_cast %add3A_642 : i32 to index
          %swap3A_680 = arith.constant 0 : index
          %swap3A_681 = tpu.vector_load %arg10[%swap3A_679, %swap3A_680] {strides = array<i32>} : memref<160x131xf32, #tpu.memory_space<vmem>>, vector<16xf32>,
          tpu.vector_store %arg10[%swap3A_679, %swap3A_680], %get3A_650 {strides = array<i32>} : memref<160x131xf32, #tpu.memory_space<vmem>>, vector<16xf32>,
          %swap3A_682 = arith.index_cast %add3A_642 : i32 to index
          %swap3A_683 = arith.constant 16 : index
          %swap3A_684 = tpu.vector_load %arg10[%swap3A_682, %swap3A_683] {strides = array<i32>} : memref<160x131xf32, #tpu.memory_space<vmem>>, vector<16xf32>,
          tpu.vector_store %arg10[%swap3A_682, %swap3A_683], %get3A_654 {strides = array<i32>} : memref<160x131xf32, #tpu.memory_space<vmem>>, vector<16xf32>,
          %swap3A_685 = arith.index_cast %add3A_642 : i32 to index
          %swap3A_686 = arith.constant 32 : index
          %swap3A_687 = tpu.vector_load %arg10[%swap3A_685, %swap3A_686] {strides = array<i32>} : memref<160x131xf32, #tpu.memory_space<vmem>>, vector<16xf32>,
          tpu.vector_store %arg10[%swap3A_685, %swap3A_686], %get3A_658 {strides = array<i32>} : memref<160x131xf32, #tpu.memory_space<vmem>>, vector<16xf32>,
          %swap3A_688 = arith.index_cast %add3A_642 : i32 to index
          %swap3A_689 = arith.constant 48 : index
          %swap3A_690 = tpu.vector_load %arg10[%swap3A_688, %swap3A_689] {strides = array<i32>} : memref<160x131xf32, #tpu.memory_space<vmem>>, vector<16xf32>,
          tpu.vector_store %arg10[%swap3A_688, %swap3A_689], %get3A_662 {strides = array<i32>} : memref<160x131xf32, #tpu.memory_space<vmem>>, vector<16xf32>,
          %swap3A_691 = arith.index_cast %add3A_642 : i32 to index
          %swap3A_692 = arith.constant 64 : index
          %swap3A_693 = tpu.vector_load %arg10[%swap3A_691, %swap3A_692] {strides = array<i32>} : memref<160x131xf32, #tpu.memory_space<vmem>>, vector<16xf32>,
          tpu.vector_store %arg10[%swap3A_691, %swap3A_692], %get3A_666 {strides = array<i32>} : memref<160x131xf32, #tpu.memory_space<vmem>>, vector<16xf32>,
          %swap3A_694 = arith.index_cast %add3A_642 : i32 to index
          %swap3A_695 = arith.constant 80 : index
          %swap3A_696 = tpu.vector_load %arg10[%swap3A_694, %swap3A_695] {strides = array<i32>} : memref<160x131xf32, #tpu.memory_space<vmem>>, vector<16xf32>,
          tpu.vector_store %arg10[%swap3A_694, %swap3A_695], %get3A_670 {strides = array<i32>} : memref<160x131xf32, #tpu.memory_space<vmem>>, vector<16xf32>,
          %swap3A_697 = arith.index_cast %add3A_642 : i32 to index
          %swap3A_698 = arith.constant 96 : index
          %swap3A_699 = tpu.vector_load %arg10[%swap3A_697, %swap3A_698] {strides = array<i32>} : memref<160x131xf32, #tpu.memory_space<vmem>>, vector<16xf32>,
          tpu.vector_store %arg10[%swap3A_697, %swap3A_698], %get3A_674 {strides = array<i32>} : memref<160x131xf32, #tpu.memory_space<vmem>>, vector<16xf32>,
          %swap3A_700 = arith.index_cast %add3A_642 : i32 to index
          %swap3A_701 = arith.constant 112 : index
          %swap3A_702 = tpu.vector_load %arg10[%swap3A_700, %swap3A_701] {strides = array<i32>} : memref<160x131xf32, #tpu.memory_space<vmem>>, vector<16xf32>,
          tpu.vector_store %arg10[%swap3A_700, %swap3A_701], %get3A_678 {strides = array<i32>} : memref<160x131xf32, #tpu.memory_space<vmem>>, vector<16xf32>,
          %mul3A_703 = arith.constant 16 : i32
          %mul3A_704 = arith.muli %scan3A_126, %mul3A_703 : i32
          %add3A_705 = arith.constant 9 : i32
          %add3A_706 = arith.addi %mul3A_704, %add3A_705 : i32
          %slice3A_707 = vector.extract_strided_slice %get3A_129 {offsets = [9], sizes = [1], strides = [1]} : vector<16xi32> to vector<1xi32>
          %squeeze3A_708 = vector.extract %slice3A_707[0] : i32 from vector<1xi32>
          %mul3A_709 = arith.constant 128 : i32
          %mul3A_710 = arith.muli %squeeze3A_708, %mul3A_709 : i32
          %add3A_711 = arith.constant 0 : i32
          %add3A_712 = arith.addi %mul3A_710, %add3A_711 : i32
          %get3A_713 = arith.index_cast %add3A_712 : i32 to index
          %get3A_714 = tpu.vector_load %arg6[%get3A_713] {strides = array<i32>} : memref<15232xf32, #tpu.memory_space<vmem>>, vector<16xf32>,
          %add3A_715 = arith.constant 16 : i32
          %add3A_716 = arith.addi %mul3A_710, %add3A_715 : i32
          %get3A_717 = arith.index_cast %add3A_716 : i32 to index
          %get3A_718 = tpu.vector_load %arg6[%get3A_717] {strides = array<i32>} : memref<15232xf32, #tpu.memory_space<vmem>>, vector<16xf32>,
          %add3A_719 = arith.constant 32 : i32
          %add3A_720 = arith.addi %mul3A_710, %add3A_719 : i32
          %get3A_721 = arith.index_cast %add3A_720 : i32 to index
          %get3A_722 = tpu.vector_load %arg6[%get3A_721] {strides = array<i32>} : memref<15232xf32, #tpu.memory_space<vmem>>, vector<16xf32>,
          %add3A_723 = arith.constant 48 : i32
          %add3A_724 = arith.addi %mul3A_710, %add3A_723 : i32
          %get3A_725 = arith.index_cast %add3A_724 : i32 to index
          %get3A_726 = tpu.vector_load %arg6[%get3A_725] {strides = array<i32>} : memref<15232xf32, #tpu.memory_space<vmem>>, vector<16xf32>,
          %add3A_727 = arith.constant 64 : i32
          %add3A_728 = arith.addi %mul3A_710, %add3A_727 : i32
          %get3A_729 = arith.index_cast %add3A_728 : i32 to index
          %get3A_730 = tpu.vector_load %arg6[%get3A_729] {strides = array<i32>} : memref<15232xf32, #tpu.memory_space<vmem>>, vector<16xf32>,
          %add3A_731 = arith.constant 80 : i32
          %add3A_732 = arith.addi %mul3A_710, %add3A_731 : i32
          %get3A_733 = arith.index_cast %add3A_732 : i32 to index
          %get3A_734 = tpu.vector_load %arg6[%get3A_733] {strides = array<i32>} : memref<15232xf32, #tpu.memory_space<vmem>>, vector<16xf32>,
          %add3A_735 = arith.constant 96 : i32
          %add3A_736 = arith.addi %mul3A_710, %add3A_735 : i32
          %get3A_737 = arith.index_cast %add3A_736 : i32 to index
          %get3A_738 = tpu.vector_load %arg6[%get3A_737] {strides = array<i32>} : memref<15232xf32, #tpu.memory_space<vmem>>, vector<16xf32>,
          %add3A_739 = arith.constant 112 : i32
          %add3A_740 = arith.addi %mul3A_710, %add3A_739 : i32
          %get3A_741 = arith.index_cast %add3A_740 : i32 to index
          %get3A_742 = tpu.vector_load %arg6[%get3A_741] {strides = array<i32>} : memref<15232xf32, #tpu.memory_space<vmem>>, vector<16xf32>,
          %swap3A_743 = arith.index_cast %add3A_706 : i32 to index
          %swap3A_744 = arith.constant 0 : index
          %swap3A_745 = tpu.vector_load %arg10[%swap3A_743, %swap3A_744] {strides = array<i32>} : memref<160x131xf32, #tpu.memory_space<vmem>>, vector<16xf32>,
          tpu.vector_store %arg10[%swap3A_743, %swap3A_744], %get3A_714 {strides = array<i32>} : memref<160x131xf32, #tpu.memory_space<vmem>>, vector<16xf32>,
          %swap3A_746 = arith.index_cast %add3A_706 : i32 to index
          %swap3A_747 = arith.constant 16 : index
          %swap3A_748 = tpu.vector_load %arg10[%swap3A_746, %swap3A_747] {strides = array<i32>} : memref<160x131xf32, #tpu.memory_space<vmem>>, vector<16xf32>,
          tpu.vector_store %arg10[%swap3A_746, %swap3A_747], %get3A_718 {strides = array<i32>} : memref<160x131xf32, #tpu.memory_space<vmem>>, vector<16xf32>,
          %swap3A_749 = arith.index_cast %add3A_706 : i32 to index
          %swap3A_750 = arith.constant 32 : index
          %swap3A_751 = tpu.vector_load %arg10[%swap3A_749, %swap3A_750] {strides = array<i32>} : memref<160x131xf32, #tpu.memory_space<vmem>>, vector<16xf32>,
          tpu.vector_store %arg10[%swap3A_749, %swap3A_750], %get3A_722 {strides = array<i32>} : memref<160x131xf32, #tpu.memory_space<vmem>>, vector<16xf32>,
          %swap3A_752 = arith.index_cast %add3A_706 : i32 to index
          %swap3A_753 = arith.constant 48 : index
          %swap3A_754 = tpu.vector_load %arg10[%swap3A_752, %swap3A_753] {strides = array<i32>} : memref<160x131xf32, #tpu.memory_space<vmem>>, vector<16xf32>,
          tpu.vector_store %arg10[%swap3A_752, %swap3A_753], %get3A_726 {strides = array<i32>} : memref<160x131xf32, #tpu.memory_space<vmem>>, vector<16xf32>,
          %swap3A_755 = arith.index_cast %add3A_706 : i32 to index
          %swap3A_756 = arith.constant 64 : index
          %swap3A_757 = tpu.vector_load %arg10[%swap3A_755, %swap3A_756] {strides = array<i32>} : memref<160x131xf32, #tpu.memory_space<vmem>>, vector<16xf32>,
          tpu.vector_store %arg10[%swap3A_755, %swap3A_756], %get3A_730 {strides = array<i32>} : memref<160x131xf32, #tpu.memory_space<vmem>>, vector<16xf32>,
          %swap3A_758 = arith.index_cast %add3A_706 : i32 to index
          %swap3A_759 = arith.constant 80 : index
          %swap3A_760 = tpu.vector_load %arg10[%swap3A_758, %swap3A_759] {strides = array<i32>} : memref<160x131xf32, #tpu.memory_space<vmem>>, vector<16xf32>,
          tpu.vector_store %arg10[%swap3A_758, %swap3A_759], %get3A_734 {strides = array<i32>} : memref<160x131xf32, #tpu.memory_space<vmem>>, vector<16xf32>,
          %swap3A_761 = arith.index_cast %add3A_706 : i32 to index
          %swap3A_762 = arith.constant 96 : index
          %swap3A_763 = tpu.vector_load %arg10[%swap3A_761, %swap3A_762] {strides = array<i32>} : memref<160x131xf32, #tpu.memory_space<vmem>>, vector<16xf32>,
          tpu.vector_store %arg10[%swap3A_761, %swap3A_762], %get3A_738 {strides = array<i32>} : memref<160x131xf32, #tpu.memory_space<vmem>>, vector<16xf32>,
          %swap3A_764 = arith.index_cast %add3A_706 : i32 to index
          %swap3A_765 = arith.constant 112 : index
          %swap3A_766 = tpu.vector_load %arg10[%swap3A_764, %swap3A_765] {strides = array<i32>} : memref<160x131xf32, #tpu.memory_space<vmem>>, vector<16xf32>,
          tpu.vector_store %arg10[%swap3A_764, %swap3A_765], %get3A_742 {strides = array<i32>} : memref<160x131xf32, #tpu.memory_space<vmem>>, vector<16xf32>,
          %mul3A_767 = arith.constant 16 : i32
          %mul3A_768 = arith.muli %scan3A_126, %mul3A_767 : i32
          %add3A_769 = arith.constant 10 : i32
          %add3A_770 = arith.addi %mul3A_768, %add3A_769 : i32
          %slice3A_771 = vector.extract_strided_slice %get3A_129 {offsets = [10], sizes = [1], strides = [1]} : vector<16xi32> to vector<1xi32>
          %squeeze3A_772 = vector.extract %slice3A_771[0] : i32 from vector<1xi32>
          %mul3A_773 = arith.constant 128 : i32
          %mul3A_774 = arith.muli %squeeze3A_772, %mul3A_773 : i32
          %add3A_775 = arith.constant 0 : i32
          %add3A_776 = arith.addi %mul3A_774, %add3A_775 : i32
          %get3A_777 = arith.index_cast %add3A_776 : i32 to index
          %get3A_778 = tpu.vector_load %arg6[%get3A_777] {strides = array<i32>} : memref<15232xf32, #tpu.memory_space<vmem>>, vector<16xf32>,
          %add3A_779 = arith.constant 16 : i32
          %add3A_780 = arith.addi %mul3A_774, %add3A_779 : i32
          %get3A_781 = arith.index_cast %add3A_780 : i32 to index
          %get3A_782 = tpu.vector_load %arg6[%get3A_781] {strides = array<i32>} : memref<15232xf32, #tpu.memory_space<vmem>>, vector<16xf32>,
          %add3A_783 = arith.constant 32 : i32
          %add3A_784 = arith.addi %mul3A_774, %add3A_783 : i32
          %get3A_785 = arith.index_cast %add3A_784 : i32 to index
          %get3A_786 = tpu.vector_load %arg6[%get3A_785] {strides = array<i32>} : memref<15232xf32, #tpu.memory_space<vmem>>, vector<16xf32>,
          %add3A_787 = arith.constant 48 : i32
          %add3A_788 = arith.addi %mul3A_774, %add3A_787 : i32
          %get3A_789 = arith.index_cast %add3A_788 : i32 to index
          %get3A_790 = tpu.vector_load %arg6[%get3A_789] {strides = array<i32>} : memref<15232xf32, #tpu.memory_space<vmem>>, vector<16xf32>,
          %add3A_791 = arith.constant 64 : i32
          %add3A_792 = arith.addi %mul3A_774, %add3A_791 : i32
          %get3A_793 = arith.index_cast %add3A_792 : i32 to index
          %get3A_794 = tpu.vector_load %arg6[%get3A_793] {strides = array<i32>} : memref<15232xf32, #tpu.memory_space<vmem>>, vector<16xf32>,
          %add3A_795 = arith.constant 80 : i32
          %add3A_796 = arith.addi %mul3A_774, %add3A_795 : i32
          %get3A_797 = arith.index_cast %add3A_796 : i32 to index
          %get3A_798 = tpu.vector_load %arg6[%get3A_797] {strides = array<i32>} : memref<15232xf32, #tpu.memory_space<vmem>>, vector<16xf32>,
          %add3A_799 = arith.constant 96 : i32
          %add3A_800 = arith.addi %mul3A_774, %add3A_799 : i32
          %get3A_801 = arith.index_cast %add3A_800 : i32 to index
          %get3A_802 = tpu.vector_load %arg6[%get3A_801] {strides = array<i32>} : memref<15232xf32, #tpu.memory_space<vmem>>, vector<16xf32>,
          %add3A_803 = arith.constant 112 : i32
          %add3A_804 = arith.addi %mul3A_774, %add3A_803 : i32
          %get3A_805 = arith.index_cast %add3A_804 : i32 to index
          %get3A_806 = tpu.vector_load %arg6[%get3A_805] {strides = array<i32>} : memref<15232xf32, #tpu.memory_space<vmem>>, vector<16xf32>,
          %swap3A_807 = arith.index_cast %add3A_770 : i32 to index
          %swap3A_808 = arith.constant 0 : index
          %swap3A_809 = tpu.vector_load %arg10[%swap3A_807, %swap3A_808] {strides = array<i32>} : memref<160x131xf32, #tpu.memory_space<vmem>>, vector<16xf32>,
          tpu.vector_store %arg10[%swap3A_807, %swap3A_808], %get3A_778 {strides = array<i32>} : memref<160x131xf32, #tpu.memory_space<vmem>>, vector<16xf32>,
          %swap3A_810 = arith.index_cast %add3A_770 : i32 to index
          %swap3A_811 = arith.constant 16 : index
          %swap3A_812 = tpu.vector_load %arg10[%swap3A_810, %swap3A_811] {strides = array<i32>} : memref<160x131xf32, #tpu.memory_space<vmem>>, vector<16xf32>,
          tpu.vector_store %arg10[%swap3A_810, %swap3A_811], %get3A_782 {strides = array<i32>} : memref<160x131xf32, #tpu.memory_space<vmem>>, vector<16xf32>,
          %swap3A_813 = arith.index_cast %add3A_770 : i32 to index
          %swap3A_814 = arith.constant 32 : index
          %swap3A_815 = tpu.vector_load %arg10[%swap3A_813, %swap3A_814] {strides = array<i32>} : memref<160x131xf32, #tpu.memory_space<vmem>>, vector<16xf32>,
          tpu.vector_store %arg10[%swap3A_813, %swap3A_814], %get3A_786 {strides = array<i32>} : memref<160x131xf32, #tpu.memory_space<vmem>>, vector<16xf32>,
          %swap3A_816 = arith.index_cast %add3A_770 : i32 to index
          %swap3A_817 = arith.constant 48 : index
          %swap3A_818 = tpu.vector_load %arg10[%swap3A_816, %swap3A_817] {strides = array<i32>} : memref<160x131xf32, #tpu.memory_space<vmem>>, vector<16xf32>,
          tpu.vector_store %arg10[%swap3A_816, %swap3A_817], %get3A_790 {strides = array<i32>} : memref<160x131xf32, #tpu.memory_space<vmem>>, vector<16xf32>,
          %swap3A_819 = arith.index_cast %add3A_770 : i32 to index
          %swap3A_820 = arith.constant 64 : index
          %swap3A_821 = tpu.vector_load %arg10[%swap3A_819, %swap3A_820] {strides = array<i32>} : memref<160x131xf32, #tpu.memory_space<vmem>>, vector<16xf32>,
          tpu.vector_store %arg10[%swap3A_819, %swap3A_820], %get3A_794 {strides = array<i32>} : memref<160x131xf32, #tpu.memory_space<vmem>>, vector<16xf32>,
          %swap3A_822 = arith.index_cast %add3A_770 : i32 to index
          %swap3A_823 = arith.constant 80 : index
          %swap3A_824 = tpu.vector_load %arg10[%swap3A_822, %swap3A_823] {strides = array<i32>} : memref<160x131xf32, #tpu.memory_space<vmem>>, vector<16xf32>,
          tpu.vector_store %arg10[%swap3A_822, %swap3A_823], %get3A_798 {strides = array<i32>} : memref<160x131xf32, #tpu.memory_space<vmem>>, vector<16xf32>,
          %swap3A_825 = arith.index_cast %add3A_770 : i32 to index
          %swap3A_826 = arith.constant 96 : index
          %swap3A_827 = tpu.vector_load %arg10[%swap3A_825, %swap3A_826] {strides = array<i32>} : memref<160x131xf32, #tpu.memory_space<vmem>>, vector<16xf32>,
          tpu.vector_store %arg10[%swap3A_825, %swap3A_826], %get3A_802 {strides = array<i32>} : memref<160x131xf32, #tpu.memory_space<vmem>>, vector<16xf32>,
          %swap3A_828 = arith.index_cast %add3A_770 : i32 to index
          %swap3A_829 = arith.constant 112 : index
          %swap3A_830 = tpu.vector_load %arg10[%swap3A_828, %swap3A_829] {strides = array<i32>} : memref<160x131xf32, #tpu.memory_space<vmem>>, vector<16xf32>,
          tpu.vector_store %arg10[%swap3A_828, %swap3A_829], %get3A_806 {strides = array<i32>} : memref<160x131xf32, #tpu.memory_space<vmem>>, vector<16xf32>,
          %mul3A_831 = arith.constant 16 : i32
          %mul3A_832 = arith.muli %scan3A_126, %mul3A_831 : i32
          %add3A_833 = arith.constant 11 : i32
          %add3A_834 = arith.addi %mul3A_832, %add3A_833 : i32
          %slice3A_835 = vector.extract_strided_slice %get3A_129 {offsets = [11], sizes = [1], strides = [1]} : vector<16xi32> to vector<1xi32>
          %squeeze3A_836 = vector.extract %slice3A_835[0] : i32 from vector<1xi32>
          %mul3A_837 = arith.constant 128 : i32
          %mul3A_838 = arith.muli %squeeze3A_836, %mul3A_837 : i32
          %add3A_839 = arith.constant 0 : i32
          %add3A_840 = arith.addi %mul3A_838, %add3A_839 : i32
          %get3A_841 = arith.index_cast %add3A_840 : i32 to index
          %get3A_842 = tpu.vector_load %arg6[%get3A_841] {strides = array<i32>} : memref<15232xf32, #tpu.memory_space<vmem>>, vector<16xf32>,
          %add3A_843 = arith.constant 16 : i32
          %add3A_844 = arith.addi %mul3A_838, %add3A_843 : i32
          %get3A_845 = arith.index_cast %add3A_844 : i32 to index
          %get3A_846 = tpu.vector_load %arg6[%get3A_845] {strides = array<i32>} : memref<15232xf32, #tpu.memory_space<vmem>>, vector<16xf32>,
          %add3A_847 = arith.constant 32 : i32
          %add3A_848 = arith.addi %mul3A_838, %add3A_847 : i32
          %get3A_849 = arith.index_cast %add3A_848 : i32 to index
          %get3A_850 = tpu.vector_load %arg6[%get3A_849] {strides = array<i32>} : memref<15232xf32, #tpu.memory_space<vmem>>, vector<16xf32>,
          %add3A_851 = arith.constant 48 : i32
          %add3A_852 = arith.addi %mul3A_838, %add3A_851 : i32
          %get3A_853 = arith.index_cast %add3A_852 : i32 to index
          %get3A_854 = tpu.vector_load %arg6[%get3A_853] {strides = array<i32>} : memref<15232xf32, #tpu.memory_space<vmem>>, vector<16xf32>,
          %add3A_855 = arith.constant 64 : i32
          %add3A_856 = arith.addi %mul3A_838, %add3A_855 : i32
          %get3A_857 = arith.index_cast %add3A_856 : i32 to index
          %get3A_858 = tpu.vector_load %arg6[%get3A_857] {strides = array<i32>} : memref<15232xf32, #tpu.memory_space<vmem>>, vector<16xf32>,
          %add3A_859 = arith.constant 80 : i32
          %add3A_860 = arith.addi %mul3A_838, %add3A_859 : i32
          %get3A_861 = arith.index_cast %add3A_860 : i32 to index
          %get3A_862 = tpu.vector_load %arg6[%get3A_861] {strides = array<i32>} : memref<15232xf32, #tpu.memory_space<vmem>>, vector<16xf32>,
          %add3A_863 = arith.constant 96 : i32
          %add3A_864 = arith.addi %mul3A_838, %add3A_863 : i32
          %get3A_865 = arith.index_cast %add3A_864 : i32 to index
          %get3A_866 = tpu.vector_load %arg6[%get3A_865] {strides = array<i32>} : memref<15232xf32, #tpu.memory_space<vmem>>, vector<16xf32>,
          %add3A_867 = arith.constant 112 : i32
          %add3A_868 = arith.addi %mul3A_838, %add3A_867 : i32
          %get3A_869 = arith.index_cast %add3A_868 : i32 to index
          %get3A_870 = tpu.vector_load %arg6[%get3A_869] {strides = array<i32>} : memref<15232xf32, #tpu.memory_space<vmem>>, vector<16xf32>,
          %swap3A_871 = arith.index_cast %add3A_834 : i32 to index
          %swap3A_872 = arith.constant 0 : index
          %swap3A_873 = tpu.vector_load %arg10[%swap3A_871, %swap3A_872] {strides = array<i32>} : memref<160x131xf32, #tpu.memory_space<vmem>>, vector<16xf32>,
          tpu.vector_store %arg10[%swap3A_871, %swap3A_872], %get3A_842 {strides = array<i32>} : memref<160x131xf32, #tpu.memory_space<vmem>>, vector<16xf32>,
          %swap3A_874 = arith.index_cast %add3A_834 : i32 to index
          %swap3A_875 = arith.constant 16 : index
          %swap3A_876 = tpu.vector_load %arg10[%swap3A_874, %swap3A_875] {strides = array<i32>} : memref<160x131xf32, #tpu.memory_space<vmem>>, vector<16xf32>,
          tpu.vector_store %arg10[%swap3A_874, %swap3A_875], %get3A_846 {strides = array<i32>} : memref<160x131xf32, #tpu.memory_space<vmem>>, vector<16xf32>,
          %swap3A_877 = arith.index_cast %add3A_834 : i32 to index
          %swap3A_878 = arith.constant 32 : index
          %swap3A_879 = tpu.vector_load %arg10[%swap3A_877, %swap3A_878] {strides = array<i32>} : memref<160x131xf32, #tpu.memory_space<vmem>>, vector<16xf32>,
          tpu.vector_store %arg10[%swap3A_877, %swap3A_878], %get3A_850 {strides = array<i32>} : memref<160x131xf32, #tpu.memory_space<vmem>>, vector<16xf32>,
          %swap3A_880 = arith.index_cast %add3A_834 : i32 to index
          %swap3A_881 = arith.constant 48 : index
          %swap3A_882 = tpu.vector_load %arg10[%swap3A_880, %swap3A_881] {strides = array<i32>} : memref<160x131xf32, #tpu.memory_space<vmem>>, vector<16xf32>,
          tpu.vector_store %arg10[%swap3A_880, %swap3A_881], %get3A_854 {strides = array<i32>} : memref<160x131xf32, #tpu.memory_space<vmem>>, vector<16xf32>,
          %swap3A_883 = arith.index_cast %add3A_834 : i32 to index
          %swap3A_884 = arith.constant 64 : index
          %swap3A_885 = tpu.vector_load %arg10[%swap3A_883, %swap3A_884] {strides = array<i32>} : memref<160x131xf32, #tpu.memory_space<vmem>>, vector<16xf32>,
          tpu.vector_store %arg10[%swap3A_883, %swap3A_884], %get3A_858 {strides = array<i32>} : memref<160x131xf32, #tpu.memory_space<vmem>>, vector<16xf32>,
          %swap3A_886 = arith.index_cast %add3A_834 : i32 to index
          %swap3A_887 = arith.constant 80 : index
          %swap3A_888 = tpu.vector_load %arg10[%swap3A_886, %swap3A_887] {strides = array<i32>} : memref<160x131xf32, #tpu.memory_space<vmem>>, vector<16xf32>,
          tpu.vector_store %arg10[%swap3A_886, %swap3A_887], %get3A_862 {strides = array<i32>} : memref<160x131xf32, #tpu.memory_space<vmem>>, vector<16xf32>,
          %swap3A_889 = arith.index_cast %add3A_834 : i32 to index
          %swap3A_890 = arith.constant 96 : index
          %swap3A_891 = tpu.vector_load %arg10[%swap3A_889, %swap3A_890] {strides = array<i32>} : memref<160x131xf32, #tpu.memory_space<vmem>>, vector<16xf32>,
          tpu.vector_store %arg10[%swap3A_889, %swap3A_890], %get3A_866 {strides = array<i32>} : memref<160x131xf32, #tpu.memory_space<vmem>>, vector<16xf32>,
          %swap3A_892 = arith.index_cast %add3A_834 : i32 to index
          %swap3A_893 = arith.constant 112 : index
          %swap3A_894 = tpu.vector_load %arg10[%swap3A_892, %swap3A_893] {strides = array<i32>} : memref<160x131xf32, #tpu.memory_space<vmem>>, vector<16xf32>,
          tpu.vector_store %arg10[%swap3A_892, %swap3A_893], %get3A_870 {strides = array<i32>} : memref<160x131xf32, #tpu.memory_space<vmem>>, vector<16xf32>,
          %mul3A_895 = arith.constant 16 : i32
          %mul3A_896 = arith.muli %scan3A_126, %mul3A_895 : i32
          %add3A_897 = arith.constant 12 : i32
          %add3A_898 = arith.addi %mul3A_896, %add3A_897 : i32
          %slice3A_899 = vector.extract_strided_slice %get3A_129 {offsets = [12], sizes = [1], strides = [1]} : vector<16xi32> to vector<1xi32>
          %squeeze3A_900 = vector.extract %slice3A_899[0] : i32 from vector<1xi32>
          %mul3A_901 = arith.constant 128 : i32
          %mul3A_902 = arith.muli %squeeze3A_900, %mul3A_901 : i32
          %add3A_903 = arith.constant 0 : i32
          %add3A_904 = arith.addi %mul3A_902, %add3A_903 : i32
          %get3A_905 = arith.index_cast %add3A_904 : i32 to index
          %get3A_906 = tpu.vector_load %arg6[%get3A_905] {strides = array<i32>} : memref<15232xf32, #tpu.memory_space<vmem>>, vector<16xf32>,
          %add3A_907 = arith.constant 16 : i32
          %add3A_908 = arith.addi %mul3A_902, %add3A_907 : i32
          %get3A_909 = arith.index_cast %add3A_908 : i32 to index
          %get3A_910 = tpu.vector_load %arg6[%get3A_909] {strides = array<i32>} : memref<15232xf32, #tpu.memory_space<vmem>>, vector<16xf32>,
          %add3A_911 = arith.constant 32 : i32
          %add3A_912 = arith.addi %mul3A_902, %add3A_911 : i32
          %get3A_913 = arith.index_cast %add3A_912 : i32 to index
          %get3A_914 = tpu.vector_load %arg6[%get3A_913] {strides = array<i32>} : memref<15232xf32, #tpu.memory_space<vmem>>, vector<16xf32>,
          %add3A_915 = arith.constant 48 : i32
          %add3A_916 = arith.addi %mul3A_902, %add3A_915 : i32
          %get3A_917 = arith.index_cast %add3A_916 : i32 to index
          %get3A_918 = tpu.vector_load %arg6[%get3A_917] {strides = array<i32>} : memref<15232xf32, #tpu.memory_space<vmem>>, vector<16xf32>,
          %add3A_919 = arith.constant 64 : i32
          %add3A_920 = arith.addi %mul3A_902, %add3A_919 : i32
          %get3A_921 = arith.index_cast %add3A_920 : i32 to index
          %get3A_922 = tpu.vector_load %arg6[%get3A_921] {strides = array<i32>} : memref<15232xf32, #tpu.memory_space<vmem>>, vector<16xf32>,
          %add3A_923 = arith.constant 80 : i32
          %add3A_924 = arith.addi %mul3A_902, %add3A_923 : i32
          %get3A_925 = arith.index_cast %add3A_924 : i32 to index
          %get3A_926 = tpu.vector_load %arg6[%get3A_925] {strides = array<i32>} : memref<15232xf32, #tpu.memory_space<vmem>>, vector<16xf32>,
          %add3A_927 = arith.constant 96 : i32
          %add3A_928 = arith.addi %mul3A_902, %add3A_927 : i32
          %get3A_929 = arith.index_cast %add3A_928 : i32 to index
          %get3A_930 = tpu.vector_load %arg6[%get3A_929] {strides = array<i32>} : memref<15232xf32, #tpu.memory_space<vmem>>, vector<16xf32>,
          %add3A_931 = arith.constant 112 : i32
          %add3A_932 = arith.addi %mul3A_902, %add3A_931 : i32
          %get3A_933 = arith.index_cast %add3A_932 : i32 to index
          %get3A_934 = tpu.vector_load %arg6[%get3A_933] {strides = array<i32>} : memref<15232xf32, #tpu.memory_space<vmem>>, vector<16xf32>,
          %swap3A_935 = arith.index_cast %add3A_898 : i32 to index
          %swap3A_936 = arith.constant 0 : index
          %swap3A_937 = tpu.vector_load %arg10[%swap3A_935, %swap3A_936] {strides = array<i32>} : memref<160x131xf32, #tpu.memory_space<vmem>>, vector<16xf32>,
          tpu.vector_store %arg10[%swap3A_935, %swap3A_936], %get3A_906 {strides = array<i32>} : memref<160x131xf32, #tpu.memory_space<vmem>>, vector<16xf32>,
          %swap3A_938 = arith.index_cast %add3A_898 : i32 to index
          %swap3A_939 = arith.constant 16 : index
          %swap3A_940 = tpu.vector_load %arg10[%swap3A_938, %swap3A_939] {strides = array<i32>} : memref<160x131xf32, #tpu.memory_space<vmem>>, vector<16xf32>,
          tpu.vector_store %arg10[%swap3A_938, %swap3A_939], %get3A_910 {strides = array<i32>} : memref<160x131xf32, #tpu.memory_space<vmem>>, vector<16xf32>,
          %swap3A_941 = arith.index_cast %add3A_898 : i32 to index
          %swap3A_942 = arith.constant 32 : index
          %swap3A_943 = tpu.vector_load %arg10[%swap3A_941, %swap3A_942] {strides = array<i32>} : memref<160x131xf32, #tpu.memory_space<vmem>>, vector<16xf32>,
          tpu.vector_store %arg10[%swap3A_941, %swap3A_942], %get3A_914 {strides = array<i32>} : memref<160x131xf32, #tpu.memory_space<vmem>>, vector<16xf32>,
          %swap3A_944 = arith.index_cast %add3A_898 : i32 to index
          %swap3A_945 = arith.constant 48 : index
          %swap3A_946 = tpu.vector_load %arg10[%swap3A_944, %swap3A_945] {strides = array<i32>} : memref<160x131xf32, #tpu.memory_space<vmem>>, vector<16xf32>,
          tpu.vector_store %arg10[%swap3A_944, %swap3A_945], %get3A_918 {strides = array<i32>} : memref<160x131xf32, #tpu.memory_space<vmem>>, vector<16xf32>,
          %swap3A_947 = arith.index_cast %add3A_898 : i32 to index
          %swap3A_948 = arith.constant 64 : index
          %swap3A_949 = tpu.vector_load %arg10[%swap3A_947, %swap3A_948] {strides = array<i32>} : memref<160x131xf32, #tpu.memory_space<vmem>>, vector<16xf32>,
          tpu.vector_store %arg10[%swap3A_947, %swap3A_948], %get3A_922 {strides = array<i32>} : memref<160x131xf32, #tpu.memory_space<vmem>>, vector<16xf32>,
          %swap3A_950 = arith.index_cast %add3A_898 : i32 to index
          %swap3A_951 = arith.constant 80 : index
          %swap3A_952 = tpu.vector_load %arg10[%swap3A_950, %swap3A_951] {strides = array<i32>} : memref<160x131xf32, #tpu.memory_space<vmem>>, vector<16xf32>,
          tpu.vector_store %arg10[%swap3A_950, %swap3A_951], %get3A_926 {strides = array<i32>} : memref<160x131xf32, #tpu.memory_space<vmem>>, vector<16xf32>,
          %swap3A_953 = arith.index_cast %add3A_898 : i32 to index
          %swap3A_954 = arith.constant 96 : index
          %swap3A_955 = tpu.vector_load %arg10[%swap3A_953, %swap3A_954] {strides = array<i32>} : memref<160x131xf32, #tpu.memory_space<vmem>>, vector<16xf32>,
          tpu.vector_store %arg10[%swap3A_953, %swap3A_954], %get3A_930 {strides = array<i32>} : memref<160x131xf32, #tpu.memory_space<vmem>>, vector<16xf32>,
          %swap3A_956 = arith.index_cast %add3A_898 : i32 to index
          %swap3A_957 = arith.constant 112 : index
          %swap3A_958 = tpu.vector_load %arg10[%swap3A_956, %swap3A_957] {strides = array<i32>} : memref<160x131xf32, #tpu.memory_space<vmem>>, vector<16xf32>,
          tpu.vector_store %arg10[%swap3A_956, %swap3A_957], %get3A_934 {strides = array<i32>} : memref<160x131xf32, #tpu.memory_space<vmem>>, vector<16xf32>,
          %mul3A_959 = arith.constant 16 : i32
          %mul3A_960 = arith.muli %scan3A_126, %mul3A_959 : i32
          %add3A_961 = arith.constant 13 : i32
          %add3A_962 = arith.addi %mul3A_960, %add3A_961 : i32
          %slice3A_963 = vector.extract_strided_slice %get3A_129 {offsets = [13], sizes = [1], strides = [1]} : vector<16xi32> to vector<1xi32>
          %squeeze3A_964 = vector.extract %slice3A_963[0] : i32 from vector<1xi32>
          %mul3A_965 = arith.constant 128 : i32
          %mul3A_966 = arith.muli %squeeze3A_964, %mul3A_965 : i32
          %add3A_967 = arith.constant 0 : i32
          %add3A_968 = arith.addi %mul3A_966, %add3A_967 : i32
          %get3A_969 = arith.index_cast %add3A_968 : i32 to index
          %get3A_970 = tpu.vector_load %arg6[%get3A_969] {strides = array<i32>} : memref<15232xf32, #tpu.memory_space<vmem>>, vector<16xf32>,
          %add3A_971 = arith.constant 16 : i32
          %add3A_972 = arith.addi %mul3A_966, %add3A_971 : i32
          %get3A_973 = arith.index_cast %add3A_972 : i32 to index
          %get3A_974 = tpu.vector_load %arg6[%get3A_973] {strides = array<i32>} : memref<15232xf32, #tpu.memory_space<vmem>>, vector<16xf32>,
          %add3A_975 = arith.constant 32 : i32
          %add3A_976 = arith.addi %mul3A_966, %add3A_975 : i32
          %get3A_977 = arith.index_cast %add3A_976 : i32 to index
          %get3A_978 = tpu.vector_load %arg6[%get3A_977] {strides = array<i32>} : memref<15232xf32, #tpu.memory_space<vmem>>, vector<16xf32>,
          %add3A_979 = arith.constant 48 : i32
          %add3A_980 = arith.addi %mul3A_966, %add3A_979 : i32
          %get3A_981 = arith.index_cast %add3A_980 : i32 to index
          %get3A_982 = tpu.vector_load %arg6[%get3A_981] {strides = array<i32>} : memref<15232xf32, #tpu.memory_space<vmem>>, vector<16xf32>,
          %add3A_983 = arith.constant 64 : i32
          %add3A_984 = arith.addi %mul3A_966, %add3A_983 : i32
          %get3A_985 = arith.index_cast %add3A_984 : i32 to index
          %get3A_986 = tpu.vector_load %arg6[%get3A_985] {strides = array<i32>} : memref<15232xf32, #tpu.memory_space<vmem>>, vector<16xf32>,
          %add3A_987 = arith.constant 80 : i32
          %add3A_988 = arith.addi %mul3A_966, %add3A_987 : i32
          %get3A_989 = arith.index_cast %add3A_988 : i32 to index
          %get3A_990 = tpu.vector_load %arg6[%get3A_989] {strides = array<i32>} : memref<15232xf32, #tpu.memory_space<vmem>>, vector<16xf32>,
          %add3A_991 = arith.constant 96 : i32
          %add3A_992 = arith.addi %mul3A_966, %add3A_991 : i32
          %get3A_993 = arith.index_cast %add3A_992 : i32 to index
          %get3A_994 = tpu.vector_load %arg6[%get3A_993] {strides = array<i32>} : memref<15232xf32, #tpu.memory_space<vmem>>, vector<16xf32>,
          %add3A_995 = arith.constant 112 : i32
          %add3A_996 = arith.addi %mul3A_966, %add3A_995 : i32
          %get3A_997 = arith.index_cast %add3A_996 : i32 to index
          %get3A_998 = tpu.vector_load %arg6[%get3A_997] {strides = array<i32>} : memref<15232xf32, #tpu.memory_space<vmem>>, vector<16xf32>,
          %swap3A_999 = arith.index_cast %add3A_962 : i32 to index
          %swap3A_1000 = arith.constant 0 : index
          %swap3A_1001 = tpu.vector_load %arg10[%swap3A_999, %swap3A_1000] {strides = array<i32>} : memref<160x131xf32, #tpu.memory_space<vmem>>, vector<16xf32>,
          tpu.vector_store %arg10[%swap3A_999, %swap3A_1000], %get3A_970 {strides = array<i32>} : memref<160x131xf32, #tpu.memory_space<vmem>>, vector<16xf32>,
          %swap3A_1002 = arith.index_cast %add3A_962 : i32 to index
          %swap3A_1003 = arith.constant 16 : index
          %swap3A_1004 = tpu.vector_load %arg10[%swap3A_1002, %swap3A_1003] {strides = array<i32>} : memref<160x131xf32, #tpu.memory_space<vmem>>, vector<16xf32>,
          tpu.vector_store %arg10[%swap3A_1002, %swap3A_1003], %get3A_974 {strides = array<i32>} : memref<160x131xf32, #tpu.memory_space<vmem>>, vector<16xf32>,
          %swap3A_1005 = arith.index_cast %add3A_962 : i32 to index
          %swap3A_1006 = arith.constant 32 : index
          %swap3A_1007 = tpu.vector_load %arg10[%swap3A_1005, %swap3A_1006] {strides = array<i32>} : memref<160x131xf32, #tpu.memory_space<vmem>>, vector<16xf32>,
          tpu.vector_store %arg10[%swap3A_1005, %swap3A_1006], %get3A_978 {strides = array<i32>} : memref<160x131xf32, #tpu.memory_space<vmem>>, vector<16xf32>,
          %swap3A_1008 = arith.index_cast %add3A_962 : i32 to index
          %swap3A_1009 = arith.constant 48 : index
          %swap3A_1010 = tpu.vector_load %arg10[%swap3A_1008, %swap3A_1009] {strides = array<i32>} : memref<160x131xf32, #tpu.memory_space<vmem>>, vector<16xf32>,
          tpu.vector_store %arg10[%swap3A_1008, %swap3A_1009], %get3A_982 {strides = array<i32>} : memref<160x131xf32, #tpu.memory_space<vmem>>, vector<16xf32>,
          %swap3A_1011 = arith.index_cast %add3A_962 : i32 to index
          %swap3A_1012 = arith.constant 64 : index
          %swap3A_1013 = tpu.vector_load %arg10[%swap3A_1011, %swap3A_1012] {strides = array<i32>} : memref<160x131xf32, #tpu.memory_space<vmem>>, vector<16xf32>,
          tpu.vector_store %arg10[%swap3A_1011, %swap3A_1012], %get3A_986 {strides = array<i32>} : memref<160x131xf32, #tpu.memory_space<vmem>>, vector<16xf32>,
          %swap3A_1014 = arith.index_cast %add3A_962 : i32 to index
          %swap3A_1015 = arith.constant 80 : index
          %swap3A_1016 = tpu.vector_load %arg10[%swap3A_1014, %swap3A_1015] {strides = array<i32>} : memref<160x131xf32, #tpu.memory_space<vmem>>, vector<16xf32>,
          tpu.vector_store %arg10[%swap3A_1014, %swap3A_1015], %get3A_990 {strides = array<i32>} : memref<160x131xf32, #tpu.memory_space<vmem>>, vector<16xf32>,
          %swap3A_1017 = arith.index_cast %add3A_962 : i32 to index
          %swap3A_1018 = arith.constant 96 : index
          %swap3A_1019 = tpu.vector_load %arg10[%swap3A_1017, %swap3A_1018] {strides = array<i32>} : memref<160x131xf32, #tpu.memory_space<vmem>>, vector<16xf32>,
          tpu.vector_store %arg10[%swap3A_1017, %swap3A_1018], %get3A_994 {strides = array<i32>} : memref<160x131xf32, #tpu.memory_space<vmem>>, vector<16xf32>,
          %swap3A_1020 = arith.index_cast %add3A_962 : i32 to index
          %swap3A_1021 = arith.constant 112 : index
          %swap3A_1022 = tpu.vector_load %arg10[%swap3A_1020, %swap3A_1021] {strides = array<i32>} : memref<160x131xf32, #tpu.memory_space<vmem>>, vector<16xf32>,
          tpu.vector_store %arg10[%swap3A_1020, %swap3A_1021], %get3A_998 {strides = array<i32>} : memref<160x131xf32, #tpu.memory_space<vmem>>, vector<16xf32>,
          %mul3A_1023 = arith.constant 16 : i32
          %mul3A_1024 = arith.muli %scan3A_126, %mul3A_1023 : i32
          %add3A_1025 = arith.constant 14 : i32
          %add3A_1026 = arith.addi %mul3A_1024, %add3A_1025 : i32
          %slice3A_1027 = vector.extract_strided_slice %get3A_129 {offsets = [14], sizes = [1], strides = [1]} : vector<16xi32> to vector<1xi32>
          %squeeze3A_1028 = vector.extract %slice3A_1027[0] : i32 from vector<1xi32>
          %mul3A_1029 = arith.constant 128 : i32
          %mul3A_1030 = arith.muli %squeeze3A_1028, %mul3A_1029 : i32
          %add3A_1031 = arith.constant 0 : i32
          %add3A_1032 = arith.addi %mul3A_1030, %add3A_1031 : i32
          %get3A_1033 = arith.index_cast %add3A_1032 : i32 to index
          %get3A_1034 = tpu.vector_load %arg6[%get3A_1033] {strides = array<i32>} : memref<15232xf32, #tpu.memory_space<vmem>>, vector<16xf32>,
          %add3A_1035 = arith.constant 16 : i32
          %add3A_1036 = arith.addi %mul3A_1030, %add3A_1035 : i32
          %get3A_1037 = arith.index_cast %add3A_1036 : i32 to index
          %get3A_1038 = tpu.vector_load %arg6[%get3A_1037] {strides = array<i32>} : memref<15232xf32, #tpu.memory_space<vmem>>, vector<16xf32>,
          %add3A_1039 = arith.constant 32 : i32
          %add3A_1040 = arith.addi %mul3A_1030, %add3A_1039 : i32
          %get3A_1041 = arith.index_cast %add3A_1040 : i32 to index
          %get3A_1042 = tpu.vector_load %arg6[%get3A_1041] {strides = array<i32>} : memref<15232xf32, #tpu.memory_space<vmem>>, vector<16xf32>,
          %add3A_1043 = arith.constant 48 : i32
          %add3A_1044 = arith.addi %mul3A_1030, %add3A_1043 : i32
          %get3A_1045 = arith.index_cast %add3A_1044 : i32 to index
          %get3A_1046 = tpu.vector_load %arg6[%get3A_1045] {strides = array<i32>} : memref<15232xf32, #tpu.memory_space<vmem>>, vector<16xf32>,
          %add3A_1047 = arith.constant 64 : i32
          %add3A_1048 = arith.addi %mul3A_1030, %add3A_1047 : i32
          %get3A_1049 = arith.index_cast %add3A_1048 : i32 to index
          %get3A_1050 = tpu.vector_load %arg6[%get3A_1049] {strides = array<i32>} : memref<15232xf32, #tpu.memory_space<vmem>>, vector<16xf32>,
          %add3A_1051 = arith.constant 80 : i32
          %add3A_1052 = arith.addi %mul3A_1030, %add3A_1051 : i32
          %get3A_1053 = arith.index_cast %add3A_1052 : i32 to index
          %get3A_1054 = tpu.vector_load %arg6[%get3A_1053] {strides = array<i32>} : memref<15232xf32, #tpu.memory_space<vmem>>, vector<16xf32>,
          %add3A_1055 = arith.constant 96 : i32
          %add3A_1056 = arith.addi %mul3A_1030, %add3A_1055 : i32
          %get3A_1057 = arith.index_cast %add3A_1056 : i32 to index
          %get3A_1058 = tpu.vector_load %arg6[%get3A_1057] {strides = array<i32>} : memref<15232xf32, #tpu.memory_space<vmem>>, vector<16xf32>,
          %add3A_1059 = arith.constant 112 : i32
          %add3A_1060 = arith.addi %mul3A_1030, %add3A_1059 : i32
          %get3A_1061 = arith.index_cast %add3A_1060 : i32 to index
          %get3A_1062 = tpu.vector_load %arg6[%get3A_1061] {strides = array<i32>} : memref<15232xf32, #tpu.memory_space<vmem>>, vector<16xf32>,
          %swap3A_1063 = arith.index_cast %add3A_1026 : i32 to index
          %swap3A_1064 = arith.constant 0 : index
          %swap3A_1065 = tpu.vector_load %arg10[%swap3A_1063, %swap3A_1064] {strides = array<i32>} : memref<160x131xf32, #tpu.memory_space<vmem>>, vector<16xf32>,
          tpu.vector_store %arg10[%swap3A_1063, %swap3A_1064], %get3A_1034 {strides = array<i32>} : memref<160x131xf32, #tpu.memory_space<vmem>>, vector<16xf32>,
          %swap3A_1066 = arith.index_cast %add3A_1026 : i32 to index
          %swap3A_1067 = arith.constant 16 : index
          %swap3A_1068 = tpu.vector_load %arg10[%swap3A_1066, %swap3A_1067] {strides = array<i32>} : memref<160x131xf32, #tpu.memory_space<vmem>>, vector<16xf32>,
          tpu.vector_store %arg10[%swap3A_1066, %swap3A_1067], %get3A_1038 {strides = array<i32>} : memref<160x131xf32, #tpu.memory_space<vmem>>, vector<16xf32>,
          %swap3A_1069 = arith.index_cast %add3A_1026 : i32 to index
          %swap3A_1070 = arith.constant 32 : index
          %swap3A_1071 = tpu.vector_load %arg10[%swap3A_1069, %swap3A_1070] {strides = array<i32>} : memref<160x131xf32, #tpu.memory_space<vmem>>, vector<16xf32>,
          tpu.vector_store %arg10[%swap3A_1069, %swap3A_1070], %get3A_1042 {strides = array<i32>} : memref<160x131xf32, #tpu.memory_space<vmem>>, vector<16xf32>,
          %swap3A_1072 = arith.index_cast %add3A_1026 : i32 to index
          %swap3A_1073 = arith.constant 48 : index
          %swap3A_1074 = tpu.vector_load %arg10[%swap3A_1072, %swap3A_1073] {strides = array<i32>} : memref<160x131xf32, #tpu.memory_space<vmem>>, vector<16xf32>,
          tpu.vector_store %arg10[%swap3A_1072, %swap3A_1073], %get3A_1046 {strides = array<i32>} : memref<160x131xf32, #tpu.memory_space<vmem>>, vector<16xf32>,
          %swap3A_1075 = arith.index_cast %add3A_1026 : i32 to index
          %swap3A_1076 = arith.constant 64 : index
          %swap3A_1077 = tpu.vector_load %arg10[%swap3A_1075, %swap3A_1076] {strides = array<i32>} : memref<160x131xf32, #tpu.memory_space<vmem>>, vector<16xf32>,
          tpu.vector_store %arg10[%swap3A_1075, %swap3A_1076], %get3A_1050 {strides = array<i32>} : memref<160x131xf32, #tpu.memory_space<vmem>>, vector<16xf32>,
          %swap3A_1078 = arith.index_cast %add3A_1026 : i32 to index
          %swap3A_1079 = arith.constant 80 : index
          %swap3A_1080 = tpu.vector_load %arg10[%swap3A_1078, %swap3A_1079] {strides = array<i32>} : memref<160x131xf32, #tpu.memory_space<vmem>>, vector<16xf32>,
          tpu.vector_store %arg10[%swap3A_1078, %swap3A_1079], %get3A_1054 {strides = array<i32>} : memref<160x131xf32, #tpu.memory_space<vmem>>, vector<16xf32>,
          %swap3A_1081 = arith.index_cast %add3A_1026 : i32 to index
          %swap3A_1082 = arith.constant 96 : index
          %swap3A_1083 = tpu.vector_load %arg10[%swap3A_1081, %swap3A_1082] {strides = array<i32>} : memref<160x131xf32, #tpu.memory_space<vmem>>, vector<16xf32>,
          tpu.vector_store %arg10[%swap3A_1081, %swap3A_1082], %get3A_1058 {strides = array<i32>} : memref<160x131xf32, #tpu.memory_space<vmem>>, vector<16xf32>,
          %swap3A_1084 = arith.index_cast %add3A_1026 : i32 to index
          %swap3A_1085 = arith.constant 112 : index
          %swap3A_1086 = tpu.vector_load %arg10[%swap3A_1084, %swap3A_1085] {strides = array<i32>} : memref<160x131xf32, #tpu.memory_space<vmem>>, vector<16xf32>,
          tpu.vector_store %arg10[%swap3A_1084, %swap3A_1085], %get3A_1062 {strides = array<i32>} : memref<160x131xf32, #tpu.memory_space<vmem>>, vector<16xf32>,
          %mul3A_1087 = arith.constant 16 : i32
          %mul3A_1088 = arith.muli %scan3A_126, %mul3A_1087 : i32
          %add3A_1089 = arith.constant 15 : i32
          %add3A_1090 = arith.addi %mul3A_1088, %add3A_1089 : i32
          %slice3A_1091 = vector.extract_strided_slice %get3A_129 {offsets = [15], sizes = [1], strides = [1]} : vector<16xi32> to vector<1xi32>
          %squeeze3A_1092 = vector.extract %slice3A_1091[0] : i32 from vector<1xi32>
          %mul3A_1093 = arith.constant 128 : i32
          %mul3A_1094 = arith.muli %squeeze3A_1092, %mul3A_1093 : i32
          %add3A_1095 = arith.constant 0 : i32
          %add3A_1096 = arith.addi %mul3A_1094, %add3A_1095 : i32
          %get3A_1097 = arith.index_cast %add3A_1096 : i32 to index
          %get3A_1098 = tpu.vector_load %arg6[%get3A_1097] {strides = array<i32>} : memref<15232xf32, #tpu.memory_space<vmem>>, vector<16xf32>,
          %add3A_1099 = arith.constant 16 : i32
          %add3A_1100 = arith.addi %mul3A_1094, %add3A_1099 : i32
          %get3A_1101 = arith.index_cast %add3A_1100 : i32 to index
          %get3A_1102 = tpu.vector_load %arg6[%get3A_1101] {strides = array<i32>} : memref<15232xf32, #tpu.memory_space<vmem>>, vector<16xf32>,
          %add3A_1103 = arith.constant 32 : i32
          %add3A_1104 = arith.addi %mul3A_1094, %add3A_1103 : i32
          %get3A_1105 = arith.index_cast %add3A_1104 : i32 to index
          %get3A_1106 = tpu.vector_load %arg6[%get3A_1105] {strides = array<i32>} : memref<15232xf32, #tpu.memory_space<vmem>>, vector<16xf32>,
          %add3A_1107 = arith.constant 48 : i32
          %add3A_1108 = arith.addi %mul3A_1094, %add3A_1107 : i32
          %get3A_1109 = arith.index_cast %add3A_1108 : i32 to index
          %get3A_1110 = tpu.vector_load %arg6[%get3A_1109] {strides = array<i32>} : memref<15232xf32, #tpu.memory_space<vmem>>, vector<16xf32>,
          %add3A_1111 = arith.constant 64 : i32
          %add3A_1112 = arith.addi %mul3A_1094, %add3A_1111 : i32
          %get3A_1113 = arith.index_cast %add3A_1112 : i32 to index
          %get3A_1114 = tpu.vector_load %arg6[%get3A_1113] {strides = array<i32>} : memref<15232xf32, #tpu.memory_space<vmem>>, vector<16xf32>,
          %add3A_1115 = arith.constant 80 : i32
          %add3A_1116 = arith.addi %mul3A_1094, %add3A_1115 : i32
          %get3A_1117 = arith.index_cast %add3A_1116 : i32 to index
          %get3A_1118 = tpu.vector_load %arg6[%get3A_1117] {strides = array<i32>} : memref<15232xf32, #tpu.memory_space<vmem>>, vector<16xf32>,
          %add3A_1119 = arith.constant 96 : i32
          %add3A_1120 = arith.addi %mul3A_1094, %add3A_1119 : i32
          %get3A_1121 = arith.index_cast %add3A_1120 : i32 to index
          %get3A_1122 = tpu.vector_load %arg6[%get3A_1121] {strides = array<i32>} : memref<15232xf32, #tpu.memory_space<vmem>>, vector<16xf32>,
          %add3A_1123 = arith.constant 112 : i32
          %add3A_1124 = arith.addi %mul3A_1094, %add3A_1123 : i32
          %get3A_1125 = arith.index_cast %add3A_1124 : i32 to index
          %get3A_1126 = tpu.vector_load %arg6[%get3A_1125] {strides = array<i32>} : memref<15232xf32, #tpu.memory_space<vmem>>, vector<16xf32>,
          %swap3A_1127 = arith.index_cast %add3A_1090 : i32 to index
          %swap3A_1128 = arith.constant 0 : index
          %swap3A_1129 = tpu.vector_load %arg10[%swap3A_1127, %swap3A_1128] {strides = array<i32>} : memref<160x131xf32, #tpu.memory_space<vmem>>, vector<16xf32>,
          tpu.vector_store %arg10[%swap3A_1127, %swap3A_1128], %get3A_1098 {strides = array<i32>} : memref<160x131xf32, #tpu.memory_space<vmem>>, vector<16xf32>,
          %swap3A_1130 = arith.index_cast %add3A_1090 : i32 to index
          %swap3A_1131 = arith.constant 16 : index
          %swap3A_1132 = tpu.vector_load %arg10[%swap3A_1130, %swap3A_1131] {strides = array<i32>} : memref<160x131xf32, #tpu.memory_space<vmem>>, vector<16xf32>,
          tpu.vector_store %arg10[%swap3A_1130, %swap3A_1131], %get3A_1102 {strides = array<i32>} : memref<160x131xf32, #tpu.memory_space<vmem>>, vector<16xf32>,
          %swap3A_1133 = arith.index_cast %add3A_1090 : i32 to index
          %swap3A_1134 = arith.constant 32 : index
          %swap3A_1135 = tpu.vector_load %arg10[%swap3A_1133, %swap3A_1134] {strides = array<i32>} : memref<160x131xf32, #tpu.memory_space<vmem>>, vector<16xf32>,
          tpu.vector_store %arg10[%swap3A_1133, %swap3A_1134], %get3A_1106 {strides = array<i32>} : memref<160x131xf32, #tpu.memory_space<vmem>>, vector<16xf32>,
          %swap3A_1136 = arith.index_cast %add3A_1090 : i32 to index
          %swap3A_1137 = arith.constant 48 : index
          %swap3A_1138 = tpu.vector_load %arg10[%swap3A_1136, %swap3A_1137] {strides = array<i32>} : memref<160x131xf32, #tpu.memory_space<vmem>>, vector<16xf32>,
          tpu.vector_store %arg10[%swap3A_1136, %swap3A_1137], %get3A_1110 {strides = array<i32>} : memref<160x131xf32, #tpu.memory_space<vmem>>, vector<16xf32>,
          %swap3A_1139 = arith.index_cast %add3A_1090 : i32 to index
          %swap3A_1140 = arith.constant 64 : index
          %swap3A_1141 = tpu.vector_load %arg10[%swap3A_1139, %swap3A_1140] {strides = array<i32>} : memref<160x131xf32, #tpu.memory_space<vmem>>, vector<16xf32>,
          tpu.vector_store %arg10[%swap3A_1139, %swap3A_1140], %get3A_1114 {strides = array<i32>} : memref<160x131xf32, #tpu.memory_space<vmem>>, vector<16xf32>,
          %swap3A_1142 = arith.index_cast %add3A_1090 : i32 to index
          %swap3A_1143 = arith.constant 80 : index
          %swap3A_1144 = tpu.vector_load %arg10[%swap3A_1142, %swap3A_1143] {strides = array<i32>} : memref<160x131xf32, #tpu.memory_space<vmem>>, vector<16xf32>,
          tpu.vector_store %arg10[%swap3A_1142, %swap3A_1143], %get3A_1118 {strides = array<i32>} : memref<160x131xf32, #tpu.memory_space<vmem>>, vector<16xf32>,
          %swap3A_1145 = arith.index_cast %add3A_1090 : i32 to index
          %swap3A_1146 = arith.constant 96 : index
          %swap3A_1147 = tpu.vector_load %arg10[%swap3A_1145, %swap3A_1146] {strides = array<i32>} : memref<160x131xf32, #tpu.memory_space<vmem>>, vector<16xf32>,
          tpu.vector_store %arg10[%swap3A_1145, %swap3A_1146], %get3A_1122 {strides = array<i32>} : memref<160x131xf32, #tpu.memory_space<vmem>>, vector<16xf32>,
          %swap3A_1148 = arith.index_cast %add3A_1090 : i32 to index
          %swap3A_1149 = arith.constant 112 : index
          %swap3A_1150 = tpu.vector_load %arg10[%swap3A_1148, %swap3A_1149] {strides = array<i32>} : memref<160x131xf32, #tpu.memory_space<vmem>>, vector<16xf32>,
          tpu.vector_store %arg10[%swap3A_1148, %swap3A_1149], %get3A_1126 {strides = array<i32>} : memref<160x131xf32, #tpu.memory_space<vmem>>, vector<16xf32>,
        }
        %scan3A_109 = arith.constant 10 : i32
        %scan3A_110 = arith.constant 0 : i32
        %scan3A_111 = arith.constant 0 : i32
        %scan3A_112 = arith.constant 10 : i32
        %scan3A_113 = arith.addi %scan3A_111, %scan3A_112 : i32
        %scan3A_114 = arith.constant 1 : i32
        scf.for %scan3A_126 = %scan3A_111 to %scan3A_113 step %scan3A_114  : i32 {
          %mul3A_127 = arith.constant 16 : i32
          %mul3A_128 = arith.muli %scan3A_126, %mul3A_127 : i32
          %get3A = arith.index_cast %mul3A_128 : i32 to index
          %get3A_129 = tpu.vector_load %arg8[%get3A] {strides = array<i32>} : memref<160xi32, #tpu.memory_space<vmem>>, vector<16xi32>,
          %iota3A = tpu.iota {dimensions = array<i32: 0>} : vector<16xi32>
          %mul3A_130 = arith.constant 16 : i32
          %mul3A_131 = arith.muli %scan3A_126, %mul3A_130 : i32
          %add3A_132 = vector.broadcast %mul3A_131 : i32 to vector<16xi32>
          %add3A_133 = arith.addi %iota3A, %add3A_132 : vector<16xi32>
          %add3A_134 = arith.constant 0 : i32
          %add3A_135 = vector.broadcast %add3A_134 : i32 to vector<16xi32>
          %add3A_136 = arith.addi %get3A_129, %add3A_135 : vector<16xi32>
          %gather3A = tpu.vector_load_idx %arg7[%add3A_136] : memref<384xf32, #tpu.memory_space<vmem>>[vector<16xi32>], vector<16xf32>,
          %broadcast_in_dim3A = arith.constant 128 : i32
          %broadcast_in_dim3A_137 = vector.broadcast %broadcast_in_dim3A : i32 to vector<16xi32>
          tpu.vector_store_idx %arg10[%add3A_133, %broadcast_in_dim3A_137], %gather3A : memref<160x131xf32, #tpu.memory_space<vmem>>[vector<16xi32>, vector<16xi32>], vector<16xf32>,
          %add3A_138 = arith.constant 128 : i32
          %add3A_139 = vector.broadcast %add3A_138 : i32 to vector<16xi32>
          %add3A_140 = arith.addi %get3A_129, %add3A_139 : vector<16xi32>
          %gather3A_141 = tpu.vector_load_idx %arg7[%add3A_140] : memref<384xf32, #tpu.memory_space<vmem>>[vector<16xi32>], vector<16xf32>,
          %broadcast_in_dim3A_142 = arith.constant 129 : i32
          %broadcast_in_dim3A_143 = vector.broadcast %broadcast_in_dim3A_142 : i32 to vector<16xi32>
          tpu.vector_store_idx %arg10[%add3A_133, %broadcast_in_dim3A_143], %gather3A_141 : memref<160x131xf32, #tpu.memory_space<vmem>>[vector<16xi32>, vector<16xi32>], vector<16xf32>,
          %add3A_144 = arith.constant 256 : i32
          %add3A_145 = vector.broadcast %add3A_144 : i32 to vector<16xi32>
          %add3A_146 = arith.addi %get3A_129, %add3A_145 : vector<16xi32>
          %gather3A_147 = tpu.vector_load_idx %arg7[%add3A_146] : memref<384xf32, #tpu.memory_space<vmem>>[vector<16xi32>], vector<16xf32>,
          %broadcast_in_dim3A_148 = arith.constant 130 : i32
          %broadcast_in_dim3A_149 = vector.broadcast %broadcast_in_dim3A_148 : i32 to vector<16xi32>
          tpu.vector_store_idx %arg10[%add3A_133, %broadcast_in_dim3A_149], %gather3A_147 : memref<160x131xf32, #tpu.memory_space<vmem>>[vector<16xi32>, vector<16xi32>], vector<16xf32>,
        }
        %scan3A_115 = arith.constant 10 : i32
        %add3A_116 = arith.constant 2 : i32
        %add3A_117 = arith.addi %add3A_79, %add3A_116 : i32
        %lt3A_118 = arith.cmpi slt, %add3A_117, %select_n3A : i32
        %convert_element_type3A_119 = arith.extui %lt3A_118 : i1 to i32
        %cond3A_120 = arith.constant 0 : i32
        %cond3A_121 = arith.cmpi ne, %convert_element_type3A_119, %cond3A_120 : i32
        scf.if %cond3A_121 {
          %add3A_126 = arith.constant 2 : i32
          %add3A_127 = arith.addi %add3A_79, %add3A_126 : i32
          %mul3A_128 = arith.constant 32 : i32
          %mul3A_129 = arith.muli %add3A_127, %mul3A_128 : i32
          %add3A_130 = arith.addi %add3A, %mul3A_129 : i32
          %mul3A_131 = arith.constant 160 : i32
          %mul3A_132 = arith.muli %add3A_130, %mul3A_131 : i32
          %dma_start3A_133 = tpu.memref_slice %arg4[%mul3A_132] : memref<100000xi32, #tpu.memory_space<hbm>> -> memref<160xi32, #tpu.memory_space<hbm>>
          %dma_start3A_134 = tpu.memref_slice %arg4[%mul3A_132] : memref<100000xi32, #tpu.memory_space<hbm>> -> memref<160xi32, #tpu.memory_space<hbm>>
          tpu.enqueue_dma source(%dma_start3A_134 : memref<160xi32, #tpu.memory_space<hbm>>) target(%arg8 : memref<160xi32, #tpu.memory_space<vmem>>) target_semaphore(%arg12 : memref<!tpu.dma_semaphore, #tpu.memory_space<semaphore_mem>>)
        } else {
        }
        %dma_start3A_122 = arith.constant 0 : i32
        %dma_start3A_123 = tpu.memref_slice %arg5[%mul3A_95, %dma_start3A_122] : memref<100000x131xf32, #tpu.memory_space<hbm>> -> memref<160x131xf32, #tpu.memory_space<hbm>>
        %dma_start3A_124 = arith.constant 0 : i32
        %dma_start3A_125 = tpu.memref_slice %arg5[%mul3A_95, %dma_start3A_124] : memref<100000x131xf32, #tpu.memory_space<hbm>> -> memref<160x131xf32, #tpu.memory_space<hbm>>
        tpu.enqueue_dma source(%arg10 : memref<160x131xf32, #tpu.memory_space<vmem>>) target(%dma_start3A_125 : memref<160x131xf32, #tpu.memory_space<hbm>>) target_semaphore(%arg14 : memref<!tpu.dma_semaphore, #tpu.memory_space<semaphore_mem>>)
      } else {
      }
      %mul3A_83 = arith.constant 2 : i32
      %mul3A_84 = arith.muli %mul3A_83, %while3A_75 : i32
      %add3A_85 = arith.constant 1 : i32
      %add3A_86 = arith.addi %mul3A_84, %add3A_85 : i32
      %lt3A_87 = arith.cmpi slt, %add3A_86, %select_n3A : i32
      %convert_element_type3A_88 = arith.extui %lt3A_87 : i1 to i32
      %cond3A_89 = arith.constant 0 : i32
      %cond3A_90 = arith.cmpi ne, %convert_element_type3A_88, %cond3A_89 : i32
      scf.if %cond3A_90 {
        %mul3A_91 = arith.constant 32 : i32
        %mul3A_92 = arith.muli %add3A_86, %mul3A_91 : i32
        %add3A_93 = arith.addi %add3A, %mul3A_92 : i32
        %mul3A_94 = arith.constant 160 : i32
        %mul3A_95 = arith.muli %add3A_93, %mul3A_94 : i32
        %dma_wait3A_96 = arith.constant 0 : i32
        %dma_wait3A_97 = tpu.memref_slice %arg4[%dma_wait3A_96] : memref<100000xi32, #tpu.memory_space<hbm>> -> memref<160xi32, #tpu.memory_space<hbm>>
        %dma_wait3A_98 = arith.constant 0 : i32
        %dma_wait3A_99 = tpu.memref_slice %arg4[%dma_wait3A_98] : memref<100000xi32, #tpu.memory_space<hbm>> -> memref<160xi32, #tpu.memory_space<hbm>>
        tpu.wait_dma2 semaphore(%arg13 : memref<!tpu.dma_semaphore, #tpu.memory_space<semaphore_mem>>) src(%dma_wait3A_99 : memref<160xi32, #tpu.memory_space<hbm>>) dst(%arg9 : memref<160xi32, #tpu.memory_space<vmem>>)
        %ge3A_100 = arith.constant 2 : i32
        %ge3A_101 = arith.cmpi sge, %add3A_86, %ge3A_100 : i32
        %convert_element_type3A_102 = arith.extui %ge3A_101 : i1 to i32
        %cond3A_103 = arith.constant 0 : i32
        %cond3A_104 = arith.cmpi ne, %convert_element_type3A_102, %cond3A_103 : i32
        scf.if %cond3A_104 {
          %dma_wait3A_126 = arith.constant 0 : i32
          %dma_wait3A_127 = arith.constant 0 : i32
          %dma_wait3A_128 = tpu.memref_slice %arg5[%dma_wait3A_126, %dma_wait3A_127] : memref<100000x131xf32, #tpu.memory_space<hbm>> -> memref<160x131xf32, #tpu.memory_space<hbm>>
          %dma_wait3A_129 = arith.constant 0 : i32
          %dma_wait3A_130 = arith.constant 0 : i32
          %dma_wait3A_131 = tpu.memref_slice %arg5[%dma_wait3A_129, %dma_wait3A_130] : memref<100000x131xf32, #tpu.memory_space<hbm>> -> memref<160x131xf32, #tpu.memory_space<hbm>>
          tpu.wait_dma2 semaphore(%arg15 : memref<!tpu.dma_semaphore, #tpu.memory_space<semaphore_mem>>) src(%arg11 : memref<160x131xf32, #tpu.memory_space<vmem>>) dst(%dma_wait3A_131 : memref<160x131xf32, #tpu.memory_space<hbm>>)
        } else {
        }
        %scan3A = arith.constant 0 : i32
        %scan3A_105 = arith.constant 0 : i32
        %scan3A_106 = arith.constant 10 : i32
        %scan3A_107 = arith.addi %scan3A_105, %scan3A_106 : i32
        %scan3A_108 = arith.constant 1 : i32
        scf.for %scan3A_126 = %scan3A_105 to %scan3A_107 step %scan3A_108  : i32 {
          %mul3A_127 = arith.constant 16 : i32
          %mul3A_128 = arith.muli %scan3A_126, %mul3A_127 : i32
          %get3A = arith.index_cast %mul3A_128 : i32 to index
          %get3A_129 = tpu.vector_load %arg9[%get3A] {strides = array<i32>} : memref<160xi32, #tpu.memory_space<vmem>>, vector<16xi32>,
          %mul3A_130 = arith.constant 16 : i32
          %mul3A_131 = arith.muli %scan3A_126, %mul3A_130 : i32
          %add3A_132 = arith.constant 0 : i32
          %add3A_133 = arith.addi %mul3A_131, %add3A_132 : i32
          %slice3A = vector.extract_strided_slice %get3A_129 {offsets = [0], sizes = [1], strides = [1]} : vector<16xi32> to vector<1xi32>
          %squeeze3A = vector.extract %slice3A[0] : i32 from vector<1xi32>
          %mul3A_134 = arith.constant 128 : i32
          %mul3A_135 = arith.muli %squeeze3A, %mul3A_134 : i32
          %add3A_136 = arith.constant 0 : i32
          %add3A_137 = arith.addi %mul3A_135, %add3A_136 : i32
          %get3A_138 = arith.index_cast %add3A_137 : i32 to index
          %get3A_139 = tpu.vector_load %arg6[%get3A_138] {strides = array<i32>} : memref<15232xf32, #tpu.memory_space<vmem>>, vector<16xf32>,
          %add3A_140 = arith.constant 16 : i32
          %add3A_141 = arith.addi %mul3A_135, %add3A_140 : i32
          %get3A_142 = arith.index_cast %add3A_141 : i32 to index
          %get3A_143 = tpu.vector_load %arg6[%get3A_142] {strides = array<i32>} : memref<15232xf32, #tpu.memory_space<vmem>>, vector<16xf32>,
          %add3A_144 = arith.constant 32 : i32
          %add3A_145 = arith.addi %mul3A_135, %add3A_144 : i32
          %get3A_146 = arith.index_cast %add3A_145 : i32 to index
          %get3A_147 = tpu.vector_load %arg6[%get3A_146] {strides = array<i32>} : memref<15232xf32, #tpu.memory_space<vmem>>, vector<16xf32>,
          %add3A_148 = arith.constant 48 : i32
          %add3A_149 = arith.addi %mul3A_135, %add3A_148 : i32
          %get3A_150 = arith.index_cast %add3A_149 : i32 to index
          %get3A_151 = tpu.vector_load %arg6[%get3A_150] {strides = array<i32>} : memref<15232xf32, #tpu.memory_space<vmem>>, vector<16xf32>,
          %add3A_152 = arith.constant 64 : i32
          %add3A_153 = arith.addi %mul3A_135, %add3A_152 : i32
          %get3A_154 = arith.index_cast %add3A_153 : i32 to index
          %get3A_155 = tpu.vector_load %arg6[%get3A_154] {strides = array<i32>} : memref<15232xf32, #tpu.memory_space<vmem>>, vector<16xf32>,
          %add3A_156 = arith.constant 80 : i32
          %add3A_157 = arith.addi %mul3A_135, %add3A_156 : i32
          %get3A_158 = arith.index_cast %add3A_157 : i32 to index
          %get3A_159 = tpu.vector_load %arg6[%get3A_158] {strides = array<i32>} : memref<15232xf32, #tpu.memory_space<vmem>>, vector<16xf32>,
          %add3A_160 = arith.constant 96 : i32
          %add3A_161 = arith.addi %mul3A_135, %add3A_160 : i32
          %get3A_162 = arith.index_cast %add3A_161 : i32 to index
          %get3A_163 = tpu.vector_load %arg6[%get3A_162] {strides = array<i32>} : memref<15232xf32, #tpu.memory_space<vmem>>, vector<16xf32>,
          %add3A_164 = arith.constant 112 : i32
          %add3A_165 = arith.addi %mul3A_135, %add3A_164 : i32
          %get3A_166 = arith.index_cast %add3A_165 : i32 to index
          %get3A_167 = tpu.vector_load %arg6[%get3A_166] {strides = array<i32>} : memref<15232xf32, #tpu.memory_space<vmem>>, vector<16xf32>,
          %swap3A = arith.index_cast %add3A_133 : i32 to index
          %swap3A_168 = arith.constant 0 : index
          %swap3A_169 = tpu.vector_load %arg11[%swap3A, %swap3A_168] {strides = array<i32>} : memref<160x131xf32, #tpu.memory_space<vmem>>, vector<16xf32>,
          tpu.vector_store %arg11[%swap3A, %swap3A_168], %get3A_139 {strides = array<i32>} : memref<160x131xf32, #tpu.memory_space<vmem>>, vector<16xf32>,
          %swap3A_170 = arith.index_cast %add3A_133 : i32 to index
          %swap3A_171 = arith.constant 16 : index
          %swap3A_172 = tpu.vector_load %arg11[%swap3A_170, %swap3A_171] {strides = array<i32>} : memref<160x131xf32, #tpu.memory_space<vmem>>, vector<16xf32>,
          tpu.vector_store %arg11[%swap3A_170, %swap3A_171], %get3A_143 {strides = array<i32>} : memref<160x131xf32, #tpu.memory_space<vmem>>, vector<16xf32>,
          %swap3A_173 = arith.index_cast %add3A_133 : i32 to index
          %swap3A_174 = arith.constant 32 : index
          %swap3A_175 = tpu.vector_load %arg11[%swap3A_173, %swap3A_174] {strides = array<i32>} : memref<160x131xf32, #tpu.memory_space<vmem>>, vector<16xf32>,
          tpu.vector_store %arg11[%swap3A_173, %swap3A_174], %get3A_147 {strides = array<i32>} : memref<160x131xf32, #tpu.memory_space<vmem>>, vector<16xf32>,
          %swap3A_176 = arith.index_cast %add3A_133 : i32 to index
          %swap3A_177 = arith.constant 48 : index
          %swap3A_178 = tpu.vector_load %arg11[%swap3A_176, %swap3A_177] {strides = array<i32>} : memref<160x131xf32, #tpu.memory_space<vmem>>, vector<16xf32>,
          tpu.vector_store %arg11[%swap3A_176, %swap3A_177], %get3A_151 {strides = array<i32>} : memref<160x131xf32, #tpu.memory_space<vmem>>, vector<16xf32>,
          %swap3A_179 = arith.index_cast %add3A_133 : i32 to index
          %swap3A_180 = arith.constant 64 : index
          %swap3A_181 = tpu.vector_load %arg11[%swap3A_179, %swap3A_180] {strides = array<i32>} : memref<160x131xf32, #tpu.memory_space<vmem>>, vector<16xf32>,
          tpu.vector_store %arg11[%swap3A_179, %swap3A_180], %get3A_155 {strides = array<i32>} : memref<160x131xf32, #tpu.memory_space<vmem>>, vector<16xf32>,
          %swap3A_182 = arith.index_cast %add3A_133 : i32 to index
          %swap3A_183 = arith.constant 80 : index
          %swap3A_184 = tpu.vector_load %arg11[%swap3A_182, %swap3A_183] {strides = array<i32>} : memref<160x131xf32, #tpu.memory_space<vmem>>, vector<16xf32>,
          tpu.vector_store %arg11[%swap3A_182, %swap3A_183], %get3A_159 {strides = array<i32>} : memref<160x131xf32, #tpu.memory_space<vmem>>, vector<16xf32>,
          %swap3A_185 = arith.index_cast %add3A_133 : i32 to index
          %swap3A_186 = arith.constant 96 : index
          %swap3A_187 = tpu.vector_load %arg11[%swap3A_185, %swap3A_186] {strides = array<i32>} : memref<160x131xf32, #tpu.memory_space<vmem>>, vector<16xf32>,
          tpu.vector_store %arg11[%swap3A_185, %swap3A_186], %get3A_163 {strides = array<i32>} : memref<160x131xf32, #tpu.memory_space<vmem>>, vector<16xf32>,
          %swap3A_188 = arith.index_cast %add3A_133 : i32 to index
          %swap3A_189 = arith.constant 112 : index
          %swap3A_190 = tpu.vector_load %arg11[%swap3A_188, %swap3A_189] {strides = array<i32>} : memref<160x131xf32, #tpu.memory_space<vmem>>, vector<16xf32>,
          tpu.vector_store %arg11[%swap3A_188, %swap3A_189], %get3A_167 {strides = array<i32>} : memref<160x131xf32, #tpu.memory_space<vmem>>, vector<16xf32>,
          %mul3A_191 = arith.constant 16 : i32
          %mul3A_192 = arith.muli %scan3A_126, %mul3A_191 : i32
          %add3A_193 = arith.constant 1 : i32
          %add3A_194 = arith.addi %mul3A_192, %add3A_193 : i32
          %slice3A_195 = vector.extract_strided_slice %get3A_129 {offsets = [1], sizes = [1], strides = [1]} : vector<16xi32> to vector<1xi32>
          %squeeze3A_196 = vector.extract %slice3A_195[0] : i32 from vector<1xi32>
          %mul3A_197 = arith.constant 128 : i32
          %mul3A_198 = arith.muli %squeeze3A_196, %mul3A_197 : i32
          %add3A_199 = arith.constant 0 : i32
          %add3A_200 = arith.addi %mul3A_198, %add3A_199 : i32
          %get3A_201 = arith.index_cast %add3A_200 : i32 to index
          %get3A_202 = tpu.vector_load %arg6[%get3A_201] {strides = array<i32>} : memref<15232xf32, #tpu.memory_space<vmem>>, vector<16xf32>,
          %add3A_203 = arith.constant 16 : i32
          %add3A_204 = arith.addi %mul3A_198, %add3A_203 : i32
          %get3A_205 = arith.index_cast %add3A_204 : i32 to index
          %get3A_206 = tpu.vector_load %arg6[%get3A_205] {strides = array<i32>} : memref<15232xf32, #tpu.memory_space<vmem>>, vector<16xf32>,
          %add3A_207 = arith.constant 32 : i32
          %add3A_208 = arith.addi %mul3A_198, %add3A_207 : i32
          %get3A_209 = arith.index_cast %add3A_208 : i32 to index
          %get3A_210 = tpu.vector_load %arg6[%get3A_209] {strides = array<i32>} : memref<15232xf32, #tpu.memory_space<vmem>>, vector<16xf32>,
          %add3A_211 = arith.constant 48 : i32
          %add3A_212 = arith.addi %mul3A_198, %add3A_211 : i32
          %get3A_213 = arith.index_cast %add3A_212 : i32 to index
          %get3A_214 = tpu.vector_load %arg6[%get3A_213] {strides = array<i32>} : memref<15232xf32, #tpu.memory_space<vmem>>, vector<16xf32>,
          %add3A_215 = arith.constant 64 : i32
          %add3A_216 = arith.addi %mul3A_198, %add3A_215 : i32
          %get3A_217 = arith.index_cast %add3A_216 : i32 to index
          %get3A_218 = tpu.vector_load %arg6[%get3A_217] {strides = array<i32>} : memref<15232xf32, #tpu.memory_space<vmem>>, vector<16xf32>,
          %add3A_219 = arith.constant 80 : i32
          %add3A_220 = arith.addi %mul3A_198, %add3A_219 : i32
          %get3A_221 = arith.index_cast %add3A_220 : i32 to index
          %get3A_222 = tpu.vector_load %arg6[%get3A_221] {strides = array<i32>} : memref<15232xf32, #tpu.memory_space<vmem>>, vector<16xf32>,
          %add3A_223 = arith.constant 96 : i32
          %add3A_224 = arith.addi %mul3A_198, %add3A_223 : i32
          %get3A_225 = arith.index_cast %add3A_224 : i32 to index
          %get3A_226 = tpu.vector_load %arg6[%get3A_225] {strides = array<i32>} : memref<15232xf32, #tpu.memory_space<vmem>>, vector<16xf32>,
          %add3A_227 = arith.constant 112 : i32
          %add3A_228 = arith.addi %mul3A_198, %add3A_227 : i32
          %get3A_229 = arith.index_cast %add3A_228 : i32 to index
          %get3A_230 = tpu.vector_load %arg6[%get3A_229] {strides = array<i32>} : memref<15232xf32, #tpu.memory_space<vmem>>, vector<16xf32>,
          %swap3A_231 = arith.index_cast %add3A_194 : i32 to index
          %swap3A_232 = arith.constant 0 : index
          %swap3A_233 = tpu.vector_load %arg11[%swap3A_231, %swap3A_232] {strides = array<i32>} : memref<160x131xf32, #tpu.memory_space<vmem>>, vector<16xf32>,
          tpu.vector_store %arg11[%swap3A_231, %swap3A_232], %get3A_202 {strides = array<i32>} : memref<160x131xf32, #tpu.memory_space<vmem>>, vector<16xf32>,
          %swap3A_234 = arith.index_cast %add3A_194 : i32 to index
          %swap3A_235 = arith.constant 16 : index
          %swap3A_236 = tpu.vector_load %arg11[%swap3A_234, %swap3A_235] {strides = array<i32>} : memref<160x131xf32, #tpu.memory_space<vmem>>, vector<16xf32>,
          tpu.vector_store %arg11[%swap3A_234, %swap3A_235], %get3A_206 {strides = array<i32>} : memref<160x131xf32, #tpu.memory_space<vmem>>, vector<16xf32>,
          %swap3A_237 = arith.index_cast %add3A_194 : i32 to index
          %swap3A_238 = arith.constant 32 : index
          %swap3A_239 = tpu.vector_load %arg11[%swap3A_237, %swap3A_238] {strides = array<i32>} : memref<160x131xf32, #tpu.memory_space<vmem>>, vector<16xf32>,
          tpu.vector_store %arg11[%swap3A_237, %swap3A_238], %get3A_210 {strides = array<i32>} : memref<160x131xf32, #tpu.memory_space<vmem>>, vector<16xf32>,
          %swap3A_240 = arith.index_cast %add3A_194 : i32 to index
          %swap3A_241 = arith.constant 48 : index
          %swap3A_242 = tpu.vector_load %arg11[%swap3A_240, %swap3A_241] {strides = array<i32>} : memref<160x131xf32, #tpu.memory_space<vmem>>, vector<16xf32>,
          tpu.vector_store %arg11[%swap3A_240, %swap3A_241], %get3A_214 {strides = array<i32>} : memref<160x131xf32, #tpu.memory_space<vmem>>, vector<16xf32>,
          %swap3A_243 = arith.index_cast %add3A_194 : i32 to index
          %swap3A_244 = arith.constant 64 : index
          %swap3A_245 = tpu.vector_load %arg11[%swap3A_243, %swap3A_244] {strides = array<i32>} : memref<160x131xf32, #tpu.memory_space<vmem>>, vector<16xf32>,
          tpu.vector_store %arg11[%swap3A_243, %swap3A_244], %get3A_218 {strides = array<i32>} : memref<160x131xf32, #tpu.memory_space<vmem>>, vector<16xf32>,
          %swap3A_246 = arith.index_cast %add3A_194 : i32 to index
          %swap3A_247 = arith.constant 80 : index
          %swap3A_248 = tpu.vector_load %arg11[%swap3A_246, %swap3A_247] {strides = array<i32>} : memref<160x131xf32, #tpu.memory_space<vmem>>, vector<16xf32>,
          tpu.vector_store %arg11[%swap3A_246, %swap3A_247], %get3A_222 {strides = array<i32>} : memref<160x131xf32, #tpu.memory_space<vmem>>, vector<16xf32>,
          %swap3A_249 = arith.index_cast %add3A_194 : i32 to index
          %swap3A_250 = arith.constant 96 : index
          %swap3A_251 = tpu.vector_load %arg11[%swap3A_249, %swap3A_250] {strides = array<i32>} : memref<160x131xf32, #tpu.memory_space<vmem>>, vector<16xf32>,
          tpu.vector_store %arg11[%swap3A_249, %swap3A_250], %get3A_226 {strides = array<i32>} : memref<160x131xf32, #tpu.memory_space<vmem>>, vector<16xf32>,
          %swap3A_252 = arith.index_cast %add3A_194 : i32 to index
          %swap3A_253 = arith.constant 112 : index
          %swap3A_254 = tpu.vector_load %arg11[%swap3A_252, %swap3A_253] {strides = array<i32>} : memref<160x131xf32, #tpu.memory_space<vmem>>, vector<16xf32>,
          tpu.vector_store %arg11[%swap3A_252, %swap3A_253], %get3A_230 {strides = array<i32>} : memref<160x131xf32, #tpu.memory_space<vmem>>, vector<16xf32>,
          %mul3A_255 = arith.constant 16 : i32
          %mul3A_256 = arith.muli %scan3A_126, %mul3A_255 : i32
          %add3A_257 = arith.constant 2 : i32
          %add3A_258 = arith.addi %mul3A_256, %add3A_257 : i32
          %slice3A_259 = vector.extract_strided_slice %get3A_129 {offsets = [2], sizes = [1], strides = [1]} : vector<16xi32> to vector<1xi32>
          %squeeze3A_260 = vector.extract %slice3A_259[0] : i32 from vector<1xi32>
          %mul3A_261 = arith.constant 128 : i32
          %mul3A_262 = arith.muli %squeeze3A_260, %mul3A_261 : i32
          %add3A_263 = arith.constant 0 : i32
          %add3A_264 = arith.addi %mul3A_262, %add3A_263 : i32
          %get3A_265 = arith.index_cast %add3A_264 : i32 to index
          %get3A_266 = tpu.vector_load %arg6[%get3A_265] {strides = array<i32>} : memref<15232xf32, #tpu.memory_space<vmem>>, vector<16xf32>,
          %add3A_267 = arith.constant 16 : i32
          %add3A_268 = arith.addi %mul3A_262, %add3A_267 : i32
          %get3A_269 = arith.index_cast %add3A_268 : i32 to index
          %get3A_270 = tpu.vector_load %arg6[%get3A_269] {strides = array<i32>} : memref<15232xf32, #tpu.memory_space<vmem>>, vector<16xf32>,
          %add3A_271 = arith.constant 32 : i32
          %add3A_272 = arith.addi %mul3A_262, %add3A_271 : i32
          %get3A_273 = arith.index_cast %add3A_272 : i32 to index
          %get3A_274 = tpu.vector_load %arg6[%get3A_273] {strides = array<i32>} : memref<15232xf32, #tpu.memory_space<vmem>>, vector<16xf32>,
          %add3A_275 = arith.constant 48 : i32
          %add3A_276 = arith.addi %mul3A_262, %add3A_275 : i32
          %get3A_277 = arith.index_cast %add3A_276 : i32 to index
          %get3A_278 = tpu.vector_load %arg6[%get3A_277] {strides = array<i32>} : memref<15232xf32, #tpu.memory_space<vmem>>, vector<16xf32>,
          %add3A_279 = arith.constant 64 : i32
          %add3A_280 = arith.addi %mul3A_262, %add3A_279 : i32
          %get3A_281 = arith.index_cast %add3A_280 : i32 to index
          %get3A_282 = tpu.vector_load %arg6[%get3A_281] {strides = array<i32>} : memref<15232xf32, #tpu.memory_space<vmem>>, vector<16xf32>,
          %add3A_283 = arith.constant 80 : i32
          %add3A_284 = arith.addi %mul3A_262, %add3A_283 : i32
          %get3A_285 = arith.index_cast %add3A_284 : i32 to index
          %get3A_286 = tpu.vector_load %arg6[%get3A_285] {strides = array<i32>} : memref<15232xf32, #tpu.memory_space<vmem>>, vector<16xf32>,
          %add3A_287 = arith.constant 96 : i32
          %add3A_288 = arith.addi %mul3A_262, %add3A_287 : i32
          %get3A_289 = arith.index_cast %add3A_288 : i32 to index
          %get3A_290 = tpu.vector_load %arg6[%get3A_289] {strides = array<i32>} : memref<15232xf32, #tpu.memory_space<vmem>>, vector<16xf32>,
          %add3A_291 = arith.constant 112 : i32
          %add3A_292 = arith.addi %mul3A_262, %add3A_291 : i32
          %get3A_293 = arith.index_cast %add3A_292 : i32 to index
          %get3A_294 = tpu.vector_load %arg6[%get3A_293] {strides = array<i32>} : memref<15232xf32, #tpu.memory_space<vmem>>, vector<16xf32>,
          %swap3A_295 = arith.index_cast %add3A_258 : i32 to index
          %swap3A_296 = arith.constant 0 : index
          %swap3A_297 = tpu.vector_load %arg11[%swap3A_295, %swap3A_296] {strides = array<i32>} : memref<160x131xf32, #tpu.memory_space<vmem>>, vector<16xf32>,
          tpu.vector_store %arg11[%swap3A_295, %swap3A_296], %get3A_266 {strides = array<i32>} : memref<160x131xf32, #tpu.memory_space<vmem>>, vector<16xf32>,
          %swap3A_298 = arith.index_cast %add3A_258 : i32 to index
          %swap3A_299 = arith.constant 16 : index
          %swap3A_300 = tpu.vector_load %arg11[%swap3A_298, %swap3A_299] {strides = array<i32>} : memref<160x131xf32, #tpu.memory_space<vmem>>, vector<16xf32>,
          tpu.vector_store %arg11[%swap3A_298, %swap3A_299], %get3A_270 {strides = array<i32>} : memref<160x131xf32, #tpu.memory_space<vmem>>, vector<16xf32>,
          %swap3A_301 = arith.index_cast %add3A_258 : i32 to index
          %swap3A_302 = arith.constant 32 : index
          %swap3A_303 = tpu.vector_load %arg11[%swap3A_301, %swap3A_302] {strides = array<i32>} : memref<160x131xf32, #tpu.memory_space<vmem>>, vector<16xf32>,
          tpu.vector_store %arg11[%swap3A_301, %swap3A_302], %get3A_274 {strides = array<i32>} : memref<160x131xf32, #tpu.memory_space<vmem>>, vector<16xf32>,
          %swap3A_304 = arith.index_cast %add3A_258 : i32 to index
          %swap3A_305 = arith.constant 48 : index
          %swap3A_306 = tpu.vector_load %arg11[%swap3A_304, %swap3A_305] {strides = array<i32>} : memref<160x131xf32, #tpu.memory_space<vmem>>, vector<16xf32>,
          tpu.vector_store %arg11[%swap3A_304, %swap3A_305], %get3A_278 {strides = array<i32>} : memref<160x131xf32, #tpu.memory_space<vmem>>, vector<16xf32>,
          %swap3A_307 = arith.index_cast %add3A_258 : i32 to index
          %swap3A_308 = arith.constant 64 : index
          %swap3A_309 = tpu.vector_load %arg11[%swap3A_307, %swap3A_308] {strides = array<i32>} : memref<160x131xf32, #tpu.memory_space<vmem>>, vector<16xf32>,
          tpu.vector_store %arg11[%swap3A_307, %swap3A_308], %get3A_282 {strides = array<i32>} : memref<160x131xf32, #tpu.memory_space<vmem>>, vector<16xf32>,
          %swap3A_310 = arith.index_cast %add3A_258 : i32 to index
          %swap3A_311 = arith.constant 80 : index
          %swap3A_312 = tpu.vector_load %arg11[%swap3A_310, %swap3A_311] {strides = array<i32>} : memref<160x131xf32, #tpu.memory_space<vmem>>, vector<16xf32>,
          tpu.vector_store %arg11[%swap3A_310, %swap3A_311], %get3A_286 {strides = array<i32>} : memref<160x131xf32, #tpu.memory_space<vmem>>, vector<16xf32>,
          %swap3A_313 = arith.index_cast %add3A_258 : i32 to index
          %swap3A_314 = arith.constant 96 : index
          %swap3A_315 = tpu.vector_load %arg11[%swap3A_313, %swap3A_314] {strides = array<i32>} : memref<160x131xf32, #tpu.memory_space<vmem>>, vector<16xf32>,
          tpu.vector_store %arg11[%swap3A_313, %swap3A_314], %get3A_290 {strides = array<i32>} : memref<160x131xf32, #tpu.memory_space<vmem>>, vector<16xf32>,
          %swap3A_316 = arith.index_cast %add3A_258 : i32 to index
          %swap3A_317 = arith.constant 112 : index
          %swap3A_318 = tpu.vector_load %arg11[%swap3A_316, %swap3A_317] {strides = array<i32>} : memref<160x131xf32, #tpu.memory_space<vmem>>, vector<16xf32>,
          tpu.vector_store %arg11[%swap3A_316, %swap3A_317], %get3A_294 {strides = array<i32>} : memref<160x131xf32, #tpu.memory_space<vmem>>, vector<16xf32>,
          %mul3A_319 = arith.constant 16 : i32
          %mul3A_320 = arith.muli %scan3A_126, %mul3A_319 : i32
          %add3A_321 = arith.constant 3 : i32
          %add3A_322 = arith.addi %mul3A_320, %add3A_321 : i32
          %slice3A_323 = vector.extract_strided_slice %get3A_129 {offsets = [3], sizes = [1], strides = [1]} : vector<16xi32> to vector<1xi32>
          %squeeze3A_324 = vector.extract %slice3A_323[0] : i32 from vector<1xi32>
          %mul3A_325 = arith.constant 128 : i32
          %mul3A_326 = arith.muli %squeeze3A_324, %mul3A_325 : i32
          %add3A_327 = arith.constant 0 : i32
          %add3A_328 = arith.addi %mul3A_326, %add3A_327 : i32
          %get3A_329 = arith.index_cast %add3A_328 : i32 to index
          %get3A_330 = tpu.vector_load %arg6[%get3A_329] {strides = array<i32>} : memref<15232xf32, #tpu.memory_space<vmem>>, vector<16xf32>,
          %add3A_331 = arith.constant 16 : i32
          %add3A_332 = arith.addi %mul3A_326, %add3A_331 : i32
          %get3A_333 = arith.index_cast %add3A_332 : i32 to index
          %get3A_334 = tpu.vector_load %arg6[%get3A_333] {strides = array<i32>} : memref<15232xf32, #tpu.memory_space<vmem>>, vector<16xf32>,
          %add3A_335 = arith.constant 32 : i32
          %add3A_336 = arith.addi %mul3A_326, %add3A_335 : i32
          %get3A_337 = arith.index_cast %add3A_336 : i32 to index
          %get3A_338 = tpu.vector_load %arg6[%get3A_337] {strides = array<i32>} : memref<15232xf32, #tpu.memory_space<vmem>>, vector<16xf32>,
          %add3A_339 = arith.constant 48 : i32
          %add3A_340 = arith.addi %mul3A_326, %add3A_339 : i32
          %get3A_341 = arith.index_cast %add3A_340 : i32 to index
          %get3A_342 = tpu.vector_load %arg6[%get3A_341] {strides = array<i32>} : memref<15232xf32, #tpu.memory_space<vmem>>, vector<16xf32>,
          %add3A_343 = arith.constant 64 : i32
          %add3A_344 = arith.addi %mul3A_326, %add3A_343 : i32
          %get3A_345 = arith.index_cast %add3A_344 : i32 to index
          %get3A_346 = tpu.vector_load %arg6[%get3A_345] {strides = array<i32>} : memref<15232xf32, #tpu.memory_space<vmem>>, vector<16xf32>,
          %add3A_347 = arith.constant 80 : i32
          %add3A_348 = arith.addi %mul3A_326, %add3A_347 : i32
          %get3A_349 = arith.index_cast %add3A_348 : i32 to index
          %get3A_350 = tpu.vector_load %arg6[%get3A_349] {strides = array<i32>} : memref<15232xf32, #tpu.memory_space<vmem>>, vector<16xf32>,
          %add3A_351 = arith.constant 96 : i32
          %add3A_352 = arith.addi %mul3A_326, %add3A_351 : i32
          %get3A_353 = arith.index_cast %add3A_352 : i32 to index
          %get3A_354 = tpu.vector_load %arg6[%get3A_353] {strides = array<i32>} : memref<15232xf32, #tpu.memory_space<vmem>>, vector<16xf32>,
          %add3A_355 = arith.constant 112 : i32
          %add3A_356 = arith.addi %mul3A_326, %add3A_355 : i32
          %get3A_357 = arith.index_cast %add3A_356 : i32 to index
          %get3A_358 = tpu.vector_load %arg6[%get3A_357] {strides = array<i32>} : memref<15232xf32, #tpu.memory_space<vmem>>, vector<16xf32>,
          %swap3A_359 = arith.index_cast %add3A_322 : i32 to index
          %swap3A_360 = arith.constant 0 : index
          %swap3A_361 = tpu.vector_load %arg11[%swap3A_359, %swap3A_360] {strides = array<i32>} : memref<160x131xf32, #tpu.memory_space<vmem>>, vector<16xf32>,
          tpu.vector_store %arg11[%swap3A_359, %swap3A_360], %get3A_330 {strides = array<i32>} : memref<160x131xf32, #tpu.memory_space<vmem>>, vector<16xf32>,
          %swap3A_362 = arith.index_cast %add3A_322 : i32 to index
          %swap3A_363 = arith.constant 16 : index
          %swap3A_364 = tpu.vector_load %arg11[%swap3A_362, %swap3A_363] {strides = array<i32>} : memref<160x131xf32, #tpu.memory_space<vmem>>, vector<16xf32>,
          tpu.vector_store %arg11[%swap3A_362, %swap3A_363], %get3A_334 {strides = array<i32>} : memref<160x131xf32, #tpu.memory_space<vmem>>, vector<16xf32>,
          %swap3A_365 = arith.index_cast %add3A_322 : i32 to index
          %swap3A_366 = arith.constant 32 : index
          %swap3A_367 = tpu.vector_load %arg11[%swap3A_365, %swap3A_366] {strides = array<i32>} : memref<160x131xf32, #tpu.memory_space<vmem>>, vector<16xf32>,
          tpu.vector_store %arg11[%swap3A_365, %swap3A_366], %get3A_338 {strides = array<i32>} : memref<160x131xf32, #tpu.memory_space<vmem>>, vector<16xf32>,
          %swap3A_368 = arith.index_cast %add3A_322 : i32 to index
          %swap3A_369 = arith.constant 48 : index
          %swap3A_370 = tpu.vector_load %arg11[%swap3A_368, %swap3A_369] {strides = array<i32>} : memref<160x131xf32, #tpu.memory_space<vmem>>, vector<16xf32>,
          tpu.vector_store %arg11[%swap3A_368, %swap3A_369], %get3A_342 {strides = array<i32>} : memref<160x131xf32, #tpu.memory_space<vmem>>, vector<16xf32>,
          %swap3A_371 = arith.index_cast %add3A_322 : i32 to index
          %swap3A_372 = arith.constant 64 : index
          %swap3A_373 = tpu.vector_load %arg11[%swap3A_371, %swap3A_372] {strides = array<i32>} : memref<160x131xf32, #tpu.memory_space<vmem>>, vector<16xf32>,
          tpu.vector_store %arg11[%swap3A_371, %swap3A_372], %get3A_346 {strides = array<i32>} : memref<160x131xf32, #tpu.memory_space<vmem>>, vector<16xf32>,
          %swap3A_374 = arith.index_cast %add3A_322 : i32 to index
          %swap3A_375 = arith.constant 80 : index
          %swap3A_376 = tpu.vector_load %arg11[%swap3A_374, %swap3A_375] {strides = array<i32>} : memref<160x131xf32, #tpu.memory_space<vmem>>, vector<16xf32>,
          tpu.vector_store %arg11[%swap3A_374, %swap3A_375], %get3A_350 {strides = array<i32>} : memref<160x131xf32, #tpu.memory_space<vmem>>, vector<16xf32>,
          %swap3A_377 = arith.index_cast %add3A_322 : i32 to index
          %swap3A_378 = arith.constant 96 : index
          %swap3A_379 = tpu.vector_load %arg11[%swap3A_377, %swap3A_378] {strides = array<i32>} : memref<160x131xf32, #tpu.memory_space<vmem>>, vector<16xf32>,
          tpu.vector_store %arg11[%swap3A_377, %swap3A_378], %get3A_354 {strides = array<i32>} : memref<160x131xf32, #tpu.memory_space<vmem>>, vector<16xf32>,
          %swap3A_380 = arith.index_cast %add3A_322 : i32 to index
          %swap3A_381 = arith.constant 112 : index
          %swap3A_382 = tpu.vector_load %arg11[%swap3A_380, %swap3A_381] {strides = array<i32>} : memref<160x131xf32, #tpu.memory_space<vmem>>, vector<16xf32>,
          tpu.vector_store %arg11[%swap3A_380, %swap3A_381], %get3A_358 {strides = array<i32>} : memref<160x131xf32, #tpu.memory_space<vmem>>, vector<16xf32>,
          %mul3A_383 = arith.constant 16 : i32
          %mul3A_384 = arith.muli %scan3A_126, %mul3A_383 : i32
          %add3A_385 = arith.constant 4 : i32
          %add3A_386 = arith.addi %mul3A_384, %add3A_385 : i32
          %slice3A_387 = vector.extract_strided_slice %get3A_129 {offsets = [4], sizes = [1], strides = [1]} : vector<16xi32> to vector<1xi32>
          %squeeze3A_388 = vector.extract %slice3A_387[0] : i32 from vector<1xi32>
          %mul3A_389 = arith.constant 128 : i32
          %mul3A_390 = arith.muli %squeeze3A_388, %mul3A_389 : i32
          %add3A_391 = arith.constant 0 : i32
          %add3A_392 = arith.addi %mul3A_390, %add3A_391 : i32
          %get3A_393 = arith.index_cast %add3A_392 : i32 to index
          %get3A_394 = tpu.vector_load %arg6[%get3A_393] {strides = array<i32>} : memref<15232xf32, #tpu.memory_space<vmem>>, vector<16xf32>,
          %add3A_395 = arith.constant 16 : i32
          %add3A_396 = arith.addi %mul3A_390, %add3A_395 : i32
          %get3A_397 = arith.index_cast %add3A_396 : i32 to index
          %get3A_398 = tpu.vector_load %arg6[%get3A_397] {strides = array<i32>} : memref<15232xf32, #tpu.memory_space<vmem>>, vector<16xf32>,
          %add3A_399 = arith.constant 32 : i32
          %add3A_400 = arith.addi %mul3A_390, %add3A_399 : i32
          %get3A_401 = arith.index_cast %add3A_400 : i32 to index
          %get3A_402 = tpu.vector_load %arg6[%get3A_401] {strides = array<i32>} : memref<15232xf32, #tpu.memory_space<vmem>>, vector<16xf32>,
          %add3A_403 = arith.constant 48 : i32
          %add3A_404 = arith.addi %mul3A_390, %add3A_403 : i32
          %get3A_405 = arith.index_cast %add3A_404 : i32 to index
          %get3A_406 = tpu.vector_load %arg6[%get3A_405] {strides = array<i32>} : memref<15232xf32, #tpu.memory_space<vmem>>, vector<16xf32>,
          %add3A_407 = arith.constant 64 : i32
          %add3A_408 = arith.addi %mul3A_390, %add3A_407 : i32
          %get3A_409 = arith.index_cast %add3A_408 : i32 to index
          %get3A_410 = tpu.vector_load %arg6[%get3A_409] {strides = array<i32>} : memref<15232xf32, #tpu.memory_space<vmem>>, vector<16xf32>,
          %add3A_411 = arith.constant 80 : i32
          %add3A_412 = arith.addi %mul3A_390, %add3A_411 : i32
          %get3A_413 = arith.index_cast %add3A_412 : i32 to index
          %get3A_414 = tpu.vector_load %arg6[%get3A_413] {strides = array<i32>} : memref<15232xf32, #tpu.memory_space<vmem>>, vector<16xf32>,
          %add3A_415 = arith.constant 96 : i32
          %add3A_416 = arith.addi %mul3A_390, %add3A_415 : i32
          %get3A_417 = arith.index_cast %add3A_416 : i32 to index
          %get3A_418 = tpu.vector_load %arg6[%get3A_417] {strides = array<i32>} : memref<15232xf32, #tpu.memory_space<vmem>>, vector<16xf32>,
          %add3A_419 = arith.constant 112 : i32
          %add3A_420 = arith.addi %mul3A_390, %add3A_419 : i32
          %get3A_421 = arith.index_cast %add3A_420 : i32 to index
          %get3A_422 = tpu.vector_load %arg6[%get3A_421] {strides = array<i32>} : memref<15232xf32, #tpu.memory_space<vmem>>, vector<16xf32>,
          %swap3A_423 = arith.index_cast %add3A_386 : i32 to index
          %swap3A_424 = arith.constant 0 : index
          %swap3A_425 = tpu.vector_load %arg11[%swap3A_423, %swap3A_424] {strides = array<i32>} : memref<160x131xf32, #tpu.memory_space<vmem>>, vector<16xf32>,
          tpu.vector_store %arg11[%swap3A_423, %swap3A_424], %get3A_394 {strides = array<i32>} : memref<160x131xf32, #tpu.memory_space<vmem>>, vector<16xf32>,
          %swap3A_426 = arith.index_cast %add3A_386 : i32 to index
          %swap3A_427 = arith.constant 16 : index
          %swap3A_428 = tpu.vector_load %arg11[%swap3A_426, %swap3A_427] {strides = array<i32>} : memref<160x131xf32, #tpu.memory_space<vmem>>, vector<16xf32>,
          tpu.vector_store %arg11[%swap3A_426, %swap3A_427], %get3A_398 {strides = array<i32>} : memref<160x131xf32, #tpu.memory_space<vmem>>, vector<16xf32>,
          %swap3A_429 = arith.index_cast %add3A_386 : i32 to index
          %swap3A_430 = arith.constant 32 : index
          %swap3A_431 = tpu.vector_load %arg11[%swap3A_429, %swap3A_430] {strides = array<i32>} : memref<160x131xf32, #tpu.memory_space<vmem>>, vector<16xf32>,
          tpu.vector_store %arg11[%swap3A_429, %swap3A_430], %get3A_402 {strides = array<i32>} : memref<160x131xf32, #tpu.memory_space<vmem>>, vector<16xf32>,
          %swap3A_432 = arith.index_cast %add3A_386 : i32 to index
          %swap3A_433 = arith.constant 48 : index
          %swap3A_434 = tpu.vector_load %arg11[%swap3A_432, %swap3A_433] {strides = array<i32>} : memref<160x131xf32, #tpu.memory_space<vmem>>, vector<16xf32>,
          tpu.vector_store %arg11[%swap3A_432, %swap3A_433], %get3A_406 {strides = array<i32>} : memref<160x131xf32, #tpu.memory_space<vmem>>, vector<16xf32>,
          %swap3A_435 = arith.index_cast %add3A_386 : i32 to index
          %swap3A_436 = arith.constant 64 : index
          %swap3A_437 = tpu.vector_load %arg11[%swap3A_435, %swap3A_436] {strides = array<i32>} : memref<160x131xf32, #tpu.memory_space<vmem>>, vector<16xf32>,
          tpu.vector_store %arg11[%swap3A_435, %swap3A_436], %get3A_410 {strides = array<i32>} : memref<160x131xf32, #tpu.memory_space<vmem>>, vector<16xf32>,
          %swap3A_438 = arith.index_cast %add3A_386 : i32 to index
          %swap3A_439 = arith.constant 80 : index
          %swap3A_440 = tpu.vector_load %arg11[%swap3A_438, %swap3A_439] {strides = array<i32>} : memref<160x131xf32, #tpu.memory_space<vmem>>, vector<16xf32>,
          tpu.vector_store %arg11[%swap3A_438, %swap3A_439], %get3A_414 {strides = array<i32>} : memref<160x131xf32, #tpu.memory_space<vmem>>, vector<16xf32>,
          %swap3A_441 = arith.index_cast %add3A_386 : i32 to index
          %swap3A_442 = arith.constant 96 : index
          %swap3A_443 = tpu.vector_load %arg11[%swap3A_441, %swap3A_442] {strides = array<i32>} : memref<160x131xf32, #tpu.memory_space<vmem>>, vector<16xf32>,
          tpu.vector_store %arg11[%swap3A_441, %swap3A_442], %get3A_418 {strides = array<i32>} : memref<160x131xf32, #tpu.memory_space<vmem>>, vector<16xf32>,
          %swap3A_444 = arith.index_cast %add3A_386 : i32 to index
          %swap3A_445 = arith.constant 112 : index
          %swap3A_446 = tpu.vector_load %arg11[%swap3A_444, %swap3A_445] {strides = array<i32>} : memref<160x131xf32, #tpu.memory_space<vmem>>, vector<16xf32>,
          tpu.vector_store %arg11[%swap3A_444, %swap3A_445], %get3A_422 {strides = array<i32>} : memref<160x131xf32, #tpu.memory_space<vmem>>, vector<16xf32>,
          %mul3A_447 = arith.constant 16 : i32
          %mul3A_448 = arith.muli %scan3A_126, %mul3A_447 : i32
          %add3A_449 = arith.constant 5 : i32
          %add3A_450 = arith.addi %mul3A_448, %add3A_449 : i32
          %slice3A_451 = vector.extract_strided_slice %get3A_129 {offsets = [5], sizes = [1], strides = [1]} : vector<16xi32> to vector<1xi32>
          %squeeze3A_452 = vector.extract %slice3A_451[0] : i32 from vector<1xi32>
          %mul3A_453 = arith.constant 128 : i32
          %mul3A_454 = arith.muli %squeeze3A_452, %mul3A_453 : i32
          %add3A_455 = arith.constant 0 : i32
          %add3A_456 = arith.addi %mul3A_454, %add3A_455 : i32
          %get3A_457 = arith.index_cast %add3A_456 : i32 to index
          %get3A_458 = tpu.vector_load %arg6[%get3A_457] {strides = array<i32>} : memref<15232xf32, #tpu.memory_space<vmem>>, vector<16xf32>,
          %add3A_459 = arith.constant 16 : i32
          %add3A_460 = arith.addi %mul3A_454, %add3A_459 : i32
          %get3A_461 = arith.index_cast %add3A_460 : i32 to index
          %get3A_462 = tpu.vector_load %arg6[%get3A_461] {strides = array<i32>} : memref<15232xf32, #tpu.memory_space<vmem>>, vector<16xf32>,
          %add3A_463 = arith.constant 32 : i32
          %add3A_464 = arith.addi %mul3A_454, %add3A_463 : i32
          %get3A_465 = arith.index_cast %add3A_464 : i32 to index
          %get3A_466 = tpu.vector_load %arg6[%get3A_465] {strides = array<i32>} : memref<15232xf32, #tpu.memory_space<vmem>>, vector<16xf32>,
          %add3A_467 = arith.constant 48 : i32
          %add3A_468 = arith.addi %mul3A_454, %add3A_467 : i32
          %get3A_469 = arith.index_cast %add3A_468 : i32 to index
          %get3A_470 = tpu.vector_load %arg6[%get3A_469] {strides = array<i32>} : memref<15232xf32, #tpu.memory_space<vmem>>, vector<16xf32>,
          %add3A_471 = arith.constant 64 : i32
          %add3A_472 = arith.addi %mul3A_454, %add3A_471 : i32
          %get3A_473 = arith.index_cast %add3A_472 : i32 to index
          %get3A_474 = tpu.vector_load %arg6[%get3A_473] {strides = array<i32>} : memref<15232xf32, #tpu.memory_space<vmem>>, vector<16xf32>,
          %add3A_475 = arith.constant 80 : i32
          %add3A_476 = arith.addi %mul3A_454, %add3A_475 : i32
          %get3A_477 = arith.index_cast %add3A_476 : i32 to index
          %get3A_478 = tpu.vector_load %arg6[%get3A_477] {strides = array<i32>} : memref<15232xf32, #tpu.memory_space<vmem>>, vector<16xf32>,
          %add3A_479 = arith.constant 96 : i32
          %add3A_480 = arith.addi %mul3A_454, %add3A_479 : i32
          %get3A_481 = arith.index_cast %add3A_480 : i32 to index
          %get3A_482 = tpu.vector_load %arg6[%get3A_481] {strides = array<i32>} : memref<15232xf32, #tpu.memory_space<vmem>>, vector<16xf32>,
          %add3A_483 = arith.constant 112 : i32
          %add3A_484 = arith.addi %mul3A_454, %add3A_483 : i32
          %get3A_485 = arith.index_cast %add3A_484 : i32 to index
          %get3A_486 = tpu.vector_load %arg6[%get3A_485] {strides = array<i32>} : memref<15232xf32, #tpu.memory_space<vmem>>, vector<16xf32>,
          %swap3A_487 = arith.index_cast %add3A_450 : i32 to index
          %swap3A_488 = arith.constant 0 : index
          %swap3A_489 = tpu.vector_load %arg11[%swap3A_487, %swap3A_488] {strides = array<i32>} : memref<160x131xf32, #tpu.memory_space<vmem>>, vector<16xf32>,
          tpu.vector_store %arg11[%swap3A_487, %swap3A_488], %get3A_458 {strides = array<i32>} : memref<160x131xf32, #tpu.memory_space<vmem>>, vector<16xf32>,
          %swap3A_490 = arith.index_cast %add3A_450 : i32 to index
          %swap3A_491 = arith.constant 16 : index
          %swap3A_492 = tpu.vector_load %arg11[%swap3A_490, %swap3A_491] {strides = array<i32>} : memref<160x131xf32, #tpu.memory_space<vmem>>, vector<16xf32>,
          tpu.vector_store %arg11[%swap3A_490, %swap3A_491], %get3A_462 {strides = array<i32>} : memref<160x131xf32, #tpu.memory_space<vmem>>, vector<16xf32>,
          %swap3A_493 = arith.index_cast %add3A_450 : i32 to index
          %swap3A_494 = arith.constant 32 : index
          %swap3A_495 = tpu.vector_load %arg11[%swap3A_493, %swap3A_494] {strides = array<i32>} : memref<160x131xf32, #tpu.memory_space<vmem>>, vector<16xf32>,
          tpu.vector_store %arg11[%swap3A_493, %swap3A_494], %get3A_466 {strides = array<i32>} : memref<160x131xf32, #tpu.memory_space<vmem>>, vector<16xf32>,
          %swap3A_496 = arith.index_cast %add3A_450 : i32 to index
          %swap3A_497 = arith.constant 48 : index
          %swap3A_498 = tpu.vector_load %arg11[%swap3A_496, %swap3A_497] {strides = array<i32>} : memref<160x131xf32, #tpu.memory_space<vmem>>, vector<16xf32>,
          tpu.vector_store %arg11[%swap3A_496, %swap3A_497], %get3A_470 {strides = array<i32>} : memref<160x131xf32, #tpu.memory_space<vmem>>, vector<16xf32>,
          %swap3A_499 = arith.index_cast %add3A_450 : i32 to index
          %swap3A_500 = arith.constant 64 : index
          %swap3A_501 = tpu.vector_load %arg11[%swap3A_499, %swap3A_500] {strides = array<i32>} : memref<160x131xf32, #tpu.memory_space<vmem>>, vector<16xf32>,
          tpu.vector_store %arg11[%swap3A_499, %swap3A_500], %get3A_474 {strides = array<i32>} : memref<160x131xf32, #tpu.memory_space<vmem>>, vector<16xf32>,
          %swap3A_502 = arith.index_cast %add3A_450 : i32 to index
          %swap3A_503 = arith.constant 80 : index
          %swap3A_504 = tpu.vector_load %arg11[%swap3A_502, %swap3A_503] {strides = array<i32>} : memref<160x131xf32, #tpu.memory_space<vmem>>, vector<16xf32>,
          tpu.vector_store %arg11[%swap3A_502, %swap3A_503], %get3A_478 {strides = array<i32>} : memref<160x131xf32, #tpu.memory_space<vmem>>, vector<16xf32>,
          %swap3A_505 = arith.index_cast %add3A_450 : i32 to index
          %swap3A_506 = arith.constant 96 : index
          %swap3A_507 = tpu.vector_load %arg11[%swap3A_505, %swap3A_506] {strides = array<i32>} : memref<160x131xf32, #tpu.memory_space<vmem>>, vector<16xf32>,
          tpu.vector_store %arg11[%swap3A_505, %swap3A_506], %get3A_482 {strides = array<i32>} : memref<160x131xf32, #tpu.memory_space<vmem>>, vector<16xf32>,
          %swap3A_508 = arith.index_cast %add3A_450 : i32 to index
          %swap3A_509 = arith.constant 112 : index
          %swap3A_510 = tpu.vector_load %arg11[%swap3A_508, %swap3A_509] {strides = array<i32>} : memref<160x131xf32, #tpu.memory_space<vmem>>, vector<16xf32>,
          tpu.vector_store %arg11[%swap3A_508, %swap3A_509], %get3A_486 {strides = array<i32>} : memref<160x131xf32, #tpu.memory_space<vmem>>, vector<16xf32>,
          %mul3A_511 = arith.constant 16 : i32
          %mul3A_512 = arith.muli %scan3A_126, %mul3A_511 : i32
          %add3A_513 = arith.constant 6 : i32
          %add3A_514 = arith.addi %mul3A_512, %add3A_513 : i32
          %slice3A_515 = vector.extract_strided_slice %get3A_129 {offsets = [6], sizes = [1], strides = [1]} : vector<16xi32> to vector<1xi32>
          %squeeze3A_516 = vector.extract %slice3A_515[0] : i32 from vector<1xi32>
          %mul3A_517 = arith.constant 128 : i32
          %mul3A_518 = arith.muli %squeeze3A_516, %mul3A_517 : i32
          %add3A_519 = arith.constant 0 : i32
          %add3A_520 = arith.addi %mul3A_518, %add3A_519 : i32
          %get3A_521 = arith.index_cast %add3A_520 : i32 to index
          %get3A_522 = tpu.vector_load %arg6[%get3A_521] {strides = array<i32>} : memref<15232xf32, #tpu.memory_space<vmem>>, vector<16xf32>,
          %add3A_523 = arith.constant 16 : i32
          %add3A_524 = arith.addi %mul3A_518, %add3A_523 : i32
          %get3A_525 = arith.index_cast %add3A_524 : i32 to index
          %get3A_526 = tpu.vector_load %arg6[%get3A_525] {strides = array<i32>} : memref<15232xf32, #tpu.memory_space<vmem>>, vector<16xf32>,
          %add3A_527 = arith.constant 32 : i32
          %add3A_528 = arith.addi %mul3A_518, %add3A_527 : i32
          %get3A_529 = arith.index_cast %add3A_528 : i32 to index
          %get3A_530 = tpu.vector_load %arg6[%get3A_529] {strides = array<i32>} : memref<15232xf32, #tpu.memory_space<vmem>>, vector<16xf32>,
          %add3A_531 = arith.constant 48 : i32
          %add3A_532 = arith.addi %mul3A_518, %add3A_531 : i32
          %get3A_533 = arith.index_cast %add3A_532 : i32 to index
          %get3A_534 = tpu.vector_load %arg6[%get3A_533] {strides = array<i32>} : memref<15232xf32, #tpu.memory_space<vmem>>, vector<16xf32>,
          %add3A_535 = arith.constant 64 : i32
          %add3A_536 = arith.addi %mul3A_518, %add3A_535 : i32
          %get3A_537 = arith.index_cast %add3A_536 : i32 to index
          %get3A_538 = tpu.vector_load %arg6[%get3A_537] {strides = array<i32>} : memref<15232xf32, #tpu.memory_space<vmem>>, vector<16xf32>,
          %add3A_539 = arith.constant 80 : i32
          %add3A_540 = arith.addi %mul3A_518, %add3A_539 : i32
          %get3A_541 = arith.index_cast %add3A_540 : i32 to index
          %get3A_542 = tpu.vector_load %arg6[%get3A_541] {strides = array<i32>} : memref<15232xf32, #tpu.memory_space<vmem>>, vector<16xf32>,
          %add3A_543 = arith.constant 96 : i32
          %add3A_544 = arith.addi %mul3A_518, %add3A_543 : i32
          %get3A_545 = arith.index_cast %add3A_544 : i32 to index
          %get3A_546 = tpu.vector_load %arg6[%get3A_545] {strides = array<i32>} : memref<15232xf32, #tpu.memory_space<vmem>>, vector<16xf32>,
          %add3A_547 = arith.constant 112 : i32
          %add3A_548 = arith.addi %mul3A_518, %add3A_547 : i32
          %get3A_549 = arith.index_cast %add3A_548 : i32 to index
          %get3A_550 = tpu.vector_load %arg6[%get3A_549] {strides = array<i32>} : memref<15232xf32, #tpu.memory_space<vmem>>, vector<16xf32>,
          %swap3A_551 = arith.index_cast %add3A_514 : i32 to index
          %swap3A_552 = arith.constant 0 : index
          %swap3A_553 = tpu.vector_load %arg11[%swap3A_551, %swap3A_552] {strides = array<i32>} : memref<160x131xf32, #tpu.memory_space<vmem>>, vector<16xf32>,
          tpu.vector_store %arg11[%swap3A_551, %swap3A_552], %get3A_522 {strides = array<i32>} : memref<160x131xf32, #tpu.memory_space<vmem>>, vector<16xf32>,
          %swap3A_554 = arith.index_cast %add3A_514 : i32 to index
          %swap3A_555 = arith.constant 16 : index
          %swap3A_556 = tpu.vector_load %arg11[%swap3A_554, %swap3A_555] {strides = array<i32>} : memref<160x131xf32, #tpu.memory_space<vmem>>, vector<16xf32>,
          tpu.vector_store %arg11[%swap3A_554, %swap3A_555], %get3A_526 {strides = array<i32>} : memref<160x131xf32, #tpu.memory_space<vmem>>, vector<16xf32>,
          %swap3A_557 = arith.index_cast %add3A_514 : i32 to index
          %swap3A_558 = arith.constant 32 : index
          %swap3A_559 = tpu.vector_load %arg11[%swap3A_557, %swap3A_558] {strides = array<i32>} : memref<160x131xf32, #tpu.memory_space<vmem>>, vector<16xf32>,
          tpu.vector_store %arg11[%swap3A_557, %swap3A_558], %get3A_530 {strides = array<i32>} : memref<160x131xf32, #tpu.memory_space<vmem>>, vector<16xf32>,
          %swap3A_560 = arith.index_cast %add3A_514 : i32 to index
          %swap3A_561 = arith.constant 48 : index
          %swap3A_562 = tpu.vector_load %arg11[%swap3A_560, %swap3A_561] {strides = array<i32>} : memref<160x131xf32, #tpu.memory_space<vmem>>, vector<16xf32>,
          tpu.vector_store %arg11[%swap3A_560, %swap3A_561], %get3A_534 {strides = array<i32>} : memref<160x131xf32, #tpu.memory_space<vmem>>, vector<16xf32>,
          %swap3A_563 = arith.index_cast %add3A_514 : i32 to index
          %swap3A_564 = arith.constant 64 : index
          %swap3A_565 = tpu.vector_load %arg11[%swap3A_563, %swap3A_564] {strides = array<i32>} : memref<160x131xf32, #tpu.memory_space<vmem>>, vector<16xf32>,
          tpu.vector_store %arg11[%swap3A_563, %swap3A_564], %get3A_538 {strides = array<i32>} : memref<160x131xf32, #tpu.memory_space<vmem>>, vector<16xf32>,
          %swap3A_566 = arith.index_cast %add3A_514 : i32 to index
          %swap3A_567 = arith.constant 80 : index
          %swap3A_568 = tpu.vector_load %arg11[%swap3A_566, %swap3A_567] {strides = array<i32>} : memref<160x131xf32, #tpu.memory_space<vmem>>, vector<16xf32>,
          tpu.vector_store %arg11[%swap3A_566, %swap3A_567], %get3A_542 {strides = array<i32>} : memref<160x131xf32, #tpu.memory_space<vmem>>, vector<16xf32>,
          %swap3A_569 = arith.index_cast %add3A_514 : i32 to index
          %swap3A_570 = arith.constant 96 : index
          %swap3A_571 = tpu.vector_load %arg11[%swap3A_569, %swap3A_570] {strides = array<i32>} : memref<160x131xf32, #tpu.memory_space<vmem>>, vector<16xf32>,
          tpu.vector_store %arg11[%swap3A_569, %swap3A_570], %get3A_546 {strides = array<i32>} : memref<160x131xf32, #tpu.memory_space<vmem>>, vector<16xf32>,
          %swap3A_572 = arith.index_cast %add3A_514 : i32 to index
          %swap3A_573 = arith.constant 112 : index
          %swap3A_574 = tpu.vector_load %arg11[%swap3A_572, %swap3A_573] {strides = array<i32>} : memref<160x131xf32, #tpu.memory_space<vmem>>, vector<16xf32>,
          tpu.vector_store %arg11[%swap3A_572, %swap3A_573], %get3A_550 {strides = array<i32>} : memref<160x131xf32, #tpu.memory_space<vmem>>, vector<16xf32>,
          %mul3A_575 = arith.constant 16 : i32
          %mul3A_576 = arith.muli %scan3A_126, %mul3A_575 : i32
          %add3A_577 = arith.constant 7 : i32
          %add3A_578 = arith.addi %mul3A_576, %add3A_577 : i32
          %slice3A_579 = vector.extract_strided_slice %get3A_129 {offsets = [7], sizes = [1], strides = [1]} : vector<16xi32> to vector<1xi32>
          %squeeze3A_580 = vector.extract %slice3A_579[0] : i32 from vector<1xi32>
          %mul3A_581 = arith.constant 128 : i32
          %mul3A_582 = arith.muli %squeeze3A_580, %mul3A_581 : i32
          %add3A_583 = arith.constant 0 : i32
          %add3A_584 = arith.addi %mul3A_582, %add3A_583 : i32
          %get3A_585 = arith.index_cast %add3A_584 : i32 to index
          %get3A_586 = tpu.vector_load %arg6[%get3A_585] {strides = array<i32>} : memref<15232xf32, #tpu.memory_space<vmem>>, vector<16xf32>,
          %add3A_587 = arith.constant 16 : i32
          %add3A_588 = arith.addi %mul3A_582, %add3A_587 : i32
          %get3A_589 = arith.index_cast %add3A_588 : i32 to index
          %get3A_590 = tpu.vector_load %arg6[%get3A_589] {strides = array<i32>} : memref<15232xf32, #tpu.memory_space<vmem>>, vector<16xf32>,
          %add3A_591 = arith.constant 32 : i32
          %add3A_592 = arith.addi %mul3A_582, %add3A_591 : i32
          %get3A_593 = arith.index_cast %add3A_592 : i32 to index
          %get3A_594 = tpu.vector_load %arg6[%get3A_593] {strides = array<i32>} : memref<15232xf32, #tpu.memory_space<vmem>>, vector<16xf32>,
          %add3A_595 = arith.constant 48 : i32
          %add3A_596 = arith.addi %mul3A_582, %add3A_595 : i32
          %get3A_597 = arith.index_cast %add3A_596 : i32 to index
          %get3A_598 = tpu.vector_load %arg6[%get3A_597] {strides = array<i32>} : memref<15232xf32, #tpu.memory_space<vmem>>, vector<16xf32>,
          %add3A_599 = arith.constant 64 : i32
          %add3A_600 = arith.addi %mul3A_582, %add3A_599 : i32
          %get3A_601 = arith.index_cast %add3A_600 : i32 to index
          %get3A_602 = tpu.vector_load %arg6[%get3A_601] {strides = array<i32>} : memref<15232xf32, #tpu.memory_space<vmem>>, vector<16xf32>,
          %add3A_603 = arith.constant 80 : i32
          %add3A_604 = arith.addi %mul3A_582, %add3A_603 : i32
          %get3A_605 = arith.index_cast %add3A_604 : i32 to index
          %get3A_606 = tpu.vector_load %arg6[%get3A_605] {strides = array<i32>} : memref<15232xf32, #tpu.memory_space<vmem>>, vector<16xf32>,
          %add3A_607 = arith.constant 96 : i32
          %add3A_608 = arith.addi %mul3A_582, %add3A_607 : i32
          %get3A_609 = arith.index_cast %add3A_608 : i32 to index
          %get3A_610 = tpu.vector_load %arg6[%get3A_609] {strides = array<i32>} : memref<15232xf32, #tpu.memory_space<vmem>>, vector<16xf32>,
          %add3A_611 = arith.constant 112 : i32
          %add3A_612 = arith.addi %mul3A_582, %add3A_611 : i32
          %get3A_613 = arith.index_cast %add3A_612 : i32 to index
          %get3A_614 = tpu.vector_load %arg6[%get3A_613] {strides = array<i32>} : memref<15232xf32, #tpu.memory_space<vmem>>, vector<16xf32>,
          %swap3A_615 = arith.index_cast %add3A_578 : i32 to index
          %swap3A_616 = arith.constant 0 : index
          %swap3A_617 = tpu.vector_load %arg11[%swap3A_615, %swap3A_616] {strides = array<i32>} : memref<160x131xf32, #tpu.memory_space<vmem>>, vector<16xf32>,
          tpu.vector_store %arg11[%swap3A_615, %swap3A_616], %get3A_586 {strides = array<i32>} : memref<160x131xf32, #tpu.memory_space<vmem>>, vector<16xf32>,
          %swap3A_618 = arith.index_cast %add3A_578 : i32 to index
          %swap3A_619 = arith.constant 16 : index
          %swap3A_620 = tpu.vector_load %arg11[%swap3A_618, %swap3A_619] {strides = array<i32>} : memref<160x131xf32, #tpu.memory_space<vmem>>, vector<16xf32>,
          tpu.vector_store %arg11[%swap3A_618, %swap3A_619], %get3A_590 {strides = array<i32>} : memref<160x131xf32, #tpu.memory_space<vmem>>, vector<16xf32>,
          %swap3A_621 = arith.index_cast %add3A_578 : i32 to index
          %swap3A_622 = arith.constant 32 : index
          %swap3A_623 = tpu.vector_load %arg11[%swap3A_621, %swap3A_622] {strides = array<i32>} : memref<160x131xf32, #tpu.memory_space<vmem>>, vector<16xf32>,
          tpu.vector_store %arg11[%swap3A_621, %swap3A_622], %get3A_594 {strides = array<i32>} : memref<160x131xf32, #tpu.memory_space<vmem>>, vector<16xf32>,
          %swap3A_624 = arith.index_cast %add3A_578 : i32 to index
          %swap3A_625 = arith.constant 48 : index
          %swap3A_626 = tpu.vector_load %arg11[%swap3A_624, %swap3A_625] {strides = array<i32>} : memref<160x131xf32, #tpu.memory_space<vmem>>, vector<16xf32>,
          tpu.vector_store %arg11[%swap3A_624, %swap3A_625], %get3A_598 {strides = array<i32>} : memref<160x131xf32, #tpu.memory_space<vmem>>, vector<16xf32>,
          %swap3A_627 = arith.index_cast %add3A_578 : i32 to index
          %swap3A_628 = arith.constant 64 : index
          %swap3A_629 = tpu.vector_load %arg11[%swap3A_627, %swap3A_628] {strides = array<i32>} : memref<160x131xf32, #tpu.memory_space<vmem>>, vector<16xf32>,
          tpu.vector_store %arg11[%swap3A_627, %swap3A_628], %get3A_602 {strides = array<i32>} : memref<160x131xf32, #tpu.memory_space<vmem>>, vector<16xf32>,
          %swap3A_630 = arith.index_cast %add3A_578 : i32 to index
          %swap3A_631 = arith.constant 80 : index
          %swap3A_632 = tpu.vector_load %arg11[%swap3A_630, %swap3A_631] {strides = array<i32>} : memref<160x131xf32, #tpu.memory_space<vmem>>, vector<16xf32>,
          tpu.vector_store %arg11[%swap3A_630, %swap3A_631], %get3A_606 {strides = array<i32>} : memref<160x131xf32, #tpu.memory_space<vmem>>, vector<16xf32>,
          %swap3A_633 = arith.index_cast %add3A_578 : i32 to index
          %swap3A_634 = arith.constant 96 : index
          %swap3A_635 = tpu.vector_load %arg11[%swap3A_633, %swap3A_634] {strides = array<i32>} : memref<160x131xf32, #tpu.memory_space<vmem>>, vector<16xf32>,
          tpu.vector_store %arg11[%swap3A_633, %swap3A_634], %get3A_610 {strides = array<i32>} : memref<160x131xf32, #tpu.memory_space<vmem>>, vector<16xf32>,
          %swap3A_636 = arith.index_cast %add3A_578 : i32 to index
          %swap3A_637 = arith.constant 112 : index
          %swap3A_638 = tpu.vector_load %arg11[%swap3A_636, %swap3A_637] {strides = array<i32>} : memref<160x131xf32, #tpu.memory_space<vmem>>, vector<16xf32>,
          tpu.vector_store %arg11[%swap3A_636, %swap3A_637], %get3A_614 {strides = array<i32>} : memref<160x131xf32, #tpu.memory_space<vmem>>, vector<16xf32>,
          %mul3A_639 = arith.constant 16 : i32
          %mul3A_640 = arith.muli %scan3A_126, %mul3A_639 : i32
          %add3A_641 = arith.constant 8 : i32
          %add3A_642 = arith.addi %mul3A_640, %add3A_641 : i32
          %slice3A_643 = vector.extract_strided_slice %get3A_129 {offsets = [8], sizes = [1], strides = [1]} : vector<16xi32> to vector<1xi32>
          %squeeze3A_644 = vector.extract %slice3A_643[0] : i32 from vector<1xi32>
          %mul3A_645 = arith.constant 128 : i32
          %mul3A_646 = arith.muli %squeeze3A_644, %mul3A_645 : i32
          %add3A_647 = arith.constant 0 : i32
          %add3A_648 = arith.addi %mul3A_646, %add3A_647 : i32
          %get3A_649 = arith.index_cast %add3A_648 : i32 to index
          %get3A_650 = tpu.vector_load %arg6[%get3A_649] {strides = array<i32>} : memref<15232xf32, #tpu.memory_space<vmem>>, vector<16xf32>,
          %add3A_651 = arith.constant 16 : i32
          %add3A_652 = arith.addi %mul3A_646, %add3A_651 : i32
          %get3A_653 = arith.index_cast %add3A_652 : i32 to index
          %get3A_654 = tpu.vector_load %arg6[%get3A_653] {strides = array<i32>} : memref<15232xf32, #tpu.memory_space<vmem>>, vector<16xf32>,
          %add3A_655 = arith.constant 32 : i32
          %add3A_656 = arith.addi %mul3A_646, %add3A_655 : i32
          %get3A_657 = arith.index_cast %add3A_656 : i32 to index
          %get3A_658 = tpu.vector_load %arg6[%get3A_657] {strides = array<i32>} : memref<15232xf32, #tpu.memory_space<vmem>>, vector<16xf32>,
          %add3A_659 = arith.constant 48 : i32
          %add3A_660 = arith.addi %mul3A_646, %add3A_659 : i32
          %get3A_661 = arith.index_cast %add3A_660 : i32 to index
          %get3A_662 = tpu.vector_load %arg6[%get3A_661] {strides = array<i32>} : memref<15232xf32, #tpu.memory_space<vmem>>, vector<16xf32>,
          %add3A_663 = arith.constant 64 : i32
          %add3A_664 = arith.addi %mul3A_646, %add3A_663 : i32
          %get3A_665 = arith.index_cast %add3A_664 : i32 to index
          %get3A_666 = tpu.vector_load %arg6[%get3A_665] {strides = array<i32>} : memref<15232xf32, #tpu.memory_space<vmem>>, vector<16xf32>,
          %add3A_667 = arith.constant 80 : i32
          %add3A_668 = arith.addi %mul3A_646, %add3A_667 : i32
          %get3A_669 = arith.index_cast %add3A_668 : i32 to index
          %get3A_670 = tpu.vector_load %arg6[%get3A_669] {strides = array<i32>} : memref<15232xf32, #tpu.memory_space<vmem>>, vector<16xf32>,
          %add3A_671 = arith.constant 96 : i32
          %add3A_672 = arith.addi %mul3A_646, %add3A_671 : i32
          %get3A_673 = arith.index_cast %add3A_672 : i32 to index
          %get3A_674 = tpu.vector_load %arg6[%get3A_673] {strides = array<i32>} : memref<15232xf32, #tpu.memory_space<vmem>>, vector<16xf32>,
          %add3A_675 = arith.constant 112 : i32
          %add3A_676 = arith.addi %mul3A_646, %add3A_675 : i32
          %get3A_677 = arith.index_cast %add3A_676 : i32 to index
          %get3A_678 = tpu.vector_load %arg6[%get3A_677] {strides = array<i32>} : memref<15232xf32, #tpu.memory_space<vmem>>, vector<16xf32>,
          %swap3A_679 = arith.index_cast %add3A_642 : i32 to index
          %swap3A_680 = arith.constant 0 : index
          %swap3A_681 = tpu.vector_load %arg11[%swap3A_679, %swap3A_680] {strides = array<i32>} : memref<160x131xf32, #tpu.memory_space<vmem>>, vector<16xf32>,
          tpu.vector_store %arg11[%swap3A_679, %swap3A_680], %get3A_650 {strides = array<i32>} : memref<160x131xf32, #tpu.memory_space<vmem>>, vector<16xf32>,
          %swap3A_682 = arith.index_cast %add3A_642 : i32 to index
          %swap3A_683 = arith.constant 16 : index
          %swap3A_684 = tpu.vector_load %arg11[%swap3A_682, %swap3A_683] {strides = array<i32>} : memref<160x131xf32, #tpu.memory_space<vmem>>, vector<16xf32>,
          tpu.vector_store %arg11[%swap3A_682, %swap3A_683], %get3A_654 {strides = array<i32>} : memref<160x131xf32, #tpu.memory_space<vmem>>, vector<16xf32>,
          %swap3A_685 = arith.index_cast %add3A_642 : i32 to index
          %swap3A_686 = arith.constant 32 : index
          %swap3A_687 = tpu.vector_load %arg11[%swap3A_685, %swap3A_686] {strides = array<i32>} : memref<160x131xf32, #tpu.memory_space<vmem>>, vector<16xf32>,
          tpu.vector_store %arg11[%swap3A_685, %swap3A_686], %get3A_658 {strides = array<i32>} : memref<160x131xf32, #tpu.memory_space<vmem>>, vector<16xf32>,
          %swap3A_688 = arith.index_cast %add3A_642 : i32 to index
          %swap3A_689 = arith.constant 48 : index
          %swap3A_690 = tpu.vector_load %arg11[%swap3A_688, %swap3A_689] {strides = array<i32>} : memref<160x131xf32, #tpu.memory_space<vmem>>, vector<16xf32>,
          tpu.vector_store %arg11[%swap3A_688, %swap3A_689], %get3A_662 {strides = array<i32>} : memref<160x131xf32, #tpu.memory_space<vmem>>, vector<16xf32>,
          %swap3A_691 = arith.index_cast %add3A_642 : i32 to index
          %swap3A_692 = arith.constant 64 : index
          %swap3A_693 = tpu.vector_load %arg11[%swap3A_691, %swap3A_692] {strides = array<i32>} : memref<160x131xf32, #tpu.memory_space<vmem>>, vector<16xf32>,
          tpu.vector_store %arg11[%swap3A_691, %swap3A_692], %get3A_666 {strides = array<i32>} : memref<160x131xf32, #tpu.memory_space<vmem>>, vector<16xf32>,
          %swap3A_694 = arith.index_cast %add3A_642 : i32 to index
          %swap3A_695 = arith.constant 80 : index
          %swap3A_696 = tpu.vector_load %arg11[%swap3A_694, %swap3A_695] {strides = array<i32>} : memref<160x131xf32, #tpu.memory_space<vmem>>, vector<16xf32>,
          tpu.vector_store %arg11[%swap3A_694, %swap3A_695], %get3A_670 {strides = array<i32>} : memref<160x131xf32, #tpu.memory_space<vmem>>, vector<16xf32>,
          %swap3A_697 = arith.index_cast %add3A_642 : i32 to index
          %swap3A_698 = arith.constant 96 : index
          %swap3A_699 = tpu.vector_load %arg11[%swap3A_697, %swap3A_698] {strides = array<i32>} : memref<160x131xf32, #tpu.memory_space<vmem>>, vector<16xf32>,
          tpu.vector_store %arg11[%swap3A_697, %swap3A_698], %get3A_674 {strides = array<i32>} : memref<160x131xf32, #tpu.memory_space<vmem>>, vector<16xf32>,
          %swap3A_700 = arith.index_cast %add3A_642 : i32 to index
          %swap3A_701 = arith.constant 112 : index
          %swap3A_702 = tpu.vector_load %arg11[%swap3A_700, %swap3A_701] {strides = array<i32>} : memref<160x131xf32, #tpu.memory_space<vmem>>, vector<16xf32>,
          tpu.vector_store %arg11[%swap3A_700, %swap3A_701], %get3A_678 {strides = array<i32>} : memref<160x131xf32, #tpu.memory_space<vmem>>, vector<16xf32>,
          %mul3A_703 = arith.constant 16 : i32
          %mul3A_704 = arith.muli %scan3A_126, %mul3A_703 : i32
          %add3A_705 = arith.constant 9 : i32
          %add3A_706 = arith.addi %mul3A_704, %add3A_705 : i32
          %slice3A_707 = vector.extract_strided_slice %get3A_129 {offsets = [9], sizes = [1], strides = [1]} : vector<16xi32> to vector<1xi32>
          %squeeze3A_708 = vector.extract %slice3A_707[0] : i32 from vector<1xi32>
          %mul3A_709 = arith.constant 128 : i32
          %mul3A_710 = arith.muli %squeeze3A_708, %mul3A_709 : i32
          %add3A_711 = arith.constant 0 : i32
          %add3A_712 = arith.addi %mul3A_710, %add3A_711 : i32
          %get3A_713 = arith.index_cast %add3A_712 : i32 to index
          %get3A_714 = tpu.vector_load %arg6[%get3A_713] {strides = array<i32>} : memref<15232xf32, #tpu.memory_space<vmem>>, vector<16xf32>,
          %add3A_715 = arith.constant 16 : i32
          %add3A_716 = arith.addi %mul3A_710, %add3A_715 : i32
          %get3A_717 = arith.index_cast %add3A_716 : i32 to index
          %get3A_718 = tpu.vector_load %arg6[%get3A_717] {strides = array<i32>} : memref<15232xf32, #tpu.memory_space<vmem>>, vector<16xf32>,
          %add3A_719 = arith.constant 32 : i32
          %add3A_720 = arith.addi %mul3A_710, %add3A_719 : i32
          %get3A_721 = arith.index_cast %add3A_720 : i32 to index
          %get3A_722 = tpu.vector_load %arg6[%get3A_721] {strides = array<i32>} : memref<15232xf32, #tpu.memory_space<vmem>>, vector<16xf32>,
          %add3A_723 = arith.constant 48 : i32
          %add3A_724 = arith.addi %mul3A_710, %add3A_723 : i32
          %get3A_725 = arith.index_cast %add3A_724 : i32 to index
          %get3A_726 = tpu.vector_load %arg6[%get3A_725] {strides = array<i32>} : memref<15232xf32, #tpu.memory_space<vmem>>, vector<16xf32>,
          %add3A_727 = arith.constant 64 : i32
          %add3A_728 = arith.addi %mul3A_710, %add3A_727 : i32
          %get3A_729 = arith.index_cast %add3A_728 : i32 to index
          %get3A_730 = tpu.vector_load %arg6[%get3A_729] {strides = array<i32>} : memref<15232xf32, #tpu.memory_space<vmem>>, vector<16xf32>,
          %add3A_731 = arith.constant 80 : i32
          %add3A_732 = arith.addi %mul3A_710, %add3A_731 : i32
          %get3A_733 = arith.index_cast %add3A_732 : i32 to index
          %get3A_734 = tpu.vector_load %arg6[%get3A_733] {strides = array<i32>} : memref<15232xf32, #tpu.memory_space<vmem>>, vector<16xf32>,
          %add3A_735 = arith.constant 96 : i32
          %add3A_736 = arith.addi %mul3A_710, %add3A_735 : i32
          %get3A_737 = arith.index_cast %add3A_736 : i32 to index
          %get3A_738 = tpu.vector_load %arg6[%get3A_737] {strides = array<i32>} : memref<15232xf32, #tpu.memory_space<vmem>>, vector<16xf32>,
          %add3A_739 = arith.constant 112 : i32
          %add3A_740 = arith.addi %mul3A_710, %add3A_739 : i32
          %get3A_741 = arith.index_cast %add3A_740 : i32 to index
          %get3A_742 = tpu.vector_load %arg6[%get3A_741] {strides = array<i32>} : memref<15232xf32, #tpu.memory_space<vmem>>, vector<16xf32>,
          %swap3A_743 = arith.index_cast %add3A_706 : i32 to index
          %swap3A_744 = arith.constant 0 : index
          %swap3A_745 = tpu.vector_load %arg11[%swap3A_743, %swap3A_744] {strides = array<i32>} : memref<160x131xf32, #tpu.memory_space<vmem>>, vector<16xf32>,
          tpu.vector_store %arg11[%swap3A_743, %swap3A_744], %get3A_714 {strides = array<i32>} : memref<160x131xf32, #tpu.memory_space<vmem>>, vector<16xf32>,
          %swap3A_746 = arith.index_cast %add3A_706 : i32 to index
          %swap3A_747 = arith.constant 16 : index
          %swap3A_748 = tpu.vector_load %arg11[%swap3A_746, %swap3A_747] {strides = array<i32>} : memref<160x131xf32, #tpu.memory_space<vmem>>, vector<16xf32>,
          tpu.vector_store %arg11[%swap3A_746, %swap3A_747], %get3A_718 {strides = array<i32>} : memref<160x131xf32, #tpu.memory_space<vmem>>, vector<16xf32>,
          %swap3A_749 = arith.index_cast %add3A_706 : i32 to index
          %swap3A_750 = arith.constant 32 : index
          %swap3A_751 = tpu.vector_load %arg11[%swap3A_749, %swap3A_750] {strides = array<i32>} : memref<160x131xf32, #tpu.memory_space<vmem>>, vector<16xf32>,
          tpu.vector_store %arg11[%swap3A_749, %swap3A_750], %get3A_722 {strides = array<i32>} : memref<160x131xf32, #tpu.memory_space<vmem>>, vector<16xf32>,
          %swap3A_752 = arith.index_cast %add3A_706 : i32 to index
          %swap3A_753 = arith.constant 48 : index
          %swap3A_754 = tpu.vector_load %arg11[%swap3A_752, %swap3A_753] {strides = array<i32>} : memref<160x131xf32, #tpu.memory_space<vmem>>, vector<16xf32>,
          tpu.vector_store %arg11[%swap3A_752, %swap3A_753], %get3A_726 {strides = array<i32>} : memref<160x131xf32, #tpu.memory_space<vmem>>, vector<16xf32>,
          %swap3A_755 = arith.index_cast %add3A_706 : i32 to index
          %swap3A_756 = arith.constant 64 : index
          %swap3A_757 = tpu.vector_load %arg11[%swap3A_755, %swap3A_756] {strides = array<i32>} : memref<160x131xf32, #tpu.memory_space<vmem>>, vector<16xf32>,
          tpu.vector_store %arg11[%swap3A_755, %swap3A_756], %get3A_730 {strides = array<i32>} : memref<160x131xf32, #tpu.memory_space<vmem>>, vector<16xf32>,
          %swap3A_758 = arith.index_cast %add3A_706 : i32 to index
          %swap3A_759 = arith.constant 80 : index
          %swap3A_760 = tpu.vector_load %arg11[%swap3A_758, %swap3A_759] {strides = array<i32>} : memref<160x131xf32, #tpu.memory_space<vmem>>, vector<16xf32>,
          tpu.vector_store %arg11[%swap3A_758, %swap3A_759], %get3A_734 {strides = array<i32>} : memref<160x131xf32, #tpu.memory_space<vmem>>, vector<16xf32>,
          %swap3A_761 = arith.index_cast %add3A_706 : i32 to index
          %swap3A_762 = arith.constant 96 : index
          %swap3A_763 = tpu.vector_load %arg11[%swap3A_761, %swap3A_762] {strides = array<i32>} : memref<160x131xf32, #tpu.memory_space<vmem>>, vector<16xf32>,
          tpu.vector_store %arg11[%swap3A_761, %swap3A_762], %get3A_738 {strides = array<i32>} : memref<160x131xf32, #tpu.memory_space<vmem>>, vector<16xf32>,
          %swap3A_764 = arith.index_cast %add3A_706 : i32 to index
          %swap3A_765 = arith.constant 112 : index
          %swap3A_766 = tpu.vector_load %arg11[%swap3A_764, %swap3A_765] {strides = array<i32>} : memref<160x131xf32, #tpu.memory_space<vmem>>, vector<16xf32>,
          tpu.vector_store %arg11[%swap3A_764, %swap3A_765], %get3A_742 {strides = array<i32>} : memref<160x131xf32, #tpu.memory_space<vmem>>, vector<16xf32>,
          %mul3A_767 = arith.constant 16 : i32
          %mul3A_768 = arith.muli %scan3A_126, %mul3A_767 : i32
          %add3A_769 = arith.constant 10 : i32
          %add3A_770 = arith.addi %mul3A_768, %add3A_769 : i32
          %slice3A_771 = vector.extract_strided_slice %get3A_129 {offsets = [10], sizes = [1], strides = [1]} : vector<16xi32> to vector<1xi32>
          %squeeze3A_772 = vector.extract %slice3A_771[0] : i32 from vector<1xi32>
          %mul3A_773 = arith.constant 128 : i32
          %mul3A_774 = arith.muli %squeeze3A_772, %mul3A_773 : i32
          %add3A_775 = arith.constant 0 : i32
          %add3A_776 = arith.addi %mul3A_774, %add3A_775 : i32
          %get3A_777 = arith.index_cast %add3A_776 : i32 to index
          %get3A_778 = tpu.vector_load %arg6[%get3A_777] {strides = array<i32>} : memref<15232xf32, #tpu.memory_space<vmem>>, vector<16xf32>,
          %add3A_779 = arith.constant 16 : i32
          %add3A_780 = arith.addi %mul3A_774, %add3A_779 : i32
          %get3A_781 = arith.index_cast %add3A_780 : i32 to index
          %get3A_782 = tpu.vector_load %arg6[%get3A_781] {strides = array<i32>} : memref<15232xf32, #tpu.memory_space<vmem>>, vector<16xf32>,
          %add3A_783 = arith.constant 32 : i32
          %add3A_784 = arith.addi %mul3A_774, %add3A_783 : i32
          %get3A_785 = arith.index_cast %add3A_784 : i32 to index
          %get3A_786 = tpu.vector_load %arg6[%get3A_785] {strides = array<i32>} : memref<15232xf32, #tpu.memory_space<vmem>>, vector<16xf32>,
          %add3A_787 = arith.constant 48 : i32
          %add3A_788 = arith.addi %mul3A_774, %add3A_787 : i32
          %get3A_789 = arith.index_cast %add3A_788 : i32 to index
          %get3A_790 = tpu.vector_load %arg6[%get3A_789] {strides = array<i32>} : memref<15232xf32, #tpu.memory_space<vmem>>, vector<16xf32>,
          %add3A_791 = arith.constant 64 : i32
          %add3A_792 = arith.addi %mul3A_774, %add3A_791 : i32
          %get3A_793 = arith.index_cast %add3A_792 : i32 to index
          %get3A_794 = tpu.vector_load %arg6[%get3A_793] {strides = array<i32>} : memref<15232xf32, #tpu.memory_space<vmem>>, vector<16xf32>,
          %add3A_795 = arith.constant 80 : i32
          %add3A_796 = arith.addi %mul3A_774, %add3A_795 : i32
          %get3A_797 = arith.index_cast %add3A_796 : i32 to index
          %get3A_798 = tpu.vector_load %arg6[%get3A_797] {strides = array<i32>} : memref<15232xf32, #tpu.memory_space<vmem>>, vector<16xf32>,
          %add3A_799 = arith.constant 96 : i32
          %add3A_800 = arith.addi %mul3A_774, %add3A_799 : i32
          %get3A_801 = arith.index_cast %add3A_800 : i32 to index
          %get3A_802 = tpu.vector_load %arg6[%get3A_801] {strides = array<i32>} : memref<15232xf32, #tpu.memory_space<vmem>>, vector<16xf32>,
          %add3A_803 = arith.constant 112 : i32
          %add3A_804 = arith.addi %mul3A_774, %add3A_803 : i32
          %get3A_805 = arith.index_cast %add3A_804 : i32 to index
          %get3A_806 = tpu.vector_load %arg6[%get3A_805] {strides = array<i32>} : memref<15232xf32, #tpu.memory_space<vmem>>, vector<16xf32>,
          %swap3A_807 = arith.index_cast %add3A_770 : i32 to index
          %swap3A_808 = arith.constant 0 : index
          %swap3A_809 = tpu.vector_load %arg11[%swap3A_807, %swap3A_808] {strides = array<i32>} : memref<160x131xf32, #tpu.memory_space<vmem>>, vector<16xf32>,
          tpu.vector_store %arg11[%swap3A_807, %swap3A_808], %get3A_778 {strides = array<i32>} : memref<160x131xf32, #tpu.memory_space<vmem>>, vector<16xf32>,
          %swap3A_810 = arith.index_cast %add3A_770 : i32 to index
          %swap3A_811 = arith.constant 16 : index
          %swap3A_812 = tpu.vector_load %arg11[%swap3A_810, %swap3A_811] {strides = array<i32>} : memref<160x131xf32, #tpu.memory_space<vmem>>, vector<16xf32>,
          tpu.vector_store %arg11[%swap3A_810, %swap3A_811], %get3A_782 {strides = array<i32>} : memref<160x131xf32, #tpu.memory_space<vmem>>, vector<16xf32>,
          %swap3A_813 = arith.index_cast %add3A_770 : i32 to index
          %swap3A_814 = arith.constant 32 : index
          %swap3A_815 = tpu.vector_load %arg11[%swap3A_813, %swap3A_814] {strides = array<i32>} : memref<160x131xf32, #tpu.memory_space<vmem>>, vector<16xf32>,
          tpu.vector_store %arg11[%swap3A_813, %swap3A_814], %get3A_786 {strides = array<i32>} : memref<160x131xf32, #tpu.memory_space<vmem>>, vector<16xf32>,
          %swap3A_816 = arith.index_cast %add3A_770 : i32 to index
          %swap3A_817 = arith.constant 48 : index
          %swap3A_818 = tpu.vector_load %arg11[%swap3A_816, %swap3A_817] {strides = array<i32>} : memref<160x131xf32, #tpu.memory_space<vmem>>, vector<16xf32>,
          tpu.vector_store %arg11[%swap3A_816, %swap3A_817], %get3A_790 {strides = array<i32>} : memref<160x131xf32, #tpu.memory_space<vmem>>, vector<16xf32>,
          %swap3A_819 = arith.index_cast %add3A_770 : i32 to index
          %swap3A_820 = arith.constant 64 : index
          %swap3A_821 = tpu.vector_load %arg11[%swap3A_819, %swap3A_820] {strides = array<i32>} : memref<160x131xf32, #tpu.memory_space<vmem>>, vector<16xf32>,
          tpu.vector_store %arg11[%swap3A_819, %swap3A_820], %get3A_794 {strides = array<i32>} : memref<160x131xf32, #tpu.memory_space<vmem>>, vector<16xf32>,
          %swap3A_822 = arith.index_cast %add3A_770 : i32 to index
          %swap3A_823 = arith.constant 80 : index
          %swap3A_824 = tpu.vector_load %arg11[%swap3A_822, %swap3A_823] {strides = array<i32>} : memref<160x131xf32, #tpu.memory_space<vmem>>, vector<16xf32>,
          tpu.vector_store %arg11[%swap3A_822, %swap3A_823], %get3A_798 {strides = array<i32>} : memref<160x131xf32, #tpu.memory_space<vmem>>, vector<16xf32>,
          %swap3A_825 = arith.index_cast %add3A_770 : i32 to index
          %swap3A_826 = arith.constant 96 : index
          %swap3A_827 = tpu.vector_load %arg11[%swap3A_825, %swap3A_826] {strides = array<i32>} : memref<160x131xf32, #tpu.memory_space<vmem>>, vector<16xf32>,
          tpu.vector_store %arg11[%swap3A_825, %swap3A_826], %get3A_802 {strides = array<i32>} : memref<160x131xf32, #tpu.memory_space<vmem>>, vector<16xf32>,
          %swap3A_828 = arith.index_cast %add3A_770 : i32 to index
          %swap3A_829 = arith.constant 112 : index
          %swap3A_830 = tpu.vector_load %arg11[%swap3A_828, %swap3A_829] {strides = array<i32>} : memref<160x131xf32, #tpu.memory_space<vmem>>, vector<16xf32>,
          tpu.vector_store %arg11[%swap3A_828, %swap3A_829], %get3A_806 {strides = array<i32>} : memref<160x131xf32, #tpu.memory_space<vmem>>, vector<16xf32>,
          %mul3A_831 = arith.constant 16 : i32
          %mul3A_832 = arith.muli %scan3A_126, %mul3A_831 : i32
          %add3A_833 = arith.constant 11 : i32
          %add3A_834 = arith.addi %mul3A_832, %add3A_833 : i32
          %slice3A_835 = vector.extract_strided_slice %get3A_129 {offsets = [11], sizes = [1], strides = [1]} : vector<16xi32> to vector<1xi32>
          %squeeze3A_836 = vector.extract %slice3A_835[0] : i32 from vector<1xi32>
          %mul3A_837 = arith.constant 128 : i32
          %mul3A_838 = arith.muli %squeeze3A_836, %mul3A_837 : i32
          %add3A_839 = arith.constant 0 : i32
          %add3A_840 = arith.addi %mul3A_838, %add3A_839 : i32
          %get3A_841 = arith.index_cast %add3A_840 : i32 to index
          %get3A_842 = tpu.vector_load %arg6[%get3A_841] {strides = array<i32>} : memref<15232xf32, #tpu.memory_space<vmem>>, vector<16xf32>,
          %add3A_843 = arith.constant 16 : i32
          %add3A_844 = arith.addi %mul3A_838, %add3A_843 : i32
          %get3A_845 = arith.index_cast %add3A_844 : i32 to index
          %get3A_846 = tpu.vector_load %arg6[%get3A_845] {strides = array<i32>} : memref<15232xf32, #tpu.memory_space<vmem>>, vector<16xf32>,
          %add3A_847 = arith.constant 32 : i32
          %add3A_848 = arith.addi %mul3A_838, %add3A_847 : i32
          %get3A_849 = arith.index_cast %add3A_848 : i32 to index
          %get3A_850 = tpu.vector_load %arg6[%get3A_849] {strides = array<i32>} : memref<15232xf32, #tpu.memory_space<vmem>>, vector<16xf32>,
          %add3A_851 = arith.constant 48 : i32
          %add3A_852 = arith.addi %mul3A_838, %add3A_851 : i32
          %get3A_853 = arith.index_cast %add3A_852 : i32 to index
          %get3A_854 = tpu.vector_load %arg6[%get3A_853] {strides = array<i32>} : memref<15232xf32, #tpu.memory_space<vmem>>, vector<16xf32>,
          %add3A_855 = arith.constant 64 : i32
          %add3A_856 = arith.addi %mul3A_838, %add3A_855 : i32
          %get3A_857 = arith.index_cast %add3A_856 : i32 to index
          %get3A_858 = tpu.vector_load %arg6[%get3A_857] {strides = array<i32>} : memref<15232xf32, #tpu.memory_space<vmem>>, vector<16xf32>,
          %add3A_859 = arith.constant 80 : i32
          %add3A_860 = arith.addi %mul3A_838, %add3A_859 : i32
          %get3A_861 = arith.index_cast %add3A_860 : i32 to index
          %get3A_862 = tpu.vector_load %arg6[%get3A_861] {strides = array<i32>} : memref<15232xf32, #tpu.memory_space<vmem>>, vector<16xf32>,
          %add3A_863 = arith.constant 96 : i32
          %add3A_864 = arith.addi %mul3A_838, %add3A_863 : i32
          %get3A_865 = arith.index_cast %add3A_864 : i32 to index
          %get3A_866 = tpu.vector_load %arg6[%get3A_865] {strides = array<i32>} : memref<15232xf32, #tpu.memory_space<vmem>>, vector<16xf32>,
          %add3A_867 = arith.constant 112 : i32
          %add3A_868 = arith.addi %mul3A_838, %add3A_867 : i32
          %get3A_869 = arith.index_cast %add3A_868 : i32 to index
          %get3A_870 = tpu.vector_load %arg6[%get3A_869] {strides = array<i32>} : memref<15232xf32, #tpu.memory_space<vmem>>, vector<16xf32>,
          %swap3A_871 = arith.index_cast %add3A_834 : i32 to index
          %swap3A_872 = arith.constant 0 : index
          %swap3A_873 = tpu.vector_load %arg11[%swap3A_871, %swap3A_872] {strides = array<i32>} : memref<160x131xf32, #tpu.memory_space<vmem>>, vector<16xf32>,
          tpu.vector_store %arg11[%swap3A_871, %swap3A_872], %get3A_842 {strides = array<i32>} : memref<160x131xf32, #tpu.memory_space<vmem>>, vector<16xf32>,
          %swap3A_874 = arith.index_cast %add3A_834 : i32 to index
          %swap3A_875 = arith.constant 16 : index
          %swap3A_876 = tpu.vector_load %arg11[%swap3A_874, %swap3A_875] {strides = array<i32>} : memref<160x131xf32, #tpu.memory_space<vmem>>, vector<16xf32>,
          tpu.vector_store %arg11[%swap3A_874, %swap3A_875], %get3A_846 {strides = array<i32>} : memref<160x131xf32, #tpu.memory_space<vmem>>, vector<16xf32>,
          %swap3A_877 = arith.index_cast %add3A_834 : i32 to index
          %swap3A_878 = arith.constant 32 : index
          %swap3A_879 = tpu.vector_load %arg11[%swap3A_877, %swap3A_878] {strides = array<i32>} : memref<160x131xf32, #tpu.memory_space<vmem>>, vector<16xf32>,
          tpu.vector_store %arg11[%swap3A_877, %swap3A_878], %get3A_850 {strides = array<i32>} : memref<160x131xf32, #tpu.memory_space<vmem>>, vector<16xf32>,
          %swap3A_880 = arith.index_cast %add3A_834 : i32 to index
          %swap3A_881 = arith.constant 48 : index
          %swap3A_882 = tpu.vector_load %arg11[%swap3A_880, %swap3A_881] {strides = array<i32>} : memref<160x131xf32, #tpu.memory_space<vmem>>, vector<16xf32>,
          tpu.vector_store %arg11[%swap3A_880, %swap3A_881], %get3A_854 {strides = array<i32>} : memref<160x131xf32, #tpu.memory_space<vmem>>, vector<16xf32>,
          %swap3A_883 = arith.index_cast %add3A_834 : i32 to index
          %swap3A_884 = arith.constant 64 : index
          %swap3A_885 = tpu.vector_load %arg11[%swap3A_883, %swap3A_884] {strides = array<i32>} : memref<160x131xf32, #tpu.memory_space<vmem>>, vector<16xf32>,
          tpu.vector_store %arg11[%swap3A_883, %swap3A_884], %get3A_858 {strides = array<i32>} : memref<160x131xf32, #tpu.memory_space<vmem>>, vector<16xf32>,
          %swap3A_886 = arith.index_cast %add3A_834 : i32 to index
          %swap3A_887 = arith.constant 80 : index
          %swap3A_888 = tpu.vector_load %arg11[%swap3A_886, %swap3A_887] {strides = array<i32>} : memref<160x131xf32, #tpu.memory_space<vmem>>, vector<16xf32>,
          tpu.vector_store %arg11[%swap3A_886, %swap3A_887], %get3A_862 {strides = array<i32>} : memref<160x131xf32, #tpu.memory_space<vmem>>, vector<16xf32>,
          %swap3A_889 = arith.index_cast %add3A_834 : i32 to index
          %swap3A_890 = arith.constant 96 : index
          %swap3A_891 = tpu.vector_load %arg11[%swap3A_889, %swap3A_890] {strides = array<i32>} : memref<160x131xf32, #tpu.memory_space<vmem>>, vector<16xf32>,
          tpu.vector_store %arg11[%swap3A_889, %swap3A_890], %get3A_866 {strides = array<i32>} : memref<160x131xf32, #tpu.memory_space<vmem>>, vector<16xf32>,
          %swap3A_892 = arith.index_cast %add3A_834 : i32 to index
          %swap3A_893 = arith.constant 112 : index
          %swap3A_894 = tpu.vector_load %arg11[%swap3A_892, %swap3A_893] {strides = array<i32>} : memref<160x131xf32, #tpu.memory_space<vmem>>, vector<16xf32>,
          tpu.vector_store %arg11[%swap3A_892, %swap3A_893], %get3A_870 {strides = array<i32>} : memref<160x131xf32, #tpu.memory_space<vmem>>, vector<16xf32>,
          %mul3A_895 = arith.constant 16 : i32
          %mul3A_896 = arith.muli %scan3A_126, %mul3A_895 : i32
          %add3A_897 = arith.constant 12 : i32
          %add3A_898 = arith.addi %mul3A_896, %add3A_897 : i32
          %slice3A_899 = vector.extract_strided_slice %get3A_129 {offsets = [12], sizes = [1], strides = [1]} : vector<16xi32> to vector<1xi32>
          %squeeze3A_900 = vector.extract %slice3A_899[0] : i32 from vector<1xi32>
          %mul3A_901 = arith.constant 128 : i32
          %mul3A_902 = arith.muli %squeeze3A_900, %mul3A_901 : i32
          %add3A_903 = arith.constant 0 : i32
          %add3A_904 = arith.addi %mul3A_902, %add3A_903 : i32
          %get3A_905 = arith.index_cast %add3A_904 : i32 to index
          %get3A_906 = tpu.vector_load %arg6[%get3A_905] {strides = array<i32>} : memref<15232xf32, #tpu.memory_space<vmem>>, vector<16xf32>,
          %add3A_907 = arith.constant 16 : i32
          %add3A_908 = arith.addi %mul3A_902, %add3A_907 : i32
          %get3A_909 = arith.index_cast %add3A_908 : i32 to index
          %get3A_910 = tpu.vector_load %arg6[%get3A_909] {strides = array<i32>} : memref<15232xf32, #tpu.memory_space<vmem>>, vector<16xf32>,
          %add3A_911 = arith.constant 32 : i32
          %add3A_912 = arith.addi %mul3A_902, %add3A_911 : i32
          %get3A_913 = arith.index_cast %add3A_912 : i32 to index
          %get3A_914 = tpu.vector_load %arg6[%get3A_913] {strides = array<i32>} : memref<15232xf32, #tpu.memory_space<vmem>>, vector<16xf32>,
          %add3A_915 = arith.constant 48 : i32
          %add3A_916 = arith.addi %mul3A_902, %add3A_915 : i32
          %get3A_917 = arith.index_cast %add3A_916 : i32 to index
          %get3A_918 = tpu.vector_load %arg6[%get3A_917] {strides = array<i32>} : memref<15232xf32, #tpu.memory_space<vmem>>, vector<16xf32>,
          %add3A_919 = arith.constant 64 : i32
          %add3A_920 = arith.addi %mul3A_902, %add3A_919 : i32
          %get3A_921 = arith.index_cast %add3A_920 : i32 to index
          %get3A_922 = tpu.vector_load %arg6[%get3A_921] {strides = array<i32>} : memref<15232xf32, #tpu.memory_space<vmem>>, vector<16xf32>,
          %add3A_923 = arith.constant 80 : i32
          %add3A_924 = arith.addi %mul3A_902, %add3A_923 : i32
          %get3A_925 = arith.index_cast %add3A_924 : i32 to index
          %get3A_926 = tpu.vector_load %arg6[%get3A_925] {strides = array<i32>} : memref<15232xf32, #tpu.memory_space<vmem>>, vector<16xf32>,
          %add3A_927 = arith.constant 96 : i32
          %add3A_928 = arith.addi %mul3A_902, %add3A_927 : i32
          %get3A_929 = arith.index_cast %add3A_928 : i32 to index
          %get3A_930 = tpu.vector_load %arg6[%get3A_929] {strides = array<i32>} : memref<15232xf32, #tpu.memory_space<vmem>>, vector<16xf32>,
          %add3A_931 = arith.constant 112 : i32
          %add3A_932 = arith.addi %mul3A_902, %add3A_931 : i32
          %get3A_933 = arith.index_cast %add3A_932 : i32 to index
          %get3A_934 = tpu.vector_load %arg6[%get3A_933] {strides = array<i32>} : memref<15232xf32, #tpu.memory_space<vmem>>, vector<16xf32>,
          %swap3A_935 = arith.index_cast %add3A_898 : i32 to index
          %swap3A_936 = arith.constant 0 : index
          %swap3A_937 = tpu.vector_load %arg11[%swap3A_935, %swap3A_936] {strides = array<i32>} : memref<160x131xf32, #tpu.memory_space<vmem>>, vector<16xf32>,
          tpu.vector_store %arg11[%swap3A_935, %swap3A_936], %get3A_906 {strides = array<i32>} : memref<160x131xf32, #tpu.memory_space<vmem>>, vector<16xf32>,
          %swap3A_938 = arith.index_cast %add3A_898 : i32 to index
          %swap3A_939 = arith.constant 16 : index
          %swap3A_940 = tpu.vector_load %arg11[%swap3A_938, %swap3A_939] {strides = array<i32>} : memref<160x131xf32, #tpu.memory_space<vmem>>, vector<16xf32>,
          tpu.vector_store %arg11[%swap3A_938, %swap3A_939], %get3A_910 {strides = array<i32>} : memref<160x131xf32, #tpu.memory_space<vmem>>, vector<16xf32>,
          %swap3A_941 = arith.index_cast %add3A_898 : i32 to index
          %swap3A_942 = arith.constant 32 : index
          %swap3A_943 = tpu.vector_load %arg11[%swap3A_941, %swap3A_942] {strides = array<i32>} : memref<160x131xf32, #tpu.memory_space<vmem>>, vector<16xf32>,
          tpu.vector_store %arg11[%swap3A_941, %swap3A_942], %get3A_914 {strides = array<i32>} : memref<160x131xf32, #tpu.memory_space<vmem>>, vector<16xf32>,
          %swap3A_944 = arith.index_cast %add3A_898 : i32 to index
          %swap3A_945 = arith.constant 48 : index
          %swap3A_946 = tpu.vector_load %arg11[%swap3A_944, %swap3A_945] {strides = array<i32>} : memref<160x131xf32, #tpu.memory_space<vmem>>, vector<16xf32>,
          tpu.vector_store %arg11[%swap3A_944, %swap3A_945], %get3A_918 {strides = array<i32>} : memref<160x131xf32, #tpu.memory_space<vmem>>, vector<16xf32>,
          %swap3A_947 = arith.index_cast %add3A_898 : i32 to index
          %swap3A_948 = arith.constant 64 : index
          %swap3A_949 = tpu.vector_load %arg11[%swap3A_947, %swap3A_948] {strides = array<i32>} : memref<160x131xf32, #tpu.memory_space<vmem>>, vector<16xf32>,
          tpu.vector_store %arg11[%swap3A_947, %swap3A_948], %get3A_922 {strides = array<i32>} : memref<160x131xf32, #tpu.memory_space<vmem>>, vector<16xf32>,
          %swap3A_950 = arith.index_cast %add3A_898 : i32 to index
          %swap3A_951 = arith.constant 80 : index
          %swap3A_952 = tpu.vector_load %arg11[%swap3A_950, %swap3A_951] {strides = array<i32>} : memref<160x131xf32, #tpu.memory_space<vmem>>, vector<16xf32>,
          tpu.vector_store %arg11[%swap3A_950, %swap3A_951], %get3A_926 {strides = array<i32>} : memref<160x131xf32, #tpu.memory_space<vmem>>, vector<16xf32>,
          %swap3A_953 = arith.index_cast %add3A_898 : i32 to index
          %swap3A_954 = arith.constant 96 : index
          %swap3A_955 = tpu.vector_load %arg11[%swap3A_953, %swap3A_954] {strides = array<i32>} : memref<160x131xf32, #tpu.memory_space<vmem>>, vector<16xf32>,
          tpu.vector_store %arg11[%swap3A_953, %swap3A_954], %get3A_930 {strides = array<i32>} : memref<160x131xf32, #tpu.memory_space<vmem>>, vector<16xf32>,
          %swap3A_956 = arith.index_cast %add3A_898 : i32 to index
          %swap3A_957 = arith.constant 112 : index
          %swap3A_958 = tpu.vector_load %arg11[%swap3A_956, %swap3A_957] {strides = array<i32>} : memref<160x131xf32, #tpu.memory_space<vmem>>, vector<16xf32>,
          tpu.vector_store %arg11[%swap3A_956, %swap3A_957], %get3A_934 {strides = array<i32>} : memref<160x131xf32, #tpu.memory_space<vmem>>, vector<16xf32>,
          %mul3A_959 = arith.constant 16 : i32
          %mul3A_960 = arith.muli %scan3A_126, %mul3A_959 : i32
          %add3A_961 = arith.constant 13 : i32
          %add3A_962 = arith.addi %mul3A_960, %add3A_961 : i32
          %slice3A_963 = vector.extract_strided_slice %get3A_129 {offsets = [13], sizes = [1], strides = [1]} : vector<16xi32> to vector<1xi32>
          %squeeze3A_964 = vector.extract %slice3A_963[0] : i32 from vector<1xi32>
          %mul3A_965 = arith.constant 128 : i32
          %mul3A_966 = arith.muli %squeeze3A_964, %mul3A_965 : i32
          %add3A_967 = arith.constant 0 : i32
          %add3A_968 = arith.addi %mul3A_966, %add3A_967 : i32
          %get3A_969 = arith.index_cast %add3A_968 : i32 to index
          %get3A_970 = tpu.vector_load %arg6[%get3A_969] {strides = array<i32>} : memref<15232xf32, #tpu.memory_space<vmem>>, vector<16xf32>,
          %add3A_971 = arith.constant 16 : i32
          %add3A_972 = arith.addi %mul3A_966, %add3A_971 : i32
          %get3A_973 = arith.index_cast %add3A_972 : i32 to index
          %get3A_974 = tpu.vector_load %arg6[%get3A_973] {strides = array<i32>} : memref<15232xf32, #tpu.memory_space<vmem>>, vector<16xf32>,
          %add3A_975 = arith.constant 32 : i32
          %add3A_976 = arith.addi %mul3A_966, %add3A_975 : i32
          %get3A_977 = arith.index_cast %add3A_976 : i32 to index
          %get3A_978 = tpu.vector_load %arg6[%get3A_977] {strides = array<i32>} : memref<15232xf32, #tpu.memory_space<vmem>>, vector<16xf32>,
          %add3A_979 = arith.constant 48 : i32
          %add3A_980 = arith.addi %mul3A_966, %add3A_979 : i32
          %get3A_981 = arith.index_cast %add3A_980 : i32 to index
          %get3A_982 = tpu.vector_load %arg6[%get3A_981] {strides = array<i32>} : memref<15232xf32, #tpu.memory_space<vmem>>, vector<16xf32>,
          %add3A_983 = arith.constant 64 : i32
          %add3A_984 = arith.addi %mul3A_966, %add3A_983 : i32
          %get3A_985 = arith.index_cast %add3A_984 : i32 to index
          %get3A_986 = tpu.vector_load %arg6[%get3A_985] {strides = array<i32>} : memref<15232xf32, #tpu.memory_space<vmem>>, vector<16xf32>,
          %add3A_987 = arith.constant 80 : i32
          %add3A_988 = arith.addi %mul3A_966, %add3A_987 : i32
          %get3A_989 = arith.index_cast %add3A_988 : i32 to index
          %get3A_990 = tpu.vector_load %arg6[%get3A_989] {strides = array<i32>} : memref<15232xf32, #tpu.memory_space<vmem>>, vector<16xf32>,
          %add3A_991 = arith.constant 96 : i32
          %add3A_992 = arith.addi %mul3A_966, %add3A_991 : i32
          %get3A_993 = arith.index_cast %add3A_992 : i32 to index
          %get3A_994 = tpu.vector_load %arg6[%get3A_993] {strides = array<i32>} : memref<15232xf32, #tpu.memory_space<vmem>>, vector<16xf32>,
          %add3A_995 = arith.constant 112 : i32
          %add3A_996 = arith.addi %mul3A_966, %add3A_995 : i32
          %get3A_997 = arith.index_cast %add3A_996 : i32 to index
          %get3A_998 = tpu.vector_load %arg6[%get3A_997] {strides = array<i32>} : memref<15232xf32, #tpu.memory_space<vmem>>, vector<16xf32>,
          %swap3A_999 = arith.index_cast %add3A_962 : i32 to index
          %swap3A_1000 = arith.constant 0 : index
          %swap3A_1001 = tpu.vector_load %arg11[%swap3A_999, %swap3A_1000] {strides = array<i32>} : memref<160x131xf32, #tpu.memory_space<vmem>>, vector<16xf32>,
          tpu.vector_store %arg11[%swap3A_999, %swap3A_1000], %get3A_970 {strides = array<i32>} : memref<160x131xf32, #tpu.memory_space<vmem>>, vector<16xf32>,
          %swap3A_1002 = arith.index_cast %add3A_962 : i32 to index
          %swap3A_1003 = arith.constant 16 : index
          %swap3A_1004 = tpu.vector_load %arg11[%swap3A_1002, %swap3A_1003] {strides = array<i32>} : memref<160x131xf32, #tpu.memory_space<vmem>>, vector<16xf32>,
          tpu.vector_store %arg11[%swap3A_1002, %swap3A_1003], %get3A_974 {strides = array<i32>} : memref<160x131xf32, #tpu.memory_space<vmem>>, vector<16xf32>,
          %swap3A_1005 = arith.index_cast %add3A_962 : i32 to index
          %swap3A_1006 = arith.constant 32 : index
          %swap3A_1007 = tpu.vector_load %arg11[%swap3A_1005, %swap3A_1006] {strides = array<i32>} : memref<160x131xf32, #tpu.memory_space<vmem>>, vector<16xf32>,
          tpu.vector_store %arg11[%swap3A_1005, %swap3A_1006], %get3A_978 {strides = array<i32>} : memref<160x131xf32, #tpu.memory_space<vmem>>, vector<16xf32>,
          %swap3A_1008 = arith.index_cast %add3A_962 : i32 to index
          %swap3A_1009 = arith.constant 48 : index
          %swap3A_1010 = tpu.vector_load %arg11[%swap3A_1008, %swap3A_1009] {strides = array<i32>} : memref<160x131xf32, #tpu.memory_space<vmem>>, vector<16xf32>,
          tpu.vector_store %arg11[%swap3A_1008, %swap3A_1009], %get3A_982 {strides = array<i32>} : memref<160x131xf32, #tpu.memory_space<vmem>>, vector<16xf32>,
          %swap3A_1011 = arith.index_cast %add3A_962 : i32 to index
          %swap3A_1012 = arith.constant 64 : index
          %swap3A_1013 = tpu.vector_load %arg11[%swap3A_1011, %swap3A_1012] {strides = array<i32>} : memref<160x131xf32, #tpu.memory_space<vmem>>, vector<16xf32>,
          tpu.vector_store %arg11[%swap3A_1011, %swap3A_1012], %get3A_986 {strides = array<i32>} : memref<160x131xf32, #tpu.memory_space<vmem>>, vector<16xf32>,
          %swap3A_1014 = arith.index_cast %add3A_962 : i32 to index
          %swap3A_1015 = arith.constant 80 : index
          %swap3A_1016 = tpu.vector_load %arg11[%swap3A_1014, %swap3A_1015] {strides = array<i32>} : memref<160x131xf32, #tpu.memory_space<vmem>>, vector<16xf32>,
          tpu.vector_store %arg11[%swap3A_1014, %swap3A_1015], %get3A_990 {strides = array<i32>} : memref<160x131xf32, #tpu.memory_space<vmem>>, vector<16xf32>,
          %swap3A_1017 = arith.index_cast %add3A_962 : i32 to index
          %swap3A_1018 = arith.constant 96 : index
          %swap3A_1019 = tpu.vector_load %arg11[%swap3A_1017, %swap3A_1018] {strides = array<i32>} : memref<160x131xf32, #tpu.memory_space<vmem>>, vector<16xf32>,
          tpu.vector_store %arg11[%swap3A_1017, %swap3A_1018], %get3A_994 {strides = array<i32>} : memref<160x131xf32, #tpu.memory_space<vmem>>, vector<16xf32>,
          %swap3A_1020 = arith.index_cast %add3A_962 : i32 to index
          %swap3A_1021 = arith.constant 112 : index
          %swap3A_1022 = tpu.vector_load %arg11[%swap3A_1020, %swap3A_1021] {strides = array<i32>} : memref<160x131xf32, #tpu.memory_space<vmem>>, vector<16xf32>,
          tpu.vector_store %arg11[%swap3A_1020, %swap3A_1021], %get3A_998 {strides = array<i32>} : memref<160x131xf32, #tpu.memory_space<vmem>>, vector<16xf32>,
          %mul3A_1023 = arith.constant 16 : i32
          %mul3A_1024 = arith.muli %scan3A_126, %mul3A_1023 : i32
          %add3A_1025 = arith.constant 14 : i32
          %add3A_1026 = arith.addi %mul3A_1024, %add3A_1025 : i32
          %slice3A_1027 = vector.extract_strided_slice %get3A_129 {offsets = [14], sizes = [1], strides = [1]} : vector<16xi32> to vector<1xi32>
          %squeeze3A_1028 = vector.extract %slice3A_1027[0] : i32 from vector<1xi32>
          %mul3A_1029 = arith.constant 128 : i32
          %mul3A_1030 = arith.muli %squeeze3A_1028, %mul3A_1029 : i32
          %add3A_1031 = arith.constant 0 : i32
          %add3A_1032 = arith.addi %mul3A_1030, %add3A_1031 : i32
          %get3A_1033 = arith.index_cast %add3A_1032 : i32 to index
          %get3A_1034 = tpu.vector_load %arg6[%get3A_1033] {strides = array<i32>} : memref<15232xf32, #tpu.memory_space<vmem>>, vector<16xf32>,
          %add3A_1035 = arith.constant 16 : i32
          %add3A_1036 = arith.addi %mul3A_1030, %add3A_1035 : i32
          %get3A_1037 = arith.index_cast %add3A_1036 : i32 to index
          %get3A_1038 = tpu.vector_load %arg6[%get3A_1037] {strides = array<i32>} : memref<15232xf32, #tpu.memory_space<vmem>>, vector<16xf32>,
          %add3A_1039 = arith.constant 32 : i32
          %add3A_1040 = arith.addi %mul3A_1030, %add3A_1039 : i32
          %get3A_1041 = arith.index_cast %add3A_1040 : i32 to index
          %get3A_1042 = tpu.vector_load %arg6[%get3A_1041] {strides = array<i32>} : memref<15232xf32, #tpu.memory_space<vmem>>, vector<16xf32>,
          %add3A_1043 = arith.constant 48 : i32
          %add3A_1044 = arith.addi %mul3A_1030, %add3A_1043 : i32
          %get3A_1045 = arith.index_cast %add3A_1044 : i32 to index
          %get3A_1046 = tpu.vector_load %arg6[%get3A_1045] {strides = array<i32>} : memref<15232xf32, #tpu.memory_space<vmem>>, vector<16xf32>,
          %add3A_1047 = arith.constant 64 : i32
          %add3A_1048 = arith.addi %mul3A_1030, %add3A_1047 : i32
          %get3A_1049 = arith.index_cast %add3A_1048 : i32 to index
          %get3A_1050 = tpu.vector_load %arg6[%get3A_1049] {strides = array<i32>} : memref<15232xf32, #tpu.memory_space<vmem>>, vector<16xf32>,
          %add3A_1051 = arith.constant 80 : i32
          %add3A_1052 = arith.addi %mul3A_1030, %add3A_1051 : i32
          %get3A_1053 = arith.index_cast %add3A_1052 : i32 to index
          %get3A_1054 = tpu.vector_load %arg6[%get3A_1053] {strides = array<i32>} : memref<15232xf32, #tpu.memory_space<vmem>>, vector<16xf32>,
          %add3A_1055 = arith.constant 96 : i32
          %add3A_1056 = arith.addi %mul3A_1030, %add3A_1055 : i32
          %get3A_1057 = arith.index_cast %add3A_1056 : i32 to index
          %get3A_1058 = tpu.vector_load %arg6[%get3A_1057] {strides = array<i32>} : memref<15232xf32, #tpu.memory_space<vmem>>, vector<16xf32>,
          %add3A_1059 = arith.constant 112 : i32
          %add3A_1060 = arith.addi %mul3A_1030, %add3A_1059 : i32
          %get3A_1061 = arith.index_cast %add3A_1060 : i32 to index
          %get3A_1062 = tpu.vector_load %arg6[%get3A_1061] {strides = array<i32>} : memref<15232xf32, #tpu.memory_space<vmem>>, vector<16xf32>,
          %swap3A_1063 = arith.index_cast %add3A_1026 : i32 to index
          %swap3A_1064 = arith.constant 0 : index
          %swap3A_1065 = tpu.vector_load %arg11[%swap3A_1063, %swap3A_1064] {strides = array<i32>} : memref<160x131xf32, #tpu.memory_space<vmem>>, vector<16xf32>,
          tpu.vector_store %arg11[%swap3A_1063, %swap3A_1064], %get3A_1034 {strides = array<i32>} : memref<160x131xf32, #tpu.memory_space<vmem>>, vector<16xf32>,
          %swap3A_1066 = arith.index_cast %add3A_1026 : i32 to index
          %swap3A_1067 = arith.constant 16 : index
          %swap3A_1068 = tpu.vector_load %arg11[%swap3A_1066, %swap3A_1067] {strides = array<i32>} : memref<160x131xf32, #tpu.memory_space<vmem>>, vector<16xf32>,
          tpu.vector_store %arg11[%swap3A_1066, %swap3A_1067], %get3A_1038 {strides = array<i32>} : memref<160x131xf32, #tpu.memory_space<vmem>>, vector<16xf32>,
          %swap3A_1069 = arith.index_cast %add3A_1026 : i32 to index
          %swap3A_1070 = arith.constant 32 : index
          %swap3A_1071 = tpu.vector_load %arg11[%swap3A_1069, %swap3A_1070] {strides = array<i32>} : memref<160x131xf32, #tpu.memory_space<vmem>>, vector<16xf32>,
          tpu.vector_store %arg11[%swap3A_1069, %swap3A_1070], %get3A_1042 {strides = array<i32>} : memref<160x131xf32, #tpu.memory_space<vmem>>, vector<16xf32>,
          %swap3A_1072 = arith.index_cast %add3A_1026 : i32 to index
          %swap3A_1073 = arith.constant 48 : index
          %swap3A_1074 = tpu.vector_load %arg11[%swap3A_1072, %swap3A_1073] {strides = array<i32>} : memref<160x131xf32, #tpu.memory_space<vmem>>, vector<16xf32>,
          tpu.vector_store %arg11[%swap3A_1072, %swap3A_1073], %get3A_1046 {strides = array<i32>} : memref<160x131xf32, #tpu.memory_space<vmem>>, vector<16xf32>,
          %swap3A_1075 = arith.index_cast %add3A_1026 : i32 to index
          %swap3A_1076 = arith.constant 64 : index
          %swap3A_1077 = tpu.vector_load %arg11[%swap3A_1075, %swap3A_1076] {strides = array<i32>} : memref<160x131xf32, #tpu.memory_space<vmem>>, vector<16xf32>,
          tpu.vector_store %arg11[%swap3A_1075, %swap3A_1076], %get3A_1050 {strides = array<i32>} : memref<160x131xf32, #tpu.memory_space<vmem>>, vector<16xf32>,
          %swap3A_1078 = arith.index_cast %add3A_1026 : i32 to index
          %swap3A_1079 = arith.constant 80 : index
          %swap3A_1080 = tpu.vector_load %arg11[%swap3A_1078, %swap3A_1079] {strides = array<i32>} : memref<160x131xf32, #tpu.memory_space<vmem>>, vector<16xf32>,
          tpu.vector_store %arg11[%swap3A_1078, %swap3A_1079], %get3A_1054 {strides = array<i32>} : memref<160x131xf32, #tpu.memory_space<vmem>>, vector<16xf32>,
          %swap3A_1081 = arith.index_cast %add3A_1026 : i32 to index
          %swap3A_1082 = arith.constant 96 : index
          %swap3A_1083 = tpu.vector_load %arg11[%swap3A_1081, %swap3A_1082] {strides = array<i32>} : memref<160x131xf32, #tpu.memory_space<vmem>>, vector<16xf32>,
          tpu.vector_store %arg11[%swap3A_1081, %swap3A_1082], %get3A_1058 {strides = array<i32>} : memref<160x131xf32, #tpu.memory_space<vmem>>, vector<16xf32>,
          %swap3A_1084 = arith.index_cast %add3A_1026 : i32 to index
          %swap3A_1085 = arith.constant 112 : index
          %swap3A_1086 = tpu.vector_load %arg11[%swap3A_1084, %swap3A_1085] {strides = array<i32>} : memref<160x131xf32, #tpu.memory_space<vmem>>, vector<16xf32>,
          tpu.vector_store %arg11[%swap3A_1084, %swap3A_1085], %get3A_1062 {strides = array<i32>} : memref<160x131xf32, #tpu.memory_space<vmem>>, vector<16xf32>,
          %mul3A_1087 = arith.constant 16 : i32
          %mul3A_1088 = arith.muli %scan3A_126, %mul3A_1087 : i32
          %add3A_1089 = arith.constant 15 : i32
          %add3A_1090 = arith.addi %mul3A_1088, %add3A_1089 : i32
          %slice3A_1091 = vector.extract_strided_slice %get3A_129 {offsets = [15], sizes = [1], strides = [1]} : vector<16xi32> to vector<1xi32>
          %squeeze3A_1092 = vector.extract %slice3A_1091[0] : i32 from vector<1xi32>
          %mul3A_1093 = arith.constant 128 : i32
          %mul3A_1094 = arith.muli %squeeze3A_1092, %mul3A_1093 : i32
          %add3A_1095 = arith.constant 0 : i32
          %add3A_1096 = arith.addi %mul3A_1094, %add3A_1095 : i32
          %get3A_1097 = arith.index_cast %add3A_1096 : i32 to index
          %get3A_1098 = tpu.vector_load %arg6[%get3A_1097] {strides = array<i32>} : memref<15232xf32, #tpu.memory_space<vmem>>, vector<16xf32>,
          %add3A_1099 = arith.constant 16 : i32
          %add3A_1100 = arith.addi %mul3A_1094, %add3A_1099 : i32
          %get3A_1101 = arith.index_cast %add3A_1100 : i32 to index
          %get3A_1102 = tpu.vector_load %arg6[%get3A_1101] {strides = array<i32>} : memref<15232xf32, #tpu.memory_space<vmem>>, vector<16xf32>,
          %add3A_1103 = arith.constant 32 : i32
          %add3A_1104 = arith.addi %mul3A_1094, %add3A_1103 : i32
          %get3A_1105 = arith.index_cast %add3A_1104 : i32 to index
          %get3A_1106 = tpu.vector_load %arg6[%get3A_1105] {strides = array<i32>} : memref<15232xf32, #tpu.memory_space<vmem>>, vector<16xf32>,
          %add3A_1107 = arith.constant 48 : i32
          %add3A_1108 = arith.addi %mul3A_1094, %add3A_1107 : i32
          %get3A_1109 = arith.index_cast %add3A_1108 : i32 to index
          %get3A_1110 = tpu.vector_load %arg6[%get3A_1109] {strides = array<i32>} : memref<15232xf32, #tpu.memory_space<vmem>>, vector<16xf32>,
          %add3A_1111 = arith.constant 64 : i32
          %add3A_1112 = arith.addi %mul3A_1094, %add3A_1111 : i32
          %get3A_1113 = arith.index_cast %add3A_1112 : i32 to index
          %get3A_1114 = tpu.vector_load %arg6[%get3A_1113] {strides = array<i32>} : memref<15232xf32, #tpu.memory_space<vmem>>, vector<16xf32>,
          %add3A_1115 = arith.constant 80 : i32
          %add3A_1116 = arith.addi %mul3A_1094, %add3A_1115 : i32
          %get3A_1117 = arith.index_cast %add3A_1116 : i32 to index
          %get3A_1118 = tpu.vector_load %arg6[%get3A_1117] {strides = array<i32>} : memref<15232xf32, #tpu.memory_space<vmem>>, vector<16xf32>,
          %add3A_1119 = arith.constant 96 : i32
          %add3A_1120 = arith.addi %mul3A_1094, %add3A_1119 : i32
          %get3A_1121 = arith.index_cast %add3A_1120 : i32 to index
          %get3A_1122 = tpu.vector_load %arg6[%get3A_1121] {strides = array<i32>} : memref<15232xf32, #tpu.memory_space<vmem>>, vector<16xf32>,
          %add3A_1123 = arith.constant 112 : i32
          %add3A_1124 = arith.addi %mul3A_1094, %add3A_1123 : i32
          %get3A_1125 = arith.index_cast %add3A_1124 : i32 to index
          %get3A_1126 = tpu.vector_load %arg6[%get3A_1125] {strides = array<i32>} : memref<15232xf32, #tpu.memory_space<vmem>>, vector<16xf32>,
          %swap3A_1127 = arith.index_cast %add3A_1090 : i32 to index
          %swap3A_1128 = arith.constant 0 : index
          %swap3A_1129 = tpu.vector_load %arg11[%swap3A_1127, %swap3A_1128] {strides = array<i32>} : memref<160x131xf32, #tpu.memory_space<vmem>>, vector<16xf32>,
          tpu.vector_store %arg11[%swap3A_1127, %swap3A_1128], %get3A_1098 {strides = array<i32>} : memref<160x131xf32, #tpu.memory_space<vmem>>, vector<16xf32>,
          %swap3A_1130 = arith.index_cast %add3A_1090 : i32 to index
          %swap3A_1131 = arith.constant 16 : index
          %swap3A_1132 = tpu.vector_load %arg11[%swap3A_1130, %swap3A_1131] {strides = array<i32>} : memref<160x131xf32, #tpu.memory_space<vmem>>, vector<16xf32>,
          tpu.vector_store %arg11[%swap3A_1130, %swap3A_1131], %get3A_1102 {strides = array<i32>} : memref<160x131xf32, #tpu.memory_space<vmem>>, vector<16xf32>,
          %swap3A_1133 = arith.index_cast %add3A_1090 : i32 to index
          %swap3A_1134 = arith.constant 32 : index
          %swap3A_1135 = tpu.vector_load %arg11[%swap3A_1133, %swap3A_1134] {strides = array<i32>} : memref<160x131xf32, #tpu.memory_space<vmem>>, vector<16xf32>,
          tpu.vector_store %arg11[%swap3A_1133, %swap3A_1134], %get3A_1106 {strides = array<i32>} : memref<160x131xf32, #tpu.memory_space<vmem>>, vector<16xf32>,
          %swap3A_1136 = arith.index_cast %add3A_1090 : i32 to index
          %swap3A_1137 = arith.constant 48 : index
          %swap3A_1138 = tpu.vector_load %arg11[%swap3A_1136, %swap3A_1137] {strides = array<i32>} : memref<160x131xf32, #tpu.memory_space<vmem>>, vector<16xf32>,
          tpu.vector_store %arg11[%swap3A_1136, %swap3A_1137], %get3A_1110 {strides = array<i32>} : memref<160x131xf32, #tpu.memory_space<vmem>>, vector<16xf32>,
          %swap3A_1139 = arith.index_cast %add3A_1090 : i32 to index
          %swap3A_1140 = arith.constant 64 : index
          %swap3A_1141 = tpu.vector_load %arg11[%swap3A_1139, %swap3A_1140] {strides = array<i32>} : memref<160x131xf32, #tpu.memory_space<vmem>>, vector<16xf32>,
          tpu.vector_store %arg11[%swap3A_1139, %swap3A_1140], %get3A_1114 {strides = array<i32>} : memref<160x131xf32, #tpu.memory_space<vmem>>, vector<16xf32>,
          %swap3A_1142 = arith.index_cast %add3A_1090 : i32 to index
          %swap3A_1143 = arith.constant 80 : index
          %swap3A_1144 = tpu.vector_load %arg11[%swap3A_1142, %swap3A_1143] {strides = array<i32>} : memref<160x131xf32, #tpu.memory_space<vmem>>, vector<16xf32>,
          tpu.vector_store %arg11[%swap3A_1142, %swap3A_1143], %get3A_1118 {strides = array<i32>} : memref<160x131xf32, #tpu.memory_space<vmem>>, vector<16xf32>,
          %swap3A_1145 = arith.index_cast %add3A_1090 : i32 to index
          %swap3A_1146 = arith.constant 96 : index
          %swap3A_1147 = tpu.vector_load %arg11[%swap3A_1145, %swap3A_1146] {strides = array<i32>} : memref<160x131xf32, #tpu.memory_space<vmem>>, vector<16xf32>,
          tpu.vector_store %arg11[%swap3A_1145, %swap3A_1146], %get3A_1122 {strides = array<i32>} : memref<160x131xf32, #tpu.memory_space<vmem>>, vector<16xf32>,
          %swap3A_1148 = arith.index_cast %add3A_1090 : i32 to index
          %swap3A_1149 = arith.constant 112 : index
          %swap3A_1150 = tpu.vector_load %arg11[%swap3A_1148, %swap3A_1149] {strides = array<i32>} : memref<160x131xf32, #tpu.memory_space<vmem>>, vector<16xf32>,
          tpu.vector_store %arg11[%swap3A_1148, %swap3A_1149], %get3A_1126 {strides = array<i32>} : memref<160x131xf32, #tpu.memory_space<vmem>>, vector<16xf32>,
        }
        %scan3A_109 = arith.constant 10 : i32
        %scan3A_110 = arith.constant 0 : i32
        %scan3A_111 = arith.constant 0 : i32
        %scan3A_112 = arith.constant 10 : i32
        %scan3A_113 = arith.addi %scan3A_111, %scan3A_112 : i32
        %scan3A_114 = arith.constant 1 : i32
        scf.for %scan3A_126 = %scan3A_111 to %scan3A_113 step %scan3A_114  : i32 {
          %mul3A_127 = arith.constant 16 : i32
          %mul3A_128 = arith.muli %scan3A_126, %mul3A_127 : i32
          %get3A = arith.index_cast %mul3A_128 : i32 to index
          %get3A_129 = tpu.vector_load %arg9[%get3A] {strides = array<i32>} : memref<160xi32, #tpu.memory_space<vmem>>, vector<16xi32>,
          %iota3A = tpu.iota {dimensions = array<i32: 0>} : vector<16xi32>
          %mul3A_130 = arith.constant 16 : i32
          %mul3A_131 = arith.muli %scan3A_126, %mul3A_130 : i32
          %add3A_132 = vector.broadcast %mul3A_131 : i32 to vector<16xi32>
          %add3A_133 = arith.addi %iota3A, %add3A_132 : vector<16xi32>
          %add3A_134 = arith.constant 0 : i32
          %add3A_135 = vector.broadcast %add3A_134 : i32 to vector<16xi32>
          %add3A_136 = arith.addi %get3A_129, %add3A_135 : vector<16xi32>
          %gather3A = tpu.vector_load_idx %arg7[%add3A_136] : memref<384xf32, #tpu.memory_space<vmem>>[vector<16xi32>], vector<16xf32>,
          %broadcast_in_dim3A = arith.constant 128 : i32
          %broadcast_in_dim3A_137 = vector.broadcast %broadcast_in_dim3A : i32 to vector<16xi32>
          tpu.vector_store_idx %arg11[%add3A_133, %broadcast_in_dim3A_137], %gather3A : memref<160x131xf32, #tpu.memory_space<vmem>>[vector<16xi32>, vector<16xi32>], vector<16xf32>,
          %add3A_138 = arith.constant 128 : i32
          %add3A_139 = vector.broadcast %add3A_138 : i32 to vector<16xi32>
          %add3A_140 = arith.addi %get3A_129, %add3A_139 : vector<16xi32>
          %gather3A_141 = tpu.vector_load_idx %arg7[%add3A_140] : memref<384xf32, #tpu.memory_space<vmem>>[vector<16xi32>], vector<16xf32>,
          %broadcast_in_dim3A_142 = arith.constant 129 : i32
          %broadcast_in_dim3A_143 = vector.broadcast %broadcast_in_dim3A_142 : i32 to vector<16xi32>
          tpu.vector_store_idx %arg11[%add3A_133, %broadcast_in_dim3A_143], %gather3A_141 : memref<160x131xf32, #tpu.memory_space<vmem>>[vector<16xi32>, vector<16xi32>], vector<16xf32>,
          %add3A_144 = arith.constant 256 : i32
          %add3A_145 = vector.broadcast %add3A_144 : i32 to vector<16xi32>
          %add3A_146 = arith.addi %get3A_129, %add3A_145 : vector<16xi32>
          %gather3A_147 = tpu.vector_load_idx %arg7[%add3A_146] : memref<384xf32, #tpu.memory_space<vmem>>[vector<16xi32>], vector<16xf32>,
          %broadcast_in_dim3A_148 = arith.constant 130 : i32
          %broadcast_in_dim3A_149 = vector.broadcast %broadcast_in_dim3A_148 : i32 to vector<16xi32>
          tpu.vector_store_idx %arg11[%add3A_133, %broadcast_in_dim3A_149], %gather3A_147 : memref<160x131xf32, #tpu.memory_space<vmem>>[vector<16xi32>, vector<16xi32>], vector<16xf32>,
        }
        %scan3A_115 = arith.constant 10 : i32
        %add3A_116 = arith.constant 2 : i32
        %add3A_117 = arith.addi %add3A_86, %add3A_116 : i32
        %lt3A_118 = arith.cmpi slt, %add3A_117, %select_n3A : i32
        %convert_element_type3A_119 = arith.extui %lt3A_118 : i1 to i32
        %cond3A_120 = arith.constant 0 : i32
        %cond3A_121 = arith.cmpi ne, %convert_element_type3A_119, %cond3A_120 : i32
        scf.if %cond3A_121 {
          %add3A_126 = arith.constant 2 : i32
          %add3A_127 = arith.addi %add3A_86, %add3A_126 : i32
          %mul3A_128 = arith.constant 32 : i32
          %mul3A_129 = arith.muli %add3A_127, %mul3A_128 : i32
          %add3A_130 = arith.addi %add3A, %mul3A_129 : i32
          %mul3A_131 = arith.constant 160 : i32
          %mul3A_132 = arith.muli %add3A_130, %mul3A_131 : i32
          %dma_start3A_133 = tpu.memref_slice %arg4[%mul3A_132] : memref<100000xi32, #tpu.memory_space<hbm>> -> memref<160xi32, #tpu.memory_space<hbm>>
          %dma_start3A_134 = tpu.memref_slice %arg4[%mul3A_132] : memref<100000xi32, #tpu.memory_space<hbm>> -> memref<160xi32, #tpu.memory_space<hbm>>
          tpu.enqueue_dma source(%dma_start3A_134 : memref<160xi32, #tpu.memory_space<hbm>>) target(%arg9 : memref<160xi32, #tpu.memory_space<vmem>>) target_semaphore(%arg13 : memref<!tpu.dma_semaphore, #tpu.memory_space<semaphore_mem>>)
        } else {
        }
        %dma_start3A_122 = arith.constant 0 : i32
        %dma_start3A_123 = tpu.memref_slice %arg5[%mul3A_95, %dma_start3A_122] : memref<100000x131xf32, #tpu.memory_space<hbm>> -> memref<160x131xf32, #tpu.memory_space<hbm>>
        %dma_start3A_124 = arith.constant 0 : i32
        %dma_start3A_125 = tpu.memref_slice %arg5[%mul3A_95, %dma_start3A_124] : memref<100000x131xf32, #tpu.memory_space<hbm>> -> memref<160x131xf32, #tpu.memory_space<hbm>>
        tpu.enqueue_dma source(%arg11 : memref<160x131xf32, #tpu.memory_space<vmem>>) target(%dma_start3A_125 : memref<160x131xf32, #tpu.memory_space<hbm>>) target_semaphore(%arg15 : memref<!tpu.dma_semaphore, #tpu.memory_space<semaphore_mem>>)
      } else {
      }
    }
    %while3A_64 = arith.constant 1 : i32
    scf.for %while3A_75 = %while3A_62 to %while3A_58 step %while3A_64  : i32 {
      %mul3A_76 = arith.constant 2 : i32
      %mul3A_77 = arith.muli %mul3A_76, %while3A_75 : i32
      %add3A_78 = arith.constant 0 : i32
      %add3A_79 = arith.addi %mul3A_77, %add3A_78 : i32
      %lt3A = arith.cmpi slt, %add3A_79, %select_n3A : i32
      %convert_element_type3A_80 = arith.extui %lt3A : i1 to i32
      %cond3A_81 = arith.constant 0 : i32
      %cond3A_82 = arith.cmpi ne, %convert_element_type3A_80, %cond3A_81 : i32
      scf.if %cond3A_82 {
        %mul3A_91 = arith.constant 32 : i32
        %mul3A_92 = arith.muli %add3A_79, %mul3A_91 : i32
        %add3A_93 = arith.addi %add3A, %mul3A_92 : i32
        %mul3A_94 = arith.constant 160 : i32
        %mul3A_95 = arith.muli %add3A_93, %mul3A_94 : i32
        %dma_wait3A_96 = arith.constant 0 : i32
        %dma_wait3A_97 = tpu.memref_slice %arg4[%dma_wait3A_96] : memref<100000xi32, #tpu.memory_space<hbm>> -> memref<160xi32, #tpu.memory_space<hbm>>
        %dma_wait3A_98 = arith.constant 0 : i32
        %dma_wait3A_99 = tpu.memref_slice %arg4[%dma_wait3A_98] : memref<100000xi32, #tpu.memory_space<hbm>> -> memref<160xi32, #tpu.memory_space<hbm>>
        tpu.wait_dma2 semaphore(%arg12 : memref<!tpu.dma_semaphore, #tpu.memory_space<semaphore_mem>>) src(%dma_wait3A_99 : memref<160xi32, #tpu.memory_space<hbm>>) dst(%arg8 : memref<160xi32, #tpu.memory_space<vmem>>)
        %ge3A_100 = arith.constant 2 : i32
        %ge3A_101 = arith.cmpi sge, %add3A_79, %ge3A_100 : i32
        %convert_element_type3A_102 = arith.extui %ge3A_101 : i1 to i32
        %cond3A_103 = arith.constant 0 : i32
        %cond3A_104 = arith.cmpi ne, %convert_element_type3A_102, %cond3A_103 : i32
        scf.if %cond3A_104 {
          %dma_wait3A_126 = arith.constant 0 : i32
          %dma_wait3A_127 = arith.constant 0 : i32
          %dma_wait3A_128 = tpu.memref_slice %arg5[%dma_wait3A_126, %dma_wait3A_127] : memref<100000x131xf32, #tpu.memory_space<hbm>> -> memref<160x131xf32, #tpu.memory_space<hbm>>
          %dma_wait3A_129 = arith.constant 0 : i32
          %dma_wait3A_130 = arith.constant 0 : i32
          %dma_wait3A_131 = tpu.memref_slice %arg5[%dma_wait3A_129, %dma_wait3A_130] : memref<100000x131xf32, #tpu.memory_space<hbm>> -> memref<160x131xf32, #tpu.memory_space<hbm>>
          tpu.wait_dma2 semaphore(%arg14 : memref<!tpu.dma_semaphore, #tpu.memory_space<semaphore_mem>>) src(%arg10 : memref<160x131xf32, #tpu.memory_space<vmem>>) dst(%dma_wait3A_131 : memref<160x131xf32, #tpu.memory_space<hbm>>)
        } else {
        }
        %scan3A = arith.constant 0 : i32
        %scan3A_105 = arith.constant 0 : i32
        %scan3A_106 = arith.constant 10 : i32
        %scan3A_107 = arith.addi %scan3A_105, %scan3A_106 : i32
        %scan3A_108 = arith.constant 1 : i32
        scf.for %scan3A_126 = %scan3A_105 to %scan3A_107 step %scan3A_108  : i32 {
          %mul3A_127 = arith.constant 16 : i32
          %mul3A_128 = arith.muli %scan3A_126, %mul3A_127 : i32
          %get3A = arith.index_cast %mul3A_128 : i32 to index
          %get3A_129 = tpu.vector_load %arg8[%get3A] {strides = array<i32>} : memref<160xi32, #tpu.memory_space<vmem>>, vector<16xi32>,
          %mul3A_130 = arith.constant 16 : i32
          %mul3A_131 = arith.muli %scan3A_126, %mul3A_130 : i32
          %add3A_132 = arith.constant 0 : i32
          %add3A_133 = arith.addi %mul3A_131, %add3A_132 : i32
          %slice3A = vector.extract_strided_slice %get3A_129 {offsets = [0], sizes = [1], strides = [1]} : vector<16xi32> to vector<1xi32>
          %squeeze3A = vector.extract %slice3A[0] : i32 from vector<1xi32>
          %mul3A_134 = arith.constant 128 : i32
          %mul3A_135 = arith.muli %squeeze3A, %mul3A_134 : i32
          %add3A_136 = arith.constant 0 : i32
          %add3A_137 = arith.addi %mul3A_135, %add3A_136 : i32
          %get3A_138 = arith.index_cast %add3A_137 : i32 to index
          %get3A_139 = tpu.vector_load %arg6[%get3A_138] {strides = array<i32>} : memref<15232xf32, #tpu.memory_space<vmem>>, vector<16xf32>,
          %add3A_140 = arith.constant 16 : i32
          %add3A_141 = arith.addi %mul3A_135, %add3A_140 : i32
          %get3A_142 = arith.index_cast %add3A_141 : i32 to index
          %get3A_143 = tpu.vector_load %arg6[%get3A_142] {strides = array<i32>} : memref<15232xf32, #tpu.memory_space<vmem>>, vector<16xf32>,
          %add3A_144 = arith.constant 32 : i32
          %add3A_145 = arith.addi %mul3A_135, %add3A_144 : i32
          %get3A_146 = arith.index_cast %add3A_145 : i32 to index
          %get3A_147 = tpu.vector_load %arg6[%get3A_146] {strides = array<i32>} : memref<15232xf32, #tpu.memory_space<vmem>>, vector<16xf32>,
          %add3A_148 = arith.constant 48 : i32
          %add3A_149 = arith.addi %mul3A_135, %add3A_148 : i32
          %get3A_150 = arith.index_cast %add3A_149 : i32 to index
          %get3A_151 = tpu.vector_load %arg6[%get3A_150] {strides = array<i32>} : memref<15232xf32, #tpu.memory_space<vmem>>, vector<16xf32>,
          %add3A_152 = arith.constant 64 : i32
          %add3A_153 = arith.addi %mul3A_135, %add3A_152 : i32
          %get3A_154 = arith.index_cast %add3A_153 : i32 to index
          %get3A_155 = tpu.vector_load %arg6[%get3A_154] {strides = array<i32>} : memref<15232xf32, #tpu.memory_space<vmem>>, vector<16xf32>,
          %add3A_156 = arith.constant 80 : i32
          %add3A_157 = arith.addi %mul3A_135, %add3A_156 : i32
          %get3A_158 = arith.index_cast %add3A_157 : i32 to index
          %get3A_159 = tpu.vector_load %arg6[%get3A_158] {strides = array<i32>} : memref<15232xf32, #tpu.memory_space<vmem>>, vector<16xf32>,
          %add3A_160 = arith.constant 96 : i32
          %add3A_161 = arith.addi %mul3A_135, %add3A_160 : i32
          %get3A_162 = arith.index_cast %add3A_161 : i32 to index
          %get3A_163 = tpu.vector_load %arg6[%get3A_162] {strides = array<i32>} : memref<15232xf32, #tpu.memory_space<vmem>>, vector<16xf32>,
          %add3A_164 = arith.constant 112 : i32
          %add3A_165 = arith.addi %mul3A_135, %add3A_164 : i32
          %get3A_166 = arith.index_cast %add3A_165 : i32 to index
          %get3A_167 = tpu.vector_load %arg6[%get3A_166] {strides = array<i32>} : memref<15232xf32, #tpu.memory_space<vmem>>, vector<16xf32>,
          %swap3A = arith.index_cast %add3A_133 : i32 to index
          %swap3A_168 = arith.constant 0 : index
          %swap3A_169 = tpu.vector_load %arg10[%swap3A, %swap3A_168] {strides = array<i32>} : memref<160x131xf32, #tpu.memory_space<vmem>>, vector<16xf32>,
          tpu.vector_store %arg10[%swap3A, %swap3A_168], %get3A_139 {strides = array<i32>} : memref<160x131xf32, #tpu.memory_space<vmem>>, vector<16xf32>,
          %swap3A_170 = arith.index_cast %add3A_133 : i32 to index
          %swap3A_171 = arith.constant 16 : index
          %swap3A_172 = tpu.vector_load %arg10[%swap3A_170, %swap3A_171] {strides = array<i32>} : memref<160x131xf32, #tpu.memory_space<vmem>>, vector<16xf32>,
          tpu.vector_store %arg10[%swap3A_170, %swap3A_171], %get3A_143 {strides = array<i32>} : memref<160x131xf32, #tpu.memory_space<vmem>>, vector<16xf32>,
          %swap3A_173 = arith.index_cast %add3A_133 : i32 to index
          %swap3A_174 = arith.constant 32 : index
          %swap3A_175 = tpu.vector_load %arg10[%swap3A_173, %swap3A_174] {strides = array<i32>} : memref<160x131xf32, #tpu.memory_space<vmem>>, vector<16xf32>,
          tpu.vector_store %arg10[%swap3A_173, %swap3A_174], %get3A_147 {strides = array<i32>} : memref<160x131xf32, #tpu.memory_space<vmem>>, vector<16xf32>,
          %swap3A_176 = arith.index_cast %add3A_133 : i32 to index
          %swap3A_177 = arith.constant 48 : index
          %swap3A_178 = tpu.vector_load %arg10[%swap3A_176, %swap3A_177] {strides = array<i32>} : memref<160x131xf32, #tpu.memory_space<vmem>>, vector<16xf32>,
          tpu.vector_store %arg10[%swap3A_176, %swap3A_177], %get3A_151 {strides = array<i32>} : memref<160x131xf32, #tpu.memory_space<vmem>>, vector<16xf32>,
          %swap3A_179 = arith.index_cast %add3A_133 : i32 to index
          %swap3A_180 = arith.constant 64 : index
          %swap3A_181 = tpu.vector_load %arg10[%swap3A_179, %swap3A_180] {strides = array<i32>} : memref<160x131xf32, #tpu.memory_space<vmem>>, vector<16xf32>,
          tpu.vector_store %arg10[%swap3A_179, %swap3A_180], %get3A_155 {strides = array<i32>} : memref<160x131xf32, #tpu.memory_space<vmem>>, vector<16xf32>,
          %swap3A_182 = arith.index_cast %add3A_133 : i32 to index
          %swap3A_183 = arith.constant 80 : index
          %swap3A_184 = tpu.vector_load %arg10[%swap3A_182, %swap3A_183] {strides = array<i32>} : memref<160x131xf32, #tpu.memory_space<vmem>>, vector<16xf32>,
          tpu.vector_store %arg10[%swap3A_182, %swap3A_183], %get3A_159 {strides = array<i32>} : memref<160x131xf32, #tpu.memory_space<vmem>>, vector<16xf32>,
          %swap3A_185 = arith.index_cast %add3A_133 : i32 to index
          %swap3A_186 = arith.constant 96 : index
          %swap3A_187 = tpu.vector_load %arg10[%swap3A_185, %swap3A_186] {strides = array<i32>} : memref<160x131xf32, #tpu.memory_space<vmem>>, vector<16xf32>,
          tpu.vector_store %arg10[%swap3A_185, %swap3A_186], %get3A_163 {strides = array<i32>} : memref<160x131xf32, #tpu.memory_space<vmem>>, vector<16xf32>,
          %swap3A_188 = arith.index_cast %add3A_133 : i32 to index
          %swap3A_189 = arith.constant 112 : index
          %swap3A_190 = tpu.vector_load %arg10[%swap3A_188, %swap3A_189] {strides = array<i32>} : memref<160x131xf32, #tpu.memory_space<vmem>>, vector<16xf32>,
          tpu.vector_store %arg10[%swap3A_188, %swap3A_189], %get3A_167 {strides = array<i32>} : memref<160x131xf32, #tpu.memory_space<vmem>>, vector<16xf32>,
          %mul3A_191 = arith.constant 16 : i32
          %mul3A_192 = arith.muli %scan3A_126, %mul3A_191 : i32
          %add3A_193 = arith.constant 1 : i32
          %add3A_194 = arith.addi %mul3A_192, %add3A_193 : i32
          %slice3A_195 = vector.extract_strided_slice %get3A_129 {offsets = [1], sizes = [1], strides = [1]} : vector<16xi32> to vector<1xi32>
          %squeeze3A_196 = vector.extract %slice3A_195[0] : i32 from vector<1xi32>
          %mul3A_197 = arith.constant 128 : i32
          %mul3A_198 = arith.muli %squeeze3A_196, %mul3A_197 : i32
          %add3A_199 = arith.constant 0 : i32
          %add3A_200 = arith.addi %mul3A_198, %add3A_199 : i32
          %get3A_201 = arith.index_cast %add3A_200 : i32 to index
          %get3A_202 = tpu.vector_load %arg6[%get3A_201] {strides = array<i32>} : memref<15232xf32, #tpu.memory_space<vmem>>, vector<16xf32>,
          %add3A_203 = arith.constant 16 : i32
          %add3A_204 = arith.addi %mul3A_198, %add3A_203 : i32
          %get3A_205 = arith.index_cast %add3A_204 : i32 to index
          %get3A_206 = tpu.vector_load %arg6[%get3A_205] {strides = array<i32>} : memref<15232xf32, #tpu.memory_space<vmem>>, vector<16xf32>,
          %add3A_207 = arith.constant 32 : i32
          %add3A_208 = arith.addi %mul3A_198, %add3A_207 : i32
          %get3A_209 = arith.index_cast %add3A_208 : i32 to index
          %get3A_210 = tpu.vector_load %arg6[%get3A_209] {strides = array<i32>} : memref<15232xf32, #tpu.memory_space<vmem>>, vector<16xf32>,
          %add3A_211 = arith.constant 48 : i32
          %add3A_212 = arith.addi %mul3A_198, %add3A_211 : i32
          %get3A_213 = arith.index_cast %add3A_212 : i32 to index
          %get3A_214 = tpu.vector_load %arg6[%get3A_213] {strides = array<i32>} : memref<15232xf32, #tpu.memory_space<vmem>>, vector<16xf32>,
          %add3A_215 = arith.constant 64 : i32
          %add3A_216 = arith.addi %mul3A_198, %add3A_215 : i32
          %get3A_217 = arith.index_cast %add3A_216 : i32 to index
          %get3A_218 = tpu.vector_load %arg6[%get3A_217] {strides = array<i32>} : memref<15232xf32, #tpu.memory_space<vmem>>, vector<16xf32>,
          %add3A_219 = arith.constant 80 : i32
          %add3A_220 = arith.addi %mul3A_198, %add3A_219 : i32
          %get3A_221 = arith.index_cast %add3A_220 : i32 to index
          %get3A_222 = tpu.vector_load %arg6[%get3A_221] {strides = array<i32>} : memref<15232xf32, #tpu.memory_space<vmem>>, vector<16xf32>,
          %add3A_223 = arith.constant 96 : i32
          %add3A_224 = arith.addi %mul3A_198, %add3A_223 : i32
          %get3A_225 = arith.index_cast %add3A_224 : i32 to index
          %get3A_226 = tpu.vector_load %arg6[%get3A_225] {strides = array<i32>} : memref<15232xf32, #tpu.memory_space<vmem>>, vector<16xf32>,
          %add3A_227 = arith.constant 112 : i32
          %add3A_228 = arith.addi %mul3A_198, %add3A_227 : i32
          %get3A_229 = arith.index_cast %add3A_228 : i32 to index
          %get3A_230 = tpu.vector_load %arg6[%get3A_229] {strides = array<i32>} : memref<15232xf32, #tpu.memory_space<vmem>>, vector<16xf32>,
          %swap3A_231 = arith.index_cast %add3A_194 : i32 to index
          %swap3A_232 = arith.constant 0 : index
          %swap3A_233 = tpu.vector_load %arg10[%swap3A_231, %swap3A_232] {strides = array<i32>} : memref<160x131xf32, #tpu.memory_space<vmem>>, vector<16xf32>,
          tpu.vector_store %arg10[%swap3A_231, %swap3A_232], %get3A_202 {strides = array<i32>} : memref<160x131xf32, #tpu.memory_space<vmem>>, vector<16xf32>,
          %swap3A_234 = arith.index_cast %add3A_194 : i32 to index
          %swap3A_235 = arith.constant 16 : index
          %swap3A_236 = tpu.vector_load %arg10[%swap3A_234, %swap3A_235] {strides = array<i32>} : memref<160x131xf32, #tpu.memory_space<vmem>>, vector<16xf32>,
          tpu.vector_store %arg10[%swap3A_234, %swap3A_235], %get3A_206 {strides = array<i32>} : memref<160x131xf32, #tpu.memory_space<vmem>>, vector<16xf32>,
          %swap3A_237 = arith.index_cast %add3A_194 : i32 to index
          %swap3A_238 = arith.constant 32 : index
          %swap3A_239 = tpu.vector_load %arg10[%swap3A_237, %swap3A_238] {strides = array<i32>} : memref<160x131xf32, #tpu.memory_space<vmem>>, vector<16xf32>,
          tpu.vector_store %arg10[%swap3A_237, %swap3A_238], %get3A_210 {strides = array<i32>} : memref<160x131xf32, #tpu.memory_space<vmem>>, vector<16xf32>,
          %swap3A_240 = arith.index_cast %add3A_194 : i32 to index
          %swap3A_241 = arith.constant 48 : index
          %swap3A_242 = tpu.vector_load %arg10[%swap3A_240, %swap3A_241] {strides = array<i32>} : memref<160x131xf32, #tpu.memory_space<vmem>>, vector<16xf32>,
          tpu.vector_store %arg10[%swap3A_240, %swap3A_241], %get3A_214 {strides = array<i32>} : memref<160x131xf32, #tpu.memory_space<vmem>>, vector<16xf32>,
          %swap3A_243 = arith.index_cast %add3A_194 : i32 to index
          %swap3A_244 = arith.constant 64 : index
          %swap3A_245 = tpu.vector_load %arg10[%swap3A_243, %swap3A_244] {strides = array<i32>} : memref<160x131xf32, #tpu.memory_space<vmem>>, vector<16xf32>,
          tpu.vector_store %arg10[%swap3A_243, %swap3A_244], %get3A_218 {strides = array<i32>} : memref<160x131xf32, #tpu.memory_space<vmem>>, vector<16xf32>,
          %swap3A_246 = arith.index_cast %add3A_194 : i32 to index
          %swap3A_247 = arith.constant 80 : index
          %swap3A_248 = tpu.vector_load %arg10[%swap3A_246, %swap3A_247] {strides = array<i32>} : memref<160x131xf32, #tpu.memory_space<vmem>>, vector<16xf32>,
          tpu.vector_store %arg10[%swap3A_246, %swap3A_247], %get3A_222 {strides = array<i32>} : memref<160x131xf32, #tpu.memory_space<vmem>>, vector<16xf32>,
          %swap3A_249 = arith.index_cast %add3A_194 : i32 to index
          %swap3A_250 = arith.constant 96 : index
          %swap3A_251 = tpu.vector_load %arg10[%swap3A_249, %swap3A_250] {strides = array<i32>} : memref<160x131xf32, #tpu.memory_space<vmem>>, vector<16xf32>,
          tpu.vector_store %arg10[%swap3A_249, %swap3A_250], %get3A_226 {strides = array<i32>} : memref<160x131xf32, #tpu.memory_space<vmem>>, vector<16xf32>,
          %swap3A_252 = arith.index_cast %add3A_194 : i32 to index
          %swap3A_253 = arith.constant 112 : index
          %swap3A_254 = tpu.vector_load %arg10[%swap3A_252, %swap3A_253] {strides = array<i32>} : memref<160x131xf32, #tpu.memory_space<vmem>>, vector<16xf32>,
          tpu.vector_store %arg10[%swap3A_252, %swap3A_253], %get3A_230 {strides = array<i32>} : memref<160x131xf32, #tpu.memory_space<vmem>>, vector<16xf32>,
          %mul3A_255 = arith.constant 16 : i32
          %mul3A_256 = arith.muli %scan3A_126, %mul3A_255 : i32
          %add3A_257 = arith.constant 2 : i32
          %add3A_258 = arith.addi %mul3A_256, %add3A_257 : i32
          %slice3A_259 = vector.extract_strided_slice %get3A_129 {offsets = [2], sizes = [1], strides = [1]} : vector<16xi32> to vector<1xi32>
          %squeeze3A_260 = vector.extract %slice3A_259[0] : i32 from vector<1xi32>
          %mul3A_261 = arith.constant 128 : i32
          %mul3A_262 = arith.muli %squeeze3A_260, %mul3A_261 : i32
          %add3A_263 = arith.constant 0 : i32
          %add3A_264 = arith.addi %mul3A_262, %add3A_263 : i32
          %get3A_265 = arith.index_cast %add3A_264 : i32 to index
          %get3A_266 = tpu.vector_load %arg6[%get3A_265] {strides = array<i32>} : memref<15232xf32, #tpu.memory_space<vmem>>, vector<16xf32>,
          %add3A_267 = arith.constant 16 : i32
          %add3A_268 = arith.addi %mul3A_262, %add3A_267 : i32
          %get3A_269 = arith.index_cast %add3A_268 : i32 to index
          %get3A_270 = tpu.vector_load %arg6[%get3A_269] {strides = array<i32>} : memref<15232xf32, #tpu.memory_space<vmem>>, vector<16xf32>,
          %add3A_271 = arith.constant 32 : i32
          %add3A_272 = arith.addi %mul3A_262, %add3A_271 : i32
          %get3A_273 = arith.index_cast %add3A_272 : i32 to index
          %get3A_274 = tpu.vector_load %arg6[%get3A_273] {strides = array<i32>} : memref<15232xf32, #tpu.memory_space<vmem>>, vector<16xf32>,
          %add3A_275 = arith.constant 48 : i32
          %add3A_276 = arith.addi %mul3A_262, %add3A_275 : i32
          %get3A_277 = arith.index_cast %add3A_276 : i32 to index
          %get3A_278 = tpu.vector_load %arg6[%get3A_277] {strides = array<i32>} : memref<15232xf32, #tpu.memory_space<vmem>>, vector<16xf32>,
          %add3A_279 = arith.constant 64 : i32
          %add3A_280 = arith.addi %mul3A_262, %add3A_279 : i32
          %get3A_281 = arith.index_cast %add3A_280 : i32 to index
          %get3A_282 = tpu.vector_load %arg6[%get3A_281] {strides = array<i32>} : memref<15232xf32, #tpu.memory_space<vmem>>, vector<16xf32>,
          %add3A_283 = arith.constant 80 : i32
          %add3A_284 = arith.addi %mul3A_262, %add3A_283 : i32
          %get3A_285 = arith.index_cast %add3A_284 : i32 to index
          %get3A_286 = tpu.vector_load %arg6[%get3A_285] {strides = array<i32>} : memref<15232xf32, #tpu.memory_space<vmem>>, vector<16xf32>,
          %add3A_287 = arith.constant 96 : i32
          %add3A_288 = arith.addi %mul3A_262, %add3A_287 : i32
          %get3A_289 = arith.index_cast %add3A_288 : i32 to index
          %get3A_290 = tpu.vector_load %arg6[%get3A_289] {strides = array<i32>} : memref<15232xf32, #tpu.memory_space<vmem>>, vector<16xf32>,
          %add3A_291 = arith.constant 112 : i32
          %add3A_292 = arith.addi %mul3A_262, %add3A_291 : i32
          %get3A_293 = arith.index_cast %add3A_292 : i32 to index
          %get3A_294 = tpu.vector_load %arg6[%get3A_293] {strides = array<i32>} : memref<15232xf32, #tpu.memory_space<vmem>>, vector<16xf32>,
          %swap3A_295 = arith.index_cast %add3A_258 : i32 to index
          %swap3A_296 = arith.constant 0 : index
          %swap3A_297 = tpu.vector_load %arg10[%swap3A_295, %swap3A_296] {strides = array<i32>} : memref<160x131xf32, #tpu.memory_space<vmem>>, vector<16xf32>,
          tpu.vector_store %arg10[%swap3A_295, %swap3A_296], %get3A_266 {strides = array<i32>} : memref<160x131xf32, #tpu.memory_space<vmem>>, vector<16xf32>,
          %swap3A_298 = arith.index_cast %add3A_258 : i32 to index
          %swap3A_299 = arith.constant 16 : index
          %swap3A_300 = tpu.vector_load %arg10[%swap3A_298, %swap3A_299] {strides = array<i32>} : memref<160x131xf32, #tpu.memory_space<vmem>>, vector<16xf32>,
          tpu.vector_store %arg10[%swap3A_298, %swap3A_299], %get3A_270 {strides = array<i32>} : memref<160x131xf32, #tpu.memory_space<vmem>>, vector<16xf32>,
          %swap3A_301 = arith.index_cast %add3A_258 : i32 to index
          %swap3A_302 = arith.constant 32 : index
          %swap3A_303 = tpu.vector_load %arg10[%swap3A_301, %swap3A_302] {strides = array<i32>} : memref<160x131xf32, #tpu.memory_space<vmem>>, vector<16xf32>,
          tpu.vector_store %arg10[%swap3A_301, %swap3A_302], %get3A_274 {strides = array<i32>} : memref<160x131xf32, #tpu.memory_space<vmem>>, vector<16xf32>,
          %swap3A_304 = arith.index_cast %add3A_258 : i32 to index
          %swap3A_305 = arith.constant 48 : index
          %swap3A_306 = tpu.vector_load %arg10[%swap3A_304, %swap3A_305] {strides = array<i32>} : memref<160x131xf32, #tpu.memory_space<vmem>>, vector<16xf32>,
          tpu.vector_store %arg10[%swap3A_304, %swap3A_305], %get3A_278 {strides = array<i32>} : memref<160x131xf32, #tpu.memory_space<vmem>>, vector<16xf32>,
          %swap3A_307 = arith.index_cast %add3A_258 : i32 to index
          %swap3A_308 = arith.constant 64 : index
          %swap3A_309 = tpu.vector_load %arg10[%swap3A_307, %swap3A_308] {strides = array<i32>} : memref<160x131xf32, #tpu.memory_space<vmem>>, vector<16xf32>,
          tpu.vector_store %arg10[%swap3A_307, %swap3A_308], %get3A_282 {strides = array<i32>} : memref<160x131xf32, #tpu.memory_space<vmem>>, vector<16xf32>,
          %swap3A_310 = arith.index_cast %add3A_258 : i32 to index
          %swap3A_311 = arith.constant 80 : index
          %swap3A_312 = tpu.vector_load %arg10[%swap3A_310, %swap3A_311] {strides = array<i32>} : memref<160x131xf32, #tpu.memory_space<vmem>>, vector<16xf32>,
          tpu.vector_store %arg10[%swap3A_310, %swap3A_311], %get3A_286 {strides = array<i32>} : memref<160x131xf32, #tpu.memory_space<vmem>>, vector<16xf32>,
          %swap3A_313 = arith.index_cast %add3A_258 : i32 to index
          %swap3A_314 = arith.constant 96 : index
          %swap3A_315 = tpu.vector_load %arg10[%swap3A_313, %swap3A_314] {strides = array<i32>} : memref<160x131xf32, #tpu.memory_space<vmem>>, vector<16xf32>,
          tpu.vector_store %arg10[%swap3A_313, %swap3A_314], %get3A_290 {strides = array<i32>} : memref<160x131xf32, #tpu.memory_space<vmem>>, vector<16xf32>,
          %swap3A_316 = arith.index_cast %add3A_258 : i32 to index
          %swap3A_317 = arith.constant 112 : index
          %swap3A_318 = tpu.vector_load %arg10[%swap3A_316, %swap3A_317] {strides = array<i32>} : memref<160x131xf32, #tpu.memory_space<vmem>>, vector<16xf32>,
          tpu.vector_store %arg10[%swap3A_316, %swap3A_317], %get3A_294 {strides = array<i32>} : memref<160x131xf32, #tpu.memory_space<vmem>>, vector<16xf32>,
          %mul3A_319 = arith.constant 16 : i32
          %mul3A_320 = arith.muli %scan3A_126, %mul3A_319 : i32
          %add3A_321 = arith.constant 3 : i32
          %add3A_322 = arith.addi %mul3A_320, %add3A_321 : i32
          %slice3A_323 = vector.extract_strided_slice %get3A_129 {offsets = [3], sizes = [1], strides = [1]} : vector<16xi32> to vector<1xi32>
          %squeeze3A_324 = vector.extract %slice3A_323[0] : i32 from vector<1xi32>
          %mul3A_325 = arith.constant 128 : i32
          %mul3A_326 = arith.muli %squeeze3A_324, %mul3A_325 : i32
          %add3A_327 = arith.constant 0 : i32
          %add3A_328 = arith.addi %mul3A_326, %add3A_327 : i32
          %get3A_329 = arith.index_cast %add3A_328 : i32 to index
          %get3A_330 = tpu.vector_load %arg6[%get3A_329] {strides = array<i32>} : memref<15232xf32, #tpu.memory_space<vmem>>, vector<16xf32>,
          %add3A_331 = arith.constant 16 : i32
          %add3A_332 = arith.addi %mul3A_326, %add3A_331 : i32
          %get3A_333 = arith.index_cast %add3A_332 : i32 to index
          %get3A_334 = tpu.vector_load %arg6[%get3A_333] {strides = array<i32>} : memref<15232xf32, #tpu.memory_space<vmem>>, vector<16xf32>,
          %add3A_335 = arith.constant 32 : i32
          %add3A_336 = arith.addi %mul3A_326, %add3A_335 : i32
          %get3A_337 = arith.index_cast %add3A_336 : i32 to index
          %get3A_338 = tpu.vector_load %arg6[%get3A_337] {strides = array<i32>} : memref<15232xf32, #tpu.memory_space<vmem>>, vector<16xf32>,
          %add3A_339 = arith.constant 48 : i32
          %add3A_340 = arith.addi %mul3A_326, %add3A_339 : i32
          %get3A_341 = arith.index_cast %add3A_340 : i32 to index
          %get3A_342 = tpu.vector_load %arg6[%get3A_341] {strides = array<i32>} : memref<15232xf32, #tpu.memory_space<vmem>>, vector<16xf32>,
          %add3A_343 = arith.constant 64 : i32
          %add3A_344 = arith.addi %mul3A_326, %add3A_343 : i32
          %get3A_345 = arith.index_cast %add3A_344 : i32 to index
          %get3A_346 = tpu.vector_load %arg6[%get3A_345] {strides = array<i32>} : memref<15232xf32, #tpu.memory_space<vmem>>, vector<16xf32>,
          %add3A_347 = arith.constant 80 : i32
          %add3A_348 = arith.addi %mul3A_326, %add3A_347 : i32
          %get3A_349 = arith.index_cast %add3A_348 : i32 to index
          %get3A_350 = tpu.vector_load %arg6[%get3A_349] {strides = array<i32>} : memref<15232xf32, #tpu.memory_space<vmem>>, vector<16xf32>,
          %add3A_351 = arith.constant 96 : i32
          %add3A_352 = arith.addi %mul3A_326, %add3A_351 : i32
          %get3A_353 = arith.index_cast %add3A_352 : i32 to index
          %get3A_354 = tpu.vector_load %arg6[%get3A_353] {strides = array<i32>} : memref<15232xf32, #tpu.memory_space<vmem>>, vector<16xf32>,
          %add3A_355 = arith.constant 112 : i32
          %add3A_356 = arith.addi %mul3A_326, %add3A_355 : i32
          %get3A_357 = arith.index_cast %add3A_356 : i32 to index
          %get3A_358 = tpu.vector_load %arg6[%get3A_357] {strides = array<i32>} : memref<15232xf32, #tpu.memory_space<vmem>>, vector<16xf32>,
          %swap3A_359 = arith.index_cast %add3A_322 : i32 to index
          %swap3A_360 = arith.constant 0 : index
          %swap3A_361 = tpu.vector_load %arg10[%swap3A_359, %swap3A_360] {strides = array<i32>} : memref<160x131xf32, #tpu.memory_space<vmem>>, vector<16xf32>,
          tpu.vector_store %arg10[%swap3A_359, %swap3A_360], %get3A_330 {strides = array<i32>} : memref<160x131xf32, #tpu.memory_space<vmem>>, vector<16xf32>,
          %swap3A_362 = arith.index_cast %add3A_322 : i32 to index
          %swap3A_363 = arith.constant 16 : index
          %swap3A_364 = tpu.vector_load %arg10[%swap3A_362, %swap3A_363] {strides = array<i32>} : memref<160x131xf32, #tpu.memory_space<vmem>>, vector<16xf32>,
          tpu.vector_store %arg10[%swap3A_362, %swap3A_363], %get3A_334 {strides = array<i32>} : memref<160x131xf32, #tpu.memory_space<vmem>>, vector<16xf32>,
          %swap3A_365 = arith.index_cast %add3A_322 : i32 to index
          %swap3A_366 = arith.constant 32 : index
          %swap3A_367 = tpu.vector_load %arg10[%swap3A_365, %swap3A_366] {strides = array<i32>} : memref<160x131xf32, #tpu.memory_space<vmem>>, vector<16xf32>,
          tpu.vector_store %arg10[%swap3A_365, %swap3A_366], %get3A_338 {strides = array<i32>} : memref<160x131xf32, #tpu.memory_space<vmem>>, vector<16xf32>,
          %swap3A_368 = arith.index_cast %add3A_322 : i32 to index
          %swap3A_369 = arith.constant 48 : index
          %swap3A_370 = tpu.vector_load %arg10[%swap3A_368, %swap3A_369] {strides = array<i32>} : memref<160x131xf32, #tpu.memory_space<vmem>>, vector<16xf32>,
          tpu.vector_store %arg10[%swap3A_368, %swap3A_369], %get3A_342 {strides = array<i32>} : memref<160x131xf32, #tpu.memory_space<vmem>>, vector<16xf32>,
          %swap3A_371 = arith.index_cast %add3A_322 : i32 to index
          %swap3A_372 = arith.constant 64 : index
          %swap3A_373 = tpu.vector_load %arg10[%swap3A_371, %swap3A_372] {strides = array<i32>} : memref<160x131xf32, #tpu.memory_space<vmem>>, vector<16xf32>,
          tpu.vector_store %arg10[%swap3A_371, %swap3A_372], %get3A_346 {strides = array<i32>} : memref<160x131xf32, #tpu.memory_space<vmem>>, vector<16xf32>,
          %swap3A_374 = arith.index_cast %add3A_322 : i32 to index
          %swap3A_375 = arith.constant 80 : index
          %swap3A_376 = tpu.vector_load %arg10[%swap3A_374, %swap3A_375] {strides = array<i32>} : memref<160x131xf32, #tpu.memory_space<vmem>>, vector<16xf32>,
          tpu.vector_store %arg10[%swap3A_374, %swap3A_375], %get3A_350 {strides = array<i32>} : memref<160x131xf32, #tpu.memory_space<vmem>>, vector<16xf32>,
          %swap3A_377 = arith.index_cast %add3A_322 : i32 to index
          %swap3A_378 = arith.constant 96 : index
          %swap3A_379 = tpu.vector_load %arg10[%swap3A_377, %swap3A_378] {strides = array<i32>} : memref<160x131xf32, #tpu.memory_space<vmem>>, vector<16xf32>,
          tpu.vector_store %arg10[%swap3A_377, %swap3A_378], %get3A_354 {strides = array<i32>} : memref<160x131xf32, #tpu.memory_space<vmem>>, vector<16xf32>,
          %swap3A_380 = arith.index_cast %add3A_322 : i32 to index
          %swap3A_381 = arith.constant 112 : index
          %swap3A_382 = tpu.vector_load %arg10[%swap3A_380, %swap3A_381] {strides = array<i32>} : memref<160x131xf32, #tpu.memory_space<vmem>>, vector<16xf32>,
          tpu.vector_store %arg10[%swap3A_380, %swap3A_381], %get3A_358 {strides = array<i32>} : memref<160x131xf32, #tpu.memory_space<vmem>>, vector<16xf32>,
          %mul3A_383 = arith.constant 16 : i32
          %mul3A_384 = arith.muli %scan3A_126, %mul3A_383 : i32
          %add3A_385 = arith.constant 4 : i32
          %add3A_386 = arith.addi %mul3A_384, %add3A_385 : i32
          %slice3A_387 = vector.extract_strided_slice %get3A_129 {offsets = [4], sizes = [1], strides = [1]} : vector<16xi32> to vector<1xi32>
          %squeeze3A_388 = vector.extract %slice3A_387[0] : i32 from vector<1xi32>
          %mul3A_389 = arith.constant 128 : i32
          %mul3A_390 = arith.muli %squeeze3A_388, %mul3A_389 : i32
          %add3A_391 = arith.constant 0 : i32
          %add3A_392 = arith.addi %mul3A_390, %add3A_391 : i32
          %get3A_393 = arith.index_cast %add3A_392 : i32 to index
          %get3A_394 = tpu.vector_load %arg6[%get3A_393] {strides = array<i32>} : memref<15232xf32, #tpu.memory_space<vmem>>, vector<16xf32>,
          %add3A_395 = arith.constant 16 : i32
          %add3A_396 = arith.addi %mul3A_390, %add3A_395 : i32
          %get3A_397 = arith.index_cast %add3A_396 : i32 to index
          %get3A_398 = tpu.vector_load %arg6[%get3A_397] {strides = array<i32>} : memref<15232xf32, #tpu.memory_space<vmem>>, vector<16xf32>,
          %add3A_399 = arith.constant 32 : i32
          %add3A_400 = arith.addi %mul3A_390, %add3A_399 : i32
          %get3A_401 = arith.index_cast %add3A_400 : i32 to index
          %get3A_402 = tpu.vector_load %arg6[%get3A_401] {strides = array<i32>} : memref<15232xf32, #tpu.memory_space<vmem>>, vector<16xf32>,
          %add3A_403 = arith.constant 48 : i32
          %add3A_404 = arith.addi %mul3A_390, %add3A_403 : i32
          %get3A_405 = arith.index_cast %add3A_404 : i32 to index
          %get3A_406 = tpu.vector_load %arg6[%get3A_405] {strides = array<i32>} : memref<15232xf32, #tpu.memory_space<vmem>>, vector<16xf32>,
          %add3A_407 = arith.constant 64 : i32
          %add3A_408 = arith.addi %mul3A_390, %add3A_407 : i32
          %get3A_409 = arith.index_cast %add3A_408 : i32 to index
          %get3A_410 = tpu.vector_load %arg6[%get3A_409] {strides = array<i32>} : memref<15232xf32, #tpu.memory_space<vmem>>, vector<16xf32>,
          %add3A_411 = arith.constant 80 : i32
          %add3A_412 = arith.addi %mul3A_390, %add3A_411 : i32
          %get3A_413 = arith.index_cast %add3A_412 : i32 to index
          %get3A_414 = tpu.vector_load %arg6[%get3A_413] {strides = array<i32>} : memref<15232xf32, #tpu.memory_space<vmem>>, vector<16xf32>,
          %add3A_415 = arith.constant 96 : i32
          %add3A_416 = arith.addi %mul3A_390, %add3A_415 : i32
          %get3A_417 = arith.index_cast %add3A_416 : i32 to index
          %get3A_418 = tpu.vector_load %arg6[%get3A_417] {strides = array<i32>} : memref<15232xf32, #tpu.memory_space<vmem>>, vector<16xf32>,
          %add3A_419 = arith.constant 112 : i32
          %add3A_420 = arith.addi %mul3A_390, %add3A_419 : i32
          %get3A_421 = arith.index_cast %add3A_420 : i32 to index
          %get3A_422 = tpu.vector_load %arg6[%get3A_421] {strides = array<i32>} : memref<15232xf32, #tpu.memory_space<vmem>>, vector<16xf32>,
          %swap3A_423 = arith.index_cast %add3A_386 : i32 to index
          %swap3A_424 = arith.constant 0 : index
          %swap3A_425 = tpu.vector_load %arg10[%swap3A_423, %swap3A_424] {strides = array<i32>} : memref<160x131xf32, #tpu.memory_space<vmem>>, vector<16xf32>,
          tpu.vector_store %arg10[%swap3A_423, %swap3A_424], %get3A_394 {strides = array<i32>} : memref<160x131xf32, #tpu.memory_space<vmem>>, vector<16xf32>,
          %swap3A_426 = arith.index_cast %add3A_386 : i32 to index
          %swap3A_427 = arith.constant 16 : index
          %swap3A_428 = tpu.vector_load %arg10[%swap3A_426, %swap3A_427] {strides = array<i32>} : memref<160x131xf32, #tpu.memory_space<vmem>>, vector<16xf32>,
          tpu.vector_store %arg10[%swap3A_426, %swap3A_427], %get3A_398 {strides = array<i32>} : memref<160x131xf32, #tpu.memory_space<vmem>>, vector<16xf32>,
          %swap3A_429 = arith.index_cast %add3A_386 : i32 to index
          %swap3A_430 = arith.constant 32 : index
          %swap3A_431 = tpu.vector_load %arg10[%swap3A_429, %swap3A_430] {strides = array<i32>} : memref<160x131xf32, #tpu.memory_space<vmem>>, vector<16xf32>,
          tpu.vector_store %arg10[%swap3A_429, %swap3A_430], %get3A_402 {strides = array<i32>} : memref<160x131xf32, #tpu.memory_space<vmem>>, vector<16xf32>,
          %swap3A_432 = arith.index_cast %add3A_386 : i32 to index
          %swap3A_433 = arith.constant 48 : index
          %swap3A_434 = tpu.vector_load %arg10[%swap3A_432, %swap3A_433] {strides = array<i32>} : memref<160x131xf32, #tpu.memory_space<vmem>>, vector<16xf32>,
          tpu.vector_store %arg10[%swap3A_432, %swap3A_433], %get3A_406 {strides = array<i32>} : memref<160x131xf32, #tpu.memory_space<vmem>>, vector<16xf32>,
          %swap3A_435 = arith.index_cast %add3A_386 : i32 to index
          %swap3A_436 = arith.constant 64 : index
          %swap3A_437 = tpu.vector_load %arg10[%swap3A_435, %swap3A_436] {strides = array<i32>} : memref<160x131xf32, #tpu.memory_space<vmem>>, vector<16xf32>,
          tpu.vector_store %arg10[%swap3A_435, %swap3A_436], %get3A_410 {strides = array<i32>} : memref<160x131xf32, #tpu.memory_space<vmem>>, vector<16xf32>,
          %swap3A_438 = arith.index_cast %add3A_386 : i32 to index
          %swap3A_439 = arith.constant 80 : index
          %swap3A_440 = tpu.vector_load %arg10[%swap3A_438, %swap3A_439] {strides = array<i32>} : memref<160x131xf32, #tpu.memory_space<vmem>>, vector<16xf32>,
          tpu.vector_store %arg10[%swap3A_438, %swap3A_439], %get3A_414 {strides = array<i32>} : memref<160x131xf32, #tpu.memory_space<vmem>>, vector<16xf32>,
          %swap3A_441 = arith.index_cast %add3A_386 : i32 to index
          %swap3A_442 = arith.constant 96 : index
          %swap3A_443 = tpu.vector_load %arg10[%swap3A_441, %swap3A_442] {strides = array<i32>} : memref<160x131xf32, #tpu.memory_space<vmem>>, vector<16xf32>,
          tpu.vector_store %arg10[%swap3A_441, %swap3A_442], %get3A_418 {strides = array<i32>} : memref<160x131xf32, #tpu.memory_space<vmem>>, vector<16xf32>,
          %swap3A_444 = arith.index_cast %add3A_386 : i32 to index
          %swap3A_445 = arith.constant 112 : index
          %swap3A_446 = tpu.vector_load %arg10[%swap3A_444, %swap3A_445] {strides = array<i32>} : memref<160x131xf32, #tpu.memory_space<vmem>>, vector<16xf32>,
          tpu.vector_store %arg10[%swap3A_444, %swap3A_445], %get3A_422 {strides = array<i32>} : memref<160x131xf32, #tpu.memory_space<vmem>>, vector<16xf32>,
          %mul3A_447 = arith.constant 16 : i32
          %mul3A_448 = arith.muli %scan3A_126, %mul3A_447 : i32
          %add3A_449 = arith.constant 5 : i32
          %add3A_450 = arith.addi %mul3A_448, %add3A_449 : i32
          %slice3A_451 = vector.extract_strided_slice %get3A_129 {offsets = [5], sizes = [1], strides = [1]} : vector<16xi32> to vector<1xi32>
          %squeeze3A_452 = vector.extract %slice3A_451[0] : i32 from vector<1xi32>
          %mul3A_453 = arith.constant 128 : i32
          %mul3A_454 = arith.muli %squeeze3A_452, %mul3A_453 : i32
          %add3A_455 = arith.constant 0 : i32
          %add3A_456 = arith.addi %mul3A_454, %add3A_455 : i32
          %get3A_457 = arith.index_cast %add3A_456 : i32 to index
          %get3A_458 = tpu.vector_load %arg6[%get3A_457] {strides = array<i32>} : memref<15232xf32, #tpu.memory_space<vmem>>, vector<16xf32>,
          %add3A_459 = arith.constant 16 : i32
          %add3A_460 = arith.addi %mul3A_454, %add3A_459 : i32
          %get3A_461 = arith.index_cast %add3A_460 : i32 to index
          %get3A_462 = tpu.vector_load %arg6[%get3A_461] {strides = array<i32>} : memref<15232xf32, #tpu.memory_space<vmem>>, vector<16xf32>,
          %add3A_463 = arith.constant 32 : i32
          %add3A_464 = arith.addi %mul3A_454, %add3A_463 : i32
          %get3A_465 = arith.index_cast %add3A_464 : i32 to index
          %get3A_466 = tpu.vector_load %arg6[%get3A_465] {strides = array<i32>} : memref<15232xf32, #tpu.memory_space<vmem>>, vector<16xf32>,
          %add3A_467 = arith.constant 48 : i32
          %add3A_468 = arith.addi %mul3A_454, %add3A_467 : i32
          %get3A_469 = arith.index_cast %add3A_468 : i32 to index
          %get3A_470 = tpu.vector_load %arg6[%get3A_469] {strides = array<i32>} : memref<15232xf32, #tpu.memory_space<vmem>>, vector<16xf32>,
          %add3A_471 = arith.constant 64 : i32
          %add3A_472 = arith.addi %mul3A_454, %add3A_471 : i32
          %get3A_473 = arith.index_cast %add3A_472 : i32 to index
          %get3A_474 = tpu.vector_load %arg6[%get3A_473] {strides = array<i32>} : memref<15232xf32, #tpu.memory_space<vmem>>, vector<16xf32>,
          %add3A_475 = arith.constant 80 : i32
          %add3A_476 = arith.addi %mul3A_454, %add3A_475 : i32
          %get3A_477 = arith.index_cast %add3A_476 : i32 to index
          %get3A_478 = tpu.vector_load %arg6[%get3A_477] {strides = array<i32>} : memref<15232xf32, #tpu.memory_space<vmem>>, vector<16xf32>,
          %add3A_479 = arith.constant 96 : i32
          %add3A_480 = arith.addi %mul3A_454, %add3A_479 : i32
          %get3A_481 = arith.index_cast %add3A_480 : i32 to index
          %get3A_482 = tpu.vector_load %arg6[%get3A_481] {strides = array<i32>} : memref<15232xf32, #tpu.memory_space<vmem>>, vector<16xf32>,
          %add3A_483 = arith.constant 112 : i32
          %add3A_484 = arith.addi %mul3A_454, %add3A_483 : i32
          %get3A_485 = arith.index_cast %add3A_484 : i32 to index
          %get3A_486 = tpu.vector_load %arg6[%get3A_485] {strides = array<i32>} : memref<15232xf32, #tpu.memory_space<vmem>>, vector<16xf32>,
          %swap3A_487 = arith.index_cast %add3A_450 : i32 to index
          %swap3A_488 = arith.constant 0 : index
          %swap3A_489 = tpu.vector_load %arg10[%swap3A_487, %swap3A_488] {strides = array<i32>} : memref<160x131xf32, #tpu.memory_space<vmem>>, vector<16xf32>,
          tpu.vector_store %arg10[%swap3A_487, %swap3A_488], %get3A_458 {strides = array<i32>} : memref<160x131xf32, #tpu.memory_space<vmem>>, vector<16xf32>,
          %swap3A_490 = arith.index_cast %add3A_450 : i32 to index
          %swap3A_491 = arith.constant 16 : index
          %swap3A_492 = tpu.vector_load %arg10[%swap3A_490, %swap3A_491] {strides = array<i32>} : memref<160x131xf32, #tpu.memory_space<vmem>>, vector<16xf32>,
          tpu.vector_store %arg10[%swap3A_490, %swap3A_491], %get3A_462 {strides = array<i32>} : memref<160x131xf32, #tpu.memory_space<vmem>>, vector<16xf32>,
          %swap3A_493 = arith.index_cast %add3A_450 : i32 to index
          %swap3A_494 = arith.constant 32 : index
          %swap3A_495 = tpu.vector_load %arg10[%swap3A_493, %swap3A_494] {strides = array<i32>} : memref<160x131xf32, #tpu.memory_space<vmem>>, vector<16xf32>,
          tpu.vector_store %arg10[%swap3A_493, %swap3A_494], %get3A_466 {strides = array<i32>} : memref<160x131xf32, #tpu.memory_space<vmem>>, vector<16xf32>,
          %swap3A_496 = arith.index_cast %add3A_450 : i32 to index
          %swap3A_497 = arith.constant 48 : index
          %swap3A_498 = tpu.vector_load %arg10[%swap3A_496, %swap3A_497] {strides = array<i32>} : memref<160x131xf32, #tpu.memory_space<vmem>>, vector<16xf32>,
          tpu.vector_store %arg10[%swap3A_496, %swap3A_497], %get3A_470 {strides = array<i32>} : memref<160x131xf32, #tpu.memory_space<vmem>>, vector<16xf32>,
          %swap3A_499 = arith.index_cast %add3A_450 : i32 to index
          %swap3A_500 = arith.constant 64 : index
          %swap3A_501 = tpu.vector_load %arg10[%swap3A_499, %swap3A_500] {strides = array<i32>} : memref<160x131xf32, #tpu.memory_space<vmem>>, vector<16xf32>,
          tpu.vector_store %arg10[%swap3A_499, %swap3A_500], %get3A_474 {strides = array<i32>} : memref<160x131xf32, #tpu.memory_space<vmem>>, vector<16xf32>,
          %swap3A_502 = arith.index_cast %add3A_450 : i32 to index
          %swap3A_503 = arith.constant 80 : index
          %swap3A_504 = tpu.vector_load %arg10[%swap3A_502, %swap3A_503] {strides = array<i32>} : memref<160x131xf32, #tpu.memory_space<vmem>>, vector<16xf32>,
          tpu.vector_store %arg10[%swap3A_502, %swap3A_503], %get3A_478 {strides = array<i32>} : memref<160x131xf32, #tpu.memory_space<vmem>>, vector<16xf32>,
          %swap3A_505 = arith.index_cast %add3A_450 : i32 to index
          %swap3A_506 = arith.constant 96 : index
          %swap3A_507 = tpu.vector_load %arg10[%swap3A_505, %swap3A_506] {strides = array<i32>} : memref<160x131xf32, #tpu.memory_space<vmem>>, vector<16xf32>,
          tpu.vector_store %arg10[%swap3A_505, %swap3A_506], %get3A_482 {strides = array<i32>} : memref<160x131xf32, #tpu.memory_space<vmem>>, vector<16xf32>,
          %swap3A_508 = arith.index_cast %add3A_450 : i32 to index
          %swap3A_509 = arith.constant 112 : index
          %swap3A_510 = tpu.vector_load %arg10[%swap3A_508, %swap3A_509] {strides = array<i32>} : memref<160x131xf32, #tpu.memory_space<vmem>>, vector<16xf32>,
          tpu.vector_store %arg10[%swap3A_508, %swap3A_509], %get3A_486 {strides = array<i32>} : memref<160x131xf32, #tpu.memory_space<vmem>>, vector<16xf32>,
          %mul3A_511 = arith.constant 16 : i32
          %mul3A_512 = arith.muli %scan3A_126, %mul3A_511 : i32
          %add3A_513 = arith.constant 6 : i32
          %add3A_514 = arith.addi %mul3A_512, %add3A_513 : i32
          %slice3A_515 = vector.extract_strided_slice %get3A_129 {offsets = [6], sizes = [1], strides = [1]} : vector<16xi32> to vector<1xi32>
          %squeeze3A_516 = vector.extract %slice3A_515[0] : i32 from vector<1xi32>
          %mul3A_517 = arith.constant 128 : i32
          %mul3A_518 = arith.muli %squeeze3A_516, %mul3A_517 : i32
          %add3A_519 = arith.constant 0 : i32
          %add3A_520 = arith.addi %mul3A_518, %add3A_519 : i32
          %get3A_521 = arith.index_cast %add3A_520 : i32 to index
          %get3A_522 = tpu.vector_load %arg6[%get3A_521] {strides = array<i32>} : memref<15232xf32, #tpu.memory_space<vmem>>, vector<16xf32>,
          %add3A_523 = arith.constant 16 : i32
          %add3A_524 = arith.addi %mul3A_518, %add3A_523 : i32
          %get3A_525 = arith.index_cast %add3A_524 : i32 to index
          %get3A_526 = tpu.vector_load %arg6[%get3A_525] {strides = array<i32>} : memref<15232xf32, #tpu.memory_space<vmem>>, vector<16xf32>,
          %add3A_527 = arith.constant 32 : i32
          %add3A_528 = arith.addi %mul3A_518, %add3A_527 : i32
          %get3A_529 = arith.index_cast %add3A_528 : i32 to index
          %get3A_530 = tpu.vector_load %arg6[%get3A_529] {strides = array<i32>} : memref<15232xf32, #tpu.memory_space<vmem>>, vector<16xf32>,
          %add3A_531 = arith.constant 48 : i32
          %add3A_532 = arith.addi %mul3A_518, %add3A_531 : i32
          %get3A_533 = arith.index_cast %add3A_532 : i32 to index
          %get3A_534 = tpu.vector_load %arg6[%get3A_533] {strides = array<i32>} : memref<15232xf32, #tpu.memory_space<vmem>>, vector<16xf32>,
          %add3A_535 = arith.constant 64 : i32
          %add3A_536 = arith.addi %mul3A_518, %add3A_535 : i32
          %get3A_537 = arith.index_cast %add3A_536 : i32 to index
          %get3A_538 = tpu.vector_load %arg6[%get3A_537] {strides = array<i32>} : memref<15232xf32, #tpu.memory_space<vmem>>, vector<16xf32>,
          %add3A_539 = arith.constant 80 : i32
          %add3A_540 = arith.addi %mul3A_518, %add3A_539 : i32
          %get3A_541 = arith.index_cast %add3A_540 : i32 to index
          %get3A_542 = tpu.vector_load %arg6[%get3A_541] {strides = array<i32>} : memref<15232xf32, #tpu.memory_space<vmem>>, vector<16xf32>,
          %add3A_543 = arith.constant 96 : i32
          %add3A_544 = arith.addi %mul3A_518, %add3A_543 : i32
          %get3A_545 = arith.index_cast %add3A_544 : i32 to index
          %get3A_546 = tpu.vector_load %arg6[%get3A_545] {strides = array<i32>} : memref<15232xf32, #tpu.memory_space<vmem>>, vector<16xf32>,
          %add3A_547 = arith.constant 112 : i32
          %add3A_548 = arith.addi %mul3A_518, %add3A_547 : i32
          %get3A_549 = arith.index_cast %add3A_548 : i32 to index
          %get3A_550 = tpu.vector_load %arg6[%get3A_549] {strides = array<i32>} : memref<15232xf32, #tpu.memory_space<vmem>>, vector<16xf32>,
          %swap3A_551 = arith.index_cast %add3A_514 : i32 to index
          %swap3A_552 = arith.constant 0 : index
          %swap3A_553 = tpu.vector_load %arg10[%swap3A_551, %swap3A_552] {strides = array<i32>} : memref<160x131xf32, #tpu.memory_space<vmem>>, vector<16xf32>,
          tpu.vector_store %arg10[%swap3A_551, %swap3A_552], %get3A_522 {strides = array<i32>} : memref<160x131xf32, #tpu.memory_space<vmem>>, vector<16xf32>,
          %swap3A_554 = arith.index_cast %add3A_514 : i32 to index
          %swap3A_555 = arith.constant 16 : index
          %swap3A_556 = tpu.vector_load %arg10[%swap3A_554, %swap3A_555] {strides = array<i32>} : memref<160x131xf32, #tpu.memory_space<vmem>>, vector<16xf32>,
          tpu.vector_store %arg10[%swap3A_554, %swap3A_555], %get3A_526 {strides = array<i32>} : memref<160x131xf32, #tpu.memory_space<vmem>>, vector<16xf32>,
          %swap3A_557 = arith.index_cast %add3A_514 : i32 to index
          %swap3A_558 = arith.constant 32 : index
          %swap3A_559 = tpu.vector_load %arg10[%swap3A_557, %swap3A_558] {strides = array<i32>} : memref<160x131xf32, #tpu.memory_space<vmem>>, vector<16xf32>,
          tpu.vector_store %arg10[%swap3A_557, %swap3A_558], %get3A_530 {strides = array<i32>} : memref<160x131xf32, #tpu.memory_space<vmem>>, vector<16xf32>,
          %swap3A_560 = arith.index_cast %add3A_514 : i32 to index
          %swap3A_561 = arith.constant 48 : index
          %swap3A_562 = tpu.vector_load %arg10[%swap3A_560, %swap3A_561] {strides = array<i32>} : memref<160x131xf32, #tpu.memory_space<vmem>>, vector<16xf32>,
          tpu.vector_store %arg10[%swap3A_560, %swap3A_561], %get3A_534 {strides = array<i32>} : memref<160x131xf32, #tpu.memory_space<vmem>>, vector<16xf32>,
          %swap3A_563 = arith.index_cast %add3A_514 : i32 to index
          %swap3A_564 = arith.constant 64 : index
          %swap3A_565 = tpu.vector_load %arg10[%swap3A_563, %swap3A_564] {strides = array<i32>} : memref<160x131xf32, #tpu.memory_space<vmem>>, vector<16xf32>,
          tpu.vector_store %arg10[%swap3A_563, %swap3A_564], %get3A_538 {strides = array<i32>} : memref<160x131xf32, #tpu.memory_space<vmem>>, vector<16xf32>,
          %swap3A_566 = arith.index_cast %add3A_514 : i32 to index
          %swap3A_567 = arith.constant 80 : index
          %swap3A_568 = tpu.vector_load %arg10[%swap3A_566, %swap3A_567] {strides = array<i32>} : memref<160x131xf32, #tpu.memory_space<vmem>>, vector<16xf32>,
          tpu.vector_store %arg10[%swap3A_566, %swap3A_567], %get3A_542 {strides = array<i32>} : memref<160x131xf32, #tpu.memory_space<vmem>>, vector<16xf32>,
          %swap3A_569 = arith.index_cast %add3A_514 : i32 to index
          %swap3A_570 = arith.constant 96 : index
          %swap3A_571 = tpu.vector_load %arg10[%swap3A_569, %swap3A_570] {strides = array<i32>} : memref<160x131xf32, #tpu.memory_space<vmem>>, vector<16xf32>,
          tpu.vector_store %arg10[%swap3A_569, %swap3A_570], %get3A_546 {strides = array<i32>} : memref<160x131xf32, #tpu.memory_space<vmem>>, vector<16xf32>,
          %swap3A_572 = arith.index_cast %add3A_514 : i32 to index
          %swap3A_573 = arith.constant 112 : index
          %swap3A_574 = tpu.vector_load %arg10[%swap3A_572, %swap3A_573] {strides = array<i32>} : memref<160x131xf32, #tpu.memory_space<vmem>>, vector<16xf32>,
          tpu.vector_store %arg10[%swap3A_572, %swap3A_573], %get3A_550 {strides = array<i32>} : memref<160x131xf32, #tpu.memory_space<vmem>>, vector<16xf32>,
          %mul3A_575 = arith.constant 16 : i32
          %mul3A_576 = arith.muli %scan3A_126, %mul3A_575 : i32
          %add3A_577 = arith.constant 7 : i32
          %add3A_578 = arith.addi %mul3A_576, %add3A_577 : i32
          %slice3A_579 = vector.extract_strided_slice %get3A_129 {offsets = [7], sizes = [1], strides = [1]} : vector<16xi32> to vector<1xi32>
          %squeeze3A_580 = vector.extract %slice3A_579[0] : i32 from vector<1xi32>
          %mul3A_581 = arith.constant 128 : i32
          %mul3A_582 = arith.muli %squeeze3A_580, %mul3A_581 : i32
          %add3A_583 = arith.constant 0 : i32
          %add3A_584 = arith.addi %mul3A_582, %add3A_583 : i32
          %get3A_585 = arith.index_cast %add3A_584 : i32 to index
          %get3A_586 = tpu.vector_load %arg6[%get3A_585] {strides = array<i32>} : memref<15232xf32, #tpu.memory_space<vmem>>, vector<16xf32>,
          %add3A_587 = arith.constant 16 : i32
          %add3A_588 = arith.addi %mul3A_582, %add3A_587 : i32
          %get3A_589 = arith.index_cast %add3A_588 : i32 to index
          %get3A_590 = tpu.vector_load %arg6[%get3A_589] {strides = array<i32>} : memref<15232xf32, #tpu.memory_space<vmem>>, vector<16xf32>,
          %add3A_591 = arith.constant 32 : i32
          %add3A_592 = arith.addi %mul3A_582, %add3A_591 : i32
          %get3A_593 = arith.index_cast %add3A_592 : i32 to index
          %get3A_594 = tpu.vector_load %arg6[%get3A_593] {strides = array<i32>} : memref<15232xf32, #tpu.memory_space<vmem>>, vector<16xf32>,
          %add3A_595 = arith.constant 48 : i32
          %add3A_596 = arith.addi %mul3A_582, %add3A_595 : i32
          %get3A_597 = arith.index_cast %add3A_596 : i32 to index
          %get3A_598 = tpu.vector_load %arg6[%get3A_597] {strides = array<i32>} : memref<15232xf32, #tpu.memory_space<vmem>>, vector<16xf32>,
          %add3A_599 = arith.constant 64 : i32
          %add3A_600 = arith.addi %mul3A_582, %add3A_599 : i32
          %get3A_601 = arith.index_cast %add3A_600 : i32 to index
          %get3A_602 = tpu.vector_load %arg6[%get3A_601] {strides = array<i32>} : memref<15232xf32, #tpu.memory_space<vmem>>, vector<16xf32>,
          %add3A_603 = arith.constant 80 : i32
          %add3A_604 = arith.addi %mul3A_582, %add3A_603 : i32
          %get3A_605 = arith.index_cast %add3A_604 : i32 to index
          %get3A_606 = tpu.vector_load %arg6[%get3A_605] {strides = array<i32>} : memref<15232xf32, #tpu.memory_space<vmem>>, vector<16xf32>,
          %add3A_607 = arith.constant 96 : i32
          %add3A_608 = arith.addi %mul3A_582, %add3A_607 : i32
          %get3A_609 = arith.index_cast %add3A_608 : i32 to index
          %get3A_610 = tpu.vector_load %arg6[%get3A_609] {strides = array<i32>} : memref<15232xf32, #tpu.memory_space<vmem>>, vector<16xf32>,
          %add3A_611 = arith.constant 112 : i32
          %add3A_612 = arith.addi %mul3A_582, %add3A_611 : i32
          %get3A_613 = arith.index_cast %add3A_612 : i32 to index
          %get3A_614 = tpu.vector_load %arg6[%get3A_613] {strides = array<i32>} : memref<15232xf32, #tpu.memory_space<vmem>>, vector<16xf32>,
          %swap3A_615 = arith.index_cast %add3A_578 : i32 to index
          %swap3A_616 = arith.constant 0 : index
          %swap3A_617 = tpu.vector_load %arg10[%swap3A_615, %swap3A_616] {strides = array<i32>} : memref<160x131xf32, #tpu.memory_space<vmem>>, vector<16xf32>,
          tpu.vector_store %arg10[%swap3A_615, %swap3A_616], %get3A_586 {strides = array<i32>} : memref<160x131xf32, #tpu.memory_space<vmem>>, vector<16xf32>,
          %swap3A_618 = arith.index_cast %add3A_578 : i32 to index
          %swap3A_619 = arith.constant 16 : index
          %swap3A_620 = tpu.vector_load %arg10[%swap3A_618, %swap3A_619] {strides = array<i32>} : memref<160x131xf32, #tpu.memory_space<vmem>>, vector<16xf32>,
          tpu.vector_store %arg10[%swap3A_618, %swap3A_619], %get3A_590 {strides = array<i32>} : memref<160x131xf32, #tpu.memory_space<vmem>>, vector<16xf32>,
          %swap3A_621 = arith.index_cast %add3A_578 : i32 to index
          %swap3A_622 = arith.constant 32 : index
          %swap3A_623 = tpu.vector_load %arg10[%swap3A_621, %swap3A_622] {strides = array<i32>} : memref<160x131xf32, #tpu.memory_space<vmem>>, vector<16xf32>,
          tpu.vector_store %arg10[%swap3A_621, %swap3A_622], %get3A_594 {strides = array<i32>} : memref<160x131xf32, #tpu.memory_space<vmem>>, vector<16xf32>,
          %swap3A_624 = arith.index_cast %add3A_578 : i32 to index
          %swap3A_625 = arith.constant 48 : index
          %swap3A_626 = tpu.vector_load %arg10[%swap3A_624, %swap3A_625] {strides = array<i32>} : memref<160x131xf32, #tpu.memory_space<vmem>>, vector<16xf32>,
          tpu.vector_store %arg10[%swap3A_624, %swap3A_625], %get3A_598 {strides = array<i32>} : memref<160x131xf32, #tpu.memory_space<vmem>>, vector<16xf32>,
          %swap3A_627 = arith.index_cast %add3A_578 : i32 to index
          %swap3A_628 = arith.constant 64 : index
          %swap3A_629 = tpu.vector_load %arg10[%swap3A_627, %swap3A_628] {strides = array<i32>} : memref<160x131xf32, #tpu.memory_space<vmem>>, vector<16xf32>,
          tpu.vector_store %arg10[%swap3A_627, %swap3A_628], %get3A_602 {strides = array<i32>} : memref<160x131xf32, #tpu.memory_space<vmem>>, vector<16xf32>,
          %swap3A_630 = arith.index_cast %add3A_578 : i32 to index
          %swap3A_631 = arith.constant 80 : index
          %swap3A_632 = tpu.vector_load %arg10[%swap3A_630, %swap3A_631] {strides = array<i32>} : memref<160x131xf32, #tpu.memory_space<vmem>>, vector<16xf32>,
          tpu.vector_store %arg10[%swap3A_630, %swap3A_631], %get3A_606 {strides = array<i32>} : memref<160x131xf32, #tpu.memory_space<vmem>>, vector<16xf32>,
          %swap3A_633 = arith.index_cast %add3A_578 : i32 to index
          %swap3A_634 = arith.constant 96 : index
          %swap3A_635 = tpu.vector_load %arg10[%swap3A_633, %swap3A_634] {strides = array<i32>} : memref<160x131xf32, #tpu.memory_space<vmem>>, vector<16xf32>,
          tpu.vector_store %arg10[%swap3A_633, %swap3A_634], %get3A_610 {strides = array<i32>} : memref<160x131xf32, #tpu.memory_space<vmem>>, vector<16xf32>,
          %swap3A_636 = arith.index_cast %add3A_578 : i32 to index
          %swap3A_637 = arith.constant 112 : index
          %swap3A_638 = tpu.vector_load %arg10[%swap3A_636, %swap3A_637] {strides = array<i32>} : memref<160x131xf32, #tpu.memory_space<vmem>>, vector<16xf32>,
          tpu.vector_store %arg10[%swap3A_636, %swap3A_637], %get3A_614 {strides = array<i32>} : memref<160x131xf32, #tpu.memory_space<vmem>>, vector<16xf32>,
          %mul3A_639 = arith.constant 16 : i32
          %mul3A_640 = arith.muli %scan3A_126, %mul3A_639 : i32
          %add3A_641 = arith.constant 8 : i32
          %add3A_642 = arith.addi %mul3A_640, %add3A_641 : i32
          %slice3A_643 = vector.extract_strided_slice %get3A_129 {offsets = [8], sizes = [1], strides = [1]} : vector<16xi32> to vector<1xi32>
          %squeeze3A_644 = vector.extract %slice3A_643[0] : i32 from vector<1xi32>
          %mul3A_645 = arith.constant 128 : i32
          %mul3A_646 = arith.muli %squeeze3A_644, %mul3A_645 : i32
          %add3A_647 = arith.constant 0 : i32
          %add3A_648 = arith.addi %mul3A_646, %add3A_647 : i32
          %get3A_649 = arith.index_cast %add3A_648 : i32 to index
          %get3A_650 = tpu.vector_load %arg6[%get3A_649] {strides = array<i32>} : memref<15232xf32, #tpu.memory_space<vmem>>, vector<16xf32>,
          %add3A_651 = arith.constant 16 : i32
          %add3A_652 = arith.addi %mul3A_646, %add3A_651 : i32
          %get3A_653 = arith.index_cast %add3A_652 : i32 to index
          %get3A_654 = tpu.vector_load %arg6[%get3A_653] {strides = array<i32>} : memref<15232xf32, #tpu.memory_space<vmem>>, vector<16xf32>,
          %add3A_655 = arith.constant 32 : i32
          %add3A_656 = arith.addi %mul3A_646, %add3A_655 : i32
          %get3A_657 = arith.index_cast %add3A_656 : i32 to index
          %get3A_658 = tpu.vector_load %arg6[%get3A_657] {strides = array<i32>} : memref<15232xf32, #tpu.memory_space<vmem>>, vector<16xf32>,
          %add3A_659 = arith.constant 48 : i32
          %add3A_660 = arith.addi %mul3A_646, %add3A_659 : i32
          %get3A_661 = arith.index_cast %add3A_660 : i32 to index
          %get3A_662 = tpu.vector_load %arg6[%get3A_661] {strides = array<i32>} : memref<15232xf32, #tpu.memory_space<vmem>>, vector<16xf32>,
          %add3A_663 = arith.constant 64 : i32
          %add3A_664 = arith.addi %mul3A_646, %add3A_663 : i32
          %get3A_665 = arith.index_cast %add3A_664 : i32 to index
          %get3A_666 = tpu.vector_load %arg6[%get3A_665] {strides = array<i32>} : memref<15232xf32, #tpu.memory_space<vmem>>, vector<16xf32>,
          %add3A_667 = arith.constant 80 : i32
          %add3A_668 = arith.addi %mul3A_646, %add3A_667 : i32
          %get3A_669 = arith.index_cast %add3A_668 : i32 to index
          %get3A_670 = tpu.vector_load %arg6[%get3A_669] {strides = array<i32>} : memref<15232xf32, #tpu.memory_space<vmem>>, vector<16xf32>,
          %add3A_671 = arith.constant 96 : i32
          %add3A_672 = arith.addi %mul3A_646, %add3A_671 : i32
          %get3A_673 = arith.index_cast %add3A_672 : i32 to index
          %get3A_674 = tpu.vector_load %arg6[%get3A_673] {strides = array<i32>} : memref<15232xf32, #tpu.memory_space<vmem>>, vector<16xf32>,
          %add3A_675 = arith.constant 112 : i32
          %add3A_676 = arith.addi %mul3A_646, %add3A_675 : i32
          %get3A_677 = arith.index_cast %add3A_676 : i32 to index
          %get3A_678 = tpu.vector_load %arg6[%get3A_677] {strides = array<i32>} : memref<15232xf32, #tpu.memory_space<vmem>>, vector<16xf32>,
          %swap3A_679 = arith.index_cast %add3A_642 : i32 to index
          %swap3A_680 = arith.constant 0 : index
          %swap3A_681 = tpu.vector_load %arg10[%swap3A_679, %swap3A_680] {strides = array<i32>} : memref<160x131xf32, #tpu.memory_space<vmem>>, vector<16xf32>,
          tpu.vector_store %arg10[%swap3A_679, %swap3A_680], %get3A_650 {strides = array<i32>} : memref<160x131xf32, #tpu.memory_space<vmem>>, vector<16xf32>,
          %swap3A_682 = arith.index_cast %add3A_642 : i32 to index
          %swap3A_683 = arith.constant 16 : index
          %swap3A_684 = tpu.vector_load %arg10[%swap3A_682, %swap3A_683] {strides = array<i32>} : memref<160x131xf32, #tpu.memory_space<vmem>>, vector<16xf32>,
          tpu.vector_store %arg10[%swap3A_682, %swap3A_683], %get3A_654 {strides = array<i32>} : memref<160x131xf32, #tpu.memory_space<vmem>>, vector<16xf32>,
          %swap3A_685 = arith.index_cast %add3A_642 : i32 to index
          %swap3A_686 = arith.constant 32 : index
          %swap3A_687 = tpu.vector_load %arg10[%swap3A_685, %swap3A_686] {strides = array<i32>} : memref<160x131xf32, #tpu.memory_space<vmem>>, vector<16xf32>,
          tpu.vector_store %arg10[%swap3A_685, %swap3A_686], %get3A_658 {strides = array<i32>} : memref<160x131xf32, #tpu.memory_space<vmem>>, vector<16xf32>,
          %swap3A_688 = arith.index_cast %add3A_642 : i32 to index
          %swap3A_689 = arith.constant 48 : index
          %swap3A_690 = tpu.vector_load %arg10[%swap3A_688, %swap3A_689] {strides = array<i32>} : memref<160x131xf32, #tpu.memory_space<vmem>>, vector<16xf32>,
          tpu.vector_store %arg10[%swap3A_688, %swap3A_689], %get3A_662 {strides = array<i32>} : memref<160x131xf32, #tpu.memory_space<vmem>>, vector<16xf32>,
          %swap3A_691 = arith.index_cast %add3A_642 : i32 to index
          %swap3A_692 = arith.constant 64 : index
          %swap3A_693 = tpu.vector_load %arg10[%swap3A_691, %swap3A_692] {strides = array<i32>} : memref<160x131xf32, #tpu.memory_space<vmem>>, vector<16xf32>,
          tpu.vector_store %arg10[%swap3A_691, %swap3A_692], %get3A_666 {strides = array<i32>} : memref<160x131xf32, #tpu.memory_space<vmem>>, vector<16xf32>,
          %swap3A_694 = arith.index_cast %add3A_642 : i32 to index
          %swap3A_695 = arith.constant 80 : index
          %swap3A_696 = tpu.vector_load %arg10[%swap3A_694, %swap3A_695] {strides = array<i32>} : memref<160x131xf32, #tpu.memory_space<vmem>>, vector<16xf32>,
          tpu.vector_store %arg10[%swap3A_694, %swap3A_695], %get3A_670 {strides = array<i32>} : memref<160x131xf32, #tpu.memory_space<vmem>>, vector<16xf32>,
          %swap3A_697 = arith.index_cast %add3A_642 : i32 to index
          %swap3A_698 = arith.constant 96 : index
          %swap3A_699 = tpu.vector_load %arg10[%swap3A_697, %swap3A_698] {strides = array<i32>} : memref<160x131xf32, #tpu.memory_space<vmem>>, vector<16xf32>,
          tpu.vector_store %arg10[%swap3A_697, %swap3A_698], %get3A_674 {strides = array<i32>} : memref<160x131xf32, #tpu.memory_space<vmem>>, vector<16xf32>,
          %swap3A_700 = arith.index_cast %add3A_642 : i32 to index
          %swap3A_701 = arith.constant 112 : index
          %swap3A_702 = tpu.vector_load %arg10[%swap3A_700, %swap3A_701] {strides = array<i32>} : memref<160x131xf32, #tpu.memory_space<vmem>>, vector<16xf32>,
          tpu.vector_store %arg10[%swap3A_700, %swap3A_701], %get3A_678 {strides = array<i32>} : memref<160x131xf32, #tpu.memory_space<vmem>>, vector<16xf32>,
          %mul3A_703 = arith.constant 16 : i32
          %mul3A_704 = arith.muli %scan3A_126, %mul3A_703 : i32
          %add3A_705 = arith.constant 9 : i32
          %add3A_706 = arith.addi %mul3A_704, %add3A_705 : i32
          %slice3A_707 = vector.extract_strided_slice %get3A_129 {offsets = [9], sizes = [1], strides = [1]} : vector<16xi32> to vector<1xi32>
          %squeeze3A_708 = vector.extract %slice3A_707[0] : i32 from vector<1xi32>
          %mul3A_709 = arith.constant 128 : i32
          %mul3A_710 = arith.muli %squeeze3A_708, %mul3A_709 : i32
          %add3A_711 = arith.constant 0 : i32
          %add3A_712 = arith.addi %mul3A_710, %add3A_711 : i32
          %get3A_713 = arith.index_cast %add3A_712 : i32 to index
          %get3A_714 = tpu.vector_load %arg6[%get3A_713] {strides = array<i32>} : memref<15232xf32, #tpu.memory_space<vmem>>, vector<16xf32>,
          %add3A_715 = arith.constant 16 : i32
          %add3A_716 = arith.addi %mul3A_710, %add3A_715 : i32
          %get3A_717 = arith.index_cast %add3A_716 : i32 to index
          %get3A_718 = tpu.vector_load %arg6[%get3A_717] {strides = array<i32>} : memref<15232xf32, #tpu.memory_space<vmem>>, vector<16xf32>,
          %add3A_719 = arith.constant 32 : i32
          %add3A_720 = arith.addi %mul3A_710, %add3A_719 : i32
          %get3A_721 = arith.index_cast %add3A_720 : i32 to index
          %get3A_722 = tpu.vector_load %arg6[%get3A_721] {strides = array<i32>} : memref<15232xf32, #tpu.memory_space<vmem>>, vector<16xf32>,
          %add3A_723 = arith.constant 48 : i32
          %add3A_724 = arith.addi %mul3A_710, %add3A_723 : i32
          %get3A_725 = arith.index_cast %add3A_724 : i32 to index
          %get3A_726 = tpu.vector_load %arg6[%get3A_725] {strides = array<i32>} : memref<15232xf32, #tpu.memory_space<vmem>>, vector<16xf32>,
          %add3A_727 = arith.constant 64 : i32
          %add3A_728 = arith.addi %mul3A_710, %add3A_727 : i32
          %get3A_729 = arith.index_cast %add3A_728 : i32 to index
          %get3A_730 = tpu.vector_load %arg6[%get3A_729] {strides = array<i32>} : memref<15232xf32, #tpu.memory_space<vmem>>, vector<16xf32>,
          %add3A_731 = arith.constant 80 : i32
          %add3A_732 = arith.addi %mul3A_710, %add3A_731 : i32
          %get3A_733 = arith.index_cast %add3A_732 : i32 to index
          %get3A_734 = tpu.vector_load %arg6[%get3A_733] {strides = array<i32>} : memref<15232xf32, #tpu.memory_space<vmem>>, vector<16xf32>,
          %add3A_735 = arith.constant 96 : i32
          %add3A_736 = arith.addi %mul3A_710, %add3A_735 : i32
          %get3A_737 = arith.index_cast %add3A_736 : i32 to index
          %get3A_738 = tpu.vector_load %arg6[%get3A_737] {strides = array<i32>} : memref<15232xf32, #tpu.memory_space<vmem>>, vector<16xf32>,
          %add3A_739 = arith.constant 112 : i32
          %add3A_740 = arith.addi %mul3A_710, %add3A_739 : i32
          %get3A_741 = arith.index_cast %add3A_740 : i32 to index
          %get3A_742 = tpu.vector_load %arg6[%get3A_741] {strides = array<i32>} : memref<15232xf32, #tpu.memory_space<vmem>>, vector<16xf32>,
          %swap3A_743 = arith.index_cast %add3A_706 : i32 to index
          %swap3A_744 = arith.constant 0 : index
          %swap3A_745 = tpu.vector_load %arg10[%swap3A_743, %swap3A_744] {strides = array<i32>} : memref<160x131xf32, #tpu.memory_space<vmem>>, vector<16xf32>,
          tpu.vector_store %arg10[%swap3A_743, %swap3A_744], %get3A_714 {strides = array<i32>} : memref<160x131xf32, #tpu.memory_space<vmem>>, vector<16xf32>,
          %swap3A_746 = arith.index_cast %add3A_706 : i32 to index
          %swap3A_747 = arith.constant 16 : index
          %swap3A_748 = tpu.vector_load %arg10[%swap3A_746, %swap3A_747] {strides = array<i32>} : memref<160x131xf32, #tpu.memory_space<vmem>>, vector<16xf32>,
          tpu.vector_store %arg10[%swap3A_746, %swap3A_747], %get3A_718 {strides = array<i32>} : memref<160x131xf32, #tpu.memory_space<vmem>>, vector<16xf32>,
          %swap3A_749 = arith.index_cast %add3A_706 : i32 to index
          %swap3A_750 = arith.constant 32 : index
          %swap3A_751 = tpu.vector_load %arg10[%swap3A_749, %swap3A_750] {strides = array<i32>} : memref<160x131xf32, #tpu.memory_space<vmem>>, vector<16xf32>,
          tpu.vector_store %arg10[%swap3A_749, %swap3A_750], %get3A_722 {strides = array<i32>} : memref<160x131xf32, #tpu.memory_space<vmem>>, vector<16xf32>,
          %swap3A_752 = arith.index_cast %add3A_706 : i32 to index
          %swap3A_753 = arith.constant 48 : index
          %swap3A_754 = tpu.vector_load %arg10[%swap3A_752, %swap3A_753] {strides = array<i32>} : memref<160x131xf32, #tpu.memory_space<vmem>>, vector<16xf32>,
          tpu.vector_store %arg10[%swap3A_752, %swap3A_753], %get3A_726 {strides = array<i32>} : memref<160x131xf32, #tpu.memory_space<vmem>>, vector<16xf32>,
          %swap3A_755 = arith.index_cast %add3A_706 : i32 to index
          %swap3A_756 = arith.constant 64 : index
          %swap3A_757 = tpu.vector_load %arg10[%swap3A_755, %swap3A_756] {strides = array<i32>} : memref<160x131xf32, #tpu.memory_space<vmem>>, vector<16xf32>,
          tpu.vector_store %arg10[%swap3A_755, %swap3A_756], %get3A_730 {strides = array<i32>} : memref<160x131xf32, #tpu.memory_space<vmem>>, vector<16xf32>,
          %swap3A_758 = arith.index_cast %add3A_706 : i32 to index
          %swap3A_759 = arith.constant 80 : index
          %swap3A_760 = tpu.vector_load %arg10[%swap3A_758, %swap3A_759] {strides = array<i32>} : memref<160x131xf32, #tpu.memory_space<vmem>>, vector<16xf32>,
          tpu.vector_store %arg10[%swap3A_758, %swap3A_759], %get3A_734 {strides = array<i32>} : memref<160x131xf32, #tpu.memory_space<vmem>>, vector<16xf32>,
          %swap3A_761 = arith.index_cast %add3A_706 : i32 to index
          %swap3A_762 = arith.constant 96 : index
          %swap3A_763 = tpu.vector_load %arg10[%swap3A_761, %swap3A_762] {strides = array<i32>} : memref<160x131xf32, #tpu.memory_space<vmem>>, vector<16xf32>,
          tpu.vector_store %arg10[%swap3A_761, %swap3A_762], %get3A_738 {strides = array<i32>} : memref<160x131xf32, #tpu.memory_space<vmem>>, vector<16xf32>,
          %swap3A_764 = arith.index_cast %add3A_706 : i32 to index
          %swap3A_765 = arith.constant 112 : index
          %swap3A_766 = tpu.vector_load %arg10[%swap3A_764, %swap3A_765] {strides = array<i32>} : memref<160x131xf32, #tpu.memory_space<vmem>>, vector<16xf32>,
          tpu.vector_store %arg10[%swap3A_764, %swap3A_765], %get3A_742 {strides = array<i32>} : memref<160x131xf32, #tpu.memory_space<vmem>>, vector<16xf32>,
          %mul3A_767 = arith.constant 16 : i32
          %mul3A_768 = arith.muli %scan3A_126, %mul3A_767 : i32
          %add3A_769 = arith.constant 10 : i32
          %add3A_770 = arith.addi %mul3A_768, %add3A_769 : i32
          %slice3A_771 = vector.extract_strided_slice %get3A_129 {offsets = [10], sizes = [1], strides = [1]} : vector<16xi32> to vector<1xi32>
          %squeeze3A_772 = vector.extract %slice3A_771[0] : i32 from vector<1xi32>
          %mul3A_773 = arith.constant 128 : i32
          %mul3A_774 = arith.muli %squeeze3A_772, %mul3A_773 : i32
          %add3A_775 = arith.constant 0 : i32
          %add3A_776 = arith.addi %mul3A_774, %add3A_775 : i32
          %get3A_777 = arith.index_cast %add3A_776 : i32 to index
          %get3A_778 = tpu.vector_load %arg6[%get3A_777] {strides = array<i32>} : memref<15232xf32, #tpu.memory_space<vmem>>, vector<16xf32>,
          %add3A_779 = arith.constant 16 : i32
          %add3A_780 = arith.addi %mul3A_774, %add3A_779 : i32
          %get3A_781 = arith.index_cast %add3A_780 : i32 to index
          %get3A_782 = tpu.vector_load %arg6[%get3A_781] {strides = array<i32>} : memref<15232xf32, #tpu.memory_space<vmem>>, vector<16xf32>,
          %add3A_783 = arith.constant 32 : i32
          %add3A_784 = arith.addi %mul3A_774, %add3A_783 : i32
          %get3A_785 = arith.index_cast %add3A_784 : i32 to index
          %get3A_786 = tpu.vector_load %arg6[%get3A_785] {strides = array<i32>} : memref<15232xf32, #tpu.memory_space<vmem>>, vector<16xf32>,
          %add3A_787 = arith.constant 48 : i32
          %add3A_788 = arith.addi %mul3A_774, %add3A_787 : i32
          %get3A_789 = arith.index_cast %add3A_788 : i32 to index
          %get3A_790 = tpu.vector_load %arg6[%get3A_789] {strides = array<i32>} : memref<15232xf32, #tpu.memory_space<vmem>>, vector<16xf32>,
          %add3A_791 = arith.constant 64 : i32
          %add3A_792 = arith.addi %mul3A_774, %add3A_791 : i32
          %get3A_793 = arith.index_cast %add3A_792 : i32 to index
          %get3A_794 = tpu.vector_load %arg6[%get3A_793] {strides = array<i32>} : memref<15232xf32, #tpu.memory_space<vmem>>, vector<16xf32>,
          %add3A_795 = arith.constant 80 : i32
          %add3A_796 = arith.addi %mul3A_774, %add3A_795 : i32
          %get3A_797 = arith.index_cast %add3A_796 : i32 to index
          %get3A_798 = tpu.vector_load %arg6[%get3A_797] {strides = array<i32>} : memref<15232xf32, #tpu.memory_space<vmem>>, vector<16xf32>,
          %add3A_799 = arith.constant 96 : i32
          %add3A_800 = arith.addi %mul3A_774, %add3A_799 : i32
          %get3A_801 = arith.index_cast %add3A_800 : i32 to index
          %get3A_802 = tpu.vector_load %arg6[%get3A_801] {strides = array<i32>} : memref<15232xf32, #tpu.memory_space<vmem>>, vector<16xf32>,
          %add3A_803 = arith.constant 112 : i32
          %add3A_804 = arith.addi %mul3A_774, %add3A_803 : i32
          %get3A_805 = arith.index_cast %add3A_804 : i32 to index
          %get3A_806 = tpu.vector_load %arg6[%get3A_805] {strides = array<i32>} : memref<15232xf32, #tpu.memory_space<vmem>>, vector<16xf32>,
          %swap3A_807 = arith.index_cast %add3A_770 : i32 to index
          %swap3A_808 = arith.constant 0 : index
          %swap3A_809 = tpu.vector_load %arg10[%swap3A_807, %swap3A_808] {strides = array<i32>} : memref<160x131xf32, #tpu.memory_space<vmem>>, vector<16xf32>,
          tpu.vector_store %arg10[%swap3A_807, %swap3A_808], %get3A_778 {strides = array<i32>} : memref<160x131xf32, #tpu.memory_space<vmem>>, vector<16xf32>,
          %swap3A_810 = arith.index_cast %add3A_770 : i32 to index
          %swap3A_811 = arith.constant 16 : index
          %swap3A_812 = tpu.vector_load %arg10[%swap3A_810, %swap3A_811] {strides = array<i32>} : memref<160x131xf32, #tpu.memory_space<vmem>>, vector<16xf32>,
          tpu.vector_store %arg10[%swap3A_810, %swap3A_811], %get3A_782 {strides = array<i32>} : memref<160x131xf32, #tpu.memory_space<vmem>>, vector<16xf32>,
          %swap3A_813 = arith.index_cast %add3A_770 : i32 to index
          %swap3A_814 = arith.constant 32 : index
          %swap3A_815 = tpu.vector_load %arg10[%swap3A_813, %swap3A_814] {strides = array<i32>} : memref<160x131xf32, #tpu.memory_space<vmem>>, vector<16xf32>,
          tpu.vector_store %arg10[%swap3A_813, %swap3A_814], %get3A_786 {strides = array<i32>} : memref<160x131xf32, #tpu.memory_space<vmem>>, vector<16xf32>,
          %swap3A_816 = arith.index_cast %add3A_770 : i32 to index
          %swap3A_817 = arith.constant 48 : index
          %swap3A_818 = tpu.vector_load %arg10[%swap3A_816, %swap3A_817] {strides = array<i32>} : memref<160x131xf32, #tpu.memory_space<vmem>>, vector<16xf32>,
          tpu.vector_store %arg10[%swap3A_816, %swap3A_817], %get3A_790 {strides = array<i32>} : memref<160x131xf32, #tpu.memory_space<vmem>>, vector<16xf32>,
          %swap3A_819 = arith.index_cast %add3A_770 : i32 to index
          %swap3A_820 = arith.constant 64 : index
          %swap3A_821 = tpu.vector_load %arg10[%swap3A_819, %swap3A_820] {strides = array<i32>} : memref<160x131xf32, #tpu.memory_space<vmem>>, vector<16xf32>,
          tpu.vector_store %arg10[%swap3A_819, %swap3A_820], %get3A_794 {strides = array<i32>} : memref<160x131xf32, #tpu.memory_space<vmem>>, vector<16xf32>,
          %swap3A_822 = arith.index_cast %add3A_770 : i32 to index
          %swap3A_823 = arith.constant 80 : index
          %swap3A_824 = tpu.vector_load %arg10[%swap3A_822, %swap3A_823] {strides = array<i32>} : memref<160x131xf32, #tpu.memory_space<vmem>>, vector<16xf32>,
          tpu.vector_store %arg10[%swap3A_822, %swap3A_823], %get3A_798 {strides = array<i32>} : memref<160x131xf32, #tpu.memory_space<vmem>>, vector<16xf32>,
          %swap3A_825 = arith.index_cast %add3A_770 : i32 to index
          %swap3A_826 = arith.constant 96 : index
          %swap3A_827 = tpu.vector_load %arg10[%swap3A_825, %swap3A_826] {strides = array<i32>} : memref<160x131xf32, #tpu.memory_space<vmem>>, vector<16xf32>,
          tpu.vector_store %arg10[%swap3A_825, %swap3A_826], %get3A_802 {strides = array<i32>} : memref<160x131xf32, #tpu.memory_space<vmem>>, vector<16xf32>,
          %swap3A_828 = arith.index_cast %add3A_770 : i32 to index
          %swap3A_829 = arith.constant 112 : index
          %swap3A_830 = tpu.vector_load %arg10[%swap3A_828, %swap3A_829] {strides = array<i32>} : memref<160x131xf32, #tpu.memory_space<vmem>>, vector<16xf32>,
          tpu.vector_store %arg10[%swap3A_828, %swap3A_829], %get3A_806 {strides = array<i32>} : memref<160x131xf32, #tpu.memory_space<vmem>>, vector<16xf32>,
          %mul3A_831 = arith.constant 16 : i32
          %mul3A_832 = arith.muli %scan3A_126, %mul3A_831 : i32
          %add3A_833 = arith.constant 11 : i32
          %add3A_834 = arith.addi %mul3A_832, %add3A_833 : i32
          %slice3A_835 = vector.extract_strided_slice %get3A_129 {offsets = [11], sizes = [1], strides = [1]} : vector<16xi32> to vector<1xi32>
          %squeeze3A_836 = vector.extract %slice3A_835[0] : i32 from vector<1xi32>
          %mul3A_837 = arith.constant 128 : i32
          %mul3A_838 = arith.muli %squeeze3A_836, %mul3A_837 : i32
          %add3A_839 = arith.constant 0 : i32
          %add3A_840 = arith.addi %mul3A_838, %add3A_839 : i32
          %get3A_841 = arith.index_cast %add3A_840 : i32 to index
          %get3A_842 = tpu.vector_load %arg6[%get3A_841] {strides = array<i32>} : memref<15232xf32, #tpu.memory_space<vmem>>, vector<16xf32>,
          %add3A_843 = arith.constant 16 : i32
          %add3A_844 = arith.addi %mul3A_838, %add3A_843 : i32
          %get3A_845 = arith.index_cast %add3A_844 : i32 to index
          %get3A_846 = tpu.vector_load %arg6[%get3A_845] {strides = array<i32>} : memref<15232xf32, #tpu.memory_space<vmem>>, vector<16xf32>,
          %add3A_847 = arith.constant 32 : i32
          %add3A_848 = arith.addi %mul3A_838, %add3A_847 : i32
          %get3A_849 = arith.index_cast %add3A_848 : i32 to index
          %get3A_850 = tpu.vector_load %arg6[%get3A_849] {strides = array<i32>} : memref<15232xf32, #tpu.memory_space<vmem>>, vector<16xf32>,
          %add3A_851 = arith.constant 48 : i32
          %add3A_852 = arith.addi %mul3A_838, %add3A_851 : i32
          %get3A_853 = arith.index_cast %add3A_852 : i32 to index
          %get3A_854 = tpu.vector_load %arg6[%get3A_853] {strides = array<i32>} : memref<15232xf32, #tpu.memory_space<vmem>>, vector<16xf32>,
          %add3A_855 = arith.constant 64 : i32
          %add3A_856 = arith.addi %mul3A_838, %add3A_855 : i32
          %get3A_857 = arith.index_cast %add3A_856 : i32 to index
          %get3A_858 = tpu.vector_load %arg6[%get3A_857] {strides = array<i32>} : memref<15232xf32, #tpu.memory_space<vmem>>, vector<16xf32>,
          %add3A_859 = arith.constant 80 : i32
          %add3A_860 = arith.addi %mul3A_838, %add3A_859 : i32
          %get3A_861 = arith.index_cast %add3A_860 : i32 to index
          %get3A_862 = tpu.vector_load %arg6[%get3A_861] {strides = array<i32>} : memref<15232xf32, #tpu.memory_space<vmem>>, vector<16xf32>,
          %add3A_863 = arith.constant 96 : i32
          %add3A_864 = arith.addi %mul3A_838, %add3A_863 : i32
          %get3A_865 = arith.index_cast %add3A_864 : i32 to index
          %get3A_866 = tpu.vector_load %arg6[%get3A_865] {strides = array<i32>} : memref<15232xf32, #tpu.memory_space<vmem>>, vector<16xf32>,
          %add3A_867 = arith.constant 112 : i32
          %add3A_868 = arith.addi %mul3A_838, %add3A_867 : i32
          %get3A_869 = arith.index_cast %add3A_868 : i32 to index
          %get3A_870 = tpu.vector_load %arg6[%get3A_869] {strides = array<i32>} : memref<15232xf32, #tpu.memory_space<vmem>>, vector<16xf32>,
          %swap3A_871 = arith.index_cast %add3A_834 : i32 to index
          %swap3A_872 = arith.constant 0 : index
          %swap3A_873 = tpu.vector_load %arg10[%swap3A_871, %swap3A_872] {strides = array<i32>} : memref<160x131xf32, #tpu.memory_space<vmem>>, vector<16xf32>,
          tpu.vector_store %arg10[%swap3A_871, %swap3A_872], %get3A_842 {strides = array<i32>} : memref<160x131xf32, #tpu.memory_space<vmem>>, vector<16xf32>,
          %swap3A_874 = arith.index_cast %add3A_834 : i32 to index
          %swap3A_875 = arith.constant 16 : index
          %swap3A_876 = tpu.vector_load %arg10[%swap3A_874, %swap3A_875] {strides = array<i32>} : memref<160x131xf32, #tpu.memory_space<vmem>>, vector<16xf32>,
          tpu.vector_store %arg10[%swap3A_874, %swap3A_875], %get3A_846 {strides = array<i32>} : memref<160x131xf32, #tpu.memory_space<vmem>>, vector<16xf32>,
          %swap3A_877 = arith.index_cast %add3A_834 : i32 to index
          %swap3A_878 = arith.constant 32 : index
          %swap3A_879 = tpu.vector_load %arg10[%swap3A_877, %swap3A_878] {strides = array<i32>} : memref<160x131xf32, #tpu.memory_space<vmem>>, vector<16xf32>,
          tpu.vector_store %arg10[%swap3A_877, %swap3A_878], %get3A_850 {strides = array<i32>} : memref<160x131xf32, #tpu.memory_space<vmem>>, vector<16xf32>,
          %swap3A_880 = arith.index_cast %add3A_834 : i32 to index
          %swap3A_881 = arith.constant 48 : index
          %swap3A_882 = tpu.vector_load %arg10[%swap3A_880, %swap3A_881] {strides = array<i32>} : memref<160x131xf32, #tpu.memory_space<vmem>>, vector<16xf32>,
          tpu.vector_store %arg10[%swap3A_880, %swap3A_881], %get3A_854 {strides = array<i32>} : memref<160x131xf32, #tpu.memory_space<vmem>>, vector<16xf32>,
          %swap3A_883 = arith.index_cast %add3A_834 : i32 to index
          %swap3A_884 = arith.constant 64 : index
          %swap3A_885 = tpu.vector_load %arg10[%swap3A_883, %swap3A_884] {strides = array<i32>} : memref<160x131xf32, #tpu.memory_space<vmem>>, vector<16xf32>,
          tpu.vector_store %arg10[%swap3A_883, %swap3A_884], %get3A_858 {strides = array<i32>} : memref<160x131xf32, #tpu.memory_space<vmem>>, vector<16xf32>,
          %swap3A_886 = arith.index_cast %add3A_834 : i32 to index
          %swap3A_887 = arith.constant 80 : index
          %swap3A_888 = tpu.vector_load %arg10[%swap3A_886, %swap3A_887] {strides = array<i32>} : memref<160x131xf32, #tpu.memory_space<vmem>>, vector<16xf32>,
          tpu.vector_store %arg10[%swap3A_886, %swap3A_887], %get3A_862 {strides = array<i32>} : memref<160x131xf32, #tpu.memory_space<vmem>>, vector<16xf32>,
          %swap3A_889 = arith.index_cast %add3A_834 : i32 to index
          %swap3A_890 = arith.constant 96 : index
          %swap3A_891 = tpu.vector_load %arg10[%swap3A_889, %swap3A_890] {strides = array<i32>} : memref<160x131xf32, #tpu.memory_space<vmem>>, vector<16xf32>,
          tpu.vector_store %arg10[%swap3A_889, %swap3A_890], %get3A_866 {strides = array<i32>} : memref<160x131xf32, #tpu.memory_space<vmem>>, vector<16xf32>,
          %swap3A_892 = arith.index_cast %add3A_834 : i32 to index
          %swap3A_893 = arith.constant 112 : index
          %swap3A_894 = tpu.vector_load %arg10[%swap3A_892, %swap3A_893] {strides = array<i32>} : memref<160x131xf32, #tpu.memory_space<vmem>>, vector<16xf32>,
          tpu.vector_store %arg10[%swap3A_892, %swap3A_893], %get3A_870 {strides = array<i32>} : memref<160x131xf32, #tpu.memory_space<vmem>>, vector<16xf32>,
          %mul3A_895 = arith.constant 16 : i32
          %mul3A_896 = arith.muli %scan3A_126, %mul3A_895 : i32
          %add3A_897 = arith.constant 12 : i32
          %add3A_898 = arith.addi %mul3A_896, %add3A_897 : i32
          %slice3A_899 = vector.extract_strided_slice %get3A_129 {offsets = [12], sizes = [1], strides = [1]} : vector<16xi32> to vector<1xi32>
          %squeeze3A_900 = vector.extract %slice3A_899[0] : i32 from vector<1xi32>
          %mul3A_901 = arith.constant 128 : i32
          %mul3A_902 = arith.muli %squeeze3A_900, %mul3A_901 : i32
          %add3A_903 = arith.constant 0 : i32
          %add3A_904 = arith.addi %mul3A_902, %add3A_903 : i32
          %get3A_905 = arith.index_cast %add3A_904 : i32 to index
          %get3A_906 = tpu.vector_load %arg6[%get3A_905] {strides = array<i32>} : memref<15232xf32, #tpu.memory_space<vmem>>, vector<16xf32>,
          %add3A_907 = arith.constant 16 : i32
          %add3A_908 = arith.addi %mul3A_902, %add3A_907 : i32
          %get3A_909 = arith.index_cast %add3A_908 : i32 to index
          %get3A_910 = tpu.vector_load %arg6[%get3A_909] {strides = array<i32>} : memref<15232xf32, #tpu.memory_space<vmem>>, vector<16xf32>,
          %add3A_911 = arith.constant 32 : i32
          %add3A_912 = arith.addi %mul3A_902, %add3A_911 : i32
          %get3A_913 = arith.index_cast %add3A_912 : i32 to index
          %get3A_914 = tpu.vector_load %arg6[%get3A_913] {strides = array<i32>} : memref<15232xf32, #tpu.memory_space<vmem>>, vector<16xf32>,
          %add3A_915 = arith.constant 48 : i32
          %add3A_916 = arith.addi %mul3A_902, %add3A_915 : i32
          %get3A_917 = arith.index_cast %add3A_916 : i32 to index
          %get3A_918 = tpu.vector_load %arg6[%get3A_917] {strides = array<i32>} : memref<15232xf32, #tpu.memory_space<vmem>>, vector<16xf32>,
          %add3A_919 = arith.constant 64 : i32
          %add3A_920 = arith.addi %mul3A_902, %add3A_919 : i32
          %get3A_921 = arith.index_cast %add3A_920 : i32 to index
          %get3A_922 = tpu.vector_load %arg6[%get3A_921] {strides = array<i32>} : memref<15232xf32, #tpu.memory_space<vmem>>, vector<16xf32>,
          %add3A_923 = arith.constant 80 : i32
          %add3A_924 = arith.addi %mul3A_902, %add3A_923 : i32
          %get3A_925 = arith.index_cast %add3A_924 : i32 to index
          %get3A_926 = tpu.vector_load %arg6[%get3A_925] {strides = array<i32>} : memref<15232xf32, #tpu.memory_space<vmem>>, vector<16xf32>,
          %add3A_927 = arith.constant 96 : i32
          %add3A_928 = arith.addi %mul3A_902, %add3A_927 : i32
          %get3A_929 = arith.index_cast %add3A_928 : i32 to index
          %get3A_930 = tpu.vector_load %arg6[%get3A_929] {strides = array<i32>} : memref<15232xf32, #tpu.memory_space<vmem>>, vector<16xf32>,
          %add3A_931 = arith.constant 112 : i32
          %add3A_932 = arith.addi %mul3A_902, %add3A_931 : i32
          %get3A_933 = arith.index_cast %add3A_932 : i32 to index
          %get3A_934 = tpu.vector_load %arg6[%get3A_933] {strides = array<i32>} : memref<15232xf32, #tpu.memory_space<vmem>>, vector<16xf32>,
          %swap3A_935 = arith.index_cast %add3A_898 : i32 to index
          %swap3A_936 = arith.constant 0 : index
          %swap3A_937 = tpu.vector_load %arg10[%swap3A_935, %swap3A_936] {strides = array<i32>} : memref<160x131xf32, #tpu.memory_space<vmem>>, vector<16xf32>,
          tpu.vector_store %arg10[%swap3A_935, %swap3A_936], %get3A_906 {strides = array<i32>} : memref<160x131xf32, #tpu.memory_space<vmem>>, vector<16xf32>,
          %swap3A_938 = arith.index_cast %add3A_898 : i32 to index
          %swap3A_939 = arith.constant 16 : index
          %swap3A_940 = tpu.vector_load %arg10[%swap3A_938, %swap3A_939] {strides = array<i32>} : memref<160x131xf32, #tpu.memory_space<vmem>>, vector<16xf32>,
          tpu.vector_store %arg10[%swap3A_938, %swap3A_939], %get3A_910 {strides = array<i32>} : memref<160x131xf32, #tpu.memory_space<vmem>>, vector<16xf32>,
          %swap3A_941 = arith.index_cast %add3A_898 : i32 to index
          %swap3A_942 = arith.constant 32 : index
          %swap3A_943 = tpu.vector_load %arg10[%swap3A_941, %swap3A_942] {strides = array<i32>} : memref<160x131xf32, #tpu.memory_space<vmem>>, vector<16xf32>,
          tpu.vector_store %arg10[%swap3A_941, %swap3A_942], %get3A_914 {strides = array<i32>} : memref<160x131xf32, #tpu.memory_space<vmem>>, vector<16xf32>,
          %swap3A_944 = arith.index_cast %add3A_898 : i32 to index
          %swap3A_945 = arith.constant 48 : index
          %swap3A_946 = tpu.vector_load %arg10[%swap3A_944, %swap3A_945] {strides = array<i32>} : memref<160x131xf32, #tpu.memory_space<vmem>>, vector<16xf32>,
          tpu.vector_store %arg10[%swap3A_944, %swap3A_945], %get3A_918 {strides = array<i32>} : memref<160x131xf32, #tpu.memory_space<vmem>>, vector<16xf32>,
          %swap3A_947 = arith.index_cast %add3A_898 : i32 to index
          %swap3A_948 = arith.constant 64 : index
          %swap3A_949 = tpu.vector_load %arg10[%swap3A_947, %swap3A_948] {strides = array<i32>} : memref<160x131xf32, #tpu.memory_space<vmem>>, vector<16xf32>,
          tpu.vector_store %arg10[%swap3A_947, %swap3A_948], %get3A_922 {strides = array<i32>} : memref<160x131xf32, #tpu.memory_space<vmem>>, vector<16xf32>,
          %swap3A_950 = arith.index_cast %add3A_898 : i32 to index
          %swap3A_951 = arith.constant 80 : index
          %swap3A_952 = tpu.vector_load %arg10[%swap3A_950, %swap3A_951] {strides = array<i32>} : memref<160x131xf32, #tpu.memory_space<vmem>>, vector<16xf32>,
          tpu.vector_store %arg10[%swap3A_950, %swap3A_951], %get3A_926 {strides = array<i32>} : memref<160x131xf32, #tpu.memory_space<vmem>>, vector<16xf32>,
          %swap3A_953 = arith.index_cast %add3A_898 : i32 to index
          %swap3A_954 = arith.constant 96 : index
          %swap3A_955 = tpu.vector_load %arg10[%swap3A_953, %swap3A_954] {strides = array<i32>} : memref<160x131xf32, #tpu.memory_space<vmem>>, vector<16xf32>,
          tpu.vector_store %arg10[%swap3A_953, %swap3A_954], %get3A_930 {strides = array<i32>} : memref<160x131xf32, #tpu.memory_space<vmem>>, vector<16xf32>,
          %swap3A_956 = arith.index_cast %add3A_898 : i32 to index
          %swap3A_957 = arith.constant 112 : index
          %swap3A_958 = tpu.vector_load %arg10[%swap3A_956, %swap3A_957] {strides = array<i32>} : memref<160x131xf32, #tpu.memory_space<vmem>>, vector<16xf32>,
          tpu.vector_store %arg10[%swap3A_956, %swap3A_957], %get3A_934 {strides = array<i32>} : memref<160x131xf32, #tpu.memory_space<vmem>>, vector<16xf32>,
          %mul3A_959 = arith.constant 16 : i32
          %mul3A_960 = arith.muli %scan3A_126, %mul3A_959 : i32
          %add3A_961 = arith.constant 13 : i32
          %add3A_962 = arith.addi %mul3A_960, %add3A_961 : i32
          %slice3A_963 = vector.extract_strided_slice %get3A_129 {offsets = [13], sizes = [1], strides = [1]} : vector<16xi32> to vector<1xi32>
          %squeeze3A_964 = vector.extract %slice3A_963[0] : i32 from vector<1xi32>
          %mul3A_965 = arith.constant 128 : i32
          %mul3A_966 = arith.muli %squeeze3A_964, %mul3A_965 : i32
          %add3A_967 = arith.constant 0 : i32
          %add3A_968 = arith.addi %mul3A_966, %add3A_967 : i32
          %get3A_969 = arith.index_cast %add3A_968 : i32 to index
          %get3A_970 = tpu.vector_load %arg6[%get3A_969] {strides = array<i32>} : memref<15232xf32, #tpu.memory_space<vmem>>, vector<16xf32>,
          %add3A_971 = arith.constant 16 : i32
          %add3A_972 = arith.addi %mul3A_966, %add3A_971 : i32
          %get3A_973 = arith.index_cast %add3A_972 : i32 to index
          %get3A_974 = tpu.vector_load %arg6[%get3A_973] {strides = array<i32>} : memref<15232xf32, #tpu.memory_space<vmem>>, vector<16xf32>,
          %add3A_975 = arith.constant 32 : i32
          %add3A_976 = arith.addi %mul3A_966, %add3A_975 : i32
          %get3A_977 = arith.index_cast %add3A_976 : i32 to index
          %get3A_978 = tpu.vector_load %arg6[%get3A_977] {strides = array<i32>} : memref<15232xf32, #tpu.memory_space<vmem>>, vector<16xf32>,
          %add3A_979 = arith.constant 48 : i32
          %add3A_980 = arith.addi %mul3A_966, %add3A_979 : i32
          %get3A_981 = arith.index_cast %add3A_980 : i32 to index
          %get3A_982 = tpu.vector_load %arg6[%get3A_981] {strides = array<i32>} : memref<15232xf32, #tpu.memory_space<vmem>>, vector<16xf32>,
          %add3A_983 = arith.constant 64 : i32
          %add3A_984 = arith.addi %mul3A_966, %add3A_983 : i32
          %get3A_985 = arith.index_cast %add3A_984 : i32 to index
          %get3A_986 = tpu.vector_load %arg6[%get3A_985] {strides = array<i32>} : memref<15232xf32, #tpu.memory_space<vmem>>, vector<16xf32>,
          %add3A_987 = arith.constant 80 : i32
          %add3A_988 = arith.addi %mul3A_966, %add3A_987 : i32
          %get3A_989 = arith.index_cast %add3A_988 : i32 to index
          %get3A_990 = tpu.vector_load %arg6[%get3A_989] {strides = array<i32>} : memref<15232xf32, #tpu.memory_space<vmem>>, vector<16xf32>,
          %add3A_991 = arith.constant 96 : i32
          %add3A_992 = arith.addi %mul3A_966, %add3A_991 : i32
          %get3A_993 = arith.index_cast %add3A_992 : i32 to index
          %get3A_994 = tpu.vector_load %arg6[%get3A_993] {strides = array<i32>} : memref<15232xf32, #tpu.memory_space<vmem>>, vector<16xf32>,
          %add3A_995 = arith.constant 112 : i32
          %add3A_996 = arith.addi %mul3A_966, %add3A_995 : i32
          %get3A_997 = arith.index_cast %add3A_996 : i32 to index
          %get3A_998 = tpu.vector_load %arg6[%get3A_997] {strides = array<i32>} : memref<15232xf32, #tpu.memory_space<vmem>>, vector<16xf32>,
          %swap3A_999 = arith.index_cast %add3A_962 : i32 to index
          %swap3A_1000 = arith.constant 0 : index
          %swap3A_1001 = tpu.vector_load %arg10[%swap3A_999, %swap3A_1000] {strides = array<i32>} : memref<160x131xf32, #tpu.memory_space<vmem>>, vector<16xf32>,
          tpu.vector_store %arg10[%swap3A_999, %swap3A_1000], %get3A_970 {strides = array<i32>} : memref<160x131xf32, #tpu.memory_space<vmem>>, vector<16xf32>,
          %swap3A_1002 = arith.index_cast %add3A_962 : i32 to index
          %swap3A_1003 = arith.constant 16 : index
          %swap3A_1004 = tpu.vector_load %arg10[%swap3A_1002, %swap3A_1003] {strides = array<i32>} : memref<160x131xf32, #tpu.memory_space<vmem>>, vector<16xf32>,
          tpu.vector_store %arg10[%swap3A_1002, %swap3A_1003], %get3A_974 {strides = array<i32>} : memref<160x131xf32, #tpu.memory_space<vmem>>, vector<16xf32>,
          %swap3A_1005 = arith.index_cast %add3A_962 : i32 to index
          %swap3A_1006 = arith.constant 32 : index
          %swap3A_1007 = tpu.vector_load %arg10[%swap3A_1005, %swap3A_1006] {strides = array<i32>} : memref<160x131xf32, #tpu.memory_space<vmem>>, vector<16xf32>,
          tpu.vector_store %arg10[%swap3A_1005, %swap3A_1006], %get3A_978 {strides = array<i32>} : memref<160x131xf32, #tpu.memory_space<vmem>>, vector<16xf32>,
          %swap3A_1008 = arith.index_cast %add3A_962 : i32 to index
          %swap3A_1009 = arith.constant 48 : index
          %swap3A_1010 = tpu.vector_load %arg10[%swap3A_1008, %swap3A_1009] {strides = array<i32>} : memref<160x131xf32, #tpu.memory_space<vmem>>, vector<16xf32>,
          tpu.vector_store %arg10[%swap3A_1008, %swap3A_1009], %get3A_982 {strides = array<i32>} : memref<160x131xf32, #tpu.memory_space<vmem>>, vector<16xf32>,
          %swap3A_1011 = arith.index_cast %add3A_962 : i32 to index
          %swap3A_1012 = arith.constant 64 : index
          %swap3A_1013 = tpu.vector_load %arg10[%swap3A_1011, %swap3A_1012] {strides = array<i32>} : memref<160x131xf32, #tpu.memory_space<vmem>>, vector<16xf32>,
          tpu.vector_store %arg10[%swap3A_1011, %swap3A_1012], %get3A_986 {strides = array<i32>} : memref<160x131xf32, #tpu.memory_space<vmem>>, vector<16xf32>,
          %swap3A_1014 = arith.index_cast %add3A_962 : i32 to index
          %swap3A_1015 = arith.constant 80 : index
          %swap3A_1016 = tpu.vector_load %arg10[%swap3A_1014, %swap3A_1015] {strides = array<i32>} : memref<160x131xf32, #tpu.memory_space<vmem>>, vector<16xf32>,
          tpu.vector_store %arg10[%swap3A_1014, %swap3A_1015], %get3A_990 {strides = array<i32>} : memref<160x131xf32, #tpu.memory_space<vmem>>, vector<16xf32>,
          %swap3A_1017 = arith.index_cast %add3A_962 : i32 to index
          %swap3A_1018 = arith.constant 96 : index
          %swap3A_1019 = tpu.vector_load %arg10[%swap3A_1017, %swap3A_1018] {strides = array<i32>} : memref<160x131xf32, #tpu.memory_space<vmem>>, vector<16xf32>,
          tpu.vector_store %arg10[%swap3A_1017, %swap3A_1018], %get3A_994 {strides = array<i32>} : memref<160x131xf32, #tpu.memory_space<vmem>>, vector<16xf32>,
          %swap3A_1020 = arith.index_cast %add3A_962 : i32 to index
          %swap3A_1021 = arith.constant 112 : index
          %swap3A_1022 = tpu.vector_load %arg10[%swap3A_1020, %swap3A_1021] {strides = array<i32>} : memref<160x131xf32, #tpu.memory_space<vmem>>, vector<16xf32>,
          tpu.vector_store %arg10[%swap3A_1020, %swap3A_1021], %get3A_998 {strides = array<i32>} : memref<160x131xf32, #tpu.memory_space<vmem>>, vector<16xf32>,
          %mul3A_1023 = arith.constant 16 : i32
          %mul3A_1024 = arith.muli %scan3A_126, %mul3A_1023 : i32
          %add3A_1025 = arith.constant 14 : i32
          %add3A_1026 = arith.addi %mul3A_1024, %add3A_1025 : i32
          %slice3A_1027 = vector.extract_strided_slice %get3A_129 {offsets = [14], sizes = [1], strides = [1]} : vector<16xi32> to vector<1xi32>
          %squeeze3A_1028 = vector.extract %slice3A_1027[0] : i32 from vector<1xi32>
          %mul3A_1029 = arith.constant 128 : i32
          %mul3A_1030 = arith.muli %squeeze3A_1028, %mul3A_1029 : i32
          %add3A_1031 = arith.constant 0 : i32
          %add3A_1032 = arith.addi %mul3A_1030, %add3A_1031 : i32
          %get3A_1033 = arith.index_cast %add3A_1032 : i32 to index
          %get3A_1034 = tpu.vector_load %arg6[%get3A_1033] {strides = array<i32>} : memref<15232xf32, #tpu.memory_space<vmem>>, vector<16xf32>,
          %add3A_1035 = arith.constant 16 : i32
          %add3A_1036 = arith.addi %mul3A_1030, %add3A_1035 : i32
          %get3A_1037 = arith.index_cast %add3A_1036 : i32 to index
          %get3A_1038 = tpu.vector_load %arg6[%get3A_1037] {strides = array<i32>} : memref<15232xf32, #tpu.memory_space<vmem>>, vector<16xf32>,
          %add3A_1039 = arith.constant 32 : i32
          %add3A_1040 = arith.addi %mul3A_1030, %add3A_1039 : i32
          %get3A_1041 = arith.index_cast %add3A_1040 : i32 to index
          %get3A_1042 = tpu.vector_load %arg6[%get3A_1041] {strides = array<i32>} : memref<15232xf32, #tpu.memory_space<vmem>>, vector<16xf32>,
          %add3A_1043 = arith.constant 48 : i32
          %add3A_1044 = arith.addi %mul3A_1030, %add3A_1043 : i32
          %get3A_1045 = arith.index_cast %add3A_1044 : i32 to index
          %get3A_1046 = tpu.vector_load %arg6[%get3A_1045] {strides = array<i32>} : memref<15232xf32, #tpu.memory_space<vmem>>, vector<16xf32>,
          %add3A_1047 = arith.constant 64 : i32
          %add3A_1048 = arith.addi %mul3A_1030, %add3A_1047 : i32
          %get3A_1049 = arith.index_cast %add3A_1048 : i32 to index
          %get3A_1050 = tpu.vector_load %arg6[%get3A_1049] {strides = array<i32>} : memref<15232xf32, #tpu.memory_space<vmem>>, vector<16xf32>,
          %add3A_1051 = arith.constant 80 : i32
          %add3A_1052 = arith.addi %mul3A_1030, %add3A_1051 : i32
          %get3A_1053 = arith.index_cast %add3A_1052 : i32 to index
          %get3A_1054 = tpu.vector_load %arg6[%get3A_1053] {strides = array<i32>} : memref<15232xf32, #tpu.memory_space<vmem>>, vector<16xf32>,
          %add3A_1055 = arith.constant 96 : i32
          %add3A_1056 = arith.addi %mul3A_1030, %add3A_1055 : i32
          %get3A_1057 = arith.index_cast %add3A_1056 : i32 to index
          %get3A_1058 = tpu.vector_load %arg6[%get3A_1057] {strides = array<i32>} : memref<15232xf32, #tpu.memory_space<vmem>>, vector<16xf32>,
          %add3A_1059 = arith.constant 112 : i32
          %add3A_1060 = arith.addi %mul3A_1030, %add3A_1059 : i32
          %get3A_1061 = arith.index_cast %add3A_1060 : i32 to index
          %get3A_1062 = tpu.vector_load %arg6[%get3A_1061] {strides = array<i32>} : memref<15232xf32, #tpu.memory_space<vmem>>, vector<16xf32>,
          %swap3A_1063 = arith.index_cast %add3A_1026 : i32 to index
          %swap3A_1064 = arith.constant 0 : index
          %swap3A_1065 = tpu.vector_load %arg10[%swap3A_1063, %swap3A_1064] {strides = array<i32>} : memref<160x131xf32, #tpu.memory_space<vmem>>, vector<16xf32>,
          tpu.vector_store %arg10[%swap3A_1063, %swap3A_1064], %get3A_1034 {strides = array<i32>} : memref<160x131xf32, #tpu.memory_space<vmem>>, vector<16xf32>,
          %swap3A_1066 = arith.index_cast %add3A_1026 : i32 to index
          %swap3A_1067 = arith.constant 16 : index
          %swap3A_1068 = tpu.vector_load %arg10[%swap3A_1066, %swap3A_1067] {strides = array<i32>} : memref<160x131xf32, #tpu.memory_space<vmem>>, vector<16xf32>,
          tpu.vector_store %arg10[%swap3A_1066, %swap3A_1067], %get3A_1038 {strides = array<i32>} : memref<160x131xf32, #tpu.memory_space<vmem>>, vector<16xf32>,
          %swap3A_1069 = arith.index_cast %add3A_1026 : i32 to index
          %swap3A_1070 = arith.constant 32 : index
          %swap3A_1071 = tpu.vector_load %arg10[%swap3A_1069, %swap3A_1070] {strides = array<i32>} : memref<160x131xf32, #tpu.memory_space<vmem>>, vector<16xf32>,
          tpu.vector_store %arg10[%swap3A_1069, %swap3A_1070], %get3A_1042 {strides = array<i32>} : memref<160x131xf32, #tpu.memory_space<vmem>>, vector<16xf32>,
          %swap3A_1072 = arith.index_cast %add3A_1026 : i32 to index
          %swap3A_1073 = arith.constant 48 : index
          %swap3A_1074 = tpu.vector_load %arg10[%swap3A_1072, %swap3A_1073] {strides = array<i32>} : memref<160x131xf32, #tpu.memory_space<vmem>>, vector<16xf32>,
          tpu.vector_store %arg10[%swap3A_1072, %swap3A_1073], %get3A_1046 {strides = array<i32>} : memref<160x131xf32, #tpu.memory_space<vmem>>, vector<16xf32>,
          %swap3A_1075 = arith.index_cast %add3A_1026 : i32 to index
          %swap3A_1076 = arith.constant 64 : index
          %swap3A_1077 = tpu.vector_load %arg10[%swap3A_1075, %swap3A_1076] {strides = array<i32>} : memref<160x131xf32, #tpu.memory_space<vmem>>, vector<16xf32>,
          tpu.vector_store %arg10[%swap3A_1075, %swap3A_1076], %get3A_1050 {strides = array<i32>} : memref<160x131xf32, #tpu.memory_space<vmem>>, vector<16xf32>,
          %swap3A_1078 = arith.index_cast %add3A_1026 : i32 to index
          %swap3A_1079 = arith.constant 80 : index
          %swap3A_1080 = tpu.vector_load %arg10[%swap3A_1078, %swap3A_1079] {strides = array<i32>} : memref<160x131xf32, #tpu.memory_space<vmem>>, vector<16xf32>,
          tpu.vector_store %arg10[%swap3A_1078, %swap3A_1079], %get3A_1054 {strides = array<i32>} : memref<160x131xf32, #tpu.memory_space<vmem>>, vector<16xf32>,
          %swap3A_1081 = arith.index_cast %add3A_1026 : i32 to index
          %swap3A_1082 = arith.constant 96 : index
          %swap3A_1083 = tpu.vector_load %arg10[%swap3A_1081, %swap3A_1082] {strides = array<i32>} : memref<160x131xf32, #tpu.memory_space<vmem>>, vector<16xf32>,
          tpu.vector_store %arg10[%swap3A_1081, %swap3A_1082], %get3A_1058 {strides = array<i32>} : memref<160x131xf32, #tpu.memory_space<vmem>>, vector<16xf32>,
          %swap3A_1084 = arith.index_cast %add3A_1026 : i32 to index
          %swap3A_1085 = arith.constant 112 : index
          %swap3A_1086 = tpu.vector_load %arg10[%swap3A_1084, %swap3A_1085] {strides = array<i32>} : memref<160x131xf32, #tpu.memory_space<vmem>>, vector<16xf32>,
          tpu.vector_store %arg10[%swap3A_1084, %swap3A_1085], %get3A_1062 {strides = array<i32>} : memref<160x131xf32, #tpu.memory_space<vmem>>, vector<16xf32>,
          %mul3A_1087 = arith.constant 16 : i32
          %mul3A_1088 = arith.muli %scan3A_126, %mul3A_1087 : i32
          %add3A_1089 = arith.constant 15 : i32
          %add3A_1090 = arith.addi %mul3A_1088, %add3A_1089 : i32
          %slice3A_1091 = vector.extract_strided_slice %get3A_129 {offsets = [15], sizes = [1], strides = [1]} : vector<16xi32> to vector<1xi32>
          %squeeze3A_1092 = vector.extract %slice3A_1091[0] : i32 from vector<1xi32>
          %mul3A_1093 = arith.constant 128 : i32
          %mul3A_1094 = arith.muli %squeeze3A_1092, %mul3A_1093 : i32
          %add3A_1095 = arith.constant 0 : i32
          %add3A_1096 = arith.addi %mul3A_1094, %add3A_1095 : i32
          %get3A_1097 = arith.index_cast %add3A_1096 : i32 to index
          %get3A_1098 = tpu.vector_load %arg6[%get3A_1097] {strides = array<i32>} : memref<15232xf32, #tpu.memory_space<vmem>>, vector<16xf32>,
          %add3A_1099 = arith.constant 16 : i32
          %add3A_1100 = arith.addi %mul3A_1094, %add3A_1099 : i32
          %get3A_1101 = arith.index_cast %add3A_1100 : i32 to index
          %get3A_1102 = tpu.vector_load %arg6[%get3A_1101] {strides = array<i32>} : memref<15232xf32, #tpu.memory_space<vmem>>, vector<16xf32>,
          %add3A_1103 = arith.constant 32 : i32
          %add3A_1104 = arith.addi %mul3A_1094, %add3A_1103 : i32
          %get3A_1105 = arith.index_cast %add3A_1104 : i32 to index
          %get3A_1106 = tpu.vector_load %arg6[%get3A_1105] {strides = array<i32>} : memref<15232xf32, #tpu.memory_space<vmem>>, vector<16xf32>,
          %add3A_1107 = arith.constant 48 : i32
          %add3A_1108 = arith.addi %mul3A_1094, %add3A_1107 : i32
          %get3A_1109 = arith.index_cast %add3A_1108 : i32 to index
          %get3A_1110 = tpu.vector_load %arg6[%get3A_1109] {strides = array<i32>} : memref<15232xf32, #tpu.memory_space<vmem>>, vector<16xf32>,
          %add3A_1111 = arith.constant 64 : i32
          %add3A_1112 = arith.addi %mul3A_1094, %add3A_1111 : i32
          %get3A_1113 = arith.index_cast %add3A_1112 : i32 to index
          %get3A_1114 = tpu.vector_load %arg6[%get3A_1113] {strides = array<i32>} : memref<15232xf32, #tpu.memory_space<vmem>>, vector<16xf32>,
          %add3A_1115 = arith.constant 80 : i32
          %add3A_1116 = arith.addi %mul3A_1094, %add3A_1115 : i32
          %get3A_1117 = arith.index_cast %add3A_1116 : i32 to index
          %get3A_1118 = tpu.vector_load %arg6[%get3A_1117] {strides = array<i32>} : memref<15232xf32, #tpu.memory_space<vmem>>, vector<16xf32>,
          %add3A_1119 = arith.constant 96 : i32
          %add3A_1120 = arith.addi %mul3A_1094, %add3A_1119 : i32
          %get3A_1121 = arith.index_cast %add3A_1120 : i32 to index
          %get3A_1122 = tpu.vector_load %arg6[%get3A_1121] {strides = array<i32>} : memref<15232xf32, #tpu.memory_space<vmem>>, vector<16xf32>,
          %add3A_1123 = arith.constant 112 : i32
          %add3A_1124 = arith.addi %mul3A_1094, %add3A_1123 : i32
          %get3A_1125 = arith.index_cast %add3A_1124 : i32 to index
          %get3A_1126 = tpu.vector_load %arg6[%get3A_1125] {strides = array<i32>} : memref<15232xf32, #tpu.memory_space<vmem>>, vector<16xf32>,
          %swap3A_1127 = arith.index_cast %add3A_1090 : i32 to index
          %swap3A_1128 = arith.constant 0 : index
          %swap3A_1129 = tpu.vector_load %arg10[%swap3A_1127, %swap3A_1128] {strides = array<i32>} : memref<160x131xf32, #tpu.memory_space<vmem>>, vector<16xf32>,
          tpu.vector_store %arg10[%swap3A_1127, %swap3A_1128], %get3A_1098 {strides = array<i32>} : memref<160x131xf32, #tpu.memory_space<vmem>>, vector<16xf32>,
          %swap3A_1130 = arith.index_cast %add3A_1090 : i32 to index
          %swap3A_1131 = arith.constant 16 : index
          %swap3A_1132 = tpu.vector_load %arg10[%swap3A_1130, %swap3A_1131] {strides = array<i32>} : memref<160x131xf32, #tpu.memory_space<vmem>>, vector<16xf32>,
          tpu.vector_store %arg10[%swap3A_1130, %swap3A_1131], %get3A_1102 {strides = array<i32>} : memref<160x131xf32, #tpu.memory_space<vmem>>, vector<16xf32>,
          %swap3A_1133 = arith.index_cast %add3A_1090 : i32 to index
          %swap3A_1134 = arith.constant 32 : index
          %swap3A_1135 = tpu.vector_load %arg10[%swap3A_1133, %swap3A_1134] {strides = array<i32>} : memref<160x131xf32, #tpu.memory_space<vmem>>, vector<16xf32>,
          tpu.vector_store %arg10[%swap3A_1133, %swap3A_1134], %get3A_1106 {strides = array<i32>} : memref<160x131xf32, #tpu.memory_space<vmem>>, vector<16xf32>,
          %swap3A_1136 = arith.index_cast %add3A_1090 : i32 to index
          %swap3A_1137 = arith.constant 48 : index
          %swap3A_1138 = tpu.vector_load %arg10[%swap3A_1136, %swap3A_1137] {strides = array<i32>} : memref<160x131xf32, #tpu.memory_space<vmem>>, vector<16xf32>,
          tpu.vector_store %arg10[%swap3A_1136, %swap3A_1137], %get3A_1110 {strides = array<i32>} : memref<160x131xf32, #tpu.memory_space<vmem>>, vector<16xf32>,
          %swap3A_1139 = arith.index_cast %add3A_1090 : i32 to index
          %swap3A_1140 = arith.constant 64 : index
          %swap3A_1141 = tpu.vector_load %arg10[%swap3A_1139, %swap3A_1140] {strides = array<i32>} : memref<160x131xf32, #tpu.memory_space<vmem>>, vector<16xf32>,
          tpu.vector_store %arg10[%swap3A_1139, %swap3A_1140], %get3A_1114 {strides = array<i32>} : memref<160x131xf32, #tpu.memory_space<vmem>>, vector<16xf32>,
          %swap3A_1142 = arith.index_cast %add3A_1090 : i32 to index
          %swap3A_1143 = arith.constant 80 : index
          %swap3A_1144 = tpu.vector_load %arg10[%swap3A_1142, %swap3A_1143] {strides = array<i32>} : memref<160x131xf32, #tpu.memory_space<vmem>>, vector<16xf32>,
          tpu.vector_store %arg10[%swap3A_1142, %swap3A_1143], %get3A_1118 {strides = array<i32>} : memref<160x131xf32, #tpu.memory_space<vmem>>, vector<16xf32>,
          %swap3A_1145 = arith.index_cast %add3A_1090 : i32 to index
          %swap3A_1146 = arith.constant 96 : index
          %swap3A_1147 = tpu.vector_load %arg10[%swap3A_1145, %swap3A_1146] {strides = array<i32>} : memref<160x131xf32, #tpu.memory_space<vmem>>, vector<16xf32>,
          tpu.vector_store %arg10[%swap3A_1145, %swap3A_1146], %get3A_1122 {strides = array<i32>} : memref<160x131xf32, #tpu.memory_space<vmem>>, vector<16xf32>,
          %swap3A_1148 = arith.index_cast %add3A_1090 : i32 to index
          %swap3A_1149 = arith.constant 112 : index
          %swap3A_1150 = tpu.vector_load %arg10[%swap3A_1148, %swap3A_1149] {strides = array<i32>} : memref<160x131xf32, #tpu.memory_space<vmem>>, vector<16xf32>,
          tpu.vector_store %arg10[%swap3A_1148, %swap3A_1149], %get3A_1126 {strides = array<i32>} : memref<160x131xf32, #tpu.memory_space<vmem>>, vector<16xf32>,
        }
        %scan3A_109 = arith.constant 10 : i32
        %scan3A_110 = arith.constant 0 : i32
        %scan3A_111 = arith.constant 0 : i32
        %scan3A_112 = arith.constant 10 : i32
        %scan3A_113 = arith.addi %scan3A_111, %scan3A_112 : i32
        %scan3A_114 = arith.constant 1 : i32
        scf.for %scan3A_126 = %scan3A_111 to %scan3A_113 step %scan3A_114  : i32 {
          %mul3A_127 = arith.constant 16 : i32
          %mul3A_128 = arith.muli %scan3A_126, %mul3A_127 : i32
          %get3A = arith.index_cast %mul3A_128 : i32 to index
          %get3A_129 = tpu.vector_load %arg8[%get3A] {strides = array<i32>} : memref<160xi32, #tpu.memory_space<vmem>>, vector<16xi32>,
          %iota3A = tpu.iota {dimensions = array<i32: 0>} : vector<16xi32>
          %mul3A_130 = arith.constant 16 : i32
          %mul3A_131 = arith.muli %scan3A_126, %mul3A_130 : i32
          %add3A_132 = vector.broadcast %mul3A_131 : i32 to vector<16xi32>
          %add3A_133 = arith.addi %iota3A, %add3A_132 : vector<16xi32>
          %add3A_134 = arith.constant 0 : i32
          %add3A_135 = vector.broadcast %add3A_134 : i32 to vector<16xi32>
          %add3A_136 = arith.addi %get3A_129, %add3A_135 : vector<16xi32>
          %gather3A = tpu.vector_load_idx %arg7[%add3A_136] : memref<384xf32, #tpu.memory_space<vmem>>[vector<16xi32>], vector<16xf32>,
          %broadcast_in_dim3A = arith.constant 128 : i32
          %broadcast_in_dim3A_137 = vector.broadcast %broadcast_in_dim3A : i32 to vector<16xi32>
          tpu.vector_store_idx %arg10[%add3A_133, %broadcast_in_dim3A_137], %gather3A : memref<160x131xf32, #tpu.memory_space<vmem>>[vector<16xi32>, vector<16xi32>], vector<16xf32>,
          %add3A_138 = arith.constant 128 : i32
          %add3A_139 = vector.broadcast %add3A_138 : i32 to vector<16xi32>
          %add3A_140 = arith.addi %get3A_129, %add3A_139 : vector<16xi32>
          %gather3A_141 = tpu.vector_load_idx %arg7[%add3A_140] : memref<384xf32, #tpu.memory_space<vmem>>[vector<16xi32>], vector<16xf32>,
          %broadcast_in_dim3A_142 = arith.constant 129 : i32
          %broadcast_in_dim3A_143 = vector.broadcast %broadcast_in_dim3A_142 : i32 to vector<16xi32>
          tpu.vector_store_idx %arg10[%add3A_133, %broadcast_in_dim3A_143], %gather3A_141 : memref<160x131xf32, #tpu.memory_space<vmem>>[vector<16xi32>, vector<16xi32>], vector<16xf32>,
          %add3A_144 = arith.constant 256 : i32
          %add3A_145 = vector.broadcast %add3A_144 : i32 to vector<16xi32>
          %add3A_146 = arith.addi %get3A_129, %add3A_145 : vector<16xi32>
          %gather3A_147 = tpu.vector_load_idx %arg7[%add3A_146] : memref<384xf32, #tpu.memory_space<vmem>>[vector<16xi32>], vector<16xf32>,
          %broadcast_in_dim3A_148 = arith.constant 130 : i32
          %broadcast_in_dim3A_149 = vector.broadcast %broadcast_in_dim3A_148 : i32 to vector<16xi32>
          tpu.vector_store_idx %arg10[%add3A_133, %broadcast_in_dim3A_149], %gather3A_147 : memref<160x131xf32, #tpu.memory_space<vmem>>[vector<16xi32>, vector<16xi32>], vector<16xf32>,
        }
        %scan3A_115 = arith.constant 10 : i32
        %add3A_116 = arith.constant 2 : i32
        %add3A_117 = arith.addi %add3A_79, %add3A_116 : i32
        %lt3A_118 = arith.cmpi slt, %add3A_117, %select_n3A : i32
        %convert_element_type3A_119 = arith.extui %lt3A_118 : i1 to i32
        %cond3A_120 = arith.constant 0 : i32
        %cond3A_121 = arith.cmpi ne, %convert_element_type3A_119, %cond3A_120 : i32
        scf.if %cond3A_121 {
          %add3A_126 = arith.constant 2 : i32
          %add3A_127 = arith.addi %add3A_79, %add3A_126 : i32
          %mul3A_128 = arith.constant 32 : i32
          %mul3A_129 = arith.muli %add3A_127, %mul3A_128 : i32
          %add3A_130 = arith.addi %add3A, %mul3A_129 : i32
          %mul3A_131 = arith.constant 160 : i32
          %mul3A_132 = arith.muli %add3A_130, %mul3A_131 : i32
          %dma_start3A_133 = tpu.memref_slice %arg4[%mul3A_132] : memref<100000xi32, #tpu.memory_space<hbm>> -> memref<160xi32, #tpu.memory_space<hbm>>
          %dma_start3A_134 = tpu.memref_slice %arg4[%mul3A_132] : memref<100000xi32, #tpu.memory_space<hbm>> -> memref<160xi32, #tpu.memory_space<hbm>>
          tpu.enqueue_dma source(%dma_start3A_134 : memref<160xi32, #tpu.memory_space<hbm>>) target(%arg8 : memref<160xi32, #tpu.memory_space<vmem>>) target_semaphore(%arg12 : memref<!tpu.dma_semaphore, #tpu.memory_space<semaphore_mem>>)
        } else {
        }
        %dma_start3A_122 = arith.constant 0 : i32
        %dma_start3A_123 = tpu.memref_slice %arg5[%mul3A_95, %dma_start3A_122] : memref<100000x131xf32, #tpu.memory_space<hbm>> -> memref<160x131xf32, #tpu.memory_space<hbm>>
        %dma_start3A_124 = arith.constant 0 : i32
        %dma_start3A_125 = tpu.memref_slice %arg5[%mul3A_95, %dma_start3A_124] : memref<100000x131xf32, #tpu.memory_space<hbm>> -> memref<160x131xf32, #tpu.memory_space<hbm>>
        tpu.enqueue_dma source(%arg10 : memref<160x131xf32, #tpu.memory_space<vmem>>) target(%dma_start3A_125 : memref<160x131xf32, #tpu.memory_space<hbm>>) target_semaphore(%arg14 : memref<!tpu.dma_semaphore, #tpu.memory_space<semaphore_mem>>)
      } else {
      }
      %mul3A_83 = arith.constant 2 : i32
      %mul3A_84 = arith.muli %mul3A_83, %while3A_75 : i32
      %add3A_85 = arith.constant 1 : i32
      %add3A_86 = arith.addi %mul3A_84, %add3A_85 : i32
      %lt3A_87 = arith.cmpi slt, %add3A_86, %select_n3A : i32
      %convert_element_type3A_88 = arith.extui %lt3A_87 : i1 to i32
      %cond3A_89 = arith.constant 0 : i32
      %cond3A_90 = arith.cmpi ne, %convert_element_type3A_88, %cond3A_89 : i32
      scf.if %cond3A_90 {
        %mul3A_91 = arith.constant 32 : i32
        %mul3A_92 = arith.muli %add3A_86, %mul3A_91 : i32
        %add3A_93 = arith.addi %add3A, %mul3A_92 : i32
        %mul3A_94 = arith.constant 160 : i32
        %mul3A_95 = arith.muli %add3A_93, %mul3A_94 : i32
        %dma_wait3A_96 = arith.constant 0 : i32
        %dma_wait3A_97 = tpu.memref_slice %arg4[%dma_wait3A_96] : memref<100000xi32, #tpu.memory_space<hbm>> -> memref<160xi32, #tpu.memory_space<hbm>>
        %dma_wait3A_98 = arith.constant 0 : i32
        %dma_wait3A_99 = tpu.memref_slice %arg4[%dma_wait3A_98] : memref<100000xi32, #tpu.memory_space<hbm>> -> memref<160xi32, #tpu.memory_space<hbm>>
        tpu.wait_dma2 semaphore(%arg13 : memref<!tpu.dma_semaphore, #tpu.memory_space<semaphore_mem>>) src(%dma_wait3A_99 : memref<160xi32, #tpu.memory_space<hbm>>) dst(%arg9 : memref<160xi32, #tpu.memory_space<vmem>>)
        %ge3A_100 = arith.constant 2 : i32
        %ge3A_101 = arith.cmpi sge, %add3A_86, %ge3A_100 : i32
        %convert_element_type3A_102 = arith.extui %ge3A_101 : i1 to i32
        %cond3A_103 = arith.constant 0 : i32
        %cond3A_104 = arith.cmpi ne, %convert_element_type3A_102, %cond3A_103 : i32
        scf.if %cond3A_104 {
          %dma_wait3A_126 = arith.constant 0 : i32
          %dma_wait3A_127 = arith.constant 0 : i32
          %dma_wait3A_128 = tpu.memref_slice %arg5[%dma_wait3A_126, %dma_wait3A_127] : memref<100000x131xf32, #tpu.memory_space<hbm>> -> memref<160x131xf32, #tpu.memory_space<hbm>>
          %dma_wait3A_129 = arith.constant 0 : i32
          %dma_wait3A_130 = arith.constant 0 : i32
          %dma_wait3A_131 = tpu.memref_slice %arg5[%dma_wait3A_129, %dma_wait3A_130] : memref<100000x131xf32, #tpu.memory_space<hbm>> -> memref<160x131xf32, #tpu.memory_space<hbm>>
          tpu.wait_dma2 semaphore(%arg15 : memref<!tpu.dma_semaphore, #tpu.memory_space<semaphore_mem>>) src(%arg11 : memref<160x131xf32, #tpu.memory_space<vmem>>) dst(%dma_wait3A_131 : memref<160x131xf32, #tpu.memory_space<hbm>>)
        } else {
        }
        %scan3A = arith.constant 0 : i32
        %scan3A_105 = arith.constant 0 : i32
        %scan3A_106 = arith.constant 10 : i32
        %scan3A_107 = arith.addi %scan3A_105, %scan3A_106 : i32
        %scan3A_108 = arith.constant 1 : i32
        scf.for %scan3A_126 = %scan3A_105 to %scan3A_107 step %scan3A_108  : i32 {
          %mul3A_127 = arith.constant 16 : i32
          %mul3A_128 = arith.muli %scan3A_126, %mul3A_127 : i32
          %get3A = arith.index_cast %mul3A_128 : i32 to index
          %get3A_129 = tpu.vector_load %arg9[%get3A] {strides = array<i32>} : memref<160xi32, #tpu.memory_space<vmem>>, vector<16xi32>,
          %mul3A_130 = arith.constant 16 : i32
          %mul3A_131 = arith.muli %scan3A_126, %mul3A_130 : i32
          %add3A_132 = arith.constant 0 : i32
          %add3A_133 = arith.addi %mul3A_131, %add3A_132 : i32
          %slice3A = vector.extract_strided_slice %get3A_129 {offsets = [0], sizes = [1], strides = [1]} : vector<16xi32> to vector<1xi32>
          %squeeze3A = vector.extract %slice3A[0] : i32 from vector<1xi32>
          %mul3A_134 = arith.constant 128 : i32
          %mul3A_135 = arith.muli %squeeze3A, %mul3A_134 : i32
          %add3A_136 = arith.constant 0 : i32
          %add3A_137 = arith.addi %mul3A_135, %add3A_136 : i32
          %get3A_138 = arith.index_cast %add3A_137 : i32 to index
          %get3A_139 = tpu.vector_load %arg6[%get3A_138] {strides = array<i32>} : memref<15232xf32, #tpu.memory_space<vmem>>, vector<16xf32>,
          %add3A_140 = arith.constant 16 : i32
          %add3A_141 = arith.addi %mul3A_135, %add3A_140 : i32
          %get3A_142 = arith.index_cast %add3A_141 : i32 to index
          %get3A_143 = tpu.vector_load %arg6[%get3A_142] {strides = array<i32>} : memref<15232xf32, #tpu.memory_space<vmem>>, vector<16xf32>,
          %add3A_144 = arith.constant 32 : i32
          %add3A_145 = arith.addi %mul3A_135, %add3A_144 : i32
          %get3A_146 = arith.index_cast %add3A_145 : i32 to index
          %get3A_147 = tpu.vector_load %arg6[%get3A_146] {strides = array<i32>} : memref<15232xf32, #tpu.memory_space<vmem>>, vector<16xf32>,
          %add3A_148 = arith.constant 48 : i32
          %add3A_149 = arith.addi %mul3A_135, %add3A_148 : i32
          %get3A_150 = arith.index_cast %add3A_149 : i32 to index
          %get3A_151 = tpu.vector_load %arg6[%get3A_150] {strides = array<i32>} : memref<15232xf32, #tpu.memory_space<vmem>>, vector<16xf32>,
          %add3A_152 = arith.constant 64 : i32
          %add3A_153 = arith.addi %mul3A_135, %add3A_152 : i32
          %get3A_154 = arith.index_cast %add3A_153 : i32 to index
          %get3A_155 = tpu.vector_load %arg6[%get3A_154] {strides = array<i32>} : memref<15232xf32, #tpu.memory_space<vmem>>, vector<16xf32>,
          %add3A_156 = arith.constant 80 : i32
          %add3A_157 = arith.addi %mul3A_135, %add3A_156 : i32
          %get3A_158 = arith.index_cast %add3A_157 : i32 to index
          %get3A_159 = tpu.vector_load %arg6[%get3A_158] {strides = array<i32>} : memref<15232xf32, #tpu.memory_space<vmem>>, vector<16xf32>,
          %add3A_160 = arith.constant 96 : i32
          %add3A_161 = arith.addi %mul3A_135, %add3A_160 : i32
          %get3A_162 = arith.index_cast %add3A_161 : i32 to index
          %get3A_163 = tpu.vector_load %arg6[%get3A_162] {strides = array<i32>} : memref<15232xf32, #tpu.memory_space<vmem>>, vector<16xf32>,
          %add3A_164 = arith.constant 112 : i32
          %add3A_165 = arith.addi %mul3A_135, %add3A_164 : i32
          %get3A_166 = arith.index_cast %add3A_165 : i32 to index
          %get3A_167 = tpu.vector_load %arg6[%get3A_166] {strides = array<i32>} : memref<15232xf32, #tpu.memory_space<vmem>>, vector<16xf32>,
          %swap3A = arith.index_cast %add3A_133 : i32 to index
          %swap3A_168 = arith.constant 0 : index
          %swap3A_169 = tpu.vector_load %arg11[%swap3A, %swap3A_168] {strides = array<i32>} : memref<160x131xf32, #tpu.memory_space<vmem>>, vector<16xf32>,
          tpu.vector_store %arg11[%swap3A, %swap3A_168], %get3A_139 {strides = array<i32>} : memref<160x131xf32, #tpu.memory_space<vmem>>, vector<16xf32>,
          %swap3A_170 = arith.index_cast %add3A_133 : i32 to index
          %swap3A_171 = arith.constant 16 : index
          %swap3A_172 = tpu.vector_load %arg11[%swap3A_170, %swap3A_171] {strides = array<i32>} : memref<160x131xf32, #tpu.memory_space<vmem>>, vector<16xf32>,
          tpu.vector_store %arg11[%swap3A_170, %swap3A_171], %get3A_143 {strides = array<i32>} : memref<160x131xf32, #tpu.memory_space<vmem>>, vector<16xf32>,
          %swap3A_173 = arith.index_cast %add3A_133 : i32 to index
          %swap3A_174 = arith.constant 32 : index
          %swap3A_175 = tpu.vector_load %arg11[%swap3A_173, %swap3A_174] {strides = array<i32>} : memref<160x131xf32, #tpu.memory_space<vmem>>, vector<16xf32>,
          tpu.vector_store %arg11[%swap3A_173, %swap3A_174], %get3A_147 {strides = array<i32>} : memref<160x131xf32, #tpu.memory_space<vmem>>, vector<16xf32>,
          %swap3A_176 = arith.index_cast %add3A_133 : i32 to index
          %swap3A_177 = arith.constant 48 : index
          %swap3A_178 = tpu.vector_load %arg11[%swap3A_176, %swap3A_177] {strides = array<i32>} : memref<160x131xf32, #tpu.memory_space<vmem>>, vector<16xf32>,
          tpu.vector_store %arg11[%swap3A_176, %swap3A_177], %get3A_151 {strides = array<i32>} : memref<160x131xf32, #tpu.memory_space<vmem>>, vector<16xf32>,
          %swap3A_179 = arith.index_cast %add3A_133 : i32 to index
          %swap3A_180 = arith.constant 64 : index
          %swap3A_181 = tpu.vector_load %arg11[%swap3A_179, %swap3A_180] {strides = array<i32>} : memref<160x131xf32, #tpu.memory_space<vmem>>, vector<16xf32>,
          tpu.vector_store %arg11[%swap3A_179, %swap3A_180], %get3A_155 {strides = array<i32>} : memref<160x131xf32, #tpu.memory_space<vmem>>, vector<16xf32>,
          %swap3A_182 = arith.index_cast %add3A_133 : i32 to index
          %swap3A_183 = arith.constant 80 : index
          %swap3A_184 = tpu.vector_load %arg11[%swap3A_182, %swap3A_183] {strides = array<i32>} : memref<160x131xf32, #tpu.memory_space<vmem>>, vector<16xf32>,
          tpu.vector_store %arg11[%swap3A_182, %swap3A_183], %get3A_159 {strides = array<i32>} : memref<160x131xf32, #tpu.memory_space<vmem>>, vector<16xf32>,
          %swap3A_185 = arith.index_cast %add3A_133 : i32 to index
          %swap3A_186 = arith.constant 96 : index
          %swap3A_187 = tpu.vector_load %arg11[%swap3A_185, %swap3A_186] {strides = array<i32>} : memref<160x131xf32, #tpu.memory_space<vmem>>, vector<16xf32>,
          tpu.vector_store %arg11[%swap3A_185, %swap3A_186], %get3A_163 {strides = array<i32>} : memref<160x131xf32, #tpu.memory_space<vmem>>, vector<16xf32>,
          %swap3A_188 = arith.index_cast %add3A_133 : i32 to index
          %swap3A_189 = arith.constant 112 : index
          %swap3A_190 = tpu.vector_load %arg11[%swap3A_188, %swap3A_189] {strides = array<i32>} : memref<160x131xf32, #tpu.memory_space<vmem>>, vector<16xf32>,
          tpu.vector_store %arg11[%swap3A_188, %swap3A_189], %get3A_167 {strides = array<i32>} : memref<160x131xf32, #tpu.memory_space<vmem>>, vector<16xf32>,
          %mul3A_191 = arith.constant 16 : i32
          %mul3A_192 = arith.muli %scan3A_126, %mul3A_191 : i32
          %add3A_193 = arith.constant 1 : i32
          %add3A_194 = arith.addi %mul3A_192, %add3A_193 : i32
          %slice3A_195 = vector.extract_strided_slice %get3A_129 {offsets = [1], sizes = [1], strides = [1]} : vector<16xi32> to vector<1xi32>
          %squeeze3A_196 = vector.extract %slice3A_195[0] : i32 from vector<1xi32>
          %mul3A_197 = arith.constant 128 : i32
          %mul3A_198 = arith.muli %squeeze3A_196, %mul3A_197 : i32
          %add3A_199 = arith.constant 0 : i32
          %add3A_200 = arith.addi %mul3A_198, %add3A_199 : i32
          %get3A_201 = arith.index_cast %add3A_200 : i32 to index
          %get3A_202 = tpu.vector_load %arg6[%get3A_201] {strides = array<i32>} : memref<15232xf32, #tpu.memory_space<vmem>>, vector<16xf32>,
          %add3A_203 = arith.constant 16 : i32
          %add3A_204 = arith.addi %mul3A_198, %add3A_203 : i32
          %get3A_205 = arith.index_cast %add3A_204 : i32 to index
          %get3A_206 = tpu.vector_load %arg6[%get3A_205] {strides = array<i32>} : memref<15232xf32, #tpu.memory_space<vmem>>, vector<16xf32>,
          %add3A_207 = arith.constant 32 : i32
          %add3A_208 = arith.addi %mul3A_198, %add3A_207 : i32
          %get3A_209 = arith.index_cast %add3A_208 : i32 to index
          %get3A_210 = tpu.vector_load %arg6[%get3A_209] {strides = array<i32>} : memref<15232xf32, #tpu.memory_space<vmem>>, vector<16xf32>,
          %add3A_211 = arith.constant 48 : i32
          %add3A_212 = arith.addi %mul3A_198, %add3A_211 : i32
          %get3A_213 = arith.index_cast %add3A_212 : i32 to index
          %get3A_214 = tpu.vector_load %arg6[%get3A_213] {strides = array<i32>} : memref<15232xf32, #tpu.memory_space<vmem>>, vector<16xf32>,
          %add3A_215 = arith.constant 64 : i32
          %add3A_216 = arith.addi %mul3A_198, %add3A_215 : i32
          %get3A_217 = arith.index_cast %add3A_216 : i32 to index
          %get3A_218 = tpu.vector_load %arg6[%get3A_217] {strides = array<i32>} : memref<15232xf32, #tpu.memory_space<vmem>>, vector<16xf32>,
          %add3A_219 = arith.constant 80 : i32
          %add3A_220 = arith.addi %mul3A_198, %add3A_219 : i32
          %get3A_221 = arith.index_cast %add3A_220 : i32 to index
          %get3A_222 = tpu.vector_load %arg6[%get3A_221] {strides = array<i32>} : memref<15232xf32, #tpu.memory_space<vmem>>, vector<16xf32>,
          %add3A_223 = arith.constant 96 : i32
          %add3A_224 = arith.addi %mul3A_198, %add3A_223 : i32
          %get3A_225 = arith.index_cast %add3A_224 : i32 to index
          %get3A_226 = tpu.vector_load %arg6[%get3A_225] {strides = array<i32>} : memref<15232xf32, #tpu.memory_space<vmem>>, vector<16xf32>,
          %add3A_227 = arith.constant 112 : i32
          %add3A_228 = arith.addi %mul3A_198, %add3A_227 : i32
          %get3A_229 = arith.index_cast %add3A_228 : i32 to index
          %get3A_230 = tpu.vector_load %arg6[%get3A_229] {strides = array<i32>} : memref<15232xf32, #tpu.memory_space<vmem>>, vector<16xf32>,
          %swap3A_231 = arith.index_cast %add3A_194 : i32 to index
          %swap3A_232 = arith.constant 0 : index
          %swap3A_233 = tpu.vector_load %arg11[%swap3A_231, %swap3A_232] {strides = array<i32>} : memref<160x131xf32, #tpu.memory_space<vmem>>, vector<16xf32>,
          tpu.vector_store %arg11[%swap3A_231, %swap3A_232], %get3A_202 {strides = array<i32>} : memref<160x131xf32, #tpu.memory_space<vmem>>, vector<16xf32>,
          %swap3A_234 = arith.index_cast %add3A_194 : i32 to index
          %swap3A_235 = arith.constant 16 : index
          %swap3A_236 = tpu.vector_load %arg11[%swap3A_234, %swap3A_235] {strides = array<i32>} : memref<160x131xf32, #tpu.memory_space<vmem>>, vector<16xf32>,
          tpu.vector_store %arg11[%swap3A_234, %swap3A_235], %get3A_206 {strides = array<i32>} : memref<160x131xf32, #tpu.memory_space<vmem>>, vector<16xf32>,
          %swap3A_237 = arith.index_cast %add3A_194 : i32 to index
          %swap3A_238 = arith.constant 32 : index
          %swap3A_239 = tpu.vector_load %arg11[%swap3A_237, %swap3A_238] {strides = array<i32>} : memref<160x131xf32, #tpu.memory_space<vmem>>, vector<16xf32>,
          tpu.vector_store %arg11[%swap3A_237, %swap3A_238], %get3A_210 {strides = array<i32>} : memref<160x131xf32, #tpu.memory_space<vmem>>, vector<16xf32>,
          %swap3A_240 = arith.index_cast %add3A_194 : i32 to index
          %swap3A_241 = arith.constant 48 : index
          %swap3A_242 = tpu.vector_load %arg11[%swap3A_240, %swap3A_241] {strides = array<i32>} : memref<160x131xf32, #tpu.memory_space<vmem>>, vector<16xf32>,
          tpu.vector_store %arg11[%swap3A_240, %swap3A_241], %get3A_214 {strides = array<i32>} : memref<160x131xf32, #tpu.memory_space<vmem>>, vector<16xf32>,
          %swap3A_243 = arith.index_cast %add3A_194 : i32 to index
          %swap3A_244 = arith.constant 64 : index
          %swap3A_245 = tpu.vector_load %arg11[%swap3A_243, %swap3A_244] {strides = array<i32>} : memref<160x131xf32, #tpu.memory_space<vmem>>, vector<16xf32>,
          tpu.vector_store %arg11[%swap3A_243, %swap3A_244], %get3A_218 {strides = array<i32>} : memref<160x131xf32, #tpu.memory_space<vmem>>, vector<16xf32>,
          %swap3A_246 = arith.index_cast %add3A_194 : i32 to index
          %swap3A_247 = arith.constant 80 : index
          %swap3A_248 = tpu.vector_load %arg11[%swap3A_246, %swap3A_247] {strides = array<i32>} : memref<160x131xf32, #tpu.memory_space<vmem>>, vector<16xf32>,
          tpu.vector_store %arg11[%swap3A_246, %swap3A_247], %get3A_222 {strides = array<i32>} : memref<160x131xf32, #tpu.memory_space<vmem>>, vector<16xf32>,
          %swap3A_249 = arith.index_cast %add3A_194 : i32 to index
          %swap3A_250 = arith.constant 96 : index
          %swap3A_251 = tpu.vector_load %arg11[%swap3A_249, %swap3A_250] {strides = array<i32>} : memref<160x131xf32, #tpu.memory_space<vmem>>, vector<16xf32>,
          tpu.vector_store %arg11[%swap3A_249, %swap3A_250], %get3A_226 {strides = array<i32>} : memref<160x131xf32, #tpu.memory_space<vmem>>, vector<16xf32>,
          %swap3A_252 = arith.index_cast %add3A_194 : i32 to index
          %swap3A_253 = arith.constant 112 : index
          %swap3A_254 = tpu.vector_load %arg11[%swap3A_252, %swap3A_253] {strides = array<i32>} : memref<160x131xf32, #tpu.memory_space<vmem>>, vector<16xf32>,
          tpu.vector_store %arg11[%swap3A_252, %swap3A_253], %get3A_230 {strides = array<i32>} : memref<160x131xf32, #tpu.memory_space<vmem>>, vector<16xf32>,
          %mul3A_255 = arith.constant 16 : i32
          %mul3A_256 = arith.muli %scan3A_126, %mul3A_255 : i32
          %add3A_257 = arith.constant 2 : i32
          %add3A_258 = arith.addi %mul3A_256, %add3A_257 : i32
          %slice3A_259 = vector.extract_strided_slice %get3A_129 {offsets = [2], sizes = [1], strides = [1]} : vector<16xi32> to vector<1xi32>
          %squeeze3A_260 = vector.extract %slice3A_259[0] : i32 from vector<1xi32>
          %mul3A_261 = arith.constant 128 : i32
          %mul3A_262 = arith.muli %squeeze3A_260, %mul3A_261 : i32
          %add3A_263 = arith.constant 0 : i32
          %add3A_264 = arith.addi %mul3A_262, %add3A_263 : i32
          %get3A_265 = arith.index_cast %add3A_264 : i32 to index
          %get3A_266 = tpu.vector_load %arg6[%get3A_265] {strides = array<i32>} : memref<15232xf32, #tpu.memory_space<vmem>>, vector<16xf32>,
          %add3A_267 = arith.constant 16 : i32
          %add3A_268 = arith.addi %mul3A_262, %add3A_267 : i32
          %get3A_269 = arith.index_cast %add3A_268 : i32 to index
          %get3A_270 = tpu.vector_load %arg6[%get3A_269] {strides = array<i32>} : memref<15232xf32, #tpu.memory_space<vmem>>, vector<16xf32>,
          %add3A_271 = arith.constant 32 : i32
          %add3A_272 = arith.addi %mul3A_262, %add3A_271 : i32
          %get3A_273 = arith.index_cast %add3A_272 : i32 to index
          %get3A_274 = tpu.vector_load %arg6[%get3A_273] {strides = array<i32>} : memref<15232xf32, #tpu.memory_space<vmem>>, vector<16xf32>,
          %add3A_275 = arith.constant 48 : i32
          %add3A_276 = arith.addi %mul3A_262, %add3A_275 : i32
          %get3A_277 = arith.index_cast %add3A_276 : i32 to index
          %get3A_278 = tpu.vector_load %arg6[%get3A_277] {strides = array<i32>} : memref<15232xf32, #tpu.memory_space<vmem>>, vector<16xf32>,
          %add3A_279 = arith.constant 64 : i32
          %add3A_280 = arith.addi %mul3A_262, %add3A_279 : i32
          %get3A_281 = arith.index_cast %add3A_280 : i32 to index
          %get3A_282 = tpu.vector_load %arg6[%get3A_281] {strides = array<i32>} : memref<15232xf32, #tpu.memory_space<vmem>>, vector<16xf32>,
          %add3A_283 = arith.constant 80 : i32
          %add3A_284 = arith.addi %mul3A_262, %add3A_283 : i32
          %get3A_285 = arith.index_cast %add3A_284 : i32 to index
          %get3A_286 = tpu.vector_load %arg6[%get3A_285] {strides = array<i32>} : memref<15232xf32, #tpu.memory_space<vmem>>, vector<16xf32>,
          %add3A_287 = arith.constant 96 : i32
          %add3A_288 = arith.addi %mul3A_262, %add3A_287 : i32
          %get3A_289 = arith.index_cast %add3A_288 : i32 to index
          %get3A_290 = tpu.vector_load %arg6[%get3A_289] {strides = array<i32>} : memref<15232xf32, #tpu.memory_space<vmem>>, vector<16xf32>,
          %add3A_291 = arith.constant 112 : i32
          %add3A_292 = arith.addi %mul3A_262, %add3A_291 : i32
          %get3A_293 = arith.index_cast %add3A_292 : i32 to index
          %get3A_294 = tpu.vector_load %arg6[%get3A_293] {strides = array<i32>} : memref<15232xf32, #tpu.memory_space<vmem>>, vector<16xf32>,
          %swap3A_295 = arith.index_cast %add3A_258 : i32 to index
          %swap3A_296 = arith.constant 0 : index
          %swap3A_297 = tpu.vector_load %arg11[%swap3A_295, %swap3A_296] {strides = array<i32>} : memref<160x131xf32, #tpu.memory_space<vmem>>, vector<16xf32>,
          tpu.vector_store %arg11[%swap3A_295, %swap3A_296], %get3A_266 {strides = array<i32>} : memref<160x131xf32, #tpu.memory_space<vmem>>, vector<16xf32>,
          %swap3A_298 = arith.index_cast %add3A_258 : i32 to index
          %swap3A_299 = arith.constant 16 : index
          %swap3A_300 = tpu.vector_load %arg11[%swap3A_298, %swap3A_299] {strides = array<i32>} : memref<160x131xf32, #tpu.memory_space<vmem>>, vector<16xf32>,
          tpu.vector_store %arg11[%swap3A_298, %swap3A_299], %get3A_270 {strides = array<i32>} : memref<160x131xf32, #tpu.memory_space<vmem>>, vector<16xf32>,
          %swap3A_301 = arith.index_cast %add3A_258 : i32 to index
          %swap3A_302 = arith.constant 32 : index
          %swap3A_303 = tpu.vector_load %arg11[%swap3A_301, %swap3A_302] {strides = array<i32>} : memref<160x131xf32, #tpu.memory_space<vmem>>, vector<16xf32>,
          tpu.vector_store %arg11[%swap3A_301, %swap3A_302], %get3A_274 {strides = array<i32>} : memref<160x131xf32, #tpu.memory_space<vmem>>, vector<16xf32>,
          %swap3A_304 = arith.index_cast %add3A_258 : i32 to index
          %swap3A_305 = arith.constant 48 : index
          %swap3A_306 = tpu.vector_load %arg11[%swap3A_304, %swap3A_305] {strides = array<i32>} : memref<160x131xf32, #tpu.memory_space<vmem>>, vector<16xf32>,
          tpu.vector_store %arg11[%swap3A_304, %swap3A_305], %get3A_278 {strides = array<i32>} : memref<160x131xf32, #tpu.memory_space<vmem>>, vector<16xf32>,
          %swap3A_307 = arith.index_cast %add3A_258 : i32 to index
          %swap3A_308 = arith.constant 64 : index
          %swap3A_309 = tpu.vector_load %arg11[%swap3A_307, %swap3A_308] {strides = array<i32>} : memref<160x131xf32, #tpu.memory_space<vmem>>, vector<16xf32>,
          tpu.vector_store %arg11[%swap3A_307, %swap3A_308], %get3A_282 {strides = array<i32>} : memref<160x131xf32, #tpu.memory_space<vmem>>, vector<16xf32>,
          %swap3A_310 = arith.index_cast %add3A_258 : i32 to index
          %swap3A_311 = arith.constant 80 : index
          %swap3A_312 = tpu.vector_load %arg11[%swap3A_310, %swap3A_311] {strides = array<i32>} : memref<160x131xf32, #tpu.memory_space<vmem>>, vector<16xf32>,
          tpu.vector_store %arg11[%swap3A_310, %swap3A_311], %get3A_286 {strides = array<i32>} : memref<160x131xf32, #tpu.memory_space<vmem>>, vector<16xf32>,
          %swap3A_313 = arith.index_cast %add3A_258 : i32 to index
          %swap3A_314 = arith.constant 96 : index
          %swap3A_315 = tpu.vector_load %arg11[%swap3A_313, %swap3A_314] {strides = array<i32>} : memref<160x131xf32, #tpu.memory_space<vmem>>, vector<16xf32>,
          tpu.vector_store %arg11[%swap3A_313, %swap3A_314], %get3A_290 {strides = array<i32>} : memref<160x131xf32, #tpu.memory_space<vmem>>, vector<16xf32>,
          %swap3A_316 = arith.index_cast %add3A_258 : i32 to index
          %swap3A_317 = arith.constant 112 : index
          %swap3A_318 = tpu.vector_load %arg11[%swap3A_316, %swap3A_317] {strides = array<i32>} : memref<160x131xf32, #tpu.memory_space<vmem>>, vector<16xf32>,
          tpu.vector_store %arg11[%swap3A_316, %swap3A_317], %get3A_294 {strides = array<i32>} : memref<160x131xf32, #tpu.memory_space<vmem>>, vector<16xf32>,
          %mul3A_319 = arith.constant 16 : i32
          %mul3A_320 = arith.muli %scan3A_126, %mul3A_319 : i32
          %add3A_321 = arith.constant 3 : i32
          %add3A_322 = arith.addi %mul3A_320, %add3A_321 : i32
          %slice3A_323 = vector.extract_strided_slice %get3A_129 {offsets = [3], sizes = [1], strides = [1]} : vector<16xi32> to vector<1xi32>
          %squeeze3A_324 = vector.extract %slice3A_323[0] : i32 from vector<1xi32>
          %mul3A_325 = arith.constant 128 : i32
          %mul3A_326 = arith.muli %squeeze3A_324, %mul3A_325 : i32
          %add3A_327 = arith.constant 0 : i32
          %add3A_328 = arith.addi %mul3A_326, %add3A_327 : i32
          %get3A_329 = arith.index_cast %add3A_328 : i32 to index
          %get3A_330 = tpu.vector_load %arg6[%get3A_329] {strides = array<i32>} : memref<15232xf32, #tpu.memory_space<vmem>>, vector<16xf32>,
          %add3A_331 = arith.constant 16 : i32
          %add3A_332 = arith.addi %mul3A_326, %add3A_331 : i32
          %get3A_333 = arith.index_cast %add3A_332 : i32 to index
          %get3A_334 = tpu.vector_load %arg6[%get3A_333] {strides = array<i32>} : memref<15232xf32, #tpu.memory_space<vmem>>, vector<16xf32>,
          %add3A_335 = arith.constant 32 : i32
          %add3A_336 = arith.addi %mul3A_326, %add3A_335 : i32
          %get3A_337 = arith.index_cast %add3A_336 : i32 to index
          %get3A_338 = tpu.vector_load %arg6[%get3A_337] {strides = array<i32>} : memref<15232xf32, #tpu.memory_space<vmem>>, vector<16xf32>,
          %add3A_339 = arith.constant 48 : i32
          %add3A_340 = arith.addi %mul3A_326, %add3A_339 : i32
          %get3A_341 = arith.index_cast %add3A_340 : i32 to index
          %get3A_342 = tpu.vector_load %arg6[%get3A_341] {strides = array<i32>} : memref<15232xf32, #tpu.memory_space<vmem>>, vector<16xf32>,
          %add3A_343 = arith.constant 64 : i32
          %add3A_344 = arith.addi %mul3A_326, %add3A_343 : i32
          %get3A_345 = arith.index_cast %add3A_344 : i32 to index
          %get3A_346 = tpu.vector_load %arg6[%get3A_345] {strides = array<i32>} : memref<15232xf32, #tpu.memory_space<vmem>>, vector<16xf32>,
          %add3A_347 = arith.constant 80 : i32
          %add3A_348 = arith.addi %mul3A_326, %add3A_347 : i32
          %get3A_349 = arith.index_cast %add3A_348 : i32 to index
          %get3A_350 = tpu.vector_load %arg6[%get3A_349] {strides = array<i32>} : memref<15232xf32, #tpu.memory_space<vmem>>, vector<16xf32>,
          %add3A_351 = arith.constant 96 : i32
          %add3A_352 = arith.addi %mul3A_326, %add3A_351 : i32
          %get3A_353 = arith.index_cast %add3A_352 : i32 to index
          %get3A_354 = tpu.vector_load %arg6[%get3A_353] {strides = array<i32>} : memref<15232xf32, #tpu.memory_space<vmem>>, vector<16xf32>,
          %add3A_355 = arith.constant 112 : i32
          %add3A_356 = arith.addi %mul3A_326, %add3A_355 : i32
          %get3A_357 = arith.index_cast %add3A_356 : i32 to index
          %get3A_358 = tpu.vector_load %arg6[%get3A_357] {strides = array<i32>} : memref<15232xf32, #tpu.memory_space<vmem>>, vector<16xf32>,
          %swap3A_359 = arith.index_cast %add3A_322 : i32 to index
          %swap3A_360 = arith.constant 0 : index
          %swap3A_361 = tpu.vector_load %arg11[%swap3A_359, %swap3A_360] {strides = array<i32>} : memref<160x131xf32, #tpu.memory_space<vmem>>, vector<16xf32>,
          tpu.vector_store %arg11[%swap3A_359, %swap3A_360], %get3A_330 {strides = array<i32>} : memref<160x131xf32, #tpu.memory_space<vmem>>, vector<16xf32>,
          %swap3A_362 = arith.index_cast %add3A_322 : i32 to index
          %swap3A_363 = arith.constant 16 : index
          %swap3A_364 = tpu.vector_load %arg11[%swap3A_362, %swap3A_363] {strides = array<i32>} : memref<160x131xf32, #tpu.memory_space<vmem>>, vector<16xf32>,
          tpu.vector_store %arg11[%swap3A_362, %swap3A_363], %get3A_334 {strides = array<i32>} : memref<160x131xf32, #tpu.memory_space<vmem>>, vector<16xf32>,
          %swap3A_365 = arith.index_cast %add3A_322 : i32 to index
          %swap3A_366 = arith.constant 32 : index
          %swap3A_367 = tpu.vector_load %arg11[%swap3A_365, %swap3A_366] {strides = array<i32>} : memref<160x131xf32, #tpu.memory_space<vmem>>, vector<16xf32>,
          tpu.vector_store %arg11[%swap3A_365, %swap3A_366], %get3A_338 {strides = array<i32>} : memref<160x131xf32, #tpu.memory_space<vmem>>, vector<16xf32>,
          %swap3A_368 = arith.index_cast %add3A_322 : i32 to index
          %swap3A_369 = arith.constant 48 : index
          %swap3A_370 = tpu.vector_load %arg11[%swap3A_368, %swap3A_369] {strides = array<i32>} : memref<160x131xf32, #tpu.memory_space<vmem>>, vector<16xf32>,
          tpu.vector_store %arg11[%swap3A_368, %swap3A_369], %get3A_342 {strides = array<i32>} : memref<160x131xf32, #tpu.memory_space<vmem>>, vector<16xf32>,
          %swap3A_371 = arith.index_cast %add3A_322 : i32 to index
          %swap3A_372 = arith.constant 64 : index
          %swap3A_373 = tpu.vector_load %arg11[%swap3A_371, %swap3A_372] {strides = array<i32>} : memref<160x131xf32, #tpu.memory_space<vmem>>, vector<16xf32>,
          tpu.vector_store %arg11[%swap3A_371, %swap3A_372], %get3A_346 {strides = array<i32>} : memref<160x131xf32, #tpu.memory_space<vmem>>, vector<16xf32>,
          %swap3A_374 = arith.index_cast %add3A_322 : i32 to index
          %swap3A_375 = arith.constant 80 : index
          %swap3A_376 = tpu.vector_load %arg11[%swap3A_374, %swap3A_375] {strides = array<i32>} : memref<160x131xf32, #tpu.memory_space<vmem>>, vector<16xf32>,
          tpu.vector_store %arg11[%swap3A_374, %swap3A_375], %get3A_350 {strides = array<i32>} : memref<160x131xf32, #tpu.memory_space<vmem>>, vector<16xf32>,
          %swap3A_377 = arith.index_cast %add3A_322 : i32 to index
          %swap3A_378 = arith.constant 96 : index
          %swap3A_379 = tpu.vector_load %arg11[%swap3A_377, %swap3A_378] {strides = array<i32>} : memref<160x131xf32, #tpu.memory_space<vmem>>, vector<16xf32>,
          tpu.vector_store %arg11[%swap3A_377, %swap3A_378], %get3A_354 {strides = array<i32>} : memref<160x131xf32, #tpu.memory_space<vmem>>, vector<16xf32>,
          %swap3A_380 = arith.index_cast %add3A_322 : i32 to index
          %swap3A_381 = arith.constant 112 : index
          %swap3A_382 = tpu.vector_load %arg11[%swap3A_380, %swap3A_381] {strides = array<i32>} : memref<160x131xf32, #tpu.memory_space<vmem>>, vector<16xf32>,
          tpu.vector_store %arg11[%swap3A_380, %swap3A_381], %get3A_358 {strides = array<i32>} : memref<160x131xf32, #tpu.memory_space<vmem>>, vector<16xf32>,
          %mul3A_383 = arith.constant 16 : i32
          %mul3A_384 = arith.muli %scan3A_126, %mul3A_383 : i32
          %add3A_385 = arith.constant 4 : i32
          %add3A_386 = arith.addi %mul3A_384, %add3A_385 : i32
          %slice3A_387 = vector.extract_strided_slice %get3A_129 {offsets = [4], sizes = [1], strides = [1]} : vector<16xi32> to vector<1xi32>
          %squeeze3A_388 = vector.extract %slice3A_387[0] : i32 from vector<1xi32>
          %mul3A_389 = arith.constant 128 : i32
          %mul3A_390 = arith.muli %squeeze3A_388, %mul3A_389 : i32
          %add3A_391 = arith.constant 0 : i32
          %add3A_392 = arith.addi %mul3A_390, %add3A_391 : i32
          %get3A_393 = arith.index_cast %add3A_392 : i32 to index
          %get3A_394 = tpu.vector_load %arg6[%get3A_393] {strides = array<i32>} : memref<15232xf32, #tpu.memory_space<vmem>>, vector<16xf32>,
          %add3A_395 = arith.constant 16 : i32
          %add3A_396 = arith.addi %mul3A_390, %add3A_395 : i32
          %get3A_397 = arith.index_cast %add3A_396 : i32 to index
          %get3A_398 = tpu.vector_load %arg6[%get3A_397] {strides = array<i32>} : memref<15232xf32, #tpu.memory_space<vmem>>, vector<16xf32>,
          %add3A_399 = arith.constant 32 : i32
          %add3A_400 = arith.addi %mul3A_390, %add3A_399 : i32
          %get3A_401 = arith.index_cast %add3A_400 : i32 to index
          %get3A_402 = tpu.vector_load %arg6[%get3A_401] {strides = array<i32>} : memref<15232xf32, #tpu.memory_space<vmem>>, vector<16xf32>,
          %add3A_403 = arith.constant 48 : i32
          %add3A_404 = arith.addi %mul3A_390, %add3A_403 : i32
          %get3A_405 = arith.index_cast %add3A_404 : i32 to index
          %get3A_406 = tpu.vector_load %arg6[%get3A_405] {strides = array<i32>} : memref<15232xf32, #tpu.memory_space<vmem>>, vector<16xf32>,
          %add3A_407 = arith.constant 64 : i32
          %add3A_408 = arith.addi %mul3A_390, %add3A_407 : i32
          %get3A_409 = arith.index_cast %add3A_408 : i32 to index
          %get3A_410 = tpu.vector_load %arg6[%get3A_409] {strides = array<i32>} : memref<15232xf32, #tpu.memory_space<vmem>>, vector<16xf32>,
          %add3A_411 = arith.constant 80 : i32
          %add3A_412 = arith.addi %mul3A_390, %add3A_411 : i32
          %get3A_413 = arith.index_cast %add3A_412 : i32 to index
          %get3A_414 = tpu.vector_load %arg6[%get3A_413] {strides = array<i32>} : memref<15232xf32, #tpu.memory_space<vmem>>, vector<16xf32>,
          %add3A_415 = arith.constant 96 : i32
          %add3A_416 = arith.addi %mul3A_390, %add3A_415 : i32
          %get3A_417 = arith.index_cast %add3A_416 : i32 to index
          %get3A_418 = tpu.vector_load %arg6[%get3A_417] {strides = array<i32>} : memref<15232xf32, #tpu.memory_space<vmem>>, vector<16xf32>,
          %add3A_419 = arith.constant 112 : i32
          %add3A_420 = arith.addi %mul3A_390, %add3A_419 : i32
          %get3A_421 = arith.index_cast %add3A_420 : i32 to index
          %get3A_422 = tpu.vector_load %arg6[%get3A_421] {strides = array<i32>} : memref<15232xf32, #tpu.memory_space<vmem>>, vector<16xf32>,
          %swap3A_423 = arith.index_cast %add3A_386 : i32 to index
          %swap3A_424 = arith.constant 0 : index
          %swap3A_425 = tpu.vector_load %arg11[%swap3A_423, %swap3A_424] {strides = array<i32>} : memref<160x131xf32, #tpu.memory_space<vmem>>, vector<16xf32>,
          tpu.vector_store %arg11[%swap3A_423, %swap3A_424], %get3A_394 {strides = array<i32>} : memref<160x131xf32, #tpu.memory_space<vmem>>, vector<16xf32>,
          %swap3A_426 = arith.index_cast %add3A_386 : i32 to index
          %swap3A_427 = arith.constant 16 : index
          %swap3A_428 = tpu.vector_load %arg11[%swap3A_426, %swap3A_427] {strides = array<i32>} : memref<160x131xf32, #tpu.memory_space<vmem>>, vector<16xf32>,
          tpu.vector_store %arg11[%swap3A_426, %swap3A_427], %get3A_398 {strides = array<i32>} : memref<160x131xf32, #tpu.memory_space<vmem>>, vector<16xf32>,
          %swap3A_429 = arith.index_cast %add3A_386 : i32 to index
          %swap3A_430 = arith.constant 32 : index
          %swap3A_431 = tpu.vector_load %arg11[%swap3A_429, %swap3A_430] {strides = array<i32>} : memref<160x131xf32, #tpu.memory_space<vmem>>, vector<16xf32>,
          tpu.vector_store %arg11[%swap3A_429, %swap3A_430], %get3A_402 {strides = array<i32>} : memref<160x131xf32, #tpu.memory_space<vmem>>, vector<16xf32>,
          %swap3A_432 = arith.index_cast %add3A_386 : i32 to index
          %swap3A_433 = arith.constant 48 : index
          %swap3A_434 = tpu.vector_load %arg11[%swap3A_432, %swap3A_433] {strides = array<i32>} : memref<160x131xf32, #tpu.memory_space<vmem>>, vector<16xf32>,
          tpu.vector_store %arg11[%swap3A_432, %swap3A_433], %get3A_406 {strides = array<i32>} : memref<160x131xf32, #tpu.memory_space<vmem>>, vector<16xf32>,
          %swap3A_435 = arith.index_cast %add3A_386 : i32 to index
          %swap3A_436 = arith.constant 64 : index
          %swap3A_437 = tpu.vector_load %arg11[%swap3A_435, %swap3A_436] {strides = array<i32>} : memref<160x131xf32, #tpu.memory_space<vmem>>, vector<16xf32>,
          tpu.vector_store %arg11[%swap3A_435, %swap3A_436], %get3A_410 {strides = array<i32>} : memref<160x131xf32, #tpu.memory_space<vmem>>, vector<16xf32>,
          %swap3A_438 = arith.index_cast %add3A_386 : i32 to index
          %swap3A_439 = arith.constant 80 : index
          %swap3A_440 = tpu.vector_load %arg11[%swap3A_438, %swap3A_439] {strides = array<i32>} : memref<160x131xf32, #tpu.memory_space<vmem>>, vector<16xf32>,
          tpu.vector_store %arg11[%swap3A_438, %swap3A_439], %get3A_414 {strides = array<i32>} : memref<160x131xf32, #tpu.memory_space<vmem>>, vector<16xf32>,
          %swap3A_441 = arith.index_cast %add3A_386 : i32 to index
          %swap3A_442 = arith.constant 96 : index
          %swap3A_443 = tpu.vector_load %arg11[%swap3A_441, %swap3A_442] {strides = array<i32>} : memref<160x131xf32, #tpu.memory_space<vmem>>, vector<16xf32>,
          tpu.vector_store %arg11[%swap3A_441, %swap3A_442], %get3A_418 {strides = array<i32>} : memref<160x131xf32, #tpu.memory_space<vmem>>, vector<16xf32>,
          %swap3A_444 = arith.index_cast %add3A_386 : i32 to index
          %swap3A_445 = arith.constant 112 : index
          %swap3A_446 = tpu.vector_load %arg11[%swap3A_444, %swap3A_445] {strides = array<i32>} : memref<160x131xf32, #tpu.memory_space<vmem>>, vector<16xf32>,
          tpu.vector_store %arg11[%swap3A_444, %swap3A_445], %get3A_422 {strides = array<i32>} : memref<160x131xf32, #tpu.memory_space<vmem>>, vector<16xf32>,
          %mul3A_447 = arith.constant 16 : i32
          %mul3A_448 = arith.muli %scan3A_126, %mul3A_447 : i32
          %add3A_449 = arith.constant 5 : i32
          %add3A_450 = arith.addi %mul3A_448, %add3A_449 : i32
          %slice3A_451 = vector.extract_strided_slice %get3A_129 {offsets = [5], sizes = [1], strides = [1]} : vector<16xi32> to vector<1xi32>
          %squeeze3A_452 = vector.extract %slice3A_451[0] : i32 from vector<1xi32>
          %mul3A_453 = arith.constant 128 : i32
          %mul3A_454 = arith.muli %squeeze3A_452, %mul3A_453 : i32
          %add3A_455 = arith.constant 0 : i32
          %add3A_456 = arith.addi %mul3A_454, %add3A_455 : i32
          %get3A_457 = arith.index_cast %add3A_456 : i32 to index
          %get3A_458 = tpu.vector_load %arg6[%get3A_457] {strides = array<i32>} : memref<15232xf32, #tpu.memory_space<vmem>>, vector<16xf32>,
          %add3A_459 = arith.constant 16 : i32
          %add3A_460 = arith.addi %mul3A_454, %add3A_459 : i32
          %get3A_461 = arith.index_cast %add3A_460 : i32 to index
          %get3A_462 = tpu.vector_load %arg6[%get3A_461] {strides = array<i32>} : memref<15232xf32, #tpu.memory_space<vmem>>, vector<16xf32>,
          %add3A_463 = arith.constant 32 : i32
          %add3A_464 = arith.addi %mul3A_454, %add3A_463 : i32
          %get3A_465 = arith.index_cast %add3A_464 : i32 to index
          %get3A_466 = tpu.vector_load %arg6[%get3A_465] {strides = array<i32>} : memref<15232xf32, #tpu.memory_space<vmem>>, vector<16xf32>,
          %add3A_467 = arith.constant 48 : i32
          %add3A_468 = arith.addi %mul3A_454, %add3A_467 : i32
          %get3A_469 = arith.index_cast %add3A_468 : i32 to index
          %get3A_470 = tpu.vector_load %arg6[%get3A_469] {strides = array<i32>} : memref<15232xf32, #tpu.memory_space<vmem>>, vector<16xf32>,
          %add3A_471 = arith.constant 64 : i32
          %add3A_472 = arith.addi %mul3A_454, %add3A_471 : i32
          %get3A_473 = arith.index_cast %add3A_472 : i32 to index
          %get3A_474 = tpu.vector_load %arg6[%get3A_473] {strides = array<i32>} : memref<15232xf32, #tpu.memory_space<vmem>>, vector<16xf32>,
          %add3A_475 = arith.constant 80 : i32
          %add3A_476 = arith.addi %mul3A_454, %add3A_475 : i32
          %get3A_477 = arith.index_cast %add3A_476 : i32 to index
          %get3A_478 = tpu.vector_load %arg6[%get3A_477] {strides = array<i32>} : memref<15232xf32, #tpu.memory_space<vmem>>, vector<16xf32>,
          %add3A_479 = arith.constant 96 : i32
          %add3A_480 = arith.addi %mul3A_454, %add3A_479 : i32
          %get3A_481 = arith.index_cast %add3A_480 : i32 to index
          %get3A_482 = tpu.vector_load %arg6[%get3A_481] {strides = array<i32>} : memref<15232xf32, #tpu.memory_space<vmem>>, vector<16xf32>,
          %add3A_483 = arith.constant 112 : i32
          %add3A_484 = arith.addi %mul3A_454, %add3A_483 : i32
          %get3A_485 = arith.index_cast %add3A_484 : i32 to index
          %get3A_486 = tpu.vector_load %arg6[%get3A_485] {strides = array<i32>} : memref<15232xf32, #tpu.memory_space<vmem>>, vector<16xf32>,
          %swap3A_487 = arith.index_cast %add3A_450 : i32 to index
          %swap3A_488 = arith.constant 0 : index
          %swap3A_489 = tpu.vector_load %arg11[%swap3A_487, %swap3A_488] {strides = array<i32>} : memref<160x131xf32, #tpu.memory_space<vmem>>, vector<16xf32>,
          tpu.vector_store %arg11[%swap3A_487, %swap3A_488], %get3A_458 {strides = array<i32>} : memref<160x131xf32, #tpu.memory_space<vmem>>, vector<16xf32>,
          %swap3A_490 = arith.index_cast %add3A_450 : i32 to index
          %swap3A_491 = arith.constant 16 : index
          %swap3A_492 = tpu.vector_load %arg11[%swap3A_490, %swap3A_491] {strides = array<i32>} : memref<160x131xf32, #tpu.memory_space<vmem>>, vector<16xf32>,
          tpu.vector_store %arg11[%swap3A_490, %swap3A_491], %get3A_462 {strides = array<i32>} : memref<160x131xf32, #tpu.memory_space<vmem>>, vector<16xf32>,
          %swap3A_493 = arith.index_cast %add3A_450 : i32 to index
          %swap3A_494 = arith.constant 32 : index
          %swap3A_495 = tpu.vector_load %arg11[%swap3A_493, %swap3A_494] {strides = array<i32>} : memref<160x131xf32, #tpu.memory_space<vmem>>, vector<16xf32>,
          tpu.vector_store %arg11[%swap3A_493, %swap3A_494], %get3A_466 {strides = array<i32>} : memref<160x131xf32, #tpu.memory_space<vmem>>, vector<16xf32>,
          %swap3A_496 = arith.index_cast %add3A_450 : i32 to index
          %swap3A_497 = arith.constant 48 : index
          %swap3A_498 = tpu.vector_load %arg11[%swap3A_496, %swap3A_497] {strides = array<i32>} : memref<160x131xf32, #tpu.memory_space<vmem>>, vector<16xf32>,
          tpu.vector_store %arg11[%swap3A_496, %swap3A_497], %get3A_470 {strides = array<i32>} : memref<160x131xf32, #tpu.memory_space<vmem>>, vector<16xf32>,
          %swap3A_499 = arith.index_cast %add3A_450 : i32 to index
          %swap3A_500 = arith.constant 64 : index
          %swap3A_501 = tpu.vector_load %arg11[%swap3A_499, %swap3A_500] {strides = array<i32>} : memref<160x131xf32, #tpu.memory_space<vmem>>, vector<16xf32>,
          tpu.vector_store %arg11[%swap3A_499, %swap3A_500], %get3A_474 {strides = array<i32>} : memref<160x131xf32, #tpu.memory_space<vmem>>, vector<16xf32>,
          %swap3A_502 = arith.index_cast %add3A_450 : i32 to index
          %swap3A_503 = arith.constant 80 : index
          %swap3A_504 = tpu.vector_load %arg11[%swap3A_502, %swap3A_503] {strides = array<i32>} : memref<160x131xf32, #tpu.memory_space<vmem>>, vector<16xf32>,
          tpu.vector_store %arg11[%swap3A_502, %swap3A_503], %get3A_478 {strides = array<i32>} : memref<160x131xf32, #tpu.memory_space<vmem>>, vector<16xf32>,
          %swap3A_505 = arith.index_cast %add3A_450 : i32 to index
          %swap3A_506 = arith.constant 96 : index
          %swap3A_507 = tpu.vector_load %arg11[%swap3A_505, %swap3A_506] {strides = array<i32>} : memref<160x131xf32, #tpu.memory_space<vmem>>, vector<16xf32>,
          tpu.vector_store %arg11[%swap3A_505, %swap3A_506], %get3A_482 {strides = array<i32>} : memref<160x131xf32, #tpu.memory_space<vmem>>, vector<16xf32>,
          %swap3A_508 = arith.index_cast %add3A_450 : i32 to index
          %swap3A_509 = arith.constant 112 : index
          %swap3A_510 = tpu.vector_load %arg11[%swap3A_508, %swap3A_509] {strides = array<i32>} : memref<160x131xf32, #tpu.memory_space<vmem>>, vector<16xf32>,
          tpu.vector_store %arg11[%swap3A_508, %swap3A_509], %get3A_486 {strides = array<i32>} : memref<160x131xf32, #tpu.memory_space<vmem>>, vector<16xf32>,
          %mul3A_511 = arith.constant 16 : i32
          %mul3A_512 = arith.muli %scan3A_126, %mul3A_511 : i32
          %add3A_513 = arith.constant 6 : i32
          %add3A_514 = arith.addi %mul3A_512, %add3A_513 : i32
          %slice3A_515 = vector.extract_strided_slice %get3A_129 {offsets = [6], sizes = [1], strides = [1]} : vector<16xi32> to vector<1xi32>
          %squeeze3A_516 = vector.extract %slice3A_515[0] : i32 from vector<1xi32>
          %mul3A_517 = arith.constant 128 : i32
          %mul3A_518 = arith.muli %squeeze3A_516, %mul3A_517 : i32
          %add3A_519 = arith.constant 0 : i32
          %add3A_520 = arith.addi %mul3A_518, %add3A_519 : i32
          %get3A_521 = arith.index_cast %add3A_520 : i32 to index
          %get3A_522 = tpu.vector_load %arg6[%get3A_521] {strides = array<i32>} : memref<15232xf32, #tpu.memory_space<vmem>>, vector<16xf32>,
          %add3A_523 = arith.constant 16 : i32
          %add3A_524 = arith.addi %mul3A_518, %add3A_523 : i32
          %get3A_525 = arith.index_cast %add3A_524 : i32 to index
          %get3A_526 = tpu.vector_load %arg6[%get3A_525] {strides = array<i32>} : memref<15232xf32, #tpu.memory_space<vmem>>, vector<16xf32>,
          %add3A_527 = arith.constant 32 : i32
          %add3A_528 = arith.addi %mul3A_518, %add3A_527 : i32
          %get3A_529 = arith.index_cast %add3A_528 : i32 to index
          %get3A_530 = tpu.vector_load %arg6[%get3A_529] {strides = array<i32>} : memref<15232xf32, #tpu.memory_space<vmem>>, vector<16xf32>,
          %add3A_531 = arith.constant 48 : i32
          %add3A_532 = arith.addi %mul3A_518, %add3A_531 : i32
          %get3A_533 = arith.index_cast %add3A_532 : i32 to index
          %get3A_534 = tpu.vector_load %arg6[%get3A_533] {strides = array<i32>} : memref<15232xf32, #tpu.memory_space<vmem>>, vector<16xf32>,
          %add3A_535 = arith.constant 64 : i32
          %add3A_536 = arith.addi %mul3A_518, %add3A_535 : i32
          %get3A_537 = arith.index_cast %add3A_536 : i32 to index
          %get3A_538 = tpu.vector_load %arg6[%get3A_537] {strides = array<i32>} : memref<15232xf32, #tpu.memory_space<vmem>>, vector<16xf32>,
          %add3A_539 = arith.constant 80 : i32
          %add3A_540 = arith.addi %mul3A_518, %add3A_539 : i32
          %get3A_541 = arith.index_cast %add3A_540 : i32 to index
          %get3A_542 = tpu.vector_load %arg6[%get3A_541] {strides = array<i32>} : memref<15232xf32, #tpu.memory_space<vmem>>, vector<16xf32>,
          %add3A_543 = arith.constant 96 : i32
          %add3A_544 = arith.addi %mul3A_518, %add3A_543 : i32
          %get3A_545 = arith.index_cast %add3A_544 : i32 to index
          %get3A_546 = tpu.vector_load %arg6[%get3A_545] {strides = array<i32>} : memref<15232xf32, #tpu.memory_space<vmem>>, vector<16xf32>,
          %add3A_547 = arith.constant 112 : i32
          %add3A_548 = arith.addi %mul3A_518, %add3A_547 : i32
          %get3A_549 = arith.index_cast %add3A_548 : i32 to index
          %get3A_550 = tpu.vector_load %arg6[%get3A_549] {strides = array<i32>} : memref<15232xf32, #tpu.memory_space<vmem>>, vector<16xf32>,
          %swap3A_551 = arith.index_cast %add3A_514 : i32 to index
          %swap3A_552 = arith.constant 0 : index
          %swap3A_553 = tpu.vector_load %arg11[%swap3A_551, %swap3A_552] {strides = array<i32>} : memref<160x131xf32, #tpu.memory_space<vmem>>, vector<16xf32>,
          tpu.vector_store %arg11[%swap3A_551, %swap3A_552], %get3A_522 {strides = array<i32>} : memref<160x131xf32, #tpu.memory_space<vmem>>, vector<16xf32>,
          %swap3A_554 = arith.index_cast %add3A_514 : i32 to index
          %swap3A_555 = arith.constant 16 : index
          %swap3A_556 = tpu.vector_load %arg11[%swap3A_554, %swap3A_555] {strides = array<i32>} : memref<160x131xf32, #tpu.memory_space<vmem>>, vector<16xf32>,
          tpu.vector_store %arg11[%swap3A_554, %swap3A_555], %get3A_526 {strides = array<i32>} : memref<160x131xf32, #tpu.memory_space<vmem>>, vector<16xf32>,
          %swap3A_557 = arith.index_cast %add3A_514 : i32 to index
          %swap3A_558 = arith.constant 32 : index
          %swap3A_559 = tpu.vector_load %arg11[%swap3A_557, %swap3A_558] {strides = array<i32>} : memref<160x131xf32, #tpu.memory_space<vmem>>, vector<16xf32>,
          tpu.vector_store %arg11[%swap3A_557, %swap3A_558], %get3A_530 {strides = array<i32>} : memref<160x131xf32, #tpu.memory_space<vmem>>, vector<16xf32>,
          %swap3A_560 = arith.index_cast %add3A_514 : i32 to index
          %swap3A_561 = arith.constant 48 : index
          %swap3A_562 = tpu.vector_load %arg11[%swap3A_560, %swap3A_561] {strides = array<i32>} : memref<160x131xf32, #tpu.memory_space<vmem>>, vector<16xf32>,
          tpu.vector_store %arg11[%swap3A_560, %swap3A_561], %get3A_534 {strides = array<i32>} : memref<160x131xf32, #tpu.memory_space<vmem>>, vector<16xf32>,
          %swap3A_563 = arith.index_cast %add3A_514 : i32 to index
          %swap3A_564 = arith.constant 64 : index
          %swap3A_565 = tpu.vector_load %arg11[%swap3A_563, %swap3A_564] {strides = array<i32>} : memref<160x131xf32, #tpu.memory_space<vmem>>, vector<16xf32>,
          tpu.vector_store %arg11[%swap3A_563, %swap3A_564], %get3A_538 {strides = array<i32>} : memref<160x131xf32, #tpu.memory_space<vmem>>, vector<16xf32>,
          %swap3A_566 = arith.index_cast %add3A_514 : i32 to index
          %swap3A_567 = arith.constant 80 : index
          %swap3A_568 = tpu.vector_load %arg11[%swap3A_566, %swap3A_567] {strides = array<i32>} : memref<160x131xf32, #tpu.memory_space<vmem>>, vector<16xf32>,
          tpu.vector_store %arg11[%swap3A_566, %swap3A_567], %get3A_542 {strides = array<i32>} : memref<160x131xf32, #tpu.memory_space<vmem>>, vector<16xf32>,
          %swap3A_569 = arith.index_cast %add3A_514 : i32 to index
          %swap3A_570 = arith.constant 96 : index
          %swap3A_571 = tpu.vector_load %arg11[%swap3A_569, %swap3A_570] {strides = array<i32>} : memref<160x131xf32, #tpu.memory_space<vmem>>, vector<16xf32>,
          tpu.vector_store %arg11[%swap3A_569, %swap3A_570], %get3A_546 {strides = array<i32>} : memref<160x131xf32, #tpu.memory_space<vmem>>, vector<16xf32>,
          %swap3A_572 = arith.index_cast %add3A_514 : i32 to index
          %swap3A_573 = arith.constant 112 : index
          %swap3A_574 = tpu.vector_load %arg11[%swap3A_572, %swap3A_573] {strides = array<i32>} : memref<160x131xf32, #tpu.memory_space<vmem>>, vector<16xf32>,
          tpu.vector_store %arg11[%swap3A_572, %swap3A_573], %get3A_550 {strides = array<i32>} : memref<160x131xf32, #tpu.memory_space<vmem>>, vector<16xf32>,
          %mul3A_575 = arith.constant 16 : i32
          %mul3A_576 = arith.muli %scan3A_126, %mul3A_575 : i32
          %add3A_577 = arith.constant 7 : i32
          %add3A_578 = arith.addi %mul3A_576, %add3A_577 : i32
          %slice3A_579 = vector.extract_strided_slice %get3A_129 {offsets = [7], sizes = [1], strides = [1]} : vector<16xi32> to vector<1xi32>
          %squeeze3A_580 = vector.extract %slice3A_579[0] : i32 from vector<1xi32>
          %mul3A_581 = arith.constant 128 : i32
          %mul3A_582 = arith.muli %squeeze3A_580, %mul3A_581 : i32
          %add3A_583 = arith.constant 0 : i32
          %add3A_584 = arith.addi %mul3A_582, %add3A_583 : i32
          %get3A_585 = arith.index_cast %add3A_584 : i32 to index
          %get3A_586 = tpu.vector_load %arg6[%get3A_585] {strides = array<i32>} : memref<15232xf32, #tpu.memory_space<vmem>>, vector<16xf32>,
          %add3A_587 = arith.constant 16 : i32
          %add3A_588 = arith.addi %mul3A_582, %add3A_587 : i32
          %get3A_589 = arith.index_cast %add3A_588 : i32 to index
          %get3A_590 = tpu.vector_load %arg6[%get3A_589] {strides = array<i32>} : memref<15232xf32, #tpu.memory_space<vmem>>, vector<16xf32>,
          %add3A_591 = arith.constant 32 : i32
          %add3A_592 = arith.addi %mul3A_582, %add3A_591 : i32
          %get3A_593 = arith.index_cast %add3A_592 : i32 to index
          %get3A_594 = tpu.vector_load %arg6[%get3A_593] {strides = array<i32>} : memref<15232xf32, #tpu.memory_space<vmem>>, vector<16xf32>,
          %add3A_595 = arith.constant 48 : i32
          %add3A_596 = arith.addi %mul3A_582, %add3A_595 : i32
          %get3A_597 = arith.index_cast %add3A_596 : i32 to index
          %get3A_598 = tpu.vector_load %arg6[%get3A_597] {strides = array<i32>} : memref<15232xf32, #tpu.memory_space<vmem>>, vector<16xf32>,
          %add3A_599 = arith.constant 64 : i32
          %add3A_600 = arith.addi %mul3A_582, %add3A_599 : i32
          %get3A_601 = arith.index_cast %add3A_600 : i32 to index
          %get3A_602 = tpu.vector_load %arg6[%get3A_601] {strides = array<i32>} : memref<15232xf32, #tpu.memory_space<vmem>>, vector<16xf32>,
          %add3A_603 = arith.constant 80 : i32
          %add3A_604 = arith.addi %mul3A_582, %add3A_603 : i32
          %get3A_605 = arith.index_cast %add3A_604 : i32 to index
          %get3A_606 = tpu.vector_load %arg6[%get3A_605] {strides = array<i32>} : memref<15232xf32, #tpu.memory_space<vmem>>, vector<16xf32>,
          %add3A_607 = arith.constant 96 : i32
          %add3A_608 = arith.addi %mul3A_582, %add3A_607 : i32
          %get3A_609 = arith.index_cast %add3A_608 : i32 to index
          %get3A_610 = tpu.vector_load %arg6[%get3A_609] {strides = array<i32>} : memref<15232xf32, #tpu.memory_space<vmem>>, vector<16xf32>,
          %add3A_611 = arith.constant 112 : i32
          %add3A_612 = arith.addi %mul3A_582, %add3A_611 : i32
          %get3A_613 = arith.index_cast %add3A_612 : i32 to index
          %get3A_614 = tpu.vector_load %arg6[%get3A_613] {strides = array<i32>} : memref<15232xf32, #tpu.memory_space<vmem>>, vector<16xf32>,
          %swap3A_615 = arith.index_cast %add3A_578 : i32 to index
          %swap3A_616 = arith.constant 0 : index
          %swap3A_617 = tpu.vector_load %arg11[%swap3A_615, %swap3A_616] {strides = array<i32>} : memref<160x131xf32, #tpu.memory_space<vmem>>, vector<16xf32>,
          tpu.vector_store %arg11[%swap3A_615, %swap3A_616], %get3A_586 {strides = array<i32>} : memref<160x131xf32, #tpu.memory_space<vmem>>, vector<16xf32>,
          %swap3A_618 = arith.index_cast %add3A_578 : i32 to index
          %swap3A_619 = arith.constant 16 : index
          %swap3A_620 = tpu.vector_load %arg11[%swap3A_618, %swap3A_619] {strides = array<i32>} : memref<160x131xf32, #tpu.memory_space<vmem>>, vector<16xf32>,
          tpu.vector_store %arg11[%swap3A_618, %swap3A_619], %get3A_590 {strides = array<i32>} : memref<160x131xf32, #tpu.memory_space<vmem>>, vector<16xf32>,
          %swap3A_621 = arith.index_cast %add3A_578 : i32 to index
          %swap3A_622 = arith.constant 32 : index
          %swap3A_623 = tpu.vector_load %arg11[%swap3A_621, %swap3A_622] {strides = array<i32>} : memref<160x131xf32, #tpu.memory_space<vmem>>, vector<16xf32>,
          tpu.vector_store %arg11[%swap3A_621, %swap3A_622], %get3A_594 {strides = array<i32>} : memref<160x131xf32, #tpu.memory_space<vmem>>, vector<16xf32>,
          %swap3A_624 = arith.index_cast %add3A_578 : i32 to index
          %swap3A_625 = arith.constant 48 : index
          %swap3A_626 = tpu.vector_load %arg11[%swap3A_624, %swap3A_625] {strides = array<i32>} : memref<160x131xf32, #tpu.memory_space<vmem>>, vector<16xf32>,
          tpu.vector_store %arg11[%swap3A_624, %swap3A_625], %get3A_598 {strides = array<i32>} : memref<160x131xf32, #tpu.memory_space<vmem>>, vector<16xf32>,
          %swap3A_627 = arith.index_cast %add3A_578 : i32 to index
          %swap3A_628 = arith.constant 64 : index
          %swap3A_629 = tpu.vector_load %arg11[%swap3A_627, %swap3A_628] {strides = array<i32>} : memref<160x131xf32, #tpu.memory_space<vmem>>, vector<16xf32>,
          tpu.vector_store %arg11[%swap3A_627, %swap3A_628], %get3A_602 {strides = array<i32>} : memref<160x131xf32, #tpu.memory_space<vmem>>, vector<16xf32>,
          %swap3A_630 = arith.index_cast %add3A_578 : i32 to index
          %swap3A_631 = arith.constant 80 : index
          %swap3A_632 = tpu.vector_load %arg11[%swap3A_630, %swap3A_631] {strides = array<i32>} : memref<160x131xf32, #tpu.memory_space<vmem>>, vector<16xf32>,
          tpu.vector_store %arg11[%swap3A_630, %swap3A_631], %get3A_606 {strides = array<i32>} : memref<160x131xf32, #tpu.memory_space<vmem>>, vector<16xf32>,
          %swap3A_633 = arith.index_cast %add3A_578 : i32 to index
          %swap3A_634 = arith.constant 96 : index
          %swap3A_635 = tpu.vector_load %arg11[%swap3A_633, %swap3A_634] {strides = array<i32>} : memref<160x131xf32, #tpu.memory_space<vmem>>, vector<16xf32>,
          tpu.vector_store %arg11[%swap3A_633, %swap3A_634], %get3A_610 {strides = array<i32>} : memref<160x131xf32, #tpu.memory_space<vmem>>, vector<16xf32>,
          %swap3A_636 = arith.index_cast %add3A_578 : i32 to index
          %swap3A_637 = arith.constant 112 : index
          %swap3A_638 = tpu.vector_load %arg11[%swap3A_636, %swap3A_637] {strides = array<i32>} : memref<160x131xf32, #tpu.memory_space<vmem>>, vector<16xf32>,
          tpu.vector_store %arg11[%swap3A_636, %swap3A_637], %get3A_614 {strides = array<i32>} : memref<160x131xf32, #tpu.memory_space<vmem>>, vector<16xf32>,
          %mul3A_639 = arith.constant 16 : i32
          %mul3A_640 = arith.muli %scan3A_126, %mul3A_639 : i32
          %add3A_641 = arith.constant 8 : i32
          %add3A_642 = arith.addi %mul3A_640, %add3A_641 : i32
          %slice3A_643 = vector.extract_strided_slice %get3A_129 {offsets = [8], sizes = [1], strides = [1]} : vector<16xi32> to vector<1xi32>
          %squeeze3A_644 = vector.extract %slice3A_643[0] : i32 from vector<1xi32>
          %mul3A_645 = arith.constant 128 : i32
          %mul3A_646 = arith.muli %squeeze3A_644, %mul3A_645 : i32
          %add3A_647 = arith.constant 0 : i32
          %add3A_648 = arith.addi %mul3A_646, %add3A_647 : i32
          %get3A_649 = arith.index_cast %add3A_648 : i32 to index
          %get3A_650 = tpu.vector_load %arg6[%get3A_649] {strides = array<i32>} : memref<15232xf32, #tpu.memory_space<vmem>>, vector<16xf32>,
          %add3A_651 = arith.constant 16 : i32
          %add3A_652 = arith.addi %mul3A_646, %add3A_651 : i32
          %get3A_653 = arith.index_cast %add3A_652 : i32 to index
          %get3A_654 = tpu.vector_load %arg6[%get3A_653] {strides = array<i32>} : memref<15232xf32, #tpu.memory_space<vmem>>, vector<16xf32>,
          %add3A_655 = arith.constant 32 : i32
          %add3A_656 = arith.addi %mul3A_646, %add3A_655 : i32
          %get3A_657 = arith.index_cast %add3A_656 : i32 to index
          %get3A_658 = tpu.vector_load %arg6[%get3A_657] {strides = array<i32>} : memref<15232xf32, #tpu.memory_space<vmem>>, vector<16xf32>,
          %add3A_659 = arith.constant 48 : i32
          %add3A_660 = arith.addi %mul3A_646, %add3A_659 : i32
          %get3A_661 = arith.index_cast %add3A_660 : i32 to index
          %get3A_662 = tpu.vector_load %arg6[%get3A_661] {strides = array<i32>} : memref<15232xf32, #tpu.memory_space<vmem>>, vector<16xf32>,
          %add3A_663 = arith.constant 64 : i32
          %add3A_664 = arith.addi %mul3A_646, %add3A_663 : i32
          %get3A_665 = arith.index_cast %add3A_664 : i32 to index
          %get3A_666 = tpu.vector_load %arg6[%get3A_665] {strides = array<i32>} : memref<15232xf32, #tpu.memory_space<vmem>>, vector<16xf32>,
          %add3A_667 = arith.constant 80 : i32
          %add3A_668 = arith.addi %mul3A_646, %add3A_667 : i32
          %get3A_669 = arith.index_cast %add3A_668 : i32 to index
          %get3A_670 = tpu.vector_load %arg6[%get3A_669] {strides = array<i32>} : memref<15232xf32, #tpu.memory_space<vmem>>, vector<16xf32>,
          %add3A_671 = arith.constant 96 : i32
          %add3A_672 = arith.addi %mul3A_646, %add3A_671 : i32
          %get3A_673 = arith.index_cast %add3A_672 : i32 to index
          %get3A_674 = tpu.vector_load %arg6[%get3A_673] {strides = array<i32>} : memref<15232xf32, #tpu.memory_space<vmem>>, vector<16xf32>,
          %add3A_675 = arith.constant 112 : i32
          %add3A_676 = arith.addi %mul3A_646, %add3A_675 : i32
          %get3A_677 = arith.index_cast %add3A_676 : i32 to index
          %get3A_678 = tpu.vector_load %arg6[%get3A_677] {strides = array<i32>} : memref<15232xf32, #tpu.memory_space<vmem>>, vector<16xf32>,
          %swap3A_679 = arith.index_cast %add3A_642 : i32 to index
          %swap3A_680 = arith.constant 0 : index
          %swap3A_681 = tpu.vector_load %arg11[%swap3A_679, %swap3A_680] {strides = array<i32>} : memref<160x131xf32, #tpu.memory_space<vmem>>, vector<16xf32>,
          tpu.vector_store %arg11[%swap3A_679, %swap3A_680], %get3A_650 {strides = array<i32>} : memref<160x131xf32, #tpu.memory_space<vmem>>, vector<16xf32>,
          %swap3A_682 = arith.index_cast %add3A_642 : i32 to index
          %swap3A_683 = arith.constant 16 : index
          %swap3A_684 = tpu.vector_load %arg11[%swap3A_682, %swap3A_683] {strides = array<i32>} : memref<160x131xf32, #tpu.memory_space<vmem>>, vector<16xf32>,
          tpu.vector_store %arg11[%swap3A_682, %swap3A_683], %get3A_654 {strides = array<i32>} : memref<160x131xf32, #tpu.memory_space<vmem>>, vector<16xf32>,
          %swap3A_685 = arith.index_cast %add3A_642 : i32 to index
          %swap3A_686 = arith.constant 32 : index
          %swap3A_687 = tpu.vector_load %arg11[%swap3A_685, %swap3A_686] {strides = array<i32>} : memref<160x131xf32, #tpu.memory_space<vmem>>, vector<16xf32>,
          tpu.vector_store %arg11[%swap3A_685, %swap3A_686], %get3A_658 {strides = array<i32>} : memref<160x131xf32, #tpu.memory_space<vmem>>, vector<16xf32>,
          %swap3A_688 = arith.index_cast %add3A_642 : i32 to index
          %swap3A_689 = arith.constant 48 : index
          %swap3A_690 = tpu.vector_load %arg11[%swap3A_688, %swap3A_689] {strides = array<i32>} : memref<160x131xf32, #tpu.memory_space<vmem>>, vector<16xf32>,
          tpu.vector_store %arg11[%swap3A_688, %swap3A_689], %get3A_662 {strides = array<i32>} : memref<160x131xf32, #tpu.memory_space<vmem>>, vector<16xf32>,
          %swap3A_691 = arith.index_cast %add3A_642 : i32 to index
          %swap3A_692 = arith.constant 64 : index
          %swap3A_693 = tpu.vector_load %arg11[%swap3A_691, %swap3A_692] {strides = array<i32>} : memref<160x131xf32, #tpu.memory_space<vmem>>, vector<16xf32>,
          tpu.vector_store %arg11[%swap3A_691, %swap3A_692], %get3A_666 {strides = array<i32>} : memref<160x131xf32, #tpu.memory_space<vmem>>, vector<16xf32>,
          %swap3A_694 = arith.index_cast %add3A_642 : i32 to index
          %swap3A_695 = arith.constant 80 : index
          %swap3A_696 = tpu.vector_load %arg11[%swap3A_694, %swap3A_695] {strides = array<i32>} : memref<160x131xf32, #tpu.memory_space<vmem>>, vector<16xf32>,
          tpu.vector_store %arg11[%swap3A_694, %swap3A_695], %get3A_670 {strides = array<i32>} : memref<160x131xf32, #tpu.memory_space<vmem>>, vector<16xf32>,
          %swap3A_697 = arith.index_cast %add3A_642 : i32 to index
          %swap3A_698 = arith.constant 96 : index
          %swap3A_699 = tpu.vector_load %arg11[%swap3A_697, %swap3A_698] {strides = array<i32>} : memref<160x131xf32, #tpu.memory_space<vmem>>, vector<16xf32>,
          tpu.vector_store %arg11[%swap3A_697, %swap3A_698], %get3A_674 {strides = array<i32>} : memref<160x131xf32, #tpu.memory_space<vmem>>, vector<16xf32>,
          %swap3A_700 = arith.index_cast %add3A_642 : i32 to index
          %swap3A_701 = arith.constant 112 : index
          %swap3A_702 = tpu.vector_load %arg11[%swap3A_700, %swap3A_701] {strides = array<i32>} : memref<160x131xf32, #tpu.memory_space<vmem>>, vector<16xf32>,
          tpu.vector_store %arg11[%swap3A_700, %swap3A_701], %get3A_678 {strides = array<i32>} : memref<160x131xf32, #tpu.memory_space<vmem>>, vector<16xf32>,
          %mul3A_703 = arith.constant 16 : i32
          %mul3A_704 = arith.muli %scan3A_126, %mul3A_703 : i32
          %add3A_705 = arith.constant 9 : i32
          %add3A_706 = arith.addi %mul3A_704, %add3A_705 : i32
          %slice3A_707 = vector.extract_strided_slice %get3A_129 {offsets = [9], sizes = [1], strides = [1]} : vector<16xi32> to vector<1xi32>
          %squeeze3A_708 = vector.extract %slice3A_707[0] : i32 from vector<1xi32>
          %mul3A_709 = arith.constant 128 : i32
          %mul3A_710 = arith.muli %squeeze3A_708, %mul3A_709 : i32
          %add3A_711 = arith.constant 0 : i32
          %add3A_712 = arith.addi %mul3A_710, %add3A_711 : i32
          %get3A_713 = arith.index_cast %add3A_712 : i32 to index
          %get3A_714 = tpu.vector_load %arg6[%get3A_713] {strides = array<i32>} : memref<15232xf32, #tpu.memory_space<vmem>>, vector<16xf32>,
          %add3A_715 = arith.constant 16 : i32
          %add3A_716 = arith.addi %mul3A_710, %add3A_715 : i32
          %get3A_717 = arith.index_cast %add3A_716 : i32 to index
          %get3A_718 = tpu.vector_load %arg6[%get3A_717] {strides = array<i32>} : memref<15232xf32, #tpu.memory_space<vmem>>, vector<16xf32>,
          %add3A_719 = arith.constant 32 : i32
          %add3A_720 = arith.addi %mul3A_710, %add3A_719 : i32
          %get3A_721 = arith.index_cast %add3A_720 : i32 to index
          %get3A_722 = tpu.vector_load %arg6[%get3A_721] {strides = array<i32>} : memref<15232xf32, #tpu.memory_space<vmem>>, vector<16xf32>,
          %add3A_723 = arith.constant 48 : i32
          %add3A_724 = arith.addi %mul3A_710, %add3A_723 : i32
          %get3A_725 = arith.index_cast %add3A_724 : i32 to index
          %get3A_726 = tpu.vector_load %arg6[%get3A_725] {strides = array<i32>} : memref<15232xf32, #tpu.memory_space<vmem>>, vector<16xf32>,
          %add3A_727 = arith.constant 64 : i32
          %add3A_728 = arith.addi %mul3A_710, %add3A_727 : i32
          %get3A_729 = arith.index_cast %add3A_728 : i32 to index
          %get3A_730 = tpu.vector_load %arg6[%get3A_729] {strides = array<i32>} : memref<15232xf32, #tpu.memory_space<vmem>>, vector<16xf32>,
          %add3A_731 = arith.constant 80 : i32
          %add3A_732 = arith.addi %mul3A_710, %add3A_731 : i32
          %get3A_733 = arith.index_cast %add3A_732 : i32 to index
          %get3A_734 = tpu.vector_load %arg6[%get3A_733] {strides = array<i32>} : memref<15232xf32, #tpu.memory_space<vmem>>, vector<16xf32>,
          %add3A_735 = arith.constant 96 : i32
          %add3A_736 = arith.addi %mul3A_710, %add3A_735 : i32
          %get3A_737 = arith.index_cast %add3A_736 : i32 to index
          %get3A_738 = tpu.vector_load %arg6[%get3A_737] {strides = array<i32>} : memref<15232xf32, #tpu.memory_space<vmem>>, vector<16xf32>,
          %add3A_739 = arith.constant 112 : i32
          %add3A_740 = arith.addi %mul3A_710, %add3A_739 : i32
          %get3A_741 = arith.index_cast %add3A_740 : i32 to index
          %get3A_742 = tpu.vector_load %arg6[%get3A_741] {strides = array<i32>} : memref<15232xf32, #tpu.memory_space<vmem>>, vector<16xf32>,
          %swap3A_743 = arith.index_cast %add3A_706 : i32 to index
          %swap3A_744 = arith.constant 0 : index
          %swap3A_745 = tpu.vector_load %arg11[%swap3A_743, %swap3A_744] {strides = array<i32>} : memref<160x131xf32, #tpu.memory_space<vmem>>, vector<16xf32>,
          tpu.vector_store %arg11[%swap3A_743, %swap3A_744], %get3A_714 {strides = array<i32>} : memref<160x131xf32, #tpu.memory_space<vmem>>, vector<16xf32>,
          %swap3A_746 = arith.index_cast %add3A_706 : i32 to index
          %swap3A_747 = arith.constant 16 : index
          %swap3A_748 = tpu.vector_load %arg11[%swap3A_746, %swap3A_747] {strides = array<i32>} : memref<160x131xf32, #tpu.memory_space<vmem>>, vector<16xf32>,
          tpu.vector_store %arg11[%swap3A_746, %swap3A_747], %get3A_718 {strides = array<i32>} : memref<160x131xf32, #tpu.memory_space<vmem>>, vector<16xf32>,
          %swap3A_749 = arith.index_cast %add3A_706 : i32 to index
          %swap3A_750 = arith.constant 32 : index
          %swap3A_751 = tpu.vector_load %arg11[%swap3A_749, %swap3A_750] {strides = array<i32>} : memref<160x131xf32, #tpu.memory_space<vmem>>, vector<16xf32>,
          tpu.vector_store %arg11[%swap3A_749, %swap3A_750], %get3A_722 {strides = array<i32>} : memref<160x131xf32, #tpu.memory_space<vmem>>, vector<16xf32>,
          %swap3A_752 = arith.index_cast %add3A_706 : i32 to index
          %swap3A_753 = arith.constant 48 : index
          %swap3A_754 = tpu.vector_load %arg11[%swap3A_752, %swap3A_753] {strides = array<i32>} : memref<160x131xf32, #tpu.memory_space<vmem>>, vector<16xf32>,
          tpu.vector_store %arg11[%swap3A_752, %swap3A_753], %get3A_726 {strides = array<i32>} : memref<160x131xf32, #tpu.memory_space<vmem>>, vector<16xf32>,
          %swap3A_755 = arith.index_cast %add3A_706 : i32 to index
          %swap3A_756 = arith.constant 64 : index
          %swap3A_757 = tpu.vector_load %arg11[%swap3A_755, %swap3A_756] {strides = array<i32>} : memref<160x131xf32, #tpu.memory_space<vmem>>, vector<16xf32>,
          tpu.vector_store %arg11[%swap3A_755, %swap3A_756], %get3A_730 {strides = array<i32>} : memref<160x131xf32, #tpu.memory_space<vmem>>, vector<16xf32>,
          %swap3A_758 = arith.index_cast %add3A_706 : i32 to index
          %swap3A_759 = arith.constant 80 : index
          %swap3A_760 = tpu.vector_load %arg11[%swap3A_758, %swap3A_759] {strides = array<i32>} : memref<160x131xf32, #tpu.memory_space<vmem>>, vector<16xf32>,
          tpu.vector_store %arg11[%swap3A_758, %swap3A_759], %get3A_734 {strides = array<i32>} : memref<160x131xf32, #tpu.memory_space<vmem>>, vector<16xf32>,
          %swap3A_761 = arith.index_cast %add3A_706 : i32 to index
          %swap3A_762 = arith.constant 96 : index
          %swap3A_763 = tpu.vector_load %arg11[%swap3A_761, %swap3A_762] {strides = array<i32>} : memref<160x131xf32, #tpu.memory_space<vmem>>, vector<16xf32>,
          tpu.vector_store %arg11[%swap3A_761, %swap3A_762], %get3A_738 {strides = array<i32>} : memref<160x131xf32, #tpu.memory_space<vmem>>, vector<16xf32>,
          %swap3A_764 = arith.index_cast %add3A_706 : i32 to index
          %swap3A_765 = arith.constant 112 : index
          %swap3A_766 = tpu.vector_load %arg11[%swap3A_764, %swap3A_765] {strides = array<i32>} : memref<160x131xf32, #tpu.memory_space<vmem>>, vector<16xf32>,
          tpu.vector_store %arg11[%swap3A_764, %swap3A_765], %get3A_742 {strides = array<i32>} : memref<160x131xf32, #tpu.memory_space<vmem>>, vector<16xf32>,
          %mul3A_767 = arith.constant 16 : i32
          %mul3A_768 = arith.muli %scan3A_126, %mul3A_767 : i32
          %add3A_769 = arith.constant 10 : i32
          %add3A_770 = arith.addi %mul3A_768, %add3A_769 : i32
          %slice3A_771 = vector.extract_strided_slice %get3A_129 {offsets = [10], sizes = [1], strides = [1]} : vector<16xi32> to vector<1xi32>
          %squeeze3A_772 = vector.extract %slice3A_771[0] : i32 from vector<1xi32>
          %mul3A_773 = arith.constant 128 : i32
          %mul3A_774 = arith.muli %squeeze3A_772, %mul3A_773 : i32
          %add3A_775 = arith.constant 0 : i32
          %add3A_776 = arith.addi %mul3A_774, %add3A_775 : i32
          %get3A_777 = arith.index_cast %add3A_776 : i32 to index
          %get3A_778 = tpu.vector_load %arg6[%get3A_777] {strides = array<i32>} : memref<15232xf32, #tpu.memory_space<vmem>>, vector<16xf32>,
          %add3A_779 = arith.constant 16 : i32
          %add3A_780 = arith.addi %mul3A_774, %add3A_779 : i32
          %get3A_781 = arith.index_cast %add3A_780 : i32 to index
          %get3A_782 = tpu.vector_load %arg6[%get3A_781] {strides = array<i32>} : memref<15232xf32, #tpu.memory_space<vmem>>, vector<16xf32>,
          %add3A_783 = arith.constant 32 : i32
          %add3A_784 = arith.addi %mul3A_774, %add3A_783 : i32
          %get3A_785 = arith.index_cast %add3A_784 : i32 to index
          %get3A_786 = tpu.vector_load %arg6[%get3A_785] {strides = array<i32>} : memref<15232xf32, #tpu.memory_space<vmem>>, vector<16xf32>,
          %add3A_787 = arith.constant 48 : i32
          %add3A_788 = arith.addi %mul3A_774, %add3A_787 : i32
          %get3A_789 = arith.index_cast %add3A_788 : i32 to index
          %get3A_790 = tpu.vector_load %arg6[%get3A_789] {strides = array<i32>} : memref<15232xf32, #tpu.memory_space<vmem>>, vector<16xf32>,
          %add3A_791 = arith.constant 64 : i32
          %add3A_792 = arith.addi %mul3A_774, %add3A_791 : i32
          %get3A_793 = arith.index_cast %add3A_792 : i32 to index
          %get3A_794 = tpu.vector_load %arg6[%get3A_793] {strides = array<i32>} : memref<15232xf32, #tpu.memory_space<vmem>>, vector<16xf32>,
          %add3A_795 = arith.constant 80 : i32
          %add3A_796 = arith.addi %mul3A_774, %add3A_795 : i32
          %get3A_797 = arith.index_cast %add3A_796 : i32 to index
          %get3A_798 = tpu.vector_load %arg6[%get3A_797] {strides = array<i32>} : memref<15232xf32, #tpu.memory_space<vmem>>, vector<16xf32>,
          %add3A_799 = arith.constant 96 : i32
          %add3A_800 = arith.addi %mul3A_774, %add3A_799 : i32
          %get3A_801 = arith.index_cast %add3A_800 : i32 to index
          %get3A_802 = tpu.vector_load %arg6[%get3A_801] {strides = array<i32>} : memref<15232xf32, #tpu.memory_space<vmem>>, vector<16xf32>,
          %add3A_803 = arith.constant 112 : i32
          %add3A_804 = arith.addi %mul3A_774, %add3A_803 : i32
          %get3A_805 = arith.index_cast %add3A_804 : i32 to index
          %get3A_806 = tpu.vector_load %arg6[%get3A_805] {strides = array<i32>} : memref<15232xf32, #tpu.memory_space<vmem>>, vector<16xf32>,
          %swap3A_807 = arith.index_cast %add3A_770 : i32 to index
          %swap3A_808 = arith.constant 0 : index
          %swap3A_809 = tpu.vector_load %arg11[%swap3A_807, %swap3A_808] {strides = array<i32>} : memref<160x131xf32, #tpu.memory_space<vmem>>, vector<16xf32>,
          tpu.vector_store %arg11[%swap3A_807, %swap3A_808], %get3A_778 {strides = array<i32>} : memref<160x131xf32, #tpu.memory_space<vmem>>, vector<16xf32>,
          %swap3A_810 = arith.index_cast %add3A_770 : i32 to index
          %swap3A_811 = arith.constant 16 : index
          %swap3A_812 = tpu.vector_load %arg11[%swap3A_810, %swap3A_811] {strides = array<i32>} : memref<160x131xf32, #tpu.memory_space<vmem>>, vector<16xf32>,
          tpu.vector_store %arg11[%swap3A_810, %swap3A_811], %get3A_782 {strides = array<i32>} : memref<160x131xf32, #tpu.memory_space<vmem>>, vector<16xf32>,
          %swap3A_813 = arith.index_cast %add3A_770 : i32 to index
          %swap3A_814 = arith.constant 32 : index
          %swap3A_815 = tpu.vector_load %arg11[%swap3A_813, %swap3A_814] {strides = array<i32>} : memref<160x131xf32, #tpu.memory_space<vmem>>, vector<16xf32>,
          tpu.vector_store %arg11[%swap3A_813, %swap3A_814], %get3A_786 {strides = array<i32>} : memref<160x131xf32, #tpu.memory_space<vmem>>, vector<16xf32>,
          %swap3A_816 = arith.index_cast %add3A_770 : i32 to index
          %swap3A_817 = arith.constant 48 : index
          %swap3A_818 = tpu.vector_load %arg11[%swap3A_816, %swap3A_817] {strides = array<i32>} : memref<160x131xf32, #tpu.memory_space<vmem>>, vector<16xf32>,
          tpu.vector_store %arg11[%swap3A_816, %swap3A_817], %get3A_790 {strides = array<i32>} : memref<160x131xf32, #tpu.memory_space<vmem>>, vector<16xf32>,
          %swap3A_819 = arith.index_cast %add3A_770 : i32 to index
          %swap3A_820 = arith.constant 64 : index
          %swap3A_821 = tpu.vector_load %arg11[%swap3A_819, %swap3A_820] {strides = array<i32>} : memref<160x131xf32, #tpu.memory_space<vmem>>, vector<16xf32>,
          tpu.vector_store %arg11[%swap3A_819, %swap3A_820], %get3A_794 {strides = array<i32>} : memref<160x131xf32, #tpu.memory_space<vmem>>, vector<16xf32>,
          %swap3A_822 = arith.index_cast %add3A_770 : i32 to index
          %swap3A_823 = arith.constant 80 : index
          %swap3A_824 = tpu.vector_load %arg11[%swap3A_822, %swap3A_823] {strides = array<i32>} : memref<160x131xf32, #tpu.memory_space<vmem>>, vector<16xf32>,
          tpu.vector_store %arg11[%swap3A_822, %swap3A_823], %get3A_798 {strides = array<i32>} : memref<160x131xf32, #tpu.memory_space<vmem>>, vector<16xf32>,
          %swap3A_825 = arith.index_cast %add3A_770 : i32 to index
          %swap3A_826 = arith.constant 96 : index
          %swap3A_827 = tpu.vector_load %arg11[%swap3A_825, %swap3A_826] {strides = array<i32>} : memref<160x131xf32, #tpu.memory_space<vmem>>, vector<16xf32>,
          tpu.vector_store %arg11[%swap3A_825, %swap3A_826], %get3A_802 {strides = array<i32>} : memref<160x131xf32, #tpu.memory_space<vmem>>, vector<16xf32>,
          %swap3A_828 = arith.index_cast %add3A_770 : i32 to index
          %swap3A_829 = arith.constant 112 : index
          %swap3A_830 = tpu.vector_load %arg11[%swap3A_828, %swap3A_829] {strides = array<i32>} : memref<160x131xf32, #tpu.memory_space<vmem>>, vector<16xf32>,
          tpu.vector_store %arg11[%swap3A_828, %swap3A_829], %get3A_806 {strides = array<i32>} : memref<160x131xf32, #tpu.memory_space<vmem>>, vector<16xf32>,
          %mul3A_831 = arith.constant 16 : i32
          %mul3A_832 = arith.muli %scan3A_126, %mul3A_831 : i32
          %add3A_833 = arith.constant 11 : i32
          %add3A_834 = arith.addi %mul3A_832, %add3A_833 : i32
          %slice3A_835 = vector.extract_strided_slice %get3A_129 {offsets = [11], sizes = [1], strides = [1]} : vector<16xi32> to vector<1xi32>
          %squeeze3A_836 = vector.extract %slice3A_835[0] : i32 from vector<1xi32>
          %mul3A_837 = arith.constant 128 : i32
          %mul3A_838 = arith.muli %squeeze3A_836, %mul3A_837 : i32
          %add3A_839 = arith.constant 0 : i32
          %add3A_840 = arith.addi %mul3A_838, %add3A_839 : i32
          %get3A_841 = arith.index_cast %add3A_840 : i32 to index
          %get3A_842 = tpu.vector_load %arg6[%get3A_841] {strides = array<i32>} : memref<15232xf32, #tpu.memory_space<vmem>>, vector<16xf32>,
          %add3A_843 = arith.constant 16 : i32
          %add3A_844 = arith.addi %mul3A_838, %add3A_843 : i32
          %get3A_845 = arith.index_cast %add3A_844 : i32 to index
          %get3A_846 = tpu.vector_load %arg6[%get3A_845] {strides = array<i32>} : memref<15232xf32, #tpu.memory_space<vmem>>, vector<16xf32>,
          %add3A_847 = arith.constant 32 : i32
          %add3A_848 = arith.addi %mul3A_838, %add3A_847 : i32
          %get3A_849 = arith.index_cast %add3A_848 : i32 to index
          %get3A_850 = tpu.vector_load %arg6[%get3A_849] {strides = array<i32>} : memref<15232xf32, #tpu.memory_space<vmem>>, vector<16xf32>,
          %add3A_851 = arith.constant 48 : i32
          %add3A_852 = arith.addi %mul3A_838, %add3A_851 : i32
          %get3A_853 = arith.index_cast %add3A_852 : i32 to index
          %get3A_854 = tpu.vector_load %arg6[%get3A_853] {strides = array<i32>} : memref<15232xf32, #tpu.memory_space<vmem>>, vector<16xf32>,
          %add3A_855 = arith.constant 64 : i32
          %add3A_856 = arith.addi %mul3A_838, %add3A_855 : i32
          %get3A_857 = arith.index_cast %add3A_856 : i32 to index
          %get3A_858 = tpu.vector_load %arg6[%get3A_857] {strides = array<i32>} : memref<15232xf32, #tpu.memory_space<vmem>>, vector<16xf32>,
          %add3A_859 = arith.constant 80 : i32
          %add3A_860 = arith.addi %mul3A_838, %add3A_859 : i32
          %get3A_861 = arith.index_cast %add3A_860 : i32 to index
          %get3A_862 = tpu.vector_load %arg6[%get3A_861] {strides = array<i32>} : memref<15232xf32, #tpu.memory_space<vmem>>, vector<16xf32>,
          %add3A_863 = arith.constant 96 : i32
          %add3A_864 = arith.addi %mul3A_838, %add3A_863 : i32
          %get3A_865 = arith.index_cast %add3A_864 : i32 to index
          %get3A_866 = tpu.vector_load %arg6[%get3A_865] {strides = array<i32>} : memref<15232xf32, #tpu.memory_space<vmem>>, vector<16xf32>,
          %add3A_867 = arith.constant 112 : i32
          %add3A_868 = arith.addi %mul3A_838, %add3A_867 : i32
          %get3A_869 = arith.index_cast %add3A_868 : i32 to index
          %get3A_870 = tpu.vector_load %arg6[%get3A_869] {strides = array<i32>} : memref<15232xf32, #tpu.memory_space<vmem>>, vector<16xf32>,
          %swap3A_871 = arith.index_cast %add3A_834 : i32 to index
          %swap3A_872 = arith.constant 0 : index
          %swap3A_873 = tpu.vector_load %arg11[%swap3A_871, %swap3A_872] {strides = array<i32>} : memref<160x131xf32, #tpu.memory_space<vmem>>, vector<16xf32>,
          tpu.vector_store %arg11[%swap3A_871, %swap3A_872], %get3A_842 {strides = array<i32>} : memref<160x131xf32, #tpu.memory_space<vmem>>, vector<16xf32>,
          %swap3A_874 = arith.index_cast %add3A_834 : i32 to index
          %swap3A_875 = arith.constant 16 : index
          %swap3A_876 = tpu.vector_load %arg11[%swap3A_874, %swap3A_875] {strides = array<i32>} : memref<160x131xf32, #tpu.memory_space<vmem>>, vector<16xf32>,
          tpu.vector_store %arg11[%swap3A_874, %swap3A_875], %get3A_846 {strides = array<i32>} : memref<160x131xf32, #tpu.memory_space<vmem>>, vector<16xf32>,
          %swap3A_877 = arith.index_cast %add3A_834 : i32 to index
          %swap3A_878 = arith.constant 32 : index
          %swap3A_879 = tpu.vector_load %arg11[%swap3A_877, %swap3A_878] {strides = array<i32>} : memref<160x131xf32, #tpu.memory_space<vmem>>, vector<16xf32>,
          tpu.vector_store %arg11[%swap3A_877, %swap3A_878], %get3A_850 {strides = array<i32>} : memref<160x131xf32, #tpu.memory_space<vmem>>, vector<16xf32>,
          %swap3A_880 = arith.index_cast %add3A_834 : i32 to index
          %swap3A_881 = arith.constant 48 : index
          %swap3A_882 = tpu.vector_load %arg11[%swap3A_880, %swap3A_881] {strides = array<i32>} : memref<160x131xf32, #tpu.memory_space<vmem>>, vector<16xf32>,
          tpu.vector_store %arg11[%swap3A_880, %swap3A_881], %get3A_854 {strides = array<i32>} : memref<160x131xf32, #tpu.memory_space<vmem>>, vector<16xf32>,
          %swap3A_883 = arith.index_cast %add3A_834 : i32 to index
          %swap3A_884 = arith.constant 64 : index
          %swap3A_885 = tpu.vector_load %arg11[%swap3A_883, %swap3A_884] {strides = array<i32>} : memref<160x131xf32, #tpu.memory_space<vmem>>, vector<16xf32>,
          tpu.vector_store %arg11[%swap3A_883, %swap3A_884], %get3A_858 {strides = array<i32>} : memref<160x131xf32, #tpu.memory_space<vmem>>, vector<16xf32>,
          %swap3A_886 = arith.index_cast %add3A_834 : i32 to index
          %swap3A_887 = arith.constant 80 : index
          %swap3A_888 = tpu.vector_load %arg11[%swap3A_886, %swap3A_887] {strides = array<i32>} : memref<160x131xf32, #tpu.memory_space<vmem>>, vector<16xf32>,
          tpu.vector_store %arg11[%swap3A_886, %swap3A_887], %get3A_862 {strides = array<i32>} : memref<160x131xf32, #tpu.memory_space<vmem>>, vector<16xf32>,
          %swap3A_889 = arith.index_cast %add3A_834 : i32 to index
          %swap3A_890 = arith.constant 96 : index
          %swap3A_891 = tpu.vector_load %arg11[%swap3A_889, %swap3A_890] {strides = array<i32>} : memref<160x131xf32, #tpu.memory_space<vmem>>, vector<16xf32>,
          tpu.vector_store %arg11[%swap3A_889, %swap3A_890], %get3A_866 {strides = array<i32>} : memref<160x131xf32, #tpu.memory_space<vmem>>, vector<16xf32>,
          %swap3A_892 = arith.index_cast %add3A_834 : i32 to index
          %swap3A_893 = arith.constant 112 : index
          %swap3A_894 = tpu.vector_load %arg11[%swap3A_892, %swap3A_893] {strides = array<i32>} : memref<160x131xf32, #tpu.memory_space<vmem>>, vector<16xf32>,
          tpu.vector_store %arg11[%swap3A_892, %swap3A_893], %get3A_870 {strides = array<i32>} : memref<160x131xf32, #tpu.memory_space<vmem>>, vector<16xf32>,
          %mul3A_895 = arith.constant 16 : i32
          %mul3A_896 = arith.muli %scan3A_126, %mul3A_895 : i32
          %add3A_897 = arith.constant 12 : i32
          %add3A_898 = arith.addi %mul3A_896, %add3A_897 : i32
          %slice3A_899 = vector.extract_strided_slice %get3A_129 {offsets = [12], sizes = [1], strides = [1]} : vector<16xi32> to vector<1xi32>
          %squeeze3A_900 = vector.extract %slice3A_899[0] : i32 from vector<1xi32>
          %mul3A_901 = arith.constant 128 : i32
          %mul3A_902 = arith.muli %squeeze3A_900, %mul3A_901 : i32
          %add3A_903 = arith.constant 0 : i32
          %add3A_904 = arith.addi %mul3A_902, %add3A_903 : i32
          %get3A_905 = arith.index_cast %add3A_904 : i32 to index
          %get3A_906 = tpu.vector_load %arg6[%get3A_905] {strides = array<i32>} : memref<15232xf32, #tpu.memory_space<vmem>>, vector<16xf32>,
          %add3A_907 = arith.constant 16 : i32
          %add3A_908 = arith.addi %mul3A_902, %add3A_907 : i32
          %get3A_909 = arith.index_cast %add3A_908 : i32 to index
          %get3A_910 = tpu.vector_load %arg6[%get3A_909] {strides = array<i32>} : memref<15232xf32, #tpu.memory_space<vmem>>, vector<16xf32>,
          %add3A_911 = arith.constant 32 : i32
          %add3A_912 = arith.addi %mul3A_902, %add3A_911 : i32
          %get3A_913 = arith.index_cast %add3A_912 : i32 to index
          %get3A_914 = tpu.vector_load %arg6[%get3A_913] {strides = array<i32>} : memref<15232xf32, #tpu.memory_space<vmem>>, vector<16xf32>,
          %add3A_915 = arith.constant 48 : i32
          %add3A_916 = arith.addi %mul3A_902, %add3A_915 : i32
          %get3A_917 = arith.index_cast %add3A_916 : i32 to index
          %get3A_918 = tpu.vector_load %arg6[%get3A_917] {strides = array<i32>} : memref<15232xf32, #tpu.memory_space<vmem>>, vector<16xf32>,
          %add3A_919 = arith.constant 64 : i32
          %add3A_920 = arith.addi %mul3A_902, %add3A_919 : i32
          %get3A_921 = arith.index_cast %add3A_920 : i32 to index
          %get3A_922 = tpu.vector_load %arg6[%get3A_921] {strides = array<i32>} : memref<15232xf32, #tpu.memory_space<vmem>>, vector<16xf32>,
          %add3A_923 = arith.constant 80 : i32
          %add3A_924 = arith.addi %mul3A_902, %add3A_923 : i32
          %get3A_925 = arith.index_cast %add3A_924 : i32 to index
          %get3A_926 = tpu.vector_load %arg6[%get3A_925] {strides = array<i32>} : memref<15232xf32, #tpu.memory_space<vmem>>, vector<16xf32>,
          %add3A_927 = arith.constant 96 : i32
          %add3A_928 = arith.addi %mul3A_902, %add3A_927 : i32
          %get3A_929 = arith.index_cast %add3A_928 : i32 to index
          %get3A_930 = tpu.vector_load %arg6[%get3A_929] {strides = array<i32>} : memref<15232xf32, #tpu.memory_space<vmem>>, vector<16xf32>,
          %add3A_931 = arith.constant 112 : i32
          %add3A_932 = arith.addi %mul3A_902, %add3A_931 : i32
          %get3A_933 = arith.index_cast %add3A_932 : i32 to index
          %get3A_934 = tpu.vector_load %arg6[%get3A_933] {strides = array<i32>} : memref<15232xf32, #tpu.memory_space<vmem>>, vector<16xf32>,
          %swap3A_935 = arith.index_cast %add3A_898 : i32 to index
          %swap3A_936 = arith.constant 0 : index
          %swap3A_937 = tpu.vector_load %arg11[%swap3A_935, %swap3A_936] {strides = array<i32>} : memref<160x131xf32, #tpu.memory_space<vmem>>, vector<16xf32>,
          tpu.vector_store %arg11[%swap3A_935, %swap3A_936], %get3A_906 {strides = array<i32>} : memref<160x131xf32, #tpu.memory_space<vmem>>, vector<16xf32>,
          %swap3A_938 = arith.index_cast %add3A_898 : i32 to index
          %swap3A_939 = arith.constant 16 : index
          %swap3A_940 = tpu.vector_load %arg11[%swap3A_938, %swap3A_939] {strides = array<i32>} : memref<160x131xf32, #tpu.memory_space<vmem>>, vector<16xf32>,
          tpu.vector_store %arg11[%swap3A_938, %swap3A_939], %get3A_910 {strides = array<i32>} : memref<160x131xf32, #tpu.memory_space<vmem>>, vector<16xf32>,
          %swap3A_941 = arith.index_cast %add3A_898 : i32 to index
          %swap3A_942 = arith.constant 32 : index
          %swap3A_943 = tpu.vector_load %arg11[%swap3A_941, %swap3A_942] {strides = array<i32>} : memref<160x131xf32, #tpu.memory_space<vmem>>, vector<16xf32>,
          tpu.vector_store %arg11[%swap3A_941, %swap3A_942], %get3A_914 {strides = array<i32>} : memref<160x131xf32, #tpu.memory_space<vmem>>, vector<16xf32>,
          %swap3A_944 = arith.index_cast %add3A_898 : i32 to index
          %swap3A_945 = arith.constant 48 : index
          %swap3A_946 = tpu.vector_load %arg11[%swap3A_944, %swap3A_945] {strides = array<i32>} : memref<160x131xf32, #tpu.memory_space<vmem>>, vector<16xf32>,
          tpu.vector_store %arg11[%swap3A_944, %swap3A_945], %get3A_918 {strides = array<i32>} : memref<160x131xf32, #tpu.memory_space<vmem>>, vector<16xf32>,
          %swap3A_947 = arith.index_cast %add3A_898 : i32 to index
          %swap3A_948 = arith.constant 64 : index
          %swap3A_949 = tpu.vector_load %arg11[%swap3A_947, %swap3A_948] {strides = array<i32>} : memref<160x131xf32, #tpu.memory_space<vmem>>, vector<16xf32>,
          tpu.vector_store %arg11[%swap3A_947, %swap3A_948], %get3A_922 {strides = array<i32>} : memref<160x131xf32, #tpu.memory_space<vmem>>, vector<16xf32>,
          %swap3A_950 = arith.index_cast %add3A_898 : i32 to index
          %swap3A_951 = arith.constant 80 : index
          %swap3A_952 = tpu.vector_load %arg11[%swap3A_950, %swap3A_951] {strides = array<i32>} : memref<160x131xf32, #tpu.memory_space<vmem>>, vector<16xf32>,
          tpu.vector_store %arg11[%swap3A_950, %swap3A_951], %get3A_926 {strides = array<i32>} : memref<160x131xf32, #tpu.memory_space<vmem>>, vector<16xf32>,
          %swap3A_953 = arith.index_cast %add3A_898 : i32 to index
          %swap3A_954 = arith.constant 96 : index
          %swap3A_955 = tpu.vector_load %arg11[%swap3A_953, %swap3A_954] {strides = array<i32>} : memref<160x131xf32, #tpu.memory_space<vmem>>, vector<16xf32>,
          tpu.vector_store %arg11[%swap3A_953, %swap3A_954], %get3A_930 {strides = array<i32>} : memref<160x131xf32, #tpu.memory_space<vmem>>, vector<16xf32>,
          %swap3A_956 = arith.index_cast %add3A_898 : i32 to index
          %swap3A_957 = arith.constant 112 : index
          %swap3A_958 = tpu.vector_load %arg11[%swap3A_956, %swap3A_957] {strides = array<i32>} : memref<160x131xf32, #tpu.memory_space<vmem>>, vector<16xf32>,
          tpu.vector_store %arg11[%swap3A_956, %swap3A_957], %get3A_934 {strides = array<i32>} : memref<160x131xf32, #tpu.memory_space<vmem>>, vector<16xf32>,
          %mul3A_959 = arith.constant 16 : i32
          %mul3A_960 = arith.muli %scan3A_126, %mul3A_959 : i32
          %add3A_961 = arith.constant 13 : i32
          %add3A_962 = arith.addi %mul3A_960, %add3A_961 : i32
          %slice3A_963 = vector.extract_strided_slice %get3A_129 {offsets = [13], sizes = [1], strides = [1]} : vector<16xi32> to vector<1xi32>
          %squeeze3A_964 = vector.extract %slice3A_963[0] : i32 from vector<1xi32>
          %mul3A_965 = arith.constant 128 : i32
          %mul3A_966 = arith.muli %squeeze3A_964, %mul3A_965 : i32
          %add3A_967 = arith.constant 0 : i32
          %add3A_968 = arith.addi %mul3A_966, %add3A_967 : i32
          %get3A_969 = arith.index_cast %add3A_968 : i32 to index
          %get3A_970 = tpu.vector_load %arg6[%get3A_969] {strides = array<i32>} : memref<15232xf32, #tpu.memory_space<vmem>>, vector<16xf32>,
          %add3A_971 = arith.constant 16 : i32
          %add3A_972 = arith.addi %mul3A_966, %add3A_971 : i32
          %get3A_973 = arith.index_cast %add3A_972 : i32 to index
          %get3A_974 = tpu.vector_load %arg6[%get3A_973] {strides = array<i32>} : memref<15232xf32, #tpu.memory_space<vmem>>, vector<16xf32>,
          %add3A_975 = arith.constant 32 : i32
          %add3A_976 = arith.addi %mul3A_966, %add3A_975 : i32
          %get3A_977 = arith.index_cast %add3A_976 : i32 to index
          %get3A_978 = tpu.vector_load %arg6[%get3A_977] {strides = array<i32>} : memref<15232xf32, #tpu.memory_space<vmem>>, vector<16xf32>,
          %add3A_979 = arith.constant 48 : i32
          %add3A_980 = arith.addi %mul3A_966, %add3A_979 : i32
          %get3A_981 = arith.index_cast %add3A_980 : i32 to index
          %get3A_982 = tpu.vector_load %arg6[%get3A_981] {strides = array<i32>} : memref<15232xf32, #tpu.memory_space<vmem>>, vector<16xf32>,
          %add3A_983 = arith.constant 64 : i32
          %add3A_984 = arith.addi %mul3A_966, %add3A_983 : i32
          %get3A_985 = arith.index_cast %add3A_984 : i32 to index
          %get3A_986 = tpu.vector_load %arg6[%get3A_985] {strides = array<i32>} : memref<15232xf32, #tpu.memory_space<vmem>>, vector<16xf32>,
          %add3A_987 = arith.constant 80 : i32
          %add3A_988 = arith.addi %mul3A_966, %add3A_987 : i32
          %get3A_989 = arith.index_cast %add3A_988 : i32 to index
          %get3A_990 = tpu.vector_load %arg6[%get3A_989] {strides = array<i32>} : memref<15232xf32, #tpu.memory_space<vmem>>, vector<16xf32>,
          %add3A_991 = arith.constant 96 : i32
          %add3A_992 = arith.addi %mul3A_966, %add3A_991 : i32
          %get3A_993 = arith.index_cast %add3A_992 : i32 to index
          %get3A_994 = tpu.vector_load %arg6[%get3A_993] {strides = array<i32>} : memref<15232xf32, #tpu.memory_space<vmem>>, vector<16xf32>,
          %add3A_995 = arith.constant 112 : i32
          %add3A_996 = arith.addi %mul3A_966, %add3A_995 : i32
          %get3A_997 = arith.index_cast %add3A_996 : i32 to index
          %get3A_998 = tpu.vector_load %arg6[%get3A_997] {strides = array<i32>} : memref<15232xf32, #tpu.memory_space<vmem>>, vector<16xf32>,
          %swap3A_999 = arith.index_cast %add3A_962 : i32 to index
          %swap3A_1000 = arith.constant 0 : index
          %swap3A_1001 = tpu.vector_load %arg11[%swap3A_999, %swap3A_1000] {strides = array<i32>} : memref<160x131xf32, #tpu.memory_space<vmem>>, vector<16xf32>,
          tpu.vector_store %arg11[%swap3A_999, %swap3A_1000], %get3A_970 {strides = array<i32>} : memref<160x131xf32, #tpu.memory_space<vmem>>, vector<16xf32>,
          %swap3A_1002 = arith.index_cast %add3A_962 : i32 to index
          %swap3A_1003 = arith.constant 16 : index
          %swap3A_1004 = tpu.vector_load %arg11[%swap3A_1002, %swap3A_1003] {strides = array<i32>} : memref<160x131xf32, #tpu.memory_space<vmem>>, vector<16xf32>,
          tpu.vector_store %arg11[%swap3A_1002, %swap3A_1003], %get3A_974 {strides = array<i32>} : memref<160x131xf32, #tpu.memory_space<vmem>>, vector<16xf32>,
          %swap3A_1005 = arith.index_cast %add3A_962 : i32 to index
          %swap3A_1006 = arith.constant 32 : index
          %swap3A_1007 = tpu.vector_load %arg11[%swap3A_1005, %swap3A_1006] {strides = array<i32>} : memref<160x131xf32, #tpu.memory_space<vmem>>, vector<16xf32>,
          tpu.vector_store %arg11[%swap3A_1005, %swap3A_1006], %get3A_978 {strides = array<i32>} : memref<160x131xf32, #tpu.memory_space<vmem>>, vector<16xf32>,
          %swap3A_1008 = arith.index_cast %add3A_962 : i32 to index
          %swap3A_1009 = arith.constant 48 : index
          %swap3A_1010 = tpu.vector_load %arg11[%swap3A_1008, %swap3A_1009] {strides = array<i32>} : memref<160x131xf32, #tpu.memory_space<vmem>>, vector<16xf32>,
          tpu.vector_store %arg11[%swap3A_1008, %swap3A_1009], %get3A_982 {strides = array<i32>} : memref<160x131xf32, #tpu.memory_space<vmem>>, vector<16xf32>,
          %swap3A_1011 = arith.index_cast %add3A_962 : i32 to index
          %swap3A_1012 = arith.constant 64 : index
          %swap3A_1013 = tpu.vector_load %arg11[%swap3A_1011, %swap3A_1012] {strides = array<i32>} : memref<160x131xf32, #tpu.memory_space<vmem>>, vector<16xf32>,
          tpu.vector_store %arg11[%swap3A_1011, %swap3A_1012], %get3A_986 {strides = array<i32>} : memref<160x131xf32, #tpu.memory_space<vmem>>, vector<16xf32>,
          %swap3A_1014 = arith.index_cast %add3A_962 : i32 to index
          %swap3A_1015 = arith.constant 80 : index
          %swap3A_1016 = tpu.vector_load %arg11[%swap3A_1014, %swap3A_1015] {strides = array<i32>} : memref<160x131xf32, #tpu.memory_space<vmem>>, vector<16xf32>,
          tpu.vector_store %arg11[%swap3A_1014, %swap3A_1015], %get3A_990 {strides = array<i32>} : memref<160x131xf32, #tpu.memory_space<vmem>>, vector<16xf32>,
          %swap3A_1017 = arith.index_cast %add3A_962 : i32 to index
          %swap3A_1018 = arith.constant 96 : index
          %swap3A_1019 = tpu.vector_load %arg11[%swap3A_1017, %swap3A_1018] {strides = array<i32>} : memref<160x131xf32, #tpu.memory_space<vmem>>, vector<16xf32>,
          tpu.vector_store %arg11[%swap3A_1017, %swap3A_1018], %get3A_994 {strides = array<i32>} : memref<160x131xf32, #tpu.memory_space<vmem>>, vector<16xf32>,
          %swap3A_1020 = arith.index_cast %add3A_962 : i32 to index
          %swap3A_1021 = arith.constant 112 : index
          %swap3A_1022 = tpu.vector_load %arg11[%swap3A_1020, %swap3A_1021] {strides = array<i32>} : memref<160x131xf32, #tpu.memory_space<vmem>>, vector<16xf32>,
          tpu.vector_store %arg11[%swap3A_1020, %swap3A_1021], %get3A_998 {strides = array<i32>} : memref<160x131xf32, #tpu.memory_space<vmem>>, vector<16xf32>,
          %mul3A_1023 = arith.constant 16 : i32
          %mul3A_1024 = arith.muli %scan3A_126, %mul3A_1023 : i32
          %add3A_1025 = arith.constant 14 : i32
          %add3A_1026 = arith.addi %mul3A_1024, %add3A_1025 : i32
          %slice3A_1027 = vector.extract_strided_slice %get3A_129 {offsets = [14], sizes = [1], strides = [1]} : vector<16xi32> to vector<1xi32>
          %squeeze3A_1028 = vector.extract %slice3A_1027[0] : i32 from vector<1xi32>
          %mul3A_1029 = arith.constant 128 : i32
          %mul3A_1030 = arith.muli %squeeze3A_1028, %mul3A_1029 : i32
          %add3A_1031 = arith.constant 0 : i32
          %add3A_1032 = arith.addi %mul3A_1030, %add3A_1031 : i32
          %get3A_1033 = arith.index_cast %add3A_1032 : i32 to index
          %get3A_1034 = tpu.vector_load %arg6[%get3A_1033] {strides = array<i32>} : memref<15232xf32, #tpu.memory_space<vmem>>, vector<16xf32>,
          %add3A_1035 = arith.constant 16 : i32
          %add3A_1036 = arith.addi %mul3A_1030, %add3A_1035 : i32
          %get3A_1037 = arith.index_cast %add3A_1036 : i32 to index
          %get3A_1038 = tpu.vector_load %arg6[%get3A_1037] {strides = array<i32>} : memref<15232xf32, #tpu.memory_space<vmem>>, vector<16xf32>,
          %add3A_1039 = arith.constant 32 : i32
          %add3A_1040 = arith.addi %mul3A_1030, %add3A_1039 : i32
          %get3A_1041 = arith.index_cast %add3A_1040 : i32 to index
          %get3A_1042 = tpu.vector_load %arg6[%get3A_1041] {strides = array<i32>} : memref<15232xf32, #tpu.memory_space<vmem>>, vector<16xf32>,
          %add3A_1043 = arith.constant 48 : i32
          %add3A_1044 = arith.addi %mul3A_1030, %add3A_1043 : i32
          %get3A_1045 = arith.index_cast %add3A_1044 : i32 to index
          %get3A_1046 = tpu.vector_load %arg6[%get3A_1045] {strides = array<i32>} : memref<15232xf32, #tpu.memory_space<vmem>>, vector<16xf32>,
          %add3A_1047 = arith.constant 64 : i32
          %add3A_1048 = arith.addi %mul3A_1030, %add3A_1047 : i32
          %get3A_1049 = arith.index_cast %add3A_1048 : i32 to index
          %get3A_1050 = tpu.vector_load %arg6[%get3A_1049] {strides = array<i32>} : memref<15232xf32, #tpu.memory_space<vmem>>, vector<16xf32>,
          %add3A_1051 = arith.constant 80 : i32
          %add3A_1052 = arith.addi %mul3A_1030, %add3A_1051 : i32
          %get3A_1053 = arith.index_cast %add3A_1052 : i32 to index
          %get3A_1054 = tpu.vector_load %arg6[%get3A_1053] {strides = array<i32>} : memref<15232xf32, #tpu.memory_space<vmem>>, vector<16xf32>,
          %add3A_1055 = arith.constant 96 : i32
          %add3A_1056 = arith.addi %mul3A_1030, %add3A_1055 : i32
          %get3A_1057 = arith.index_cast %add3A_1056 : i32 to index
          %get3A_1058 = tpu.vector_load %arg6[%get3A_1057] {strides = array<i32>} : memref<15232xf32, #tpu.memory_space<vmem>>, vector<16xf32>,
          %add3A_1059 = arith.constant 112 : i32
          %add3A_1060 = arith.addi %mul3A_1030, %add3A_1059 : i32
          %get3A_1061 = arith.index_cast %add3A_1060 : i32 to index
          %get3A_1062 = tpu.vector_load %arg6[%get3A_1061] {strides = array<i32>} : memref<15232xf32, #tpu.memory_space<vmem>>, vector<16xf32>,
          %swap3A_1063 = arith.index_cast %add3A_1026 : i32 to index
          %swap3A_1064 = arith.constant 0 : index
          %swap3A_1065 = tpu.vector_load %arg11[%swap3A_1063, %swap3A_1064] {strides = array<i32>} : memref<160x131xf32, #tpu.memory_space<vmem>>, vector<16xf32>,
          tpu.vector_store %arg11[%swap3A_1063, %swap3A_1064], %get3A_1034 {strides = array<i32>} : memref<160x131xf32, #tpu.memory_space<vmem>>, vector<16xf32>,
          %swap3A_1066 = arith.index_cast %add3A_1026 : i32 to index
          %swap3A_1067 = arith.constant 16 : index
          %swap3A_1068 = tpu.vector_load %arg11[%swap3A_1066, %swap3A_1067] {strides = array<i32>} : memref<160x131xf32, #tpu.memory_space<vmem>>, vector<16xf32>,
          tpu.vector_store %arg11[%swap3A_1066, %swap3A_1067], %get3A_1038 {strides = array<i32>} : memref<160x131xf32, #tpu.memory_space<vmem>>, vector<16xf32>,
          %swap3A_1069 = arith.index_cast %add3A_1026 : i32 to index
          %swap3A_1070 = arith.constant 32 : index
          %swap3A_1071 = tpu.vector_load %arg11[%swap3A_1069, %swap3A_1070] {strides = array<i32>} : memref<160x131xf32, #tpu.memory_space<vmem>>, vector<16xf32>,
          tpu.vector_store %arg11[%swap3A_1069, %swap3A_1070], %get3A_1042 {strides = array<i32>} : memref<160x131xf32, #tpu.memory_space<vmem>>, vector<16xf32>,
          %swap3A_1072 = arith.index_cast %add3A_1026 : i32 to index
          %swap3A_1073 = arith.constant 48 : index
          %swap3A_1074 = tpu.vector_load %arg11[%swap3A_1072, %swap3A_1073] {strides = array<i32>} : memref<160x131xf32, #tpu.memory_space<vmem>>, vector<16xf32>,
          tpu.vector_store %arg11[%swap3A_1072, %swap3A_1073], %get3A_1046 {strides = array<i32>} : memref<160x131xf32, #tpu.memory_space<vmem>>, vector<16xf32>,
          %swap3A_1075 = arith.index_cast %add3A_1026 : i32 to index
          %swap3A_1076 = arith.constant 64 : index
          %swap3A_1077 = tpu.vector_load %arg11[%swap3A_1075, %swap3A_1076] {strides = array<i32>} : memref<160x131xf32, #tpu.memory_space<vmem>>, vector<16xf32>,
          tpu.vector_store %arg11[%swap3A_1075, %swap3A_1076], %get3A_1050 {strides = array<i32>} : memref<160x131xf32, #tpu.memory_space<vmem>>, vector<16xf32>,
          %swap3A_1078 = arith.index_cast %add3A_1026 : i32 to index
          %swap3A_1079 = arith.constant 80 : index
          %swap3A_1080 = tpu.vector_load %arg11[%swap3A_1078, %swap3A_1079] {strides = array<i32>} : memref<160x131xf32, #tpu.memory_space<vmem>>, vector<16xf32>,
          tpu.vector_store %arg11[%swap3A_1078, %swap3A_1079], %get3A_1054 {strides = array<i32>} : memref<160x131xf32, #tpu.memory_space<vmem>>, vector<16xf32>,
          %swap3A_1081 = arith.index_cast %add3A_1026 : i32 to index
          %swap3A_1082 = arith.constant 96 : index
          %swap3A_1083 = tpu.vector_load %arg11[%swap3A_1081, %swap3A_1082] {strides = array<i32>} : memref<160x131xf32, #tpu.memory_space<vmem>>, vector<16xf32>,
          tpu.vector_store %arg11[%swap3A_1081, %swap3A_1082], %get3A_1058 {strides = array<i32>} : memref<160x131xf32, #tpu.memory_space<vmem>>, vector<16xf32>,
          %swap3A_1084 = arith.index_cast %add3A_1026 : i32 to index
          %swap3A_1085 = arith.constant 112 : index
          %swap3A_1086 = tpu.vector_load %arg11[%swap3A_1084, %swap3A_1085] {strides = array<i32>} : memref<160x131xf32, #tpu.memory_space<vmem>>, vector<16xf32>,
          tpu.vector_store %arg11[%swap3A_1084, %swap3A_1085], %get3A_1062 {strides = array<i32>} : memref<160x131xf32, #tpu.memory_space<vmem>>, vector<16xf32>,
          %mul3A_1087 = arith.constant 16 : i32
          %mul3A_1088 = arith.muli %scan3A_126, %mul3A_1087 : i32
          %add3A_1089 = arith.constant 15 : i32
          %add3A_1090 = arith.addi %mul3A_1088, %add3A_1089 : i32
          %slice3A_1091 = vector.extract_strided_slice %get3A_129 {offsets = [15], sizes = [1], strides = [1]} : vector<16xi32> to vector<1xi32>
          %squeeze3A_1092 = vector.extract %slice3A_1091[0] : i32 from vector<1xi32>
          %mul3A_1093 = arith.constant 128 : i32
          %mul3A_1094 = arith.muli %squeeze3A_1092, %mul3A_1093 : i32
          %add3A_1095 = arith.constant 0 : i32
          %add3A_1096 = arith.addi %mul3A_1094, %add3A_1095 : i32
          %get3A_1097 = arith.index_cast %add3A_1096 : i32 to index
          %get3A_1098 = tpu.vector_load %arg6[%get3A_1097] {strides = array<i32>} : memref<15232xf32, #tpu.memory_space<vmem>>, vector<16xf32>,
          %add3A_1099 = arith.constant 16 : i32
          %add3A_1100 = arith.addi %mul3A_1094, %add3A_1099 : i32
          %get3A_1101 = arith.index_cast %add3A_1100 : i32 to index
          %get3A_1102 = tpu.vector_load %arg6[%get3A_1101] {strides = array<i32>} : memref<15232xf32, #tpu.memory_space<vmem>>, vector<16xf32>,
          %add3A_1103 = arith.constant 32 : i32
          %add3A_1104 = arith.addi %mul3A_1094, %add3A_1103 : i32
          %get3A_1105 = arith.index_cast %add3A_1104 : i32 to index
          %get3A_1106 = tpu.vector_load %arg6[%get3A_1105] {strides = array<i32>} : memref<15232xf32, #tpu.memory_space<vmem>>, vector<16xf32>,
          %add3A_1107 = arith.constant 48 : i32
          %add3A_1108 = arith.addi %mul3A_1094, %add3A_1107 : i32
          %get3A_1109 = arith.index_cast %add3A_1108 : i32 to index
          %get3A_1110 = tpu.vector_load %arg6[%get3A_1109] {strides = array<i32>} : memref<15232xf32, #tpu.memory_space<vmem>>, vector<16xf32>,
          %add3A_1111 = arith.constant 64 : i32
          %add3A_1112 = arith.addi %mul3A_1094, %add3A_1111 : i32
          %get3A_1113 = arith.index_cast %add3A_1112 : i32 to index
          %get3A_1114 = tpu.vector_load %arg6[%get3A_1113] {strides = array<i32>} : memref<15232xf32, #tpu.memory_space<vmem>>, vector<16xf32>,
          %add3A_1115 = arith.constant 80 : i32
          %add3A_1116 = arith.addi %mul3A_1094, %add3A_1115 : i32
          %get3A_1117 = arith.index_cast %add3A_1116 : i32 to index
          %get3A_1118 = tpu.vector_load %arg6[%get3A_1117] {strides = array<i32>} : memref<15232xf32, #tpu.memory_space<vmem>>, vector<16xf32>,
          %add3A_1119 = arith.constant 96 : i32
          %add3A_1120 = arith.addi %mul3A_1094, %add3A_1119 : i32
          %get3A_1121 = arith.index_cast %add3A_1120 : i32 to index
          %get3A_1122 = tpu.vector_load %arg6[%get3A_1121] {strides = array<i32>} : memref<15232xf32, #tpu.memory_space<vmem>>, vector<16xf32>,
          %add3A_1123 = arith.constant 112 : i32
          %add3A_1124 = arith.addi %mul3A_1094, %add3A_1123 : i32
          %get3A_1125 = arith.index_cast %add3A_1124 : i32 to index
          %get3A_1126 = tpu.vector_load %arg6[%get3A_1125] {strides = array<i32>} : memref<15232xf32, #tpu.memory_space<vmem>>, vector<16xf32>,
          %swap3A_1127 = arith.index_cast %add3A_1090 : i32 to index
          %swap3A_1128 = arith.constant 0 : index
          %swap3A_1129 = tpu.vector_load %arg11[%swap3A_1127, %swap3A_1128] {strides = array<i32>} : memref<160x131xf32, #tpu.memory_space<vmem>>, vector<16xf32>,
          tpu.vector_store %arg11[%swap3A_1127, %swap3A_1128], %get3A_1098 {strides = array<i32>} : memref<160x131xf32, #tpu.memory_space<vmem>>, vector<16xf32>,
          %swap3A_1130 = arith.index_cast %add3A_1090 : i32 to index
          %swap3A_1131 = arith.constant 16 : index
          %swap3A_1132 = tpu.vector_load %arg11[%swap3A_1130, %swap3A_1131] {strides = array<i32>} : memref<160x131xf32, #tpu.memory_space<vmem>>, vector<16xf32>,
          tpu.vector_store %arg11[%swap3A_1130, %swap3A_1131], %get3A_1102 {strides = array<i32>} : memref<160x131xf32, #tpu.memory_space<vmem>>, vector<16xf32>,
          %swap3A_1133 = arith.index_cast %add3A_1090 : i32 to index
          %swap3A_1134 = arith.constant 32 : index
          %swap3A_1135 = tpu.vector_load %arg11[%swap3A_1133, %swap3A_1134] {strides = array<i32>} : memref<160x131xf32, #tpu.memory_space<vmem>>, vector<16xf32>,
          tpu.vector_store %arg11[%swap3A_1133, %swap3A_1134], %get3A_1106 {strides = array<i32>} : memref<160x131xf32, #tpu.memory_space<vmem>>, vector<16xf32>,
          %swap3A_1136 = arith.index_cast %add3A_1090 : i32 to index
          %swap3A_1137 = arith.constant 48 : index
          %swap3A_1138 = tpu.vector_load %arg11[%swap3A_1136, %swap3A_1137] {strides = array<i32>} : memref<160x131xf32, #tpu.memory_space<vmem>>, vector<16xf32>,
          tpu.vector_store %arg11[%swap3A_1136, %swap3A_1137], %get3A_1110 {strides = array<i32>} : memref<160x131xf32, #tpu.memory_space<vmem>>, vector<16xf32>,
          %swap3A_1139 = arith.index_cast %add3A_1090 : i32 to index
          %swap3A_1140 = arith.constant 64 : index
          %swap3A_1141 = tpu.vector_load %arg11[%swap3A_1139, %swap3A_1140] {strides = array<i32>} : memref<160x131xf32, #tpu.memory_space<vmem>>, vector<16xf32>,
          tpu.vector_store %arg11[%swap3A_1139, %swap3A_1140], %get3A_1114 {strides = array<i32>} : memref<160x131xf32, #tpu.memory_space<vmem>>, vector<16xf32>,
          %swap3A_1142 = arith.index_cast %add3A_1090 : i32 to index
          %swap3A_1143 = arith.constant 80 : index
          %swap3A_1144 = tpu.vector_load %arg11[%swap3A_1142, %swap3A_1143] {strides = array<i32>} : memref<160x131xf32, #tpu.memory_space<vmem>>, vector<16xf32>,
          tpu.vector_store %arg11[%swap3A_1142, %swap3A_1143], %get3A_1118 {strides = array<i32>} : memref<160x131xf32, #tpu.memory_space<vmem>>, vector<16xf32>,
          %swap3A_1145 = arith.index_cast %add3A_1090 : i32 to index
          %swap3A_1146 = arith.constant 96 : index
          %swap3A_1147 = tpu.vector_load %arg11[%swap3A_1145, %swap3A_1146] {strides = array<i32>} : memref<160x131xf32, #tpu.memory_space<vmem>>, vector<16xf32>,
          tpu.vector_store %arg11[%swap3A_1145, %swap3A_1146], %get3A_1122 {strides = array<i32>} : memref<160x131xf32, #tpu.memory_space<vmem>>, vector<16xf32>,
          %swap3A_1148 = arith.index_cast %add3A_1090 : i32 to index
          %swap3A_1149 = arith.constant 112 : index
          %swap3A_1150 = tpu.vector_load %arg11[%swap3A_1148, %swap3A_1149] {strides = array<i32>} : memref<160x131xf32, #tpu.memory_space<vmem>>, vector<16xf32>,
          tpu.vector_store %arg11[%swap3A_1148, %swap3A_1149], %get3A_1126 {strides = array<i32>} : memref<160x131xf32, #tpu.memory_space<vmem>>, vector<16xf32>,
        }
        %scan3A_109 = arith.constant 10 : i32
        %scan3A_110 = arith.constant 0 : i32
        %scan3A_111 = arith.constant 0 : i32
        %scan3A_112 = arith.constant 10 : i32
        %scan3A_113 = arith.addi %scan3A_111, %scan3A_112 : i32
        %scan3A_114 = arith.constant 1 : i32
        scf.for %scan3A_126 = %scan3A_111 to %scan3A_113 step %scan3A_114  : i32 {
          %mul3A_127 = arith.constant 16 : i32
          %mul3A_128 = arith.muli %scan3A_126, %mul3A_127 : i32
          %get3A = arith.index_cast %mul3A_128 : i32 to index
          %get3A_129 = tpu.vector_load %arg9[%get3A] {strides = array<i32>} : memref<160xi32, #tpu.memory_space<vmem>>, vector<16xi32>,
          %iota3A = tpu.iota {dimensions = array<i32: 0>} : vector<16xi32>
          %mul3A_130 = arith.constant 16 : i32
          %mul3A_131 = arith.muli %scan3A_126, %mul3A_130 : i32
          %add3A_132 = vector.broadcast %mul3A_131 : i32 to vector<16xi32>
          %add3A_133 = arith.addi %iota3A, %add3A_132 : vector<16xi32>
          %add3A_134 = arith.constant 0 : i32
          %add3A_135 = vector.broadcast %add3A_134 : i32 to vector<16xi32>
          %add3A_136 = arith.addi %get3A_129, %add3A_135 : vector<16xi32>
          %gather3A = tpu.vector_load_idx %arg7[%add3A_136] : memref<384xf32, #tpu.memory_space<vmem>>[vector<16xi32>], vector<16xf32>,
          %broadcast_in_dim3A = arith.constant 128 : i32
          %broadcast_in_dim3A_137 = vector.broadcast %broadcast_in_dim3A : i32 to vector<16xi32>
          tpu.vector_store_idx %arg11[%add3A_133, %broadcast_in_dim3A_137], %gather3A : memref<160x131xf32, #tpu.memory_space<vmem>>[vector<16xi32>, vector<16xi32>], vector<16xf32>,
          %add3A_138 = arith.constant 128 : i32
          %add3A_139 = vector.broadcast %add3A_138 : i32 to vector<16xi32>
          %add3A_140 = arith.addi %get3A_129, %add3A_139 : vector<16xi32>
          %gather3A_141 = tpu.vector_load_idx %arg7[%add3A_140] : memref<384xf32, #tpu.memory_space<vmem>>[vector<16xi32>], vector<16xf32>,
          %broadcast_in_dim3A_142 = arith.constant 129 : i32
          %broadcast_in_dim3A_143 = vector.broadcast %broadcast_in_dim3A_142 : i32 to vector<16xi32>
          tpu.vector_store_idx %arg11[%add3A_133, %broadcast_in_dim3A_143], %gather3A_141 : memref<160x131xf32, #tpu.memory_space<vmem>>[vector<16xi32>, vector<16xi32>], vector<16xf32>,
          %add3A_144 = arith.constant 256 : i32
          %add3A_145 = vector.broadcast %add3A_144 : i32 to vector<16xi32>
          %add3A_146 = arith.addi %get3A_129, %add3A_145 : vector<16xi32>
          %gather3A_147 = tpu.vector_load_idx %arg7[%add3A_146] : memref<384xf32, #tpu.memory_space<vmem>>[vector<16xi32>], vector<16xf32>,
          %broadcast_in_dim3A_148 = arith.constant 130 : i32
          %broadcast_in_dim3A_149 = vector.broadcast %broadcast_in_dim3A_148 : i32 to vector<16xi32>
          tpu.vector_store_idx %arg11[%add3A_133, %broadcast_in_dim3A_149], %gather3A_147 : memref<160x131xf32, #tpu.memory_space<vmem>>[vector<16xi32>, vector<16xi32>], vector<16xf32>,
        }
        %scan3A_115 = arith.constant 10 : i32
        %add3A_116 = arith.constant 2 : i32
        %add3A_117 = arith.addi %add3A_86, %add3A_116 : i32
        %lt3A_118 = arith.cmpi slt, %add3A_117, %select_n3A : i32
        %convert_element_type3A_119 = arith.extui %lt3A_118 : i1 to i32
        %cond3A_120 = arith.constant 0 : i32
        %cond3A_121 = arith.cmpi ne, %convert_element_type3A_119, %cond3A_120 : i32
        scf.if %cond3A_121 {
          %add3A_126 = arith.constant 2 : i32
          %add3A_127 = arith.addi %add3A_86, %add3A_126 : i32
          %mul3A_128 = arith.constant 32 : i32
          %mul3A_129 = arith.muli %add3A_127, %mul3A_128 : i32
          %add3A_130 = arith.addi %add3A, %mul3A_129 : i32
          %mul3A_131 = arith.constant 160 : i32
          %mul3A_132 = arith.muli %add3A_130, %mul3A_131 : i32
          %dma_start3A_133 = tpu.memref_slice %arg4[%mul3A_132] : memref<100000xi32, #tpu.memory_space<hbm>> -> memref<160xi32, #tpu.memory_space<hbm>>
          %dma_start3A_134 = tpu.memref_slice %arg4[%mul3A_132] : memref<100000xi32, #tpu.memory_space<hbm>> -> memref<160xi32, #tpu.memory_space<hbm>>
          tpu.enqueue_dma source(%dma_start3A_134 : memref<160xi32, #tpu.memory_space<hbm>>) target(%arg9 : memref<160xi32, #tpu.memory_space<vmem>>) target_semaphore(%arg13 : memref<!tpu.dma_semaphore, #tpu.memory_space<semaphore_mem>>)
        } else {
        }
        %dma_start3A_122 = arith.constant 0 : i32
        %dma_start3A_123 = tpu.memref_slice %arg5[%mul3A_95, %dma_start3A_122] : memref<100000x131xf32, #tpu.memory_space<hbm>> -> memref<160x131xf32, #tpu.memory_space<hbm>>
        %dma_start3A_124 = arith.constant 0 : i32
        %dma_start3A_125 = tpu.memref_slice %arg5[%mul3A_95, %dma_start3A_124] : memref<100000x131xf32, #tpu.memory_space<hbm>> -> memref<160x131xf32, #tpu.memory_space<hbm>>
        tpu.enqueue_dma source(%arg11 : memref<160x131xf32, #tpu.memory_space<vmem>>) target(%dma_start3A_125 : memref<160x131xf32, #tpu.memory_space<hbm>>) target_semaphore(%arg15 : memref<!tpu.dma_semaphore, #tpu.memory_space<semaphore_mem>>)
      } else {
      }
    }
    %dma_wait3A = arith.constant 0 : i32
    %dma_wait3A_65 = arith.constant 0 : i32
    %dma_wait3A_66 = tpu.memref_slice %arg5[%dma_wait3A, %dma_wait3A_65] : memref<100000x131xf32, #tpu.memory_space<hbm>> -> memref<160x131xf32, #tpu.memory_space<hbm>>
    %dma_wait3A_67 = arith.constant 0 : i32
    %dma_wait3A_68 = arith.constant 0 : i32
    %dma_wait3A_69 = tpu.memref_slice %arg5[%dma_wait3A_67, %dma_wait3A_68] : memref<100000x131xf32, #tpu.memory_space<hbm>> -> memref<160x131xf32, #tpu.memory_space<hbm>>
    tpu.wait_dma2 semaphore(%arg14 : memref<!tpu.dma_semaphore, #tpu.memory_space<semaphore_mem>>) src(%arg10 : memref<160x131xf32, #tpu.memory_space<vmem>>) dst(%dma_wait3A_69 : memref<160x131xf32, #tpu.memory_space<hbm>>)
    %ge3A_70 = arith.constant 2 : i32
    %ge3A_71 = arith.cmpi sge, %select_n3A, %ge3A_70 : i32
    %convert_element_type3A_72 = arith.extui %ge3A_71 : i1 to i32
    %cond3A_73 = arith.constant 0 : i32
    %cond3A_74 = arith.cmpi ne, %convert_element_type3A_72, %cond3A_73 : i32
    scf.if %cond3A_74 {
      %dma_wait3A_75 = arith.constant 0 : i32
      %dma_wait3A_76 = arith.constant 0 : i32
      %dma_wait3A_77 = tpu.memref_slice %arg5[%dma_wait3A_75, %dma_wait3A_76] : memref<100000x131xf32, #tpu.memory_space<hbm>> -> memref<160x131xf32, #tpu.memory_space<hbm>>
      %dma_wait3A_78 = arith.constant 0 : i32
      %dma_wait3A_79 = arith.constant 0 : i32
      %dma_wait3A_80 = tpu.memref_slice %arg5[%dma_wait3A_78, %dma_wait3A_79] : memref<100000x131xf32, #tpu.memory_space<hbm>> -> memref<160x131xf32, #tpu.memory_space<hbm>>
      tpu.wait_dma2 semaphore(%arg15 : memref<!tpu.dma_semaphore, #tpu.memory_space<semaphore_mem>>) src(%arg11 : memref<160x131xf32, #tpu.memory_space<vmem>>) dst(%dma_wait3A_80 : memref<160x131xf32, #tpu.memory_space<hbm>>)
    } else {
    }
    return
  }
}

</mosaic_0001>

<sc_bundles>
// kernel: kernel.3.cloned.1.call-start
scs
__scs_entry_jumppad:
0x0: {  	(pc) =	sbr.rel $0x88, $3  }
0x1: {  	(tag) =	ssettag $0x0;
	lr =	simm.s32 $0x1  }
0x2: {  	[smem:$0x3F9C] =	sst lr;
	_ =	strace $0xD0000000  }
0x3: {  	_ = 	snop  }
0x4: {  	_ = 	snop  }
0x5: {  	_ = 	snop  }
0x6: {  	_ = 	snop  }
0x7: {  	_ = 	snop  }
__scs_overlays_trampoline_lowered:
0x8: {  	[smem:$0x3FAB] =	sst s0  }
0x9: {  	[smem:$0x3FAC] =	sst s1  }
0xa: {  	[smem:$0x3FAD] =	sst s2  }
0xb: {  	[smem:$0x3FAE] =	sst s3  }
0xc: {  	[smem:$0x3FAF] =	sst s4  }
0xd: {  	[smem:$0x3FB0] =	sst s5  }
0xe: {  	[smem:$0x3FB1] =	sst s6  }
0xf: {  	[smem:$0x3FB2] =	sst s7  }
0x10: {  	[smem:$0x3FB3] =	sst s8  }
0x11: {  	[smem:$0x3FB4] =	sst s9;
	s0 =	simm.s32 @!p0 $0x0  }
0x12: {  	s1 =	sld [smem:$0x3F9A];
	s0 =	simm.s32 @p0 $0x1  }
0x13: {  	[smem:$0x3FB5] =	sst s0;
	s0 =	simm.s32 @!p1 $0x0  }
0x14: {  	s2 =	sld [smem:$0x3F99];
	s0 =	simm.s32 @p1 $0x1  }
0x15: {  	[smem:$0x3FB6] =	sst s0;
	s0 =	simm.s32 @!p2 $0x0  }
0x16: {  	s3 =	sld [smem:$0x3FDB];
	s0 =	simm.s32 @p2 $0x1  }
0x17: {  	s4 =	simm.s32 $0x1BF5;
	[smem:$0x3FB8] =	sst s0  }
0x18: {  	s0 =	sld [smem:$0x3F9B];
	_ =	swait.ge [sflag:s4], $0x0  }
0x19: {  	s7 =	sld [smem:$0x3F9C]  }
0x1a: {  	s8 =	sadd.s32 $0xFFFFE003, lr  }
0x1b: {  	s9 =	sadd.s32 $0xFFFFFEF7, lr;
	s5 =	simm.s32 $0xFFFFFFFF;
	p2 =	slt.u32 s8, $0xFFFFF086  }
0x1c: {  	p1 =	slt.u32 s9, $0xF7A;
	s5 =	simm.s32 @!p2 $0x0  }
0x1d: {  	s5 =	simm.s32 @p1 $0x1;
	p0 =	seq.s32 s7, s2  }
0x1e: {  	s7 =	smul.u32 @!p0 $0xF7A, s2;
	p2 =	seq.s32 @!p0 s5, $0x0  }
0x1f: {  	s9 =	smul.u32 $0xF7A, s1;
	s8 =	simm.s32 @!p0 $0x1BF5;
	p2 =	por !p2, p0  }
0x20: {  	[sflag:s8] =	ssyncset.s32 @!p0 $0xFFFFF086;
	s6 =	sadd.s32 @!p0 s3, s7;
	s7 =	simm.s32 @!p0 $0x108  }
0x21: {  	s3 =	sadd.s32 s3, s9;
	s6 =	sadd.s32 @!p0 $0x88, s6;
	s7 =	simm.s32 @p2 $0x1082  }
0x22: {  	[simem:s7], [sflag:s8] =	dma.local @!p0 [hbm:s6], $0xF7A  }
0x23: {  	s9 =	sor.u32 $0xD0000000, s2;
	s6 =	simm.s32 $0x108;
	_ =	swait.ge @!p0 [sflag:s8], $0x0  }
0x24: {  	s3 =	sadd.s32 $0x88, s3;
	s6 =	simm.s32 @!p1 $0x1082;
	[sflag:s4] =	ssyncset.s32 $0xFFFFF086  }
0x25: {  	[simem:s6], [sflag:s4] =	dma.local [hbm:s3], $0xF7A  }
0x26: {  	[smem:$0x3F9C] =	sst s1;
	(tag) =	ssettag s2;
	_ =	strace s9  }
0x27: {  	s1 =	sld [smem:$0x3FAC]  }
0x28: {  	s2 =	sld [smem:$0x3FAD]  }
0x29: {  	s4 =	sld [smem:$0x3FAF]  }
0x2a: {  	p0 =	seq.s32 s5, $0x0;
	s5 =	sld [smem:$0x3FB0]  }
0x2b: {  	s6 =	sld [smem:$0x3FB1]  }
0x2c: {  	s7 =	sld [smem:$0x3FB2]  }
0x2d: {  	s3 =	simm.s32 $0x108;
	s8 =	sld [smem:$0x3FB3]  }
0x2e: {  	s3 =	simm.s32 @!p0 $0x1082;
	s9 =	sld [smem:$0x3FB4]  }
0x2f: {  	lr =	sadd.s32 s0, s3;
	s0 =	sld [smem:$0x3FAB]  }
0x30: {  	s3 =	sld [smem:$0x3FAE]  }
0x31: {  	[smem:$0x3FB7] =	sst s10  }
0x32: {  	s10 =	sld [smem:$0x3FB5];
	_ =	sdelay $0x3  }
0x33: {  	p0 =	seq.s32 s10, $0x1;
	s10 =	sld [smem:$0x3FB7];
	_ =	sdelay $0x3  }
0x34: {  	[smem:$0x3FB7] =	sst s10  }
0x35: {  	s10 =	sld [smem:$0x3FB6];
	_ =	sdelay $0x3  }
0x36: {  	p1 =	seq.s32 s10, $0x1;
	s10 =	sld [smem:$0x3FB7];
	_ =	sdelay $0x3  }
0x37: {  	[smem:$0x3FB7] =	sst s10  }
0x38: {  	s10 =	sld [smem:$0x3FB8]  }
0x39: {  	_ = 	snop;
	(pc) =	sbr.ind lr, $3  }
0x3a: {  	_ = 	snop  }
0x3b: {  	_ = 	snop  }
0x3c: {  	p2 =	seq.s32 s10, $0x1;
	s10 =	sld [smem:$0x3FB7]  }
0x3d: {  	_ =	shalt  }
0x3e: {  	_ =	shalt  }
0x3f: {  	_ =	shalt  }
0x40: {  	_ =	shalt  }
0x41: {  	_ =	shalt  }
0x42: {  	_ =	shalt  }
0x43: {  	_ =	shalt  }
0x44: {  	_ =	shalt  }
0x45: {  	_ =	shalt  }
0x46: {  	_ =	shalt  }
0x47: {  	_ =	shalt  }
0x48: {  	_ =	shalt  }
0x49: {  	_ =	shalt  }
0x4a: {  	_ =	shalt  }
0x4b: {  	_ =	shalt  }
0x4c: {  	_ =	shalt  }
0x4d: {  	_ =	shalt  }
0x4e: {  	_ =	shalt  }
0x4f: {  	_ =	shalt  }
0x50: {  	_ =	shalt  }
0x51: {  	_ =	shalt  }
0x52: {  	_ =	shalt  }
0x53: {  	_ =	shalt  }
0x54: {  	_ =	shalt  }
0x55: {  	_ =	shalt  }
0x56: {  	_ =	shalt  }
0x57: {  	_ =	shalt  }
0x58: {  	_ =	shalt  }
0x59: {  	_ =	shalt  }
0x5a: {  	_ =	shalt  }
0x5b: {  	_ =	shalt  }
0x5c: {  	_ =	shalt  }
0x5d: {  	_ =	shalt  }
0x5e: {  	_ =	shalt  }
0x5f: {  	_ =	shalt  }
0x60: {  	_ =	shalt  }
0x61: {  	_ =	shalt  }
0x62: {  	_ =	shalt  }
0x63: {  	_ =	shalt  }
0x64: {  	_ =	shalt  }
0x65: {  	_ =	shalt  }
0x66: {  	_ =	shalt  }
0x67: {  	_ =	shalt  }
0x68: {  	_ =	shalt  }
0x69: {  	_ =	shalt  }
0x6a: {  	_ =	shalt  }
0x6b: {  	_ =	shalt  }
0x6c: {  	_ =	shalt  }
0x6d: {  	_ =	shalt  }
0x6e: {  	_ =	shalt  }
0x6f: {  	_ =	shalt  }
0x70: {  	_ =	shalt  }
0x71: {  	_ =	shalt  }
0x72: {  	_ =	shalt  }
0x73: {  	_ =	shalt  }
0x74: {  	_ =	shalt  }
0x75: {  	_ =	shalt  }
0x76: {  	_ =	shalt  }
0x77: {  	_ =	shalt  }
0x78: {  	_ =	shalt  }
0x79: {  	_ =	shalt  }
0x7a: {  	_ =	shalt  }
0x7b: {  	_ =	shalt  }
0x7c: {  	_ =	shalt  }
0x7d: {  	_ =	shalt  }
0x7e: {  	_ =	shalt  }
0x7f: {  	_ =	shalt  }
0x80: {  	_ =	shalt  }
0x81: {  	_ =	shalt  }
0x82: {  	_ =	shalt  }
0x83: {  	_ =	shalt  }
0x84: {  	_ =	shalt  }
0x85: {  	_ =	shalt  }
0x86: {  	_ =	shalt  }
0x87: {  	_ =	shalt  }
.Lfunc_end0:
.L_simem_size_0:
called_computation_lowered:
.L_overlay_start_0:
0x88: {  	s2 =	sld [smem:$0x3FD9]  }
0x89: {  	s3 =	sld [smem:$0x3FFE];
	_ =	sdelay $0x1  }
0x8a: {  	s1 =	srdreg.scid  }
0x8b: {  	s0 =	sand.u32 $0x1, s1  }
0x8c: {  	s17 =	sshll.u32 s0, $0xA;
	s2 =	sadd.s32 s3, s2  }
0x8d: {  	s2 =	sadd.s32 s2, s17  }
0x8e: {  	[smem:$0x3FC3] =	sst s2  }
0x8f: {  	_ = 	snop  }
0x90: {  	s2 =	sld [smem:$0x3FC9]  }
0x91: {  	s18 =	sld [smem:$0x3FC8]  }
0x92: {  	s4 =	sld [smem:$0x3FD0];
	(tm) =	ssettm $0x1  }
0x93: {  	s5 =	sld [smem:$0x3FFB];
	_ =	sdelay $0x3  }
0x94: {  	_ =	strace s5  }
0x95: {  	s5 =	sld [smem:$0x3FFC];
	_ =	sdelay $0x3  }
0x96: {  	_ =	strace s5  }
0x97: {  	s5 =	sld [smem:$0x3FFD];
	_ =	sdelay $0x3  }
0x98: {  	_ =	strace s5  }
0x99: {  	_ =	strace $0x8FFFFFFF  }
0x9a: {  	s19 =	sld [smem:$0x3FDB];
	_ =	sdelay $0x1  }
0x9b: {  	s6 =	simm.s32 $_scs_section_size  }
0x9c: {  	s7 =	simm.s32 $_size__tile_overlayer_lowered;
	s8 =	simm.s32 $_tile_overlayer_lowered  }
0x9d: {  	s22 =	simm.s32 $0x1BFF;
	s21 =	sshll.u32 s8, $0x1;
	s5 =	sadd.s32 s6, s19  }
0x9e: {  	s9 =	simm.s32 $0x0;
	s20 =	sshll.u32 s7, $0x1;
	s7 =	sadd.s32 s21, s5  }
0x9f: {  	[timem:s9], [sflag:s22] =	dma.local [hbm:s7], s20  }
0xa0: {  	_ =	swait.ge [sflag:s22], s20  }
0xa1: {  	s6 =	ssub.s32 $0x0, s20;
	[sflag:s22] =	ssyncset.done $0x0  }
0xa2: {  	[sflag:s22] =	ssyncadd.s32 s6;
	_ =	sdelay $0x1  }
0xa3: {  	s23 =	simm.s32 $0x1B8B  }
0xa4: {  	_ =	swait.ge [sflag:s23], $0x1  }
0xa5: {  	[sflag:s23] =	ssyncset.done $0x0  }
0xa6: {  	s25 =	simm.s32 $0x1B8E;
	s24 =	sld [smem:$0x3FFE];
	[sflag:s23] =	ssyncadd.s32 $0xFFFFFFFF  }
0xa7: {  	s26 =	simm.s32 $execute0_lowered;
	[smem:$0x3FD2] =	sst s25  }
0xa8: {  	s7 =	sshll.u32 s26, $0x1;
	_ =	strace $0x80000046;
	[dreg:$0x1] =	wrdreg $0xFFFFFFFF  }
0xa9: {  	s28 =	simm.s32 $_size_execute0_lowered;
	s5 =	sadd.s32 s5, s7;
	[dreg:$0x0] =	wrdreg $0x0  }
0xaa: {  	s7 =	sshll.u32 s28, $0x1;
	[dreg:$0x2] =	wrdreg s5  }
0xab: {  	[dreg:$0x3] =	wrdreg s7  }
0xac: {  	[dreg:$0x4] =	wrdreg $0xC0  }
0xad: {  	_ =	task [dreg:s9], $0x5FFFF  }
0xae: {  	[dreg:$0x1] =	wrdreg $0xFFFFFFFF  }
0xaf: {  	[dreg:$0x0] =	wrdreg $0x60  }
0xb0: {  	[dreg:$0x2] =	wrdreg s18  }
0xb1: {  	[dreg:$0x3] =	wrdreg s4  }
0xb2: {  	[dreg:$0x4] =	wrdreg s2  }
0xb3: {  	[dreg:$0x5] =	wrdreg s24  }
0xb4: {  	[dreg:$0x6] =	wrdreg $0x9  }
0xb5: {  	_ =	task.clear_ibuf [dreg:s9], $0x7FFFF;
	_ =	strace $0x90000046  }
0xb6: {  	s29 =	simm.s32 $0x9;
	_ =	strace $0x80000048  }
0xb7: {  	_ =	swait.ge [sflag:s29], $0x1  }
0xb8: {  	[sflag:s29] =	ssyncadd.s32 $0xFFFFFFFF  }
0xb9: {  	_ =	strace $0x90000048  }
0xba: {  	_ =	sfence  }
0xbb: {  	s30 =	sld [smem:$0x0];
	_ =	sdelay $0x2  }
0xbc: {  	s31 =	sshll.u32 s1, $0xD;
	s1 =	sshrl.u32 s1, $0x2  }
0xbd: {  	s3 =	sand.u32 $0x4000, s31;
	s1 =	sadd.s32 s1, s30  }
0xbe: {  	s0 =	sor.u32 s3, s0;
	s1 =	sshll.u32 s1, $0x11  }
0xbf: {  	s0 =	sor.u32 s1, s0  }
0xc0: {  	s0 =	sadd.s32 $0x8F2B, s0  }
0xc1: {  	[sflag:s0] =	ssyncadd.remote.s32 $0x1  }
0xc2: {  	_ =	sfence.sel $0xFFFF  }
0xc3: {  	[dreg:$0x0] =	wrdreg $0xFFFFFFFF;
	(pc) =	sbr.abs _section_cstart, $3  }
0xc4: {  	[dreg:$0x1] =	wrdreg $0xFFFFFFFF  }
0xc5: {  	_ =	task.clear_ibuf [dreg:s9], $0x2FFFF;
	_ =	strace $0x9FFFFFFF  }
0xc6: {  	(tm) =	ssettm $0x7FFFFFFF  }
0xc7: {  	_ =	shalt  }
tec
execute0_lowered:
.L_overlay_start_1:
0x0: {  	(tag) =	ssettag $0x1  }
0x1: {  	s1 =	rddreg [dreg:$0x0]  }
0x2: {  	s2 =	rddreg [dreg:$0x1]  }
0x3: {  	s4 =	rddreg [dreg:$0x2]  }
0x4: {  	s3 =	srdreg.scid;
	s0 =	stileid.u32  }
0x5: {  	s7 =	rddreg [dreg:$0x3];
	s5 =	simm.s32 $0x0;
	s13 =	simm.s32 $0x3B80  }
0x6: {  	s14 =	simm.s32 $0x3D00;
	s15 =	simm.s32 $0x3E00;
	s16 =	simm.s32 $0x1  }
0x7: {  	s17 =	simm.s32 $0x3F00;
	s18 =	simm.s32 $0x2;
	s19 =	simm.s32 $0xDF00  }
0x8: {  	s20 =	simm.s32 $0x3;
	s8 =	sand.u32 $0x1, s3;
	s6 =	sshll.u32 s0, $0x1  }
0x9: {  	s21 =	simm.s32 $0x4;
	s3 =	rddreg [dreg:$0x4];
	s6 =	sor.u32 s8, s6  }
0xa: {  	s22 =	simm.s32 $0x0;
	[smem:$0x7FF] =	sst s5;
	s9 =	smul.u32 $0xA0, s6  }
.Ltmp0:
0xb: {  	v0 =	vlaneseq.u32;
	s7 =	sadd.s32 $0x600, s7;
	s8 =	ssub.s32 $0x2, s8;
	(pc) =	sbr.rel .LBB2_1-.Ltmp0, $4  }
0xc: {  	v1 =	vand.u32 $0x7, v0;
	_ =	strace $0x80000047;
	s10 =	sshrl.u32 s8, $0x1;
	s11 =	smul.u32 $0x14, s6  }
0xd: {  	v3 =	vmul.u32 $0x80, v1;
	s30 =	ssub.s32 $0x290, s6;
	s12 =	ssub.s32 s8, s10;
	s9 =	sshrl.u32 s9, $0x3  }
0xe: {  	v0 =	vmul.u32 $0x100, v0;
	s8 =	sshrl.u32 s30, $0x5;
	s31 =	sadd.s32 s4, s9;
	s9 =	sadd.s32 s4, s11  }
0xf: {  	v1 =	vor.u32 $0x400, v3;
	v2 =	vor.u32 $0x401, v3;
	v3 =	vor.u32 $0x402, v3;
	s11 =	smax.u32 s12, $0x1;
	s12 =	simm.s32 $0x5;
	s10 =	sadd.s32 $0x280, s31  }
.LBB2_13:
0x10: {  	s22 =	sadd.s32 $0x1, s22  }
0x11: {  	_ =	swait.ge [sflag:s20], $0xA000;
	p0 =	sne.s32 s22, s11  }
.Ltmp1:
0x12: {  	[sflag:s20] =	ssyncset.done $0x0;
	(pc) =	sbr.rel @!p0 .LBB2_14-.Ltmp1, $4  }
0x13: {  	[sflag:s20] =	ssyncadd.s32 $0xFFFF6000  }
0x14: {  	_ =	swait.ge [sflag:s21], $0xA000  }
0x15: {  	[sflag:s21] =	ssyncset.done $0x0  }
0x16: {  	[sflag:s21] =	ssyncadd.s32 $0xFFFF6000  }
.LBB2_1:
0x17: {  	[tilespmem:s5], [sflag:$0x5] =	stream.linear.gather [hbm4b:s1+s5], $0x3B80, $0x38;
	[tilespmem:$0x17F00] =	vst v63  }
0x18: {  	_ =	swait.ge [sflag:s12], $0x3B80  }
0x19: {  	[sflag:s12] =	ssyncset.done $0x0  }
0x1a: {  	[sflag:s12] =	ssyncadd.s32 $0xFFFFC480  }
0x1b: {  	[tilespmem:s13], [sflag:$0x5] =	stream.linear.gather [hbm4b:s2+s5], $0x180, $0x38;
	[tilespmem:$0x17F00] =	vst v63  }
0x1c: {  	_ =	swait.ge [sflag:s12], $0x180  }
.Ltmp2:
0x1d: {  	[sflag:s12] =	ssyncset.done $0x0;
	(pc) =	sbr.rel .LBB2_2-.Ltmp2, $4  }
0x1e: {  	[sflag:s12] =	ssyncadd.s32 $0xFFFFFE80  }
0x1f: {  	[tilespmem:s14], [sflag:$0x1] =	stream.linear.gather [hbm4b:s9+s5], $0xA0, $0x38;
	[tilespmem:$0x17F00] =	vst v63  }
0x20: {  	s23 =	simm.s32 $0x0  }
0x21: {  	[tilespmem:s15], [sflag:$0x2] =	stream.linear.gather [hbm4b:s10+s5], $0xA0, $0x38;
	[tilespmem:$0x17F00] =	vst v63  }
.LBB2_12:
0x22: {  	s23 =	sadd.s32 $0x1, s23  }
0x23: {  	p0 =	sne.s32 s23, $0xA  }
.Ltmp3:
0x24: {  	_ = 	snop;
	(pc) =	sbr.rel @!p0 .LBB2_13-.Ltmp3, $1  }
0x25: {  	_ =	sdelay $0x3  }
.LBB2_2:
0x26: {  	_ =	swait.ge [sflag:s16], $0xA0  }
0x27: {  	p0 =	seq.s32 s23, $0x0;
	[sflag:s16] =	ssyncset.done $0x0  }
0x28: {  	s26 =	simm.s32 @!p0 $0x3;
	[sflag:s16] =	ssyncadd.s32 $0xFFFFFF60  }
0x29: {  	s25 =	sshll.u32 s23, $0x6;
	s24 =	sshll.u32 s23, $0x1;
	_ =	swait.ge @!p0 [sflag:s26], $0xA000  }
0x2a: {  	s28 =	simm.s32 $0x4700;
	s29 =	simm.s32 $0x0;
	[sflag:s26] =	ssyncset.done @!p0 $0x0  }
0x2b: {  	s25 =	sor.u32 s6, s25;
	[sflag:s26] =	ssyncadd.s32 @!p0 $0xFFFF6000;
	s26 =	simm.s32 $0x0  }
.LBB2_3:
0x2c: {  	s30 =	sshra.s32 s29, $0x2  }
0x2d: {  	v4 =	vld [tilespmem:s30+$0x3D00];
	_ =	sdelay $0x4  }
0x2e: {  	v4 =	vshll.u32 v4, $0x9  }
0x2f: {  	v4 =	vshra.s32 v4, $0x2  }
0x30: {  	(v2sf) =	vpush v4, $0x0;
	_ =	sdelay $0xe  }
0x31: {  	s31 =	spop (v2sf);
	(v2sf) =	vpush v4, $0x1  }
0x32: {  	v5 =	vld [tilespmem:s31+$0x0]  }
0x33: {  	v6 =	vld [tilespmem:s31+$0x10]  }
0x34: {  	v7 =	vld [tilespmem:s31+$0x20]  }
0x35: {  	v8 =	vld [tilespmem:s31+$0x30]  }
0x36: {  	v9 =	vld [tilespmem:s31+$0x40]  }
0x37: {  	v10 =	vld [tilespmem:s31+$0x50]  }
0x38: {  	v11 =	vld [tilespmem:s31+$0x60]  }
0x39: {  	v12 =	vld [tilespmem:s31+$0x70];
	[tilespmem:s28+$0xFFFFF800] =	vst v5  }
0x3a: {  	[tilespmem:s28+$0xFFFFF810] =	vst v6  }
0x3b: {  	[tilespmem:s28+$0xFFFFF820] =	vst v7  }
0x3c: {  	[tilespmem:s28+$0xFFFFF830] =	vst v8  }
0x3d: {  	[tilespmem:s28+$0xFFFFF840] =	vst v9  }
0x3e: {  	[tilespmem:s28+$0xFFFFF850] =	vst v10  }
0x3f: {  	[tilespmem:s28+$0xFFFFF860] =	vst v11  }
0x40: {  	[tilespmem:s28+$0xFFFFF870] =	vst v12;
	s31 =	spop (v2sf);
	(v2sf) =	vpush v4, $0x2  }
0x41: {  	v5 =	vld [tilespmem:s31+$0x0]  }
0x42: {  	v6 =	vld [tilespmem:s31+$0x10]  }
0x43: {  	v7 =	vld [tilespmem:s31+$0x20]  }
0x44: {  	v8 =	vld [tilespmem:s31+$0x30]  }
0x45: {  	v9 =	vld [tilespmem:s31+$0x40]  }
0x46: {  	v10 =	vld [tilespmem:s31+$0x50]  }
0x47: {  	v11 =	vld [tilespmem:s31+$0x60]  }
0x48: {  	v12 =	vld [tilespmem:s31+$0x70];
	[tilespmem:s28+$0xFFFFF880] =	vst v5  }
0x49: {  	[tilespmem:s28+$0xFFFFF890] =	vst v6  }
0x4a: {  	[tilespmem:s28+$0xFFFFF8A0] =	vst v7  }
0x4b: {  	[tilespmem:s28+$0xFFFFF8B0] =	vst v8  }
0x4c: {  	[tilespmem:s28+$0xFFFFF8C0] =	vst v9  }
0x4d: {  	[tilespmem:s28+$0xFFFFF8D0] =	vst v10  }
0x4e: {  	[tilespmem:s28+$0xFFFFF8E0] =	vst v11  }
0x4f: {  	[tilespmem:s28+$0xFFFFF8F0] =	vst v12;
	s31 =	spop (v2sf);
	(v2sf) =	vpush v4, $0x3  }
0x50: {  	v5 =	vld [tilespmem:s31+$0x0]  }
0x51: {  	v6 =	vld [tilespmem:s31+$0x10]  }
0x52: {  	v7 =	vld [tilespmem:s31+$0x20]  }
0x53: {  	v8 =	vld [tilespmem:s31+$0x30]  }
0x54: {  	v9 =	vld [tilespmem:s31+$0x40]  }
0x55: {  	v10 =	vld [tilespmem:s31+$0x50]  }
0x56: {  	v11 =	vld [tilespmem:s31+$0x60]  }
0x57: {  	v12 =	vld [tilespmem:s31+$0x70];
	[tilespmem:s28+$0xFFFFF900] =	vst v5  }
0x58: {  	[tilespmem:s28+$0xFFFFF910] =	vst v6  }
0x59: {  	[tilespmem:s28+$0xFFFFF920] =	vst v7  }
0x5a: {  	[tilespmem:s28+$0xFFFFF930] =	vst v8  }
0x5b: {  	[tilespmem:s28+$0xFFFFF940] =	vst v9  }
0x5c: {  	[tilespmem:s28+$0xFFFFF950] =	vst v10  }
0x5d: {  	[tilespmem:s28+$0xFFFFF960] =	vst v11  }
0x5e: {  	[tilespmem:s28+$0xFFFFF970] =	vst v12;
	s31 =	spop (v2sf);
	(v2sf) =	vpush v4, $0x4  }
0x5f: {  	v5 =	vld [tilespmem:s31+$0x0]  }
0x60: {  	v6 =	vld [tilespmem:s31+$0x10]  }
0x61: {  	v7 =	vld [tilespmem:s31+$0x20]  }
0x62: {  	v8 =	vld [tilespmem:s31+$0x30]  }
0x63: {  	v9 =	vld [tilespmem:s31+$0x40]  }
0x64: {  	v10 =	vld [tilespmem:s31+$0x50]  }
0x65: {  	v11 =	vld [tilespmem:s31+$0x60]  }
0x66: {  	v12 =	vld [tilespmem:s31+$0x70];
	[tilespmem:s28+$0xFFFFF980] =	vst v5  }
0x67: {  	[tilespmem:s28+$0xFFFFF990] =	vst v6  }
0x68: {  	[tilespmem:s28+$0xFFFFF9A0] =	vst v7  }
0x69: {  	[tilespmem:s28+$0xFFFFF9B0] =	vst v8  }
0x6a: {  	[tilespmem:s28+$0xFFFFF9C0] =	vst v9  }
0x6b: {  	[tilespmem:s28+$0xFFFFF9D0] =	vst v10  }
0x6c: {  	[tilespmem:s28+$0xFFFFF9E0] =	vst v11  }
0x6d: {  	[tilespmem:s28+$0xFFFFF9F0] =	vst v12;
	s31 =	spop (v2sf);
	(v2sf) =	vpush v4, $0x5  }
0x6e: {  	v5 =	vld [tilespmem:s31+$0x0]  }
0x6f: {  	v6 =	vld [tilespmem:s31+$0x10]  }
0x70: {  	v7 =	vld [tilespmem:s31+$0x20]  }
0x71: {  	v8 =	vld [tilespmem:s31+$0x30]  }
0x72: {  	v9 =	vld [tilespmem:s31+$0x40]  }
0x73: {  	v10 =	vld [tilespmem:s31+$0x50]  }
0x74: {  	v11 =	vld [tilespmem:s31+$0x60]  }
0x75: {  	v12 =	vld [tilespmem:s31+$0x70];
	[tilespmem:s28+$0xFFFFFA00] =	vst v5  }
0x76: {  	[tilespmem:s28+$0xFFFFFA10] =	vst v6  }
0x77: {  	[tilespmem:s28+$0xFFFFFA20] =	vst v7  }
0x78: {  	[tilespmem:s28+$0xFFFFFA30] =	vst v8  }
0x79: {  	[tilespmem:s28+$0xFFFFFA40] =	vst v9  }
0x7a: {  	[tilespmem:s28+$0xFFFFFA50] =	vst v10  }
0x7b: {  	[tilespmem:s28+$0xFFFFFA60] =	vst v11  }
0x7c: {  	[tilespmem:s28+$0xFFFFFA70] =	vst v12;
	s31 =	spop (v2sf);
	(v2sf) =	vpush v4, $0x6  }
0x7d: {  	v5 =	vld [tilespmem:s31+$0x0]  }
0x7e: {  	v6 =	vld [tilespmem:s31+$0x10]  }
0x7f: {  	v7 =	vld [tilespmem:s31+$0x20]  }
0x80: {  	v8 =	vld [tilespmem:s31+$0x30]  }
0x81: {  	v9 =	vld [tilespmem:s31+$0x40]  }
0x82: {  	v10 =	vld [tilespmem:s31+$0x50]  }
0x83: {  	v11 =	vld [tilespmem:s31+$0x60]  }
0x84: {  	v12 =	vld [tilespmem:s31+$0x70];
	[tilespmem:s28+$0xFFFFFA80] =	vst v5  }
0x85: {  	[tilespmem:s28+$0xFFFFFA90] =	vst v6  }
0x86: {  	[tilespmem:s28+$0xFFFFFAA0] =	vst v7  }
0x87: {  	[tilespmem:s28+$0xFFFFFAB0] =	vst v8  }
0x88: {  	[tilespmem:s28+$0xFFFFFAC0] =	vst v9  }
0x89: {  	[tilespmem:s28+$0xFFFFFAD0] =	vst v10  }
0x8a: {  	[tilespmem:s28+$0xFFFFFAE0] =	vst v11  }
0x8b: {  	[tilespmem:s28+$0xFFFFFAF0] =	vst v12;
	s31 =	spop (v2sf);
	(v2sf) =	vpush v4, $0x7  }
0x8c: {  	v5 =	vld [tilespmem:s31+$0x0]  }
0x8d: {  	v6 =	vld [tilespmem:s31+$0x10]  }
0x8e: {  	v7 =	vld [tilespmem:s31+$0x20]  }
0x8f: {  	v8 =	vld [tilespmem:s31+$0x30]  }
0x90: {  	v9 =	vld [tilespmem:s31+$0x40]  }
0x91: {  	v10 =	vld [tilespmem:s31+$0x50]  }
0x92: {  	v11 =	vld [tilespmem:s31+$0x60]  }
0x93: {  	v12 =	vld [tilespmem:s31+$0x70];
	[tilespmem:s28+$0xFFFFFB00] =	vst v5  }
0x94: {  	[tilespmem:s28+$0xFFFFFB10] =	vst v6  }
0x95: {  	[tilespmem:s28+$0xFFFFFB20] =	vst v7  }
0x96: {  	[tilespmem:s28+$0xFFFFFB30] =	vst v8  }
0x97: {  	[tilespmem:s28+$0xFFFFFB40] =	vst v9  }
0x98: {  	[tilespmem:s28+$0xFFFFFB50] =	vst v10  }
0x99: {  	[tilespmem:s28+$0xFFFFFB60] =	vst v11  }
0x9a: {  	[tilespmem:s28+$0xFFFFFB70] =	vst v12;
	s31 =	spop (v2sf);
	(v2sf) =	vpush v4, $0x8  }
0x9b: {  	v5 =	vld [tilespmem:s31+$0x0]  }
0x9c: {  	v6 =	vld [tilespmem:s31+$0x10]  }
0x9d: {  	v7 =	vld [tilespmem:s31+$0x20]  }
0x9e: {  	v8 =	vld [tilespmem:s31+$0x30]  }
0x9f: {  	v9 =	vld [tilespmem:s31+$0x40]  }
0xa0: {  	v10 =	vld [tilespmem:s31+$0x50]  }
0xa1: {  	v11 =	vld [tilespmem:s31+$0x60]  }
0xa2: {  	v12 =	vld [tilespmem:s31+$0x70];
	[tilespmem:s28+$0xFFFFFB80] =	vst v5  }
0xa3: {  	[tilespmem:s28+$0xFFFFFB90] =	vst v6  }
0xa4: {  	[tilespmem:s28+$0xFFFFFBA0] =	vst v7  }
0xa5: {  	[tilespmem:s28+$0xFFFFFBB0] =	vst v8  }
0xa6: {  	[tilespmem:s28+$0xFFFFFBC0] =	vst v9  }
0xa7: {  	[tilespmem:s28+$0xFFFFFBD0] =	vst v10  }
0xa8: {  	[tilespmem:s28+$0xFFFFFBE0] =	vst v11  }
0xa9: {  	[tilespmem:s28+$0xFFFFFBF0] =	vst v12;
	s31 =	spop (v2sf);
	(v2sf) =	vpush v4, $0x9  }
0xaa: {  	v5 =	vld [tilespmem:s31+$0x0]  }
0xab: {  	v6 =	vld [tilespmem:s31+$0x10]  }
0xac: {  	v7 =	vld [tilespmem:s31+$0x20]  }
0xad: {  	v8 =	vld [tilespmem:s31+$0x30]  }
0xae: {  	v9 =	vld [tilespmem:s31+$0x40]  }
0xaf: {  	v10 =	vld [tilespmem:s31+$0x50]  }
0xb0: {  	v11 =	vld [tilespmem:s31+$0x60]  }
0xb1: {  	v12 =	vld [tilespmem:s31+$0x70];
	[tilespmem:s28+$0x0] =	vst v5  }
0xb2: {  	[tilespmem:s28+$0x10] =	vst v6  }
0xb3: {  	[tilespmem:s28+$0x20] =	vst v7  }
0xb4: {  	[tilespmem:s28+$0x30] =	vst v8  }
0xb5: {  	[tilespmem:s28+$0x40] =	vst v9  }
0xb6: {  	[tilespmem:s28+$0x50] =	vst v10  }
0xb7: {  	[tilespmem:s28+$0x60] =	vst v11  }
0xb8: {  	[tilespmem:s28+$0x70] =	vst v12;
	s31 =	spop (v2sf);
	(v2sf) =	vpush v4, $0xA  }
0xb9: {  	v5 =	vld [tilespmem:s31+$0x0]  }
0xba: {  	v6 =	vld [tilespmem:s31+$0x10]  }
0xbb: {  	v7 =	vld [tilespmem:s31+$0x20]  }
0xbc: {  	v8 =	vld [tilespmem:s31+$0x30]  }
0xbd: {  	v9 =	vld [tilespmem:s31+$0x40]  }
0xbe: {  	v10 =	vld [tilespmem:s31+$0x50]  }
0xbf: {  	v11 =	vld [tilespmem:s31+$0x60]  }
0xc0: {  	v12 =	vld [tilespmem:s31+$0x70];
	[tilespmem:s28+$0x80] =	vst v5  }
0xc1: {  	[tilespmem:s28+$0x90] =	vst v6  }
0xc2: {  	[tilespmem:s28+$0xA0] =	vst v7  }
0xc3: {  	[tilespmem:s28+$0xB0] =	vst v8  }
0xc4: {  	[tilespmem:s28+$0xC0] =	vst v9  }
0xc5: {  	[tilespmem:s28+$0xD0] =	vst v10  }
0xc6: {  	[tilespmem:s28+$0xE0] =	vst v11  }
0xc7: {  	[tilespmem:s28+$0xF0] =	vst v12;
	s31 =	spop (v2sf);
	(v2sf) =	vpush v4, $0xB  }
0xc8: {  	v5 =	vld [tilespmem:s31+$0x0]  }
0xc9: {  	v6 =	vld [tilespmem:s31+$0x10]  }
0xca: {  	v7 =	vld [tilespmem:s31+$0x20]  }
0xcb: {  	v8 =	vld [tilespmem:s31+$0x30]  }
0xcc: {  	v9 =	vld [tilespmem:s31+$0x40]  }
0xcd: {  	v10 =	vld [tilespmem:s31+$0x50]  }
0xce: {  	v11 =	vld [tilespmem:s31+$0x60]  }
0xcf: {  	v12 =	vld [tilespmem:s31+$0x70];
	[tilespmem:s28+$0x100] =	vst v5  }
0xd0: {  	[tilespmem:s28+$0x110] =	vst v6  }
0xd1: {  	[tilespmem:s28+$0x120] =	vst v7  }
0xd2: {  	[tilespmem:s28+$0x130] =	vst v8  }
0xd3: {  	[tilespmem:s28+$0x140] =	vst v9  }
0xd4: {  	[tilespmem:s28+$0x150] =	vst v10  }
0xd5: {  	[tilespmem:s28+$0x160] =	vst v11  }
0xd6: {  	[tilespmem:s28+$0x170] =	vst v12;
	s31 =	spop (v2sf);
	(v2sf) =	vpush v4, $0xC  }
0xd7: {  	v5 =	vld [tilespmem:s31+$0x0]  }
0xd8: {  	v6 =	vld [tilespmem:s31+$0x10]  }
0xd9: {  	v7 =	vld [tilespmem:s31+$0x20]  }
0xda: {  	v8 =	vld [tilespmem:s31+$0x30]  }
0xdb: {  	v9 =	vld [tilespmem:s31+$0x40]  }
0xdc: {  	v10 =	vld [tilespmem:s31+$0x50]  }
0xdd: {  	v11 =	vld [tilespmem:s31+$0x60]  }
0xde: {  	v12 =	vld [tilespmem:s31+$0x70];
	[tilespmem:s28+$0x180] =	vst v5  }
0xdf: {  	[tilespmem:s28+$0x190] =	vst v6  }
0xe0: {  	[tilespmem:s28+$0x1A0] =	vst v7  }
0xe1: {  	[tilespmem:s28+$0x1B0] =	vst v8  }
0xe2: {  	[tilespmem:s28+$0x1C0] =	vst v9  }
0xe3: {  	[tilespmem:s28+$0x1D0] =	vst v10  }
0xe4: {  	[tilespmem:s28+$0x1E0] =	vst v11  }
0xe5: {  	[tilespmem:s28+$0x1F0] =	vst v12;
	s31 =	spop (v2sf);
	(v2sf) =	vpush v4, $0xD  }
0xe6: {  	v5 =	vld [tilespmem:s31+$0x0]  }
0xe7: {  	v6 =	vld [tilespmem:s31+$0x10]  }
0xe8: {  	v7 =	vld [tilespmem:s31+$0x20]  }
0xe9: {  	v8 =	vld [tilespmem:s31+$0x30]  }
0xea: {  	v9 =	vld [tilespmem:s31+$0x40]  }
0xeb: {  	v10 =	vld [tilespmem:s31+$0x50]  }
0xec: {  	v11 =	vld [tilespmem:s31+$0x60]  }
0xed: {  	v12 =	vld [tilespmem:s31+$0x70];
	[tilespmem:s28+$0x200] =	vst v5  }
0xee: {  	[tilespmem:s28+$0x210] =	vst v6  }
0xef: {  	[tilespmem:s28+$0x220] =	vst v7  }
0xf0: {  	[tilespmem:s28+$0x230] =	vst v8  }
0xf1: {  	[tilespmem:s28+$0x240] =	vst v9  }
0xf2: {  	[tilespmem:s28+$0x250] =	vst v10  }
0xf3: {  	[tilespmem:s28+$0x260] =	vst v11  }
0xf4: {  	[tilespmem:s28+$0x270] =	vst v12;
	s31 =	spop (v2sf);
	(v2sf) =	vpush v4, $0xE  }
0xf5: {  	v5 =	vld [tilespmem:s31+$0x0]  }
0xf6: {  	v6 =	vld [tilespmem:s31+$0x10]  }
0xf7: {  	v7 =	vld [tilespmem:s31+$0x20]  }
0xf8: {  	v8 =	vld [tilespmem:s31+$0x30]  }
0xf9: {  	v9 =	vld [tilespmem:s31+$0x40]  }
0xfa: {  	v10 =	vld [tilespmem:s31+$0x50]  }
0xfb: {  	v11 =	vld [tilespmem:s31+$0x60]  }
0xfc: {  	v12 =	vld [tilespmem:s31+$0x70];
	[tilespmem:s28+$0x280] =	vst v5  }
0xfd: {  	[tilespmem:s28+$0x290] =	vst v6  }
0xfe: {  	[tilespmem:s28+$0x2A0] =	vst v7  }
0xff: {  	[tilespmem:s28+$0x2B0] =	vst v8  }
0x100: {  	[tilespmem:s28+$0x2C0] =	vst v9  }
0x101: {  	[tilespmem:s28+$0x2D0] =	vst v10  }
0x102: {  	[tilespmem:s28+$0x2E0] =	vst v11  }
0x103: {  	[tilespmem:s28+$0x2F0] =	vst v12;
	s31 =	spop (v2sf);
	(v2sf) =	vpush v4, $0xF  }
0x104: {  	v5 =	vld [tilespmem:s31+$0x0]  }
0x105: {  	v4 =	vld [tilespmem:s31+$0x10]  }
0x106: {  	v6 =	vld [tilespmem:s31+$0x20]  }
0x107: {  	v7 =	vld [tilespmem:s31+$0x30]  }
0x108: {  	v8 =	vld [tilespmem:s31+$0x40]  }
0x109: {  	v9 =	vld [tilespmem:s31+$0x50]  }
0x10a: {  	v10 =	vld [tilespmem:s31+$0x60]  }
0x10b: {  	v11 =	vld [tilespmem:s31+$0x70];
	[tilespmem:s28+$0x300] =	vst v5  }
0x10c: {  	[tilespmem:s28+$0x310] =	vst v4  }
0x10d: {  	[tilespmem:s28+$0x320] =	vst v6  }
0x10e: {  	[tilespmem:s28+$0x330] =	vst v7  }
0x10f: {  	[tilespmem:s28+$0x340] =	vst v8  }
0x110: {  	[tilespmem:s28+$0x350] =	vst v9  }
0x111: {  	[tilespmem:s28+$0x360] =	vst v10  }
0x112: {  	[tilespmem:s28+$0x370] =	vst v11;
	s31 =	spop (v2sf)  }
0x113: {  	v4 =	vld [tilespmem:s31+$0x0]  }
0x114: {  	v5 =	vld [tilespmem:s31+$0x10]  }
0x115: {  	v6 =	vld [tilespmem:s31+$0x20]  }
0x116: {  	v7 =	vld [tilespmem:s31+$0x30]  }
0x117: {  	v8 =	vld [tilespmem:s31+$0x40]  }
0x118: {  	v9 =	vld [tilespmem:s31+$0x50]  }
0x119: {  	v10 =	vld [tilespmem:s31+$0x60]  }
0x11a: {  	v11 =	vld [tilespmem:s31+$0x70];
	[tilespmem:s28+$0x380] =	vst v4  }
0x11b: {  	[tilespmem:s28+$0x390] =	vst v5  }
0x11c: {  	p1 =	sne.s32 s29, $0x240;
	[tilespmem:s28+$0x3A0] =	vst v6  }
.Ltmp4:
0x11d: {  	[tilespmem:s28+$0x3B0] =	vst v7;
	(pc) =	sbr.rel @p1 .LBB2_3-.Ltmp4, $4  }
0x11e: {  	[tilespmem:s28+$0x3C0] =	vst v8  }
0x11f: {  	[tilespmem:s28+$0x3D0] =	vst v9  }
0x120: {  	[tilespmem:s28+$0x3E0] =	vst v10  }
0x121: {  	s29 =	sadd.s32 $0x40, s29;
	[tilespmem:s28+$0x3F0] =	vst v11;
	s28 =	sadd.s32 $0x1000, s28  }
0x122: {  	s28 =	simm.s32 $0x3D00  }
0x123: {  	v4 =	vld [tilespmem:s28+$0x0];
	_ =	sdelay $0x3  }
0x124: {  	v5 =	vmov s26  }
0x125: {  	v5 =	vshll.u32 v5, $0x8  }
0x126: {  	v5 =	vor.u32 v0, v5  }
0x127: {  	v5 =	vand.u32 $0xF800, v5  }
0x128: {  	v7 =	vor.u32 v1, v5;
	v6 =	vld.idx.msk [tilespmem:v4+s13+$0x0], $0xffff  }
0x129: {  	v8 =	vadd.s32 $0x80, v4;
	_ =	sdelay $0x3  }
0x12a: {  	[tilespmem:v7+s17+$0x0] =	vst.idx.msk $0xffff, v6  }
0x12b: {  	v7 =	vor.u32 v2, v5;
	v6 =	vld.idx.msk [tilespmem:v8+s13+$0x0], $0xffff  }
0x12c: {  	v4 =	vadd.s32 $0x100, v4;
	_ =	sdelay $0x3  }
0x12d: {  	[tilespmem:v7+s17+$0x0] =	vst.idx.msk $0xffff, v6  }
0x12e: {  	s26 =	simm.s32 $0x10;
	v5 =	vor.u32 v3, v5;
	v4 =	vld.idx.msk [tilespmem:v4+s13+$0x0], $0xffff  }
.LBB2_5:
0x12f: {  	_ =	sdelay $0x2  }
0x130: {  	p1 =	sne.s32 s26, $0x90  }
0x131: {  	s28 =	sadd.s32 $0x10, s28;
	s29 =	smov.u32 s26;
	s26 =	sadd.s32 $0x10, s26;
	[tilespmem:v5+s17+$0x0] =	vst.idx.msk $0xffff, v4  }
0x132: {  	v4 =	vld [tilespmem:s28+$0x0];
	_ =	sdelay $0x4  }
0x133: {  	v5 =	vmov s29  }
0x134: {  	v5 =	vshll.u32 v5, $0x8  }
0x135: {  	v5 =	vor.u32 v0, v5  }
0x136: {  	v5 =	vand.u32 $0xF800, v5;
	v6 =	vld.idx.msk [tilespmem:v4+s13+$0x0], $0xffff  }
0x137: {  	v7 =	vor.u32 v1, v5  }
0x138: {  	v8 =	vadd.s32 $0x80, v4;
	_ =	sdelay $0x3  }
0x139: {  	[tilespmem:v7+s17+$0x0] =	vst.idx.msk $0xffff, v6  }
0x13a: {  	v6 =	vld.idx.msk [tilespmem:v8+s13+$0x0], $0xffff  }
0x13b: {  	v7 =	vor.u32 v2, v5  }
0x13c: {  	v4 =	vadd.s32 $0x100, v4;
	_ =	sdelay $0x1  }
.Ltmp5:
0x13d: {  	(pc) =	sbr.rel @p1 .LBB2_5-.Ltmp5, $4  }
0x13e: {  	_ = 	snop  }
0x13f: {  	[tilespmem:v7+s17+$0x0] =	vst.idx.msk $0xffff, v6  }
0x140: {  	v4 =	vld.idx.msk [tilespmem:v4+s13+$0x0], $0xffff  }
0x141: {  	v5 =	vor.u32 v3, v5  }
0x142: {  	s26 =	sadd.s32 $0x2, s24  }
0x143: {  	p1 =	sge.u32 s26, s8  }
0x144: {  	s26 =	sshll.u32 @!p1 s26, $0x5  }
0x145: {  	s26 =	sor.u32 @!p1 s6, s26  }
0x146: {  	s26 =	smul.u32 @!p1 $0x14, s26  }
0x147: {  	s25 =	smul.u32 $0x1400, s25  }
0x148: {  	s28 =	simm.s32 @!p1 $0x0;
	s29 =	simm.s32 @!p1 $0x3D00;
	[tilespmem:v5+s17+$0x0] =	vst.idx.msk $0xffff, v4;
	s26 =	sadd.s32 @!p1 s4, s26  }
0x149: {  	[tilespmem:s29], [sflag:$0x1] =	stream.linear.gather @!p1 [hbm4b:s26+s28], $0xA0, $0x38;
	[tilespmem:$0x17F00] =	vst v63  }
0x14a: {  	s25 =	sadd.s32 s7, s25  }
0x14b: {  	[hbm4b:s25+s5] =	stream.linear.scatter [tilespmem:s17], [sflag:$0x3], $0xA000, $0x38;
	[tilespmem:$0x17F00] =	vst v63  }
0x14c: {  	s25 =	sor.u32 $0x1, s24  }
0x14d: {  	p1 =	sge.u32 s25, s8  }
.Ltmp6:
0x14e: {  	_ = 	snop;
	(pc) =	sbr.rel @p1 .LBB2_12-.Ltmp6, $1  }
0x14f: {  	_ =	sdelay $0x3  }
0x150: {  	_ =	swait.ge [sflag:s18], $0xA0  }
0x151: {  	[sflag:s18] =	ssyncset.done $0x0  }
0x152: {  	s26 =	simm.s32 @!p0 $0x4;
	[sflag:s18] =	ssyncadd.s32 $0xFFFFFF60  }
0x153: {  	s25 =	sshll.u32 s25, $0x5;
	_ =	swait.ge @!p0 [sflag:s26], $0xA000  }
0x154: {  	s28 =	simm.s32 $0xE700;
	s29 =	simm.s32 $0x0;
	[sflag:s26] =	ssyncset.done @!p0 $0x0  }
0x155: {  	s25 =	sor.u32 s6, s25;
	[sflag:s26] =	ssyncadd.s32 @!p0 $0xFFFF6000;
	s26 =	simm.s32 $0x0  }
.LBB2_8:
0x156: {  	s30 =	sshra.s32 s29, $0x2  }
0x157: {  	v4 =	vld [tilespmem:s30+$0x3E00];
	_ =	sdelay $0x4  }
0x158: {  	v4 =	vshll.u32 v4, $0x9  }
0x159: {  	v4 =	vshra.s32 v4, $0x2  }
0x15a: {  	(v2sf) =	vpush v4, $0x0;
	_ =	sdelay $0xe  }
0x15b: {  	s31 =	spop (v2sf);
	(v2sf) =	vpush v4, $0x1  }
0x15c: {  	v5 =	vld [tilespmem:s31+$0x0]  }
0x15d: {  	v6 =	vld [tilespmem:s31+$0x10]  }
0x15e: {  	v7 =	vld [tilespmem:s31+$0x20]  }
0x15f: {  	v8 =	vld [tilespmem:s31+$0x30]  }
0x160: {  	v9 =	vld [tilespmem:s31+$0x40]  }
0x161: {  	v10 =	vld [tilespmem:s31+$0x50]  }
0x162: {  	v11 =	vld [tilespmem:s31+$0x60]  }
0x163: {  	v12 =	vld [tilespmem:s31+$0x70];
	[tilespmem:s28+$0xFFFFF800] =	vst v5  }
0x164: {  	[tilespmem:s28+$0xFFFFF810] =	vst v6  }
0x165: {  	[tilespmem:s28+$0xFFFFF820] =	vst v7  }
0x166: {  	[tilespmem:s28+$0xFFFFF830] =	vst v8  }
0x167: {  	[tilespmem:s28+$0xFFFFF840] =	vst v9  }
0x168: {  	[tilespmem:s28+$0xFFFFF850] =	vst v10  }
0x169: {  	[tilespmem:s28+$0xFFFFF860] =	vst v11  }
0x16a: {  	[tilespmem:s28+$0xFFFFF870] =	vst v12;
	s31 =	spop (v2sf);
	(v2sf) =	vpush v4, $0x2  }
0x16b: {  	v5 =	vld [tilespmem:s31+$0x0]  }
0x16c: {  	v6 =	vld [tilespmem:s31+$0x10]  }
0x16d: {  	v7 =	vld [tilespmem:s31+$0x20]  }
0x16e: {  	v8 =	vld [tilespmem:s31+$0x30]  }
0x16f: {  	v9 =	vld [tilespmem:s31+$0x40]  }
0x170: {  	v10 =	vld [tilespmem:s31+$0x50]  }
0x171: {  	v11 =	vld [tilespmem:s31+$0x60]  }
0x172: {  	v12 =	vld [tilespmem:s31+$0x70];
	[tilespmem:s28+$0xFFFFF880] =	vst v5  }
0x173: {  	[tilespmem:s28+$0xFFFFF890] =	vst v6  }
0x174: {  	[tilespmem:s28+$0xFFFFF8A0] =	vst v7  }
0x175: {  	[tilespmem:s28+$0xFFFFF8B0] =	vst v8  }
0x176: {  	[tilespmem:s28+$0xFFFFF8C0] =	vst v9  }
0x177: {  	[tilespmem:s28+$0xFFFFF8D0] =	vst v10  }
0x178: {  	[tilespmem:s28+$0xFFFFF8E0] =	vst v11  }
0x179: {  	[tilespmem:s28+$0xFFFFF8F0] =	vst v12;
	s31 =	spop (v2sf);
	(v2sf) =	vpush v4, $0x3  }
0x17a: {  	v5 =	vld [tilespmem:s31+$0x0]  }
0x17b: {  	v6 =	vld [tilespmem:s31+$0x10]  }
0x17c: {  	v7 =	vld [tilespmem:s31+$0x20]  }
0x17d: {  	v8 =	vld [tilespmem:s31+$0x30]  }
0x17e: {  	v9 =	vld [tilespmem:s31+$0x40]  }
0x17f: {  	v10 =	vld [tilespmem:s31+$0x50]  }
0x180: {  	v11 =	vld [tilespmem:s31+$0x60]  }
0x181: {  	v12 =	vld [tilespmem:s31+$0x70];
	[tilespmem:s28+$0xFFFFF900] =	vst v5  }
0x182: {  	[tilespmem:s28+$0xFFFFF910] =	vst v6  }
0x183: {  	[tilespmem:s28+$0xFFFFF920] =	vst v7  }
0x184: {  	[tilespmem:s28+$0xFFFFF930] =	vst v8  }
0x185: {  	[tilespmem:s28+$0xFFFFF940] =	vst v9  }
0x186: {  	[tilespmem:s28+$0xFFFFF950] =	vst v10  }
0x187: {  	[tilespmem:s28+$0xFFFFF960] =	vst v11  }
0x188: {  	[tilespmem:s28+$0xFFFFF970] =	vst v12;
	s31 =	spop (v2sf);
	(v2sf) =	vpush v4, $0x4  }
0x189: {  	v5 =	vld [tilespmem:s31+$0x0]  }
0x18a: {  	v6 =	vld [tilespmem:s31+$0x10]  }
0x18b: {  	v7 =	vld [tilespmem:s31+$0x20]  }
0x18c: {  	v8 =	vld [tilespmem:s31+$0x30]  }
0x18d: {  	v9 =	vld [tilespmem:s31+$0x40]  }
0x18e: {  	v10 =	vld [tilespmem:s31+$0x50]  }
0x18f: {  	v11 =	vld [tilespmem:s31+$0x60]  }
0x190: {  	v12 =	vld [tilespmem:s31+$0x70];
	[tilespmem:s28+$0xFFFFF980] =	vst v5  }
0x191: {  	[tilespmem:s28+$0xFFFFF990] =	vst v6  }
0x192: {  	[tilespmem:s28+$0xFFFFF9A0] =	vst v7  }
0x193: {  	[tilespmem:s28+$0xFFFFF9B0] =	vst v8  }
0x194: {  	[tilespmem:s28+$0xFFFFF9C0] =	vst v9  }
0x195: {  	[tilespmem:s28+$0xFFFFF9D0] =	vst v10  }
0x196: {  	[tilespmem:s28+$0xFFFFF9E0] =	vst v11  }
0x197: {  	[tilespmem:s28+$0xFFFFF9F0] =	vst v12;
	s31 =	spop (v2sf);
	(v2sf) =	vpush v4, $0x5  }
0x198: {  	v5 =	vld [tilespmem:s31+$0x0]  }
0x199: {  	v6 =	vld [tilespmem:s31+$0x10]  }
0x19a: {  	v7 =	vld [tilespmem:s31+$0x20]  }
0x19b: {  	v8 =	vld [tilespmem:s31+$0x30]  }
0x19c: {  	v9 =	vld [tilespmem:s31+$0x40]  }
0x19d: {  	v10 =	vld [tilespmem:s31+$0x50]  }
0x19e: {  	v11 =	vld [tilespmem:s31+$0x60]  }
0x19f: {  	v12 =	vld [tilespmem:s31+$0x70];
	[tilespmem:s28+$0xFFFFFA00] =	vst v5  }
0x1a0: {  	[tilespmem:s28+$0xFFFFFA10] =	vst v6  }
0x1a1: {  	[tilespmem:s28+$0xFFFFFA20] =	vst v7  }
0x1a2: {  	[tilespmem:s28+$0xFFFFFA30] =	vst v8  }
0x1a3: {  	[tilespmem:s28+$0xFFFFFA40] =	vst v9  }
0x1a4: {  	[tilespmem:s28+$0xFFFFFA50] =	vst v10  }
0x1a5: {  	[tilespmem:s28+$0xFFFFFA60] =	vst v11  }
0x1a6: {  	[tilespmem:s28+$0xFFFFFA70] =	vst v12;
	s31 =	spop (v2sf);
	(v2sf) =	vpush v4, $0x6  }
0x1a7: {  	v5 =	vld [tilespmem:s31+$0x0]  }
0x1a8: {  	v6 =	vld [tilespmem:s31+$0x10]  }
0x1a9: {  	v7 =	vld [tilespmem:s31+$0x20]  }
0x1aa: {  	v8 =	vld [tilespmem:s31+$0x30]  }
0x1ab: {  	v9 =	vld [tilespmem:s31+$0x40]  }
0x1ac: {  	v10 =	vld [tilespmem:s31+$0x50]  }
0x1ad: {  	v11 =	vld [tilespmem:s31+$0x60]  }
0x1ae: {  	v12 =	vld [tilespmem:s31+$0x70];
	[tilespmem:s28+$0xFFFFFA80] =	vst v5  }
0x1af: {  	[tilespmem:s28+$0xFFFFFA90] =	vst v6  }
0x1b0: {  	[tilespmem:s28+$0xFFFFFAA0] =	vst v7  }
0x1b1: {  	[tilespmem:s28+$0xFFFFFAB0] =	vst v8  }
0x1b2: {  	[tilespmem:s28+$0xFFFFFAC0] =	vst v9  }
0x1b3: {  	[tilespmem:s28+$0xFFFFFAD0] =	vst v10  }
0x1b4: {  	[tilespmem:s28+$0xFFFFFAE0] =	vst v11  }
0x1b5: {  	[tilespmem:s28+$0xFFFFFAF0] =	vst v12;
	s31 =	spop (v2sf);
	(v2sf) =	vpush v4, $0x7  }
0x1b6: {  	v5 =	vld [tilespmem:s31+$0x0]  }
0x1b7: {  	v6 =	vld [tilespmem:s31+$0x10]  }
0x1b8: {  	v7 =	vld [tilespmem:s31+$0x20]  }
0x1b9: {  	v8 =	vld [tilespmem:s31+$0x30]  }
0x1ba: {  	v9 =	vld [tilespmem:s31+$0x40]  }
0x1bb: {  	v10 =	vld [tilespmem:s31+$0x50]  }
0x1bc: {  	v11 =	vld [tilespmem:s31+$0x60]  }
0x1bd: {  	v12 =	vld [tilespmem:s31+$0x70];
	[tilespmem:s28+$0xFFFFFB00] =	vst v5  }
0x1be: {  	[tilespmem:s28+$0xFFFFFB10] =	vst v6  }
0x1bf: {  	[tilespmem:s28+$0xFFFFFB20] =	vst v7  }
0x1c0: {  	[tilespmem:s28+$0xFFFFFB30] =	vst v8  }
0x1c1: {  	[tilespmem:s28+$0xFFFFFB40] =	vst v9  }
0x1c2: {  	[tilespmem:s28+$0xFFFFFB50] =	vst v10  }
0x1c3: {  	[tilespmem:s28+$0xFFFFFB60] =	vst v11  }
0x1c4: {  	[tilespmem:s28+$0xFFFFFB70] =	vst v12;
	s31 =	spop (v2sf);
	(v2sf) =	vpush v4, $0x8  }
0x1c5: {  	v5 =	vld [tilespmem:s31+$0x0]  }
0x1c6: {  	v6 =	vld [tilespmem:s31+$0x10]  }
0x1c7: {  	v7 =	vld [tilespmem:s31+$0x20]  }
0x1c8: {  	v8 =	vld [tilespmem:s31+$0x30]  }
0x1c9: {  	v9 =	vld [tilespmem:s31+$0x40]  }
0x1ca: {  	v10 =	vld [tilespmem:s31+$0x50]  }
0x1cb: {  	v11 =	vld [tilespmem:s31+$0x60]  }
0x1cc: {  	v12 =	vld [tilespmem:s31+$0x70];
	[tilespmem:s28+$0xFFFFFB80] =	vst v5  }
0x1cd: {  	[tilespmem:s28+$0xFFFFFB90] =	vst v6  }
0x1ce: {  	[tilespmem:s28+$0xFFFFFBA0] =	vst v7  }
0x1cf: {  	[tilespmem:s28+$0xFFFFFBB0] =	vst v8  }
0x1d0: {  	[tilespmem:s28+$0xFFFFFBC0] =	vst v9  }
0x1d1: {  	[tilespmem:s28+$0xFFFFFBD0] =	vst v10  }
0x1d2: {  	[tilespmem:s28+$0xFFFFFBE0] =	vst v11  }
0x1d3: {  	[tilespmem:s28+$0xFFFFFBF0] =	vst v12;
	s31 =	spop (v2sf);
	(v2sf) =	vpush v4, $0x9  }
0x1d4: {  	v5 =	vld [tilespmem:s31+$0x0]  }
0x1d5: {  	v6 =	vld [tilespmem:s31+$0x10]  }
0x1d6: {  	v7 =	vld [tilespmem:s31+$0x20]  }
0x1d7: {  	v8 =	vld [tilespmem:s31+$0x30]  }
0x1d8: {  	v9 =	vld [tilespmem:s31+$0x40]  }
0x1d9: {  	v10 =	vld [tilespmem:s31+$0x50]  }
0x1da: {  	v11 =	vld [tilespmem:s31+$0x60]  }
0x1db: {  	v12 =	vld [tilespmem:s31+$0x70];
	[tilespmem:s28+$0x0] =	vst v5  }
0x1dc: {  	[tilespmem:s28+$0x10] =	vst v6  }
0x1dd: {  	[tilespmem:s28+$0x20] =	vst v7  }
0x1de: {  	[tilespmem:s28+$0x30] =	vst v8  }
0x1df: {  	[tilespmem:s28+$0x40] =	vst v9  }
0x1e0: {  	[tilespmem:s28+$0x50] =	vst v10  }
0x1e1: {  	[tilespmem:s28+$0x60] =	vst v11  }
0x1e2: {  	[tilespmem:s28+$0x70] =	vst v12;
	s31 =	spop (v2sf);
	(v2sf) =	vpush v4, $0xA  }
0x1e3: {  	v5 =	vld [tilespmem:s31+$0x0]  }
0x1e4: {  	v6 =	vld [tilespmem:s31+$0x10]  }
0x1e5: {  	v7 =	vld [tilespmem:s31+$0x20]  }
0x1e6: {  	v8 =	vld [tilespmem:s31+$0x30]  }
0x1e7: {  	v9 =	vld [tilespmem:s31+$0x40]  }
0x1e8: {  	v10 =	vld [tilespmem:s31+$0x50]  }
0x1e9: {  	v11 =	vld [tilespmem:s31+$0x60]  }
0x1ea: {  	v12 =	vld [tilespmem:s31+$0x70];
	[tilespmem:s28+$0x80] =	vst v5  }
0x1eb: {  	[tilespmem:s28+$0x90] =	vst v6  }
0x1ec: {  	[tilespmem:s28+$0xA0] =	vst v7  }
0x1ed: {  	[tilespmem:s28+$0xB0] =	vst v8  }
0x1ee: {  	[tilespmem:s28+$0xC0] =	vst v9  }
0x1ef: {  	[tilespmem:s28+$0xD0] =	vst v10  }
0x1f0: {  	[tilespmem:s28+$0xE0] =	vst v11  }
0x1f1: {  	[tilespmem:s28+$0xF0] =	vst v12;
	s31 =	spop (v2sf);
	(v2sf) =	vpush v4, $0xB  }
0x1f2: {  	v5 =	vld [tilespmem:s31+$0x0]  }
0x1f3: {  	v6 =	vld [tilespmem:s31+$0x10]  }
0x1f4: {  	v7 =	vld [tilespmem:s31+$0x20]  }
0x1f5: {  	v8 =	vld [tilespmem:s31+$0x30]  }
0x1f6: {  	v9 =	vld [tilespmem:s31+$0x40]  }
0x1f7: {  	v10 =	vld [tilespmem:s31+$0x50]  }
0x1f8: {  	v11 =	vld [tilespmem:s31+$0x60]  }
0x1f9: {  	v12 =	vld [tilespmem:s31+$0x70];
	[tilespmem:s28+$0x100] =	vst v5  }
0x1fa: {  	[tilespmem:s28+$0x110] =	vst v6  }
0x1fb: {  	[tilespmem:s28+$0x120] =	vst v7  }
0x1fc: {  	[tilespmem:s28+$0x130] =	vst v8  }
0x1fd: {  	[tilespmem:s28+$0x140] =	vst v9  }
0x1fe: {  	[tilespmem:s28+$0x150] =	vst v10  }
0x1ff: {  	[tilespmem:s28+$0x160] =	vst v11  }
0x200: {  	[tilespmem:s28+$0x170] =	vst v12;
	s31 =	spop (v2sf);
	(v2sf) =	vpush v4, $0xC  }
0x201: {  	v5 =	vld [tilespmem:s31+$0x0]  }
0x202: {  	v6 =	vld [tilespmem:s31+$0x10]  }
0x203: {  	v7 =	vld [tilespmem:s31+$0x20]  }
0x204: {  	v8 =	vld [tilespmem:s31+$0x30]  }
0x205: {  	v9 =	vld [tilespmem:s31+$0x40]  }
0x206: {  	v10 =	vld [tilespmem:s31+$0x50]  }
0x207: {  	v11 =	vld [tilespmem:s31+$0x60]  }
0x208: {  	v12 =	vld [tilespmem:s31+$0x70];
	[tilespmem:s28+$0x180] =	vst v5  }
0x209: {  	[tilespmem:s28+$0x190] =	vst v6  }
0x20a: {  	[tilespmem:s28+$0x1A0] =	vst v7  }
0x20b: {  	[tilespmem:s28+$0x1B0] =	vst v8  }
0x20c: {  	[tilespmem:s28+$0x1C0] =	vst v9  }
0x20d: {  	[tilespmem:s28+$0x1D0] =	vst v10  }
0x20e: {  	[tilespmem:s28+$0x1E0] =	vst v11  }
0x20f: {  	[tilespmem:s28+$0x1F0] =	vst v12;
	s31 =	spop (v2sf);
	(v2sf) =	vpush v4, $0xD  }
0x210: {  	v5 =	vld [tilespmem:s31+$0x0]  }
0x211: {  	v6 =	vld [tilespmem:s31+$0x10]  }
0x212: {  	v7 =	vld [tilespmem:s31+$0x20]  }
0x213: {  	v8 =	vld [tilespmem:s31+$0x30]  }
0x214: {  	v9 =	vld [tilespmem:s31+$0x40]  }
0x215: {  	v10 =	vld [tilespmem:s31+$0x50]  }
0x216: {  	v11 =	vld [tilespmem:s31+$0x60]  }
0x217: {  	v12 =	vld [tilespmem:s31+$0x70];
	[tilespmem:s28+$0x200] =	vst v5  }
0x218: {  	[tilespmem:s28+$0x210] =	vst v6  }
0x219: {  	[tilespmem:s28+$0x220] =	vst v7  }
0x21a: {  	[tilespmem:s28+$0x230] =	vst v8  }
0x21b: {  	[tilespmem:s28+$0x240] =	vst v9  }
0x21c: {  	[tilespmem:s28+$0x250] =	vst v10  }
0x21d: {  	[tilespmem:s28+$0x260] =	vst v11  }
0x21e: {  	[tilespmem:s28+$0x270] =	vst v12;
	s31 =	spop (v2sf);
	(v2sf) =	vpush v4, $0xE  }
0x21f: {  	v5 =	vld [tilespmem:s31+$0x0]  }
0x220: {  	v6 =	vld [tilespmem:s31+$0x10]  }
0x221: {  	v7 =	vld [tilespmem:s31+$0x20]  }
0x222: {  	v8 =	vld [tilespmem:s31+$0x30]  }
0x223: {  	v9 =	vld [tilespmem:s31+$0x40]  }
0x224: {  	v10 =	vld [tilespmem:s31+$0x50]  }
0x225: {  	v11 =	vld [tilespmem:s31+$0x60]  }
0x226: {  	v12 =	vld [tilespmem:s31+$0x70];
	[tilespmem:s28+$0x280] =	vst v5  }
0x227: {  	[tilespmem:s28+$0x290] =	vst v6  }
0x228: {  	[tilespmem:s28+$0x2A0] =	vst v7  }
0x229: {  	[tilespmem:s28+$0x2B0] =	vst v8  }
0x22a: {  	[tilespmem:s28+$0x2C0] =	vst v9  }
0x22b: {  	[tilespmem:s28+$0x2D0] =	vst v10  }
0x22c: {  	[tilespmem:s28+$0x2E0] =	vst v11  }
0x22d: {  	[tilespmem:s28+$0x2F0] =	vst v12;
	s31 =	spop (v2sf);
	(v2sf) =	vpush v4, $0xF  }
0x22e: {  	v5 =	vld [tilespmem:s31+$0x0]  }
0x22f: {  	v4 =	vld [tilespmem:s31+$0x10]  }
0x230: {  	v6 =	vld [tilespmem:s31+$0x20]  }
0x231: {  	v7 =	vld [tilespmem:s31+$0x30]  }
0x232: {  	v8 =	vld [tilespmem:s31+$0x40]  }
0x233: {  	v9 =	vld [tilespmem:s31+$0x50]  }
0x234: {  	v10 =	vld [tilespmem:s31+$0x60]  }
0x235: {  	v11 =	vld [tilespmem:s31+$0x70];
	[tilespmem:s28+$0x300] =	vst v5  }
0x236: {  	[tilespmem:s28+$0x310] =	vst v4  }
0x237: {  	[tilespmem:s28+$0x320] =	vst v6  }
0x238: {  	[tilespmem:s28+$0x330] =	vst v7  }
0x239: {  	[tilespmem:s28+$0x340] =	vst v8  }
0x23a: {  	[tilespmem:s28+$0x350] =	vst v9  }
0x23b: {  	[tilespmem:s28+$0x360] =	vst v10  }
0x23c: {  	[tilespmem:s28+$0x370] =	vst v11;
	s31 =	spop (v2sf)  }
0x23d: {  	v4 =	vld [tilespmem:s31+$0x0]  }
0x23e: {  	v5 =	vld [tilespmem:s31+$0x10]  }
0x23f: {  	v6 =	vld [tilespmem:s31+$0x20]  }
0x240: {  	v7 =	vld [tilespmem:s31+$0x30]  }
0x241: {  	v8 =	vld [tilespmem:s31+$0x40]  }
0x242: {  	v9 =	vld [tilespmem:s31+$0x50]  }
0x243: {  	v10 =	vld [tilespmem:s31+$0x60]  }
0x244: {  	v11 =	vld [tilespmem:s31+$0x70];
	[tilespmem:s28+$0x380] =	vst v4  }
0x245: {  	[tilespmem:s28+$0x390] =	vst v5  }
0x246: {  	p0 =	sne.s32 s29, $0x240;
	[tilespmem:s28+$0x3A0] =	vst v6  }
.Ltmp7:
0x247: {  	[tilespmem:s28+$0x3B0] =	vst v7;
	(pc) =	sbr.rel @p0 .LBB2_8-.Ltmp7, $4  }
0x248: {  	[tilespmem:s28+$0x3C0] =	vst v8  }
0x249: {  	[tilespmem:s28+$0x3D0] =	vst v9  }
0x24a: {  	[tilespmem:s28+$0x3E0] =	vst v10  }
0x24b: {  	s29 =	sadd.s32 $0x40, s29;
	[tilespmem:s28+$0x3F0] =	vst v11;
	s28 =	sadd.s32 $0x1000, s28  }
0x24c: {  	s28 =	simm.s32 $0x3E00  }
0x24d: {  	v4 =	vld [tilespmem:s28+$0x0];
	_ =	sdelay $0x3  }
0x24e: {  	v5 =	vmov s26  }
0x24f: {  	v5 =	vshll.u32 v5, $0x8  }
0x250: {  	v5 =	vor.u32 v0, v5  }
0x251: {  	v5 =	vand.u32 $0xF800, v5  }
0x252: {  	v7 =	vor.u32 v1, v5;
	v6 =	vld.idx.msk [tilespmem:v4+s13+$0x0], $0xffff  }
0x253: {  	v8 =	vadd.s32 $0x80, v4;
	_ =	sdelay $0x3  }
0x254: {  	[tilespmem:v7+s19+$0x0] =	vst.idx.msk $0xffff, v6  }
0x255: {  	v7 =	vor.u32 v2, v5;
	v6 =	vld.idx.msk [tilespmem:v8+s13+$0x0], $0xffff  }
0x256: {  	v4 =	vadd.s32 $0x100, v4;
	_ =	sdelay $0x3  }
0x257: {  	[tilespmem:v7+s19+$0x0] =	vst.idx.msk $0xffff, v6  }
0x258: {  	s26 =	simm.s32 $0x10;
	v5 =	vor.u32 v3, v5;
	v4 =	vld.idx.msk [tilespmem:v4+s13+$0x0], $0xffff  }
.LBB2_10:
0x259: {  	_ =	sdelay $0x2  }
0x25a: {  	p0 =	sne.s32 s26, $0x90  }
0x25b: {  	s28 =	sadd.s32 $0x10, s28;
	s29 =	smov.u32 s26;
	s26 =	sadd.s32 $0x10, s26;
	[tilespmem:v5+s19+$0x0] =	vst.idx.msk $0xffff, v4  }
0x25c: {  	v4 =	vld [tilespmem:s28+$0x0];
	_ =	sdelay $0x4  }
0x25d: {  	v5 =	vmov s29  }
0x25e: {  	v5 =	vshll.u32 v5, $0x8  }
0x25f: {  	v5 =	vor.u32 v0, v5  }
0x260: {  	v5 =	vand.u32 $0xF800, v5;
	v6 =	vld.idx.msk [tilespmem:v4+s13+$0x0], $0xffff  }
0x261: {  	v7 =	vor.u32 v1, v5  }
0x262: {  	v8 =	vadd.s32 $0x80, v4;
	_ =	sdelay $0x3  }
0x263: {  	[tilespmem:v7+s19+$0x0] =	vst.idx.msk $0xffff, v6  }
0x264: {  	v6 =	vld.idx.msk [tilespmem:v8+s13+$0x0], $0xffff  }
0x265: {  	v7 =	vor.u32 v2, v5  }
0x266: {  	v4 =	vadd.s32 $0x100, v4;
	_ =	sdelay $0x1  }
.Ltmp8:
0x267: {  	(pc) =	sbr.rel @p0 .LBB2_10-.Ltmp8, $4  }
0x268: {  	_ = 	snop  }
0x269: {  	[tilespmem:v7+s19+$0x0] =	vst.idx.msk $0xffff, v6  }
0x26a: {  	v4 =	vld.idx.msk [tilespmem:v4+s13+$0x0], $0xffff  }
0x26b: {  	v5 =	vor.u32 v3, v5  }
0x26c: {  	s24 =	sadd.s32 $0x3, s24  }
0x26d: {  	p0 =	sge.u32 s24, s8  }
0x26e: {  	s24 =	sshll.u32 @!p0 s24, $0x5  }
0x26f: {  	s25 =	smul.u32 $0x1400, s25;
	s24 =	sor.u32 @!p0 s6, s24  }
0x270: {  	s24 =	smul.u32 @!p0 $0x14, s24  }
.Ltmp9:
0x271: {  	_ = 	snop;
	(pc) =	sbr.rel .LBB2_12-.Ltmp9, $4  }
0x272: {  	s26 =	simm.s32 @!p0 $0x0;
	s28 =	simm.s32 @!p0 $0x3E00;
	[tilespmem:v5+s19+$0x0] =	vst.idx.msk $0xffff, v4;
	s24 =	sadd.s32 @!p0 s4, s24  }
0x273: {  	[tilespmem:s28], [sflag:$0x2] =	stream.linear.gather @!p0 [hbm4b:s24+s26], $0xA0, $0x38;
	[tilespmem:$0x17F00] =	vst v63  }
0x274: {  	s31 =	sadd.s32 s7, s25  }
0x275: {  	[hbm4b:s31+s5] =	stream.linear.scatter [tilespmem:s19], [sflag:$0x4], $0xA000, $0x38;
	[tilespmem:$0x17F00] =	vst v63  }
.LBB2_14:
0x276: {  	_ =	sfence.sel $0x180000  }
0x277: {  	[bflag:$0x0] =	sbarrier.arrive $0xFFFF  }
0x278: {  	p0 =	sne.s32 s0, $0x0;
	_ =	strace $0x90000047  }
0x279: {  	s0 =	sadd.s32 @!p0 $0x100000, s3;
	[bflag:$0x2] =	sbarrier.arrive $0xFFFF  }
0x27a: {  	[sflag:s0] =	ssyncadd.tile.s32 @!p0 $0x1;
	_ =	shalt  }
.Lfunc_end2:
_tile_overlayer_lowered:
.L_overlay_start_2:
0x27b: {  	(tag) =	ssettag $0x2  }
0x27c: {  	s0 =	rddreg [dreg:$0x0];
	s2 =	stileid.u32  }
0x27d: {  	s1 =	rddreg [dreg:$0x1];
	p0 =	sne.s32 s2, $0x0  }
0x27e: {  	s3 =	rddreg [dreg:$0x2];
	[bflag:$0x3] =	sbarrier.arrive $0xFFFF;
	s2 =	simm.s32 @!p0 $0x1C05  }
0x27f: {  	[timem:s3], [sflag:s2] =	dma.local @!p0 [hbm:s0], s1  }
0x280: {  	s0 =	simm.s32 @!p0 $0x5  }
0x281: {  	_ =	swait.ge @!p0 [sflag:s0], s1  }
0x282: {  	s1 =	ssub.s32 @!p0 $0x0, s1;
	[sflag:s0] =	ssyncset.done @!p0 $0x0  }
0x283: {  	[sflag:s0] =	ssyncadd.s32 @!p0 s1  }
0x284: {  	[bflag:$0x3] =	sbarrier.arrive $0xFFFF  }
0x285: {  	_ =	shalt  }

</sc_bundles>
